<compile_context>
chip_gen: v7x
topology: tpu7x:2x2x1
jax: 0.10.2.dev20260603
libtpu: 0.0.44.dev20260713+nightly
codegen_flags: <defaults>
</compile_context>

<pallas_src>
import functools

import jax
import jax.numpy as jnp
from jax import lax
from jax.experimental import pallas as pl
from jax.experimental.pallas import tpu as pltpu
from jax.experimental.pallas import tpu_sc as plsc

VOCAB = 1000000
EMBED_DIM = 32
BATCH = 4096
HIST = 200

_INFO = plsc.get_sparse_core_info()
_NC = _INFO.num_cores
_NS = _INFO.num_subcores
_NW = _NC * _NS
_HB = HIST // 8
_BB = BATCH // 128


_CV = 512
_NCHK = VOCAB // _CV
_TAIL = VOCAB - _NCHK * _CV
_NSLOT = _NCHK // _NW + 2
_CW = _CV * EMBED_DIM


@functools.partial(
    pl.kernel,
    mesh=plsc.VectorSubcoreMesh(core_axis_name="c", subcore_axis_name="s"),
    out_type=jax.ShapeDtypeStruct((VOCAB * EMBED_DIM,), jnp.float32),
    scratch_types=[
        pltpu.VMEM((EMBED_DIM, _CV), jnp.float32),
        pltpu.VMEM((EMBED_DIM, _CV), jnp.float32),
        pltpu.VMEM((_CW,), jnp.float32),
        pltpu.VMEM((_CW,), jnp.float32),
        pltpu.VMEM((_TAIL * EMBED_DIM,), jnp.float32),
        pltpu.SemaphoreType.DMA,
        pltpu.SemaphoreType.DMA,
    ],
    compiler_params=pltpu.CompilerParams(
        use_tc_tiling_on_sc=True, needs_layout_passes=False),
)
def _detile_kernel(tt_hbm, tail_hbm, out_hbm, src_a, src_b, dst_a, dst_b,
                   tail_v, isem, osem):
    w = lax.axis_index("s") * _NC + lax.axis_index("c")
    iota = lax.iota(jnp.int32, 16)

    def start_in(cid, src_x):
        off = pl.multiple_of(cid * _CV, _CV)
        pltpu.async_copy(tt_hbm.at[:, pl.ds(off, _CV)], src_x, isem)

    def drain_in(src_x):
        pltpu.make_async_copy(tt_hbm.at[:, pl.ds(0, _CV)], src_x, isem).wait()

    def drain_out(dst_x):
        pltpu.make_async_copy(out_hbm.at[pl.ds(0, _CW)], dst_x, osem).wait()

    rots = [lax.bitwise_and(iota + d, 15) for d in range(16)]
    rot32s = [lax.shift_left(r, 5) for r in rots]

    def transpose_chunk(src_x, dst_x):
        def vqbody(vq, _):
            vb = jnp.full((16,), 16 * vq, jnp.int32)
            vb32 = jnp.full((16,), 512 * vq, jnp.int32)
            for eq in range(2):
                i_e = iota + 16 * eq
                vbe = vb32 + i_e
                for db in range(2):
                    vals = [
                        plsc.load_gather(src_x, [i_e, vb + rots[db * 8 + d8]])
                        for d8 in range(8)
                    ]
                    for d8 in range(8):
                        plsc.store_scatter(
                            dst_x, [vbe + rot32s[db * 8 + d8]], vals[d8])
            return 0

        lax.fori_loop(0, _CV // 16, vqbody, 0)

    start_in(w, src_a)

    def pair_body(i, _):
        for j in range(2):
            c = i * 2 + j
            src_x = src_a if j == 0 else src_b
            dst_x = dst_a if j == 0 else dst_b
            nsrc_x = src_b if j == 0 else src_a
            cid = c * _NW + w
            ncid = cid + _NW

            @pl.when(ncid < _NCHK)
            def _():
                start_in(ncid, nsrc_x)

            @pl.when(cid < _NCHK)
            def _():
                drain_in(src_x)

                @pl.when(c >= 2)
                def _():
                    drain_out(dst_x)

                transpose_chunk(src_x, dst_x)
                off = pl.multiple_of(cid * _CW, _CW)
                pltpu.async_copy(dst_x, out_hbm.at[pl.ds(off, _CW)], osem)
        return 0

    lax.fori_loop(0, _NSLOT // 2, pair_body, 0)
    drain_out(dst_a)
    drain_out(dst_b)

    @pl.when(w == 0)
    def _():
        pltpu.sync_copy(tail_hbm, tail_v)
        pltpu.sync_copy(
            tail_v, out_hbm.at[pl.ds(_NCHK * _CW, _TAIL * EMBED_DIM)])


@functools.partial(
    pl.kernel,
    mesh=plsc.VectorSubcoreMesh(core_axis_name="c", subcore_axis_name="s"),
    out_type=jax.ShapeDtypeStruct((HIST, 4, _BB, 8, 128), jnp.float32),
    scratch_types=[
        pltpu.VMEM((_HB, 8, 128), jnp.int32),
        pltpu.VMEM((4, 128, EMBED_DIM), jnp.float32),
        pltpu.VMEM((4, EMBED_DIM, 129), jnp.float32),
        pltpu.SemaphoreType.DMA,
        pltpu.SemaphoreType.DMA,
    ],
    compiler_params=pltpu.CompilerParams(
        use_tc_tiling_on_sc=False, needs_layout_passes=False),
)
def _emb_kernel(idx_hbm, table_hbm, out_hbm, idx_v, rows_v, tbuf, gsem, osem):
    w = lax.axis_index("s") * _NC + lax.axis_index("c")
    pltpu.sync_copy(idx_hbm.at[:, w], idx_v)

    iota = lax.iota(jnp.int32, 16)
    i_e0 = iota
    i_e1 = iota + 16

    def gather(hb, hi, slot):
        pltpu.async_copy(table_hbm.at[idx_v.at[hb, hi]], rows_v.at[slot], gsem)

    def transpose_rows(slot):
        @plsc.parallel_loop(0, 128, 1, unroll=8)
        def _(bl):
            vbl = jnp.full((16,), bl, jnp.int32)
            v0 = rows_v[slot, bl, pl.ds(0, 16)]
            v1 = rows_v[slot, bl, pl.ds(16, 16)]
            plsc.store_scatter(tbuf.at[slot], [i_e0, vbl], v0)
            plsc.store_scatter(tbuf.at[slot], [i_e1, vbl], v1)

    gather(0, 0, 0)
    gather(0, 1, 1)
    gather(0, 2, 2)

    def hb_body(hb, _):
        for hi in range(8):
            h = hb * 8 + hi
            cur = hi % 4
            nhi = (hi + 3) % 8
            nhb = hb + (hi + 3) // 8

            @pl.when(h < HIST - 3)
            def _():
                gather(nhb, nhi, (hi + 3) % 4)

            pltpu.make_async_copy(
                table_hbm.at[pl.ds(0, 128)], rows_v.at[cur], gsem).wait()

            @pl.when(h >= 4)
            def _():
                pltpu.make_async_copy(
                    table_hbm.at[pl.ds(0, 128)], rows_v.at[0], osem).wait()

            transpose_rows(cur)
            for eb in range(4):
                pltpu.async_copy(
                    tbuf.at[cur, pl.ds(8 * eb, 8), pl.ds(0, 128)],
                    out_hbm.at[h, eb, w], osem)
        return 0

    lax.fori_loop(0, _HB, hb_body, 0)
    for _ in range(4):
        pltpu.make_async_copy(
            table_hbm.at[pl.ds(0, 128)], rows_v.at[0], osem).wait()


def kernel(indices, table):
    idx4 = indices.T.reshape(_HB, 8, _BB, 128).transpose(0, 2, 1, 3)
    tail = table[_NCHK * _CV:, :].reshape(_TAIL * EMBED_DIM)
    tlin = _detile_kernel(table.T, tail)
    out5 = _emb_kernel(idx4, tlin.reshape(VOCAB, EMBED_DIM))
    return out5.transpose(2, 4, 0, 1, 3).reshape(BATCH, HIST, EMBED_DIM)

# --- scband reference (transcript-rebuilt; emitter-appended) ---
"""Pipeline reference for scband-siamese-cnn-51127290691789 (READ-ONLY COPY).

The authoritative reference and input builder live on the scoring server;
editing this copy changes nothing except your own understanding.
"""

import jax, jax.numpy as jnp
import numpy as np

VOCAB = 1000000
EMBED_DIM = 32
BATCH = 4096
HIST = 200


def setup_inputs(seed: int = 0) -> dict:
    key = jax.random.key(seed)
    k1, k2 = jax.random.split(key)
    # pre-trained embedding table materialized per init_kwargs shape [VOCAB, EMBED_DIM]
    table = jax.random.normal(k1, (VOCAB, EMBED_DIM), dtype=jnp.float32) * 0.02
    indices = jax.random.randint(k2, (BATCH, HIST), 0, VOCAB, dtype=jnp.int32)
    return {"indices": indices, "table": table}


def reference(indices, table):
    # Faithful translation of nn.Embedding.from_pretrained(table)(indices)
    out = jnp.take(table, indices, axis=0)  # [BATCH, HIST, EMBED_DIM]
    return out

if __name__ == "__main__":
    import jax
    _d = setup_inputs()
    print(jax.jit(kernel)(*tuple(_d.values())))

</pallas_src>

<mosaic_0001>
#map = affine_map<(d0, d1) -> (0, 0, 0, 0)>
#map1 = affine_map<(d0, d1) -> (0, 0)>
#map2 = affine_map<(d0, d1) -> (0, 0, 0, 0, 0)>
module attributes {stable_mosaic.version = 14 : i64} {
  func.func @_emb_kernel(%arg0: i32, %arg1: i32, %arg2: memref<25x32x8x128xi32, #tpu.memory_space<hbm>>, %arg3: memref<1000000x32xf32, #tpu.memory_space<hbm>>, %arg4: memref<200x4x32x8x128xf32, #tpu.memory_space<hbm>>, %arg5: memref<25x8x128xi32, #tpu.memory_space<vmem>>, %arg6: memref<4x128x32xf32, #tpu.memory_space<vmem>>, %arg7: memref<4x32x129xf32, #tpu.memory_space<vmem>>, %arg8: memref<!tpu.dma_semaphore, #tpu.memory_space<semaphore_mem>>, %arg9: memref<!tpu.dma_semaphore, #tpu.memory_space<semaphore_mem>>) attributes {dimension_semantics = [#tpu.dimension_semantics<core_parallel>, #tpu.dimension_semantics<subcore_parallel>], iteration_bounds = array<i64: 2, 16>, scalar_prefetch = 0 : i64, scratch_operands = 5 : i64, tpu.core_type = #tpu.core_type<sc_vector_subcore>, window_params = [{transform_indices = #map}, {transform_indices = #map1}, {transform_indices = #map2}]} {
    %mul3A = arith.constant 2 : i32
    %mul3A_0 = arith.muli %arg1, %mul3A : i32
    %add3A = arith.addi %mul3A_0, %arg0 : i32
    "tpu.region"() ({
      %run_scoped3A = tpu.sem_alloc : memref<!tpu.dma_semaphore, #tpu.memory_space<semaphore_mem>>
      %dma_start3A_107 = arith.constant 0 : i32
      %dma_start3A_108 = arith.constant 0 : i32
      %dma_start3A_109 = arith.constant 0 : i32
      %dma_start3A_110 = tpu.memref_slice %arg2[%dma_start3A_107, %add3A, %dma_start3A_108, %dma_start3A_109] : memref<25x32x8x128xi32, #tpu.memory_space<hbm>> -> memref<25x1x8x128xi32, #tpu.memory_space<hbm>>
      %dma_start3A_111 = tpu.memref_squeeze %dma_start3A_110 : memref<25x1x8x128xi32, #tpu.memory_space<hbm>> -> memref<25x8x128xi32, #tpu.memory_space<hbm>>
      %dma_start3A_112 = arith.constant 0 : i32
      %dma_start3A_113 = arith.constant 0 : i32
      %dma_start3A_114 = arith.constant 0 : i32
      %dma_start3A_115 = tpu.memref_slice %arg2[%dma_start3A_112, %add3A, %dma_start3A_113, %dma_start3A_114] : memref<25x32x8x128xi32, #tpu.memory_space<hbm>> -> memref<25x1x8x128xi32, #tpu.memory_space<hbm>>
      %dma_start3A_116 = tpu.memref_squeeze %dma_start3A_115 : memref<25x1x8x128xi32, #tpu.memory_space<hbm>> -> memref<25x8x128xi32, #tpu.memory_space<hbm>>
      tpu.enqueue_dma source(%dma_start3A_116 : memref<25x8x128xi32, #tpu.memory_space<hbm>>) target(%arg5 : memref<25x8x128xi32, #tpu.memory_space<vmem>>) target_semaphore(%run_scoped3A : memref<!tpu.dma_semaphore, #tpu.memory_space<semaphore_mem>>)
      %dma_wait3A_117 = arith.constant 0 : i32
      %dma_wait3A_118 = arith.constant 0 : i32
      %dma_wait3A_119 = arith.constant 0 : i32
      %dma_wait3A_120 = tpu.memref_slice %arg2[%dma_wait3A_117, %add3A, %dma_wait3A_118, %dma_wait3A_119] : memref<25x32x8x128xi32, #tpu.memory_space<hbm>> -> memref<25x1x8x128xi32, #tpu.memory_space<hbm>>
      %dma_wait3A_121 = tpu.memref_squeeze %dma_wait3A_120 : memref<25x1x8x128xi32, #tpu.memory_space<hbm>> -> memref<25x8x128xi32, #tpu.memory_space<hbm>>
      %dma_wait3A_122 = arith.constant 0 : i32
      %dma_wait3A_123 = arith.constant 0 : i32
      %dma_wait3A_124 = arith.constant 0 : i32
      %dma_wait3A_125 = tpu.memref_slice %arg2[%dma_wait3A_122, %add3A, %dma_wait3A_123, %dma_wait3A_124] : memref<25x32x8x128xi32, #tpu.memory_space<hbm>> -> memref<25x1x8x128xi32, #tpu.memory_space<hbm>>
      %dma_wait3A_126 = tpu.memref_squeeze %dma_wait3A_125 : memref<25x1x8x128xi32, #tpu.memory_space<hbm>> -> memref<25x8x128xi32, #tpu.memory_space<hbm>>
      tpu.wait_dma2 semaphore(%run_scoped3A : memref<!tpu.dma_semaphore, #tpu.memory_space<semaphore_mem>>) src(%dma_wait3A_126 : memref<25x8x128xi32, #tpu.memory_space<hbm>>) dst(%arg5 : memref<25x8x128xi32, #tpu.memory_space<vmem>>)
      tpu.yield
    }) : () -> ()
    %iota3A = tpu.iota {dimensions = array<i32: 0>} : vector<16xi32>
    %add3A_1 = arith.constant 16 : i32
    %add3A_2 = vector.broadcast %add3A_1 : i32 to vector<16xi32>
    %add3A_3 = arith.addi %iota3A, %add3A_2 : vector<16xi32>
    %dma_start3A = arith.constant 0 : i32
    %dma_start3A_4 = arith.constant 0 : i32
    %dma_start3A_5 = arith.constant 0 : i32
    %dma_start3A_6 = arith.constant 0 : i32
    %dma_start3A_7 = arith.constant 0 : i32
    %dma_start3A_8 = tpu.memref_slice %arg6[%dma_start3A_5, %dma_start3A_6, %dma_start3A_7] : memref<4x128x32xf32, #tpu.memory_space<vmem>> -> memref<1x128x32xf32, #tpu.memory_space<vmem>>
    %dma_start3A_9 = tpu.memref_squeeze %dma_start3A_8 : memref<1x128x32xf32, #tpu.memory_space<vmem>> -> memref<128x32xf32, #tpu.memory_space<vmem>>
    %dma_start3A_10 = arith.constant 0 : i32
    %dma_start3A_11 = tpu.memref_slice %arg5[%dma_start3A, %dma_start3A_4, %dma_start3A_10] : memref<25x8x128xi32, #tpu.memory_space<vmem>> -> memref<1x1x128xi32, #tpu.memory_space<vmem>>
    %dma_start3A_12 = tpu.memref_squeeze %dma_start3A_11 : memref<1x1x128xi32, #tpu.memory_space<vmem>> -> memref<128xi32, #tpu.memory_space<vmem>>
    %dma_start3A_13 = arith.constant 0 : i32
    %dma_start3A_14 = arith.constant 0 : i32
    %dma_start3A_15 = tpu.memref_slice %arg3[%dma_start3A_13, %dma_start3A_14] : memref<1000000x32xf32, #tpu.memory_space<hbm>> -> memref<1000000x32xf32, #tpu.memory_space<hbm>>
    tpu.enqueue_indirect_dma source(%dma_start3A_15 : memref<1000000x32xf32, #tpu.memory_space<hbm>>) target(%dma_start3A_9 : memref<128x32xf32, #tpu.memory_space<vmem>>) offsets(%dma_start3A_12 : memref<128xi32, #tpu.memory_space<vmem>>) semaphore(%arg8 : memref<!tpu.dma_semaphore, #tpu.memory_space<semaphore_mem>>)
    %dma_start3A_16 = arith.constant 0 : i32
    %dma_start3A_17 = arith.constant 1 : i32
    %dma_start3A_18 = arith.constant 1 : i32
    %dma_start3A_19 = arith.constant 0 : i32
    %dma_start3A_20 = arith.constant 0 : i32
    %dma_start3A_21 = tpu.memref_slice %arg6[%dma_start3A_18, %dma_start3A_19, %dma_start3A_20] : memref<4x128x32xf32, #tpu.memory_space<vmem>> -> memref<1x128x32xf32, #tpu.memory_space<vmem>>
    %dma_start3A_22 = tpu.memref_squeeze %dma_start3A_21 : memref<1x128x32xf32, #tpu.memory_space<vmem>> -> memref<128x32xf32, #tpu.memory_space<vmem>>
    %dma_start3A_23 = arith.constant 0 : i32
    %dma_start3A_24 = tpu.memref_slice %arg5[%dma_start3A_16, %dma_start3A_17, %dma_start3A_23] : memref<25x8x128xi32, #tpu.memory_space<vmem>> -> memref<1x1x128xi32, #tpu.memory_space<vmem>>
    %dma_start3A_25 = tpu.memref_squeeze %dma_start3A_24 : memref<1x1x128xi32, #tpu.memory_space<vmem>> -> memref<128xi32, #tpu.memory_space<vmem>>
    %dma_start3A_26 = arith.constant 0 : i32
    %dma_start3A_27 = arith.constant 0 : i32
    %dma_start3A_28 = tpu.memref_slice %arg3[%dma_start3A_26, %dma_start3A_27] : memref<1000000x32xf32, #tpu.memory_space<hbm>> -> memref<1000000x32xf32, #tpu.memory_space<hbm>>
    tpu.enqueue_indirect_dma source(%dma_start3A_28 : memref<1000000x32xf32, #tpu.memory_space<hbm>>) target(%dma_start3A_22 : memref<128x32xf32, #tpu.memory_space<vmem>>) offsets(%dma_start3A_25 : memref<128xi32, #tpu.memory_space<vmem>>) semaphore(%arg8 : memref<!tpu.dma_semaphore, #tpu.memory_space<semaphore_mem>>)
    %dma_start3A_29 = arith.constant 0 : i32
    %dma_start3A_30 = arith.constant 2 : i32
    %dma_start3A_31 = arith.constant 2 : i32
    %dma_start3A_32 = arith.constant 0 : i32
    %dma_start3A_33 = arith.constant 0 : i32
    %dma_start3A_34 = tpu.memref_slice %arg6[%dma_start3A_31, %dma_start3A_32, %dma_start3A_33] : memref<4x128x32xf32, #tpu.memory_space<vmem>> -> memref<1x128x32xf32, #tpu.memory_space<vmem>>
    %dma_start3A_35 = tpu.memref_squeeze %dma_start3A_34 : memref<1x128x32xf32, #tpu.memory_space<vmem>> -> memref<128x32xf32, #tpu.memory_space<vmem>>
    %dma_start3A_36 = arith.constant 0 : i32
    %dma_start3A_37 = tpu.memref_slice %arg5[%dma_start3A_29, %dma_start3A_30, %dma_start3A_36] : memref<25x8x128xi32, #tpu.memory_space<vmem>> -> memref<1x1x128xi32, #tpu.memory_space<vmem>>
    %dma_start3A_38 = tpu.memref_squeeze %dma_start3A_37 : memref<1x1x128xi32, #tpu.memory_space<vmem>> -> memref<128xi32, #tpu.memory_space<vmem>>
    %dma_start3A_39 = arith.constant 0 : i32
    %dma_start3A_40 = arith.constant 0 : i32
    %dma_start3A_41 = tpu.memref_slice %arg3[%dma_start3A_39, %dma_start3A_40] : memref<1000000x32xf32, #tpu.memory_space<hbm>> -> memref<1000000x32xf32, #tpu.memory_space<hbm>>
    tpu.enqueue_indirect_dma source(%dma_start3A_41 : memref<1000000x32xf32, #tpu.memory_space<hbm>>) target(%dma_start3A_35 : memref<128x32xf32, #tpu.memory_space<vmem>>) offsets(%dma_start3A_38 : memref<128xi32, #tpu.memory_space<vmem>>) semaphore(%arg8 : memref<!tpu.dma_semaphore, #tpu.memory_space<semaphore_mem>>)
    %scan3A = arith.constant 0 : i32
    %scan3A_42 = arith.constant 0 : i32
    %scan3A_43 = arith.constant 25 : i32
    %scan3A_44 = arith.addi %scan3A_42, %scan3A_43 : i32
    %scan3A_45 = arith.constant 1 : i32
    %scan3A_46 = scf.for %scan3A_107 = %scan3A_42 to %scan3A_44 step %scan3A_45 iter_args(%scan3A_108 = %scan3A) -> (i32)  : i32 {
      %mul3A_109 = arith.constant 8 : i32
      %mul3A_110 = arith.muli %scan3A_107, %mul3A_109 : i32
      %add3A_111 = arith.constant 0 : i32
      %add3A_112 = arith.addi %mul3A_110, %add3A_111 : i32
      %add3A_113 = arith.constant 0 : i32
      %add3A_114 = arith.addi %scan3A_107, %add3A_113 : i32
      %lt3A = arith.constant 197 : i32
      %lt3A_115 = arith.cmpi slt, %add3A_112, %lt3A : i32
      %convert_element_type3A = arith.extui %lt3A_115 : i1 to i32
      %cond3A = arith.constant 0 : i32
      %cond3A_116 = arith.cmpi ne, %convert_element_type3A, %cond3A : i32
      scf.if %cond3A_116 {
        %dma_start3A_953 = arith.constant 3 : i32
        %dma_start3A_954 = arith.constant 3 : i32
        %dma_start3A_955 = arith.constant 0 : i32
        %dma_start3A_956 = arith.constant 0 : i32
        %dma_start3A_957 = tpu.memref_slice %arg6[%dma_start3A_954, %dma_start3A_955, %dma_start3A_956] : memref<4x128x32xf32, #tpu.memory_space<vmem>> -> memref<1x128x32xf32, #tpu.memory_space<vmem>>
        %dma_start3A_958 = tpu.memref_squeeze %dma_start3A_957 : memref<1x128x32xf32, #tpu.memory_space<vmem>> -> memref<128x32xf32, #tpu.memory_space<vmem>>
        %dma_start3A_959 = arith.constant 0 : i32
        %dma_start3A_960 = tpu.memref_slice %arg5[%add3A_114, %dma_start3A_953, %dma_start3A_959] : memref<25x8x128xi32, #tpu.memory_space<vmem>> -> memref<1x1x128xi32, #tpu.memory_space<vmem>>
        %dma_start3A_961 = tpu.memref_squeeze %dma_start3A_960 : memref<1x1x128xi32, #tpu.memory_space<vmem>> -> memref<128xi32, #tpu.memory_space<vmem>>
        %dma_start3A_962 = arith.constant 0 : i32
        %dma_start3A_963 = arith.constant 0 : i32
        %dma_start3A_964 = tpu.memref_slice %arg3[%dma_start3A_962, %dma_start3A_963] : memref<1000000x32xf32, #tpu.memory_space<hbm>> -> memref<1000000x32xf32, #tpu.memory_space<hbm>>
        tpu.enqueue_indirect_dma source(%dma_start3A_964 : memref<1000000x32xf32, #tpu.memory_space<hbm>>) target(%dma_start3A_958 : memref<128x32xf32, #tpu.memory_space<vmem>>) offsets(%dma_start3A_961 : memref<128xi32, #tpu.memory_space<vmem>>) semaphore(%arg8 : memref<!tpu.dma_semaphore, #tpu.memory_space<semaphore_mem>>)
      } else {
      }
      %dma_wait3A_117 = arith.constant 0 : i32
      %dma_wait3A_118 = arith.constant 0 : i32
      %dma_wait3A_119 = arith.constant 0 : i32
      %dma_wait3A_120 = tpu.memref_slice %arg6[%dma_wait3A_117, %dma_wait3A_118, %dma_wait3A_119] : memref<4x128x32xf32, #tpu.memory_space<vmem>> -> memref<1x128x32xf32, #tpu.memory_space<vmem>>
      %dma_wait3A_121 = tpu.memref_squeeze %dma_wait3A_120 : memref<1x128x32xf32, #tpu.memory_space<vmem>> -> memref<128x32xf32, #tpu.memory_space<vmem>>
      %dma_wait3A_122 = arith.constant 0 : i32
      %dma_wait3A_123 = arith.constant 0 : i32
      %dma_wait3A_124 = tpu.memref_slice %arg3[%dma_wait3A_122, %dma_wait3A_123] : memref<1000000x32xf32, #tpu.memory_space<hbm>> -> memref<128x32xf32, #tpu.memory_space<hbm>>
      %dma_wait3A_125 = arith.constant 0 : i32
      %dma_wait3A_126 = arith.constant 0 : i32
      %dma_wait3A_127 = tpu.memref_slice %arg6[%dma_wait3A_117, %dma_wait3A_125, %dma_wait3A_126] : memref<4x128x32xf32, #tpu.memory_space<vmem>> -> memref<1x128x32xf32, #tpu.memory_space<vmem>>
      %dma_wait3A_128 = tpu.memref_squeeze %dma_wait3A_127 : memref<1x128x32xf32, #tpu.memory_space<vmem>> -> memref<128x32xf32, #tpu.memory_space<vmem>>
      %dma_wait3A_129 = arith.constant 0 : i32
      %dma_wait3A_130 = arith.constant 0 : i32
      %dma_wait3A_131 = tpu.memref_slice %arg3[%dma_wait3A_129, %dma_wait3A_130] : memref<1000000x32xf32, #tpu.memory_space<hbm>> -> memref<128x32xf32, #tpu.memory_space<hbm>>
      tpu.wait_dma2 semaphore(%arg8 : memref<!tpu.dma_semaphore, #tpu.memory_space<semaphore_mem>>) src(%dma_wait3A_131 : memref<128x32xf32, #tpu.memory_space<hbm>>) dst(%dma_wait3A_128 : memref<128x32xf32, #tpu.memory_space<vmem>>)
      %ge3A = arith.constant 4 : i32
      %ge3A_132 = arith.cmpi sge, %add3A_112, %ge3A : i32
      %convert_element_type3A_133 = arith.extui %ge3A_132 : i1 to i32
      %cond3A_134 = arith.constant 0 : i32
      %cond3A_135 = arith.cmpi ne, %convert_element_type3A_133, %cond3A_134 : i32
      scf.if %cond3A_135 {
        %dma_wait3A_953 = arith.constant 0 : i32
        %dma_wait3A_954 = arith.constant 0 : i32
        %dma_wait3A_955 = arith.constant 0 : i32
        %dma_wait3A_956 = tpu.memref_slice %arg6[%dma_wait3A_953, %dma_wait3A_954, %dma_wait3A_955] : memref<4x128x32xf32, #tpu.memory_space<vmem>> -> memref<1x128x32xf32, #tpu.memory_space<vmem>>
        %dma_wait3A_957 = tpu.memref_squeeze %dma_wait3A_956 : memref<1x128x32xf32, #tpu.memory_space<vmem>> -> memref<128x32xf32, #tpu.memory_space<vmem>>
        %dma_wait3A_958 = arith.constant 0 : i32
        %dma_wait3A_959 = arith.constant 0 : i32
        %dma_wait3A_960 = tpu.memref_slice %arg3[%dma_wait3A_958, %dma_wait3A_959] : memref<1000000x32xf32, #tpu.memory_space<hbm>> -> memref<128x32xf32, #tpu.memory_space<hbm>>
        %dma_wait3A_961 = arith.constant 0 : i32
        %dma_wait3A_962 = arith.constant 0 : i32
        %dma_wait3A_963 = tpu.memref_slice %arg6[%dma_wait3A_953, %dma_wait3A_961, %dma_wait3A_962] : memref<4x128x32xf32, #tpu.memory_space<vmem>> -> memref<1x128x32xf32, #tpu.memory_space<vmem>>
        %dma_wait3A_964 = tpu.memref_squeeze %dma_wait3A_963 : memref<1x128x32xf32, #tpu.memory_space<vmem>> -> memref<128x32xf32, #tpu.memory_space<vmem>>
        %dma_wait3A_965 = arith.constant 0 : i32
        %dma_wait3A_966 = arith.constant 0 : i32
        %dma_wait3A_967 = tpu.memref_slice %arg3[%dma_wait3A_965, %dma_wait3A_966] : memref<1000000x32xf32, #tpu.memory_space<hbm>> -> memref<128x32xf32, #tpu.memory_space<hbm>>
        tpu.wait_dma2 semaphore(%arg9 : memref<!tpu.dma_semaphore, #tpu.memory_space<semaphore_mem>>) src(%dma_wait3A_967 : memref<128x32xf32, #tpu.memory_space<hbm>>) dst(%dma_wait3A_964 : memref<128x32xf32, #tpu.memory_space<vmem>>)
      } else {
      }
      %parallel_loop3A = arith.constant 0 : i32
      %parallel_loop3A_136 = arith.constant 128 : i32
      %parallel_loop3A_137 = arith.constant 1 : i32
      scf.for %parallel_loop3A_953 = %parallel_loop3A to %parallel_loop3A_136 step %parallel_loop3A_137  : i32 {
        %parallel_loop3A_954 = vector.broadcast %parallel_loop3A_953 : i32 to vector<16xi32>
        %parallel_loop3A_955 = arith.constant 0 : i32
        %parallel_loop3A_956 = arith.index_cast %parallel_loop3A_955 : i32 to index
        %parallel_loop3A_957 = arith.index_cast %parallel_loop3A_953 : i32 to index
        %parallel_loop3A_958 = arith.constant 0 : index
        %parallel_loop3A_959 = tpu.vector_load %arg6[%parallel_loop3A_956, %parallel_loop3A_957, %parallel_loop3A_958] {strides = array<i32>} : memref<4x128x32xf32, #tpu.memory_space<vmem>>, vector<16xf32>,
        %parallel_loop3A_960 = arith.constant 0 : i32
        %parallel_loop3A_961 = arith.index_cast %parallel_loop3A_960 : i32 to index
        %parallel_loop3A_962 = arith.index_cast %parallel_loop3A_953 : i32 to index
        %parallel_loop3A_963 = arith.constant 16 : index
        %parallel_loop3A_964 = tpu.vector_load %arg6[%parallel_loop3A_961, %parallel_loop3A_962, %parallel_loop3A_963] {strides = array<i32>} : memref<4x128x32xf32, #tpu.memory_space<vmem>>, vector<16xf32>,
        %parallel_loop3A_965 = arith.constant 0 : i32
        %parallel_loop3A_966 = arith.constant 0 : i32
        %parallel_loop3A_967 = arith.constant 0 : i32
        %parallel_loop3A_968 = tpu.memref_slice %arg7[%parallel_loop3A_965, %parallel_loop3A_966, %parallel_loop3A_967] : memref<4x32x129xf32, #tpu.memory_space<vmem>> -> memref<1x32x129xf32, #tpu.memory_space<vmem>>
        %parallel_loop3A_969 = tpu.memref_squeeze %parallel_loop3A_968 : memref<1x32x129xf32, #tpu.memory_space<vmem>> -> memref<32x129xf32, #tpu.memory_space<vmem>>
        tpu.vector_store_idx %parallel_loop3A_969[%iota3A, %parallel_loop3A_954], %parallel_loop3A_959 : memref<32x129xf32, #tpu.memory_space<vmem>>[vector<16xi32>, vector<16xi32>], vector<16xf32>,
        %parallel_loop3A_970 = arith.constant 0 : i32
        %parallel_loop3A_971 = arith.constant 0 : i32
        %parallel_loop3A_972 = arith.constant 0 : i32
        %parallel_loop3A_973 = tpu.memref_slice %arg7[%parallel_loop3A_970, %parallel_loop3A_971, %parallel_loop3A_972] : memref<4x32x129xf32, #tpu.memory_space<vmem>> -> memref<1x32x129xf32, #tpu.memory_space<vmem>>
        %parallel_loop3A_974 = tpu.memref_squeeze %parallel_loop3A_973 : memref<1x32x129xf32, #tpu.memory_space<vmem>> -> memref<32x129xf32, #tpu.memory_space<vmem>>
        tpu.vector_store_idx %parallel_loop3A_974[%add3A_3, %parallel_loop3A_954], %parallel_loop3A_964 : memref<32x129xf32, #tpu.memory_space<vmem>>[vector<16xi32>, vector<16xi32>], vector<16xf32>,
      } {sc.loop_unroll_factor = 8 : i64, sc.parallel_access}
      %dma_start3A_138 = arith.constant 0 : i32
      %dma_start3A_139 = arith.constant 0 : i32
      %dma_start3A_140 = arith.constant 0 : i32
      %dma_start3A_141 = arith.constant 0 : i32
      %dma_start3A_142 = tpu.memref_slice %arg7[%dma_start3A_138, %dma_start3A_140, %dma_start3A_141] : memref<4x32x129xf32, #tpu.memory_space<vmem>> -> memref<1x8x128xf32, #tpu.memory_space<vmem>>
      %dma_start3A_143 = tpu.memref_squeeze %dma_start3A_142 : memref<1x8x128xf32, #tpu.memory_space<vmem>> -> memref<8x128xf32, #tpu.memory_space<vmem>>
      %dma_start3A_144 = arith.constant 0 : i32
      %dma_start3A_145 = arith.constant 0 : i32
      %dma_start3A_146 = tpu.memref_slice %arg4[%add3A_112, %dma_start3A_139, %add3A, %dma_start3A_144, %dma_start3A_145] : memref<200x4x32x8x128xf32, #tpu.memory_space<hbm>> -> memref<1x1x1x8x128xf32, #tpu.memory_space<hbm>>
      %dma_start3A_147 = tpu.memref_squeeze %dma_start3A_146 : memref<1x1x1x8x128xf32, #tpu.memory_space<hbm>> -> memref<8x128xf32, #tpu.memory_space<hbm>>
      %dma_start3A_148 = arith.constant 0 : i32
      %dma_start3A_149 = arith.constant 0 : i32
      %dma_start3A_150 = tpu.memref_slice %arg4[%add3A_112, %dma_start3A_139, %add3A, %dma_start3A_148, %dma_start3A_149] : memref<200x4x32x8x128xf32, #tpu.memory_space<hbm>> -> memref<1x1x1x8x128xf32, #tpu.memory_space<hbm>>
      %dma_start3A_151 = tpu.memref_squeeze %dma_start3A_150 : memref<1x1x1x8x128xf32, #tpu.memory_space<hbm>> -> memref<8x128xf32, #tpu.memory_space<hbm>>
      %dma_start3A_152 = arith.constant 0 : i32
      %dma_start3A_153 = arith.constant 0 : i32
      %dma_start3A_154 = tpu.memref_slice %arg7[%dma_start3A_138, %dma_start3A_152, %dma_start3A_153] : memref<4x32x129xf32, #tpu.memory_space<vmem>> -> memref<1x8x128xf32, #tpu.memory_space<vmem>>
      %dma_start3A_155 = tpu.memref_squeeze %dma_start3A_154 : memref<1x8x128xf32, #tpu.memory_space<vmem>> -> memref<8x128xf32, #tpu.memory_space<vmem>>
      tpu.enqueue_dma source(%dma_start3A_155 : memref<8x128xf32, #tpu.memory_space<vmem>>) target(%dma_start3A_151 : memref<8x128xf32, #tpu.memory_space<hbm>>) target_semaphore(%arg9 : memref<!tpu.dma_semaphore, #tpu.memory_space<semaphore_mem>>)
      %dma_start3A_156 = arith.constant 0 : i32
      %dma_start3A_157 = arith.constant 1 : i32
      %dma_start3A_158 = arith.constant 8 : i32
      %dma_start3A_159 = arith.constant 0 : i32
      %dma_start3A_160 = tpu.memref_slice %arg7[%dma_start3A_156, %dma_start3A_158, %dma_start3A_159] : memref<4x32x129xf32, #tpu.memory_space<vmem>> -> memref<1x8x128xf32, #tpu.memory_space<vmem>>
      %dma_start3A_161 = tpu.memref_squeeze %dma_start3A_160 : memref<1x8x128xf32, #tpu.memory_space<vmem>> -> memref<8x128xf32, #tpu.memory_space<vmem>>
      %dma_start3A_162 = arith.constant 0 : i32
      %dma_start3A_163 = arith.constant 0 : i32
      %dma_start3A_164 = tpu.memref_slice %arg4[%add3A_112, %dma_start3A_157, %add3A, %dma_start3A_162, %dma_start3A_163] : memref<200x4x32x8x128xf32, #tpu.memory_space<hbm>> -> memref<1x1x1x8x128xf32, #tpu.memory_space<hbm>>
      %dma_start3A_165 = tpu.memref_squeeze %dma_start3A_164 : memref<1x1x1x8x128xf32, #tpu.memory_space<hbm>> -> memref<8x128xf32, #tpu.memory_space<hbm>>
      %dma_start3A_166 = arith.constant 0 : i32
      %dma_start3A_167 = arith.constant 0 : i32
      %dma_start3A_168 = tpu.memref_slice %arg4[%add3A_112, %dma_start3A_157, %add3A, %dma_start3A_166, %dma_start3A_167] : memref<200x4x32x8x128xf32, #tpu.memory_space<hbm>> -> memref<1x1x1x8x128xf32, #tpu.memory_space<hbm>>
      %dma_start3A_169 = tpu.memref_squeeze %dma_start3A_168 : memref<1x1x1x8x128xf32, #tpu.memory_space<hbm>> -> memref<8x128xf32, #tpu.memory_space<hbm>>
      %dma_start3A_170 = arith.constant 8 : i32
      %dma_start3A_171 = arith.constant 0 : i32
      %dma_start3A_172 = tpu.memref_slice %arg7[%dma_start3A_156, %dma_start3A_170, %dma_start3A_171] : memref<4x32x129xf32, #tpu.memory_space<vmem>> -> memref<1x8x128xf32, #tpu.memory_space<vmem>>
      %dma_start3A_173 = tpu.memref_squeeze %dma_start3A_172 : memref<1x8x128xf32, #tpu.memory_space<vmem>> -> memref<8x128xf32, #tpu.memory_space<vmem>>
      tpu.enqueue_dma source(%dma_start3A_173 : memref<8x128xf32, #tpu.memory_space<vmem>>) target(%dma_start3A_169 : memref<8x128xf32, #tpu.memory_space<hbm>>) target_semaphore(%arg9 : memref<!tpu.dma_semaphore, #tpu.memory_space<semaphore_mem>>)
      %dma_start3A_174 = arith.constant 0 : i32
      %dma_start3A_175 = arith.constant 2 : i32
      %dma_start3A_176 = arith.constant 16 : i32
      %dma_start3A_177 = arith.constant 0 : i32
      %dma_start3A_178 = tpu.memref_slice %arg7[%dma_start3A_174, %dma_start3A_176, %dma_start3A_177] : memref<4x32x129xf32, #tpu.memory_space<vmem>> -> memref<1x8x128xf32, #tpu.memory_space<vmem>>
      %dma_start3A_179 = tpu.memref_squeeze %dma_start3A_178 : memref<1x8x128xf32, #tpu.memory_space<vmem>> -> memref<8x128xf32, #tpu.memory_space<vmem>>
      %dma_start3A_180 = arith.constant 0 : i32
      %dma_start3A_181 = arith.constant 0 : i32
      %dma_start3A_182 = tpu.memref_slice %arg4[%add3A_112, %dma_start3A_175, %add3A, %dma_start3A_180, %dma_start3A_181] : memref<200x4x32x8x128xf32, #tpu.memory_space<hbm>> -> memref<1x1x1x8x128xf32, #tpu.memory_space<hbm>>
      %dma_start3A_183 = tpu.memref_squeeze %dma_start3A_182 : memref<1x1x1x8x128xf32, #tpu.memory_space<hbm>> -> memref<8x128xf32, #tpu.memory_space<hbm>>
      %dma_start3A_184 = arith.constant 0 : i32
      %dma_start3A_185 = arith.constant 0 : i32
      %dma_start3A_186 = tpu.memref_slice %arg4[%add3A_112, %dma_start3A_175, %add3A, %dma_start3A_184, %dma_start3A_185] : memref<200x4x32x8x128xf32, #tpu.memory_space<hbm>> -> memref<1x1x1x8x128xf32, #tpu.memory_space<hbm>>
      %dma_start3A_187 = tpu.memref_squeeze %dma_start3A_186 : memref<1x1x1x8x128xf32, #tpu.memory_space<hbm>> -> memref<8x128xf32, #tpu.memory_space<hbm>>
      %dma_start3A_188 = arith.constant 16 : i32
      %dma_start3A_189 = arith.constant 0 : i32
      %dma_start3A_190 = tpu.memref_slice %arg7[%dma_start3A_174, %dma_start3A_188, %dma_start3A_189] : memref<4x32x129xf32, #tpu.memory_space<vmem>> -> memref<1x8x128xf32, #tpu.memory_space<vmem>>
      %dma_start3A_191 = tpu.memref_squeeze %dma_start3A_190 : memref<1x8x128xf32, #tpu.memory_space<vmem>> -> memref<8x128xf32, #tpu.memory_space<vmem>>
      tpu.enqueue_dma source(%dma_start3A_191 : memref<8x128xf32, #tpu.memory_space<vmem>>) target(%dma_start3A_187 : memref<8x128xf32, #tpu.memory_space<hbm>>) target_semaphore(%arg9 : memref<!tpu.dma_semaphore, #tpu.memory_space<semaphore_mem>>)
      %dma_start3A_192 = arith.constant 0 : i32
      %dma_start3A_193 = arith.constant 3 : i32
      %dma_start3A_194 = arith.constant 24 : i32
      %dma_start3A_195 = arith.constant 0 : i32
      %dma_start3A_196 = tpu.memref_slice %arg7[%dma_start3A_192, %dma_start3A_194, %dma_start3A_195] : memref<4x32x129xf32, #tpu.memory_space<vmem>> -> memref<1x8x128xf32, #tpu.memory_space<vmem>>
      %dma_start3A_197 = tpu.memref_squeeze %dma_start3A_196 : memref<1x8x128xf32, #tpu.memory_space<vmem>> -> memref<8x128xf32, #tpu.memory_space<vmem>>
      %dma_start3A_198 = arith.constant 0 : i32
      %dma_start3A_199 = arith.constant 0 : i32
      %dma_start3A_200 = tpu.memref_slice %arg4[%add3A_112, %dma_start3A_193, %add3A, %dma_start3A_198, %dma_start3A_199] : memref<200x4x32x8x128xf32, #tpu.memory_space<hbm>> -> memref<1x1x1x8x128xf32, #tpu.memory_space<hbm>>
      %dma_start3A_201 = tpu.memref_squeeze %dma_start3A_200 : memref<1x1x1x8x128xf32, #tpu.memory_space<hbm>> -> memref<8x128xf32, #tpu.memory_space<hbm>>
      %dma_start3A_202 = arith.constant 0 : i32
      %dma_start3A_203 = arith.constant 0 : i32
      %dma_start3A_204 = tpu.memref_slice %arg4[%add3A_112, %dma_start3A_193, %add3A, %dma_start3A_202, %dma_start3A_203] : memref<200x4x32x8x128xf32, #tpu.memory_space<hbm>> -> memref<1x1x1x8x128xf32, #tpu.memory_space<hbm>>
      %dma_start3A_205 = tpu.memref_squeeze %dma_start3A_204 : memref<1x1x1x8x128xf32, #tpu.memory_space<hbm>> -> memref<8x128xf32, #tpu.memory_space<hbm>>
      %dma_start3A_206 = arith.constant 24 : i32
      %dma_start3A_207 = arith.constant 0 : i32
      %dma_start3A_208 = tpu.memref_slice %arg7[%dma_start3A_192, %dma_start3A_206, %dma_start3A_207] : memref<4x32x129xf32, #tpu.memory_space<vmem>> -> memref<1x8x128xf32, #tpu.memory_space<vmem>>
      %dma_start3A_209 = tpu.memref_squeeze %dma_start3A_208 : memref<1x8x128xf32, #tpu.memory_space<vmem>> -> memref<8x128xf32, #tpu.memory_space<vmem>>
      tpu.enqueue_dma source(%dma_start3A_209 : memref<8x128xf32, #tpu.memory_space<vmem>>) target(%dma_start3A_205 : memref<8x128xf32, #tpu.memory_space<hbm>>) target_semaphore(%arg9 : memref<!tpu.dma_semaphore, #tpu.memory_space<semaphore_mem>>)
      %mul3A_210 = arith.constant 8 : i32
      %mul3A_211 = arith.muli %scan3A_107, %mul3A_210 : i32
      %add3A_212 = arith.constant 1 : i32
      %add3A_213 = arith.addi %mul3A_211, %add3A_212 : i32
      %add3A_214 = arith.constant 0 : i32
      %add3A_215 = arith.addi %scan3A_107, %add3A_214 : i32
      %lt3A_216 = arith.constant 197 : i32
      %lt3A_217 = arith.cmpi slt, %add3A_213, %lt3A_216 : i32
      %convert_element_type3A_218 = arith.extui %lt3A_217 : i1 to i32
      %cond3A_219 = arith.constant 0 : i32
      %cond3A_220 = arith.cmpi ne, %convert_element_type3A_218, %cond3A_219 : i32
      scf.if %cond3A_220 {
        %dma_start3A_953 = arith.constant 4 : i32
        %dma_start3A_954 = arith.constant 0 : i32
        %dma_start3A_955 = arith.constant 0 : i32
        %dma_start3A_956 = arith.constant 0 : i32
        %dma_start3A_957 = tpu.memref_slice %arg6[%dma_start3A_954, %dma_start3A_955, %dma_start3A_956] : memref<4x128x32xf32, #tpu.memory_space<vmem>> -> memref<1x128x32xf32, #tpu.memory_space<vmem>>
        %dma_start3A_958 = tpu.memref_squeeze %dma_start3A_957 : memref<1x128x32xf32, #tpu.memory_space<vmem>> -> memref<128x32xf32, #tpu.memory_space<vmem>>
        %dma_start3A_959 = arith.constant 0 : i32
        %dma_start3A_960 = tpu.memref_slice %arg5[%add3A_215, %dma_start3A_953, %dma_start3A_959] : memref<25x8x128xi32, #tpu.memory_space<vmem>> -> memref<1x1x128xi32, #tpu.memory_space<vmem>>
        %dma_start3A_961 = tpu.memref_squeeze %dma_start3A_960 : memref<1x1x128xi32, #tpu.memory_space<vmem>> -> memref<128xi32, #tpu.memory_space<vmem>>
        %dma_start3A_962 = arith.constant 0 : i32
        %dma_start3A_963 = arith.constant 0 : i32
        %dma_start3A_964 = tpu.memref_slice %arg3[%dma_start3A_962, %dma_start3A_963] : memref<1000000x32xf32, #tpu.memory_space<hbm>> -> memref<1000000x32xf32, #tpu.memory_space<hbm>>
        tpu.enqueue_indirect_dma source(%dma_start3A_964 : memref<1000000x32xf32, #tpu.memory_space<hbm>>) target(%dma_start3A_958 : memref<128x32xf32, #tpu.memory_space<vmem>>) offsets(%dma_start3A_961 : memref<128xi32, #tpu.memory_space<vmem>>) semaphore(%arg8 : memref<!tpu.dma_semaphore, #tpu.memory_space<semaphore_mem>>)
      } else {
      }
      %dma_wait3A_221 = arith.constant 1 : i32
      %dma_wait3A_222 = arith.constant 0 : i32
      %dma_wait3A_223 = arith.constant 0 : i32
      %dma_wait3A_224 = tpu.memref_slice %arg6[%dma_wait3A_221, %dma_wait3A_222, %dma_wait3A_223] : memref<4x128x32xf32, #tpu.memory_space<vmem>> -> memref<1x128x32xf32, #tpu.memory_space<vmem>>
      %dma_wait3A_225 = tpu.memref_squeeze %dma_wait3A_224 : memref<1x128x32xf32, #tpu.memory_space<vmem>> -> memref<128x32xf32, #tpu.memory_space<vmem>>
      %dma_wait3A_226 = arith.constant 0 : i32
      %dma_wait3A_227 = arith.constant 0 : i32
      %dma_wait3A_228 = tpu.memref_slice %arg3[%dma_wait3A_226, %dma_wait3A_227] : memref<1000000x32xf32, #tpu.memory_space<hbm>> -> memref<128x32xf32, #tpu.memory_space<hbm>>
      %dma_wait3A_229 = arith.constant 0 : i32
      %dma_wait3A_230 = arith.constant 0 : i32
      %dma_wait3A_231 = tpu.memref_slice %arg6[%dma_wait3A_221, %dma_wait3A_229, %dma_wait3A_230] : memref<4x128x32xf32, #tpu.memory_space<vmem>> -> memref<1x128x32xf32, #tpu.memory_space<vmem>>
      %dma_wait3A_232 = tpu.memref_squeeze %dma_wait3A_231 : memref<1x128x32xf32, #tpu.memory_space<vmem>> -> memref<128x32xf32, #tpu.memory_space<vmem>>
      %dma_wait3A_233 = arith.constant 0 : i32
      %dma_wait3A_234 = arith.constant 0 : i32
      %dma_wait3A_235 = tpu.memref_slice %arg3[%dma_wait3A_233, %dma_wait3A_234] : memref<1000000x32xf32, #tpu.memory_space<hbm>> -> memref<128x32xf32, #tpu.memory_space<hbm>>
      tpu.wait_dma2 semaphore(%arg8 : memref<!tpu.dma_semaphore, #tpu.memory_space<semaphore_mem>>) src(%dma_wait3A_235 : memref<128x32xf32, #tpu.memory_space<hbm>>) dst(%dma_wait3A_232 : memref<128x32xf32, #tpu.memory_space<vmem>>)
      %ge3A_236 = arith.constant 4 : i32
      %ge3A_237 = arith.cmpi sge, %add3A_213, %ge3A_236 : i32
      %convert_element_type3A_238 = arith.extui %ge3A_237 : i1 to i32
      %cond3A_239 = arith.constant 0 : i32
      %cond3A_240 = arith.cmpi ne, %convert_element_type3A_238, %cond3A_239 : i32
      scf.if %cond3A_240 {
        %dma_wait3A_953 = arith.constant 0 : i32
        %dma_wait3A_954 = arith.constant 0 : i32
        %dma_wait3A_955 = arith.constant 0 : i32
        %dma_wait3A_956 = tpu.memref_slice %arg6[%dma_wait3A_953, %dma_wait3A_954, %dma_wait3A_955] : memref<4x128x32xf32, #tpu.memory_space<vmem>> -> memref<1x128x32xf32, #tpu.memory_space<vmem>>
        %dma_wait3A_957 = tpu.memref_squeeze %dma_wait3A_956 : memref<1x128x32xf32, #tpu.memory_space<vmem>> -> memref<128x32xf32, #tpu.memory_space<vmem>>
        %dma_wait3A_958 = arith.constant 0 : i32
        %dma_wait3A_959 = arith.constant 0 : i32
        %dma_wait3A_960 = tpu.memref_slice %arg3[%dma_wait3A_958, %dma_wait3A_959] : memref<1000000x32xf32, #tpu.memory_space<hbm>> -> memref<128x32xf32, #tpu.memory_space<hbm>>
        %dma_wait3A_961 = arith.constant 0 : i32
        %dma_wait3A_962 = arith.constant 0 : i32
        %dma_wait3A_963 = tpu.memref_slice %arg6[%dma_wait3A_953, %dma_wait3A_961, %dma_wait3A_962] : memref<4x128x32xf32, #tpu.memory_space<vmem>> -> memref<1x128x32xf32, #tpu.memory_space<vmem>>
        %dma_wait3A_964 = tpu.memref_squeeze %dma_wait3A_963 : memref<1x128x32xf32, #tpu.memory_space<vmem>> -> memref<128x32xf32, #tpu.memory_space<vmem>>
        %dma_wait3A_965 = arith.constant 0 : i32
        %dma_wait3A_966 = arith.constant 0 : i32
        %dma_wait3A_967 = tpu.memref_slice %arg3[%dma_wait3A_965, %dma_wait3A_966] : memref<1000000x32xf32, #tpu.memory_space<hbm>> -> memref<128x32xf32, #tpu.memory_space<hbm>>
        tpu.wait_dma2 semaphore(%arg9 : memref<!tpu.dma_semaphore, #tpu.memory_space<semaphore_mem>>) src(%dma_wait3A_967 : memref<128x32xf32, #tpu.memory_space<hbm>>) dst(%dma_wait3A_964 : memref<128x32xf32, #tpu.memory_space<vmem>>)
      } else {
      }
      %parallel_loop3A_241 = arith.constant 0 : i32
      %parallel_loop3A_242 = arith.constant 128 : i32
      %parallel_loop3A_243 = arith.constant 1 : i32
      scf.for %parallel_loop3A_953 = %parallel_loop3A_241 to %parallel_loop3A_242 step %parallel_loop3A_243  : i32 {
        %parallel_loop3A_954 = vector.broadcast %parallel_loop3A_953 : i32 to vector<16xi32>
        %parallel_loop3A_955 = arith.constant 1 : i32
        %parallel_loop3A_956 = arith.index_cast %parallel_loop3A_955 : i32 to index
        %parallel_loop3A_957 = arith.index_cast %parallel_loop3A_953 : i32 to index
        %parallel_loop3A_958 = arith.constant 0 : index
        %parallel_loop3A_959 = tpu.vector_load %arg6[%parallel_loop3A_956, %parallel_loop3A_957, %parallel_loop3A_958] {strides = array<i32>} : memref<4x128x32xf32, #tpu.memory_space<vmem>>, vector<16xf32>,
        %parallel_loop3A_960 = arith.constant 1 : i32
        %parallel_loop3A_961 = arith.index_cast %parallel_loop3A_960 : i32 to index
        %parallel_loop3A_962 = arith.index_cast %parallel_loop3A_953 : i32 to index
        %parallel_loop3A_963 = arith.constant 16 : index
        %parallel_loop3A_964 = tpu.vector_load %arg6[%parallel_loop3A_961, %parallel_loop3A_962, %parallel_loop3A_963] {strides = array<i32>} : memref<4x128x32xf32, #tpu.memory_space<vmem>>, vector<16xf32>,
        %parallel_loop3A_965 = arith.constant 1 : i32
        %parallel_loop3A_966 = arith.constant 0 : i32
        %parallel_loop3A_967 = arith.constant 0 : i32
        %parallel_loop3A_968 = tpu.memref_slice %arg7[%parallel_loop3A_965, %parallel_loop3A_966, %parallel_loop3A_967] : memref<4x32x129xf32, #tpu.memory_space<vmem>> -> memref<1x32x129xf32, #tpu.memory_space<vmem>>
        %parallel_loop3A_969 = tpu.memref_squeeze %parallel_loop3A_968 : memref<1x32x129xf32, #tpu.memory_space<vmem>> -> memref<32x129xf32, #tpu.memory_space<vmem>>
        tpu.vector_store_idx %parallel_loop3A_969[%iota3A, %parallel_loop3A_954], %parallel_loop3A_959 : memref<32x129xf32, #tpu.memory_space<vmem>>[vector<16xi32>, vector<16xi32>], vector<16xf32>,
        %parallel_loop3A_970 = arith.constant 1 : i32
        %parallel_loop3A_971 = arith.constant 0 : i32
        %parallel_loop3A_972 = arith.constant 0 : i32
        %parallel_loop3A_973 = tpu.memref_slice %arg7[%parallel_loop3A_970, %parallel_loop3A_971, %parallel_loop3A_972] : memref<4x32x129xf32, #tpu.memory_space<vmem>> -> memref<1x32x129xf32, #tpu.memory_space<vmem>>
        %parallel_loop3A_974 = tpu.memref_squeeze %parallel_loop3A_973 : memref<1x32x129xf32, #tpu.memory_space<vmem>> -> memref<32x129xf32, #tpu.memory_space<vmem>>
        tpu.vector_store_idx %parallel_loop3A_974[%add3A_3, %parallel_loop3A_954], %parallel_loop3A_964 : memref<32x129xf32, #tpu.memory_space<vmem>>[vector<16xi32>, vector<16xi32>], vector<16xf32>,
      } {sc.loop_unroll_factor = 8 : i64, sc.parallel_access}
      %dma_start3A_244 = arith.constant 1 : i32
      %dma_start3A_245 = arith.constant 0 : i32
      %dma_start3A_246 = arith.constant 0 : i32
      %dma_start3A_247 = arith.constant 0 : i32
      %dma_start3A_248 = tpu.memref_slice %arg7[%dma_start3A_244, %dma_start3A_246, %dma_start3A_247] : memref<4x32x129xf32, #tpu.memory_space<vmem>> -> memref<1x8x128xf32, #tpu.memory_space<vmem>>
      %dma_start3A_249 = tpu.memref_squeeze %dma_start3A_248 : memref<1x8x128xf32, #tpu.memory_space<vmem>> -> memref<8x128xf32, #tpu.memory_space<vmem>>
      %dma_start3A_250 = arith.constant 0 : i32
      %dma_start3A_251 = arith.constant 0 : i32
      %dma_start3A_252 = tpu.memref_slice %arg4[%add3A_213, %dma_start3A_245, %add3A, %dma_start3A_250, %dma_start3A_251] : memref<200x4x32x8x128xf32, #tpu.memory_space<hbm>> -> memref<1x1x1x8x128xf32, #tpu.memory_space<hbm>>
      %dma_start3A_253 = tpu.memref_squeeze %dma_start3A_252 : memref<1x1x1x8x128xf32, #tpu.memory_space<hbm>> -> memref<8x128xf32, #tpu.memory_space<hbm>>
      %dma_start3A_254 = arith.constant 0 : i32
      %dma_start3A_255 = arith.constant 0 : i32
      %dma_start3A_256 = tpu.memref_slice %arg4[%add3A_213, %dma_start3A_245, %add3A, %dma_start3A_254, %dma_start3A_255] : memref<200x4x32x8x128xf32, #tpu.memory_space<hbm>> -> memref<1x1x1x8x128xf32, #tpu.memory_space<hbm>>
      %dma_start3A_257 = tpu.memref_squeeze %dma_start3A_256 : memref<1x1x1x8x128xf32, #tpu.memory_space<hbm>> -> memref<8x128xf32, #tpu.memory_space<hbm>>
      %dma_start3A_258 = arith.constant 0 : i32
      %dma_start3A_259 = arith.constant 0 : i32
      %dma_start3A_260 = tpu.memref_slice %arg7[%dma_start3A_244, %dma_start3A_258, %dma_start3A_259] : memref<4x32x129xf32, #tpu.memory_space<vmem>> -> memref<1x8x128xf32, #tpu.memory_space<vmem>>
      %dma_start3A_261 = tpu.memref_squeeze %dma_start3A_260 : memref<1x8x128xf32, #tpu.memory_space<vmem>> -> memref<8x128xf32, #tpu.memory_space<vmem>>
      tpu.enqueue_dma source(%dma_start3A_261 : memref<8x128xf32, #tpu.memory_space<vmem>>) target(%dma_start3A_257 : memref<8x128xf32, #tpu.memory_space<hbm>>) target_semaphore(%arg9 : memref<!tpu.dma_semaphore, #tpu.memory_space<semaphore_mem>>)
      %dma_start3A_262 = arith.constant 1 : i32
      %dma_start3A_263 = arith.constant 1 : i32
      %dma_start3A_264 = arith.constant 8 : i32
      %dma_start3A_265 = arith.constant 0 : i32
      %dma_start3A_266 = tpu.memref_slice %arg7[%dma_start3A_262, %dma_start3A_264, %dma_start3A_265] : memref<4x32x129xf32, #tpu.memory_space<vmem>> -> memref<1x8x128xf32, #tpu.memory_space<vmem>>
      %dma_start3A_267 = tpu.memref_squeeze %dma_start3A_266 : memref<1x8x128xf32, #tpu.memory_space<vmem>> -> memref<8x128xf32, #tpu.memory_space<vmem>>
      %dma_start3A_268 = arith.constant 0 : i32
      %dma_start3A_269 = arith.constant 0 : i32
      %dma_start3A_270 = tpu.memref_slice %arg4[%add3A_213, %dma_start3A_263, %add3A, %dma_start3A_268, %dma_start3A_269] : memref<200x4x32x8x128xf32, #tpu.memory_space<hbm>> -> memref<1x1x1x8x128xf32, #tpu.memory_space<hbm>>
      %dma_start3A_271 = tpu.memref_squeeze %dma_start3A_270 : memref<1x1x1x8x128xf32, #tpu.memory_space<hbm>> -> memref<8x128xf32, #tpu.memory_space<hbm>>
      %dma_start3A_272 = arith.constant 0 : i32
      %dma_start3A_273 = arith.constant 0 : i32
      %dma_start3A_274 = tpu.memref_slice %arg4[%add3A_213, %dma_start3A_263, %add3A, %dma_start3A_272, %dma_start3A_273] : memref<200x4x32x8x128xf32, #tpu.memory_space<hbm>> -> memref<1x1x1x8x128xf32, #tpu.memory_space<hbm>>
      %dma_start3A_275 = tpu.memref_squeeze %dma_start3A_274 : memref<1x1x1x8x128xf32, #tpu.memory_space<hbm>> -> memref<8x128xf32, #tpu.memory_space<hbm>>
      %dma_start3A_276 = arith.constant 8 : i32
      %dma_start3A_277 = arith.constant 0 : i32
      %dma_start3A_278 = tpu.memref_slice %arg7[%dma_start3A_262, %dma_start3A_276, %dma_start3A_277] : memref<4x32x129xf32, #tpu.memory_space<vmem>> -> memref<1x8x128xf32, #tpu.memory_space<vmem>>
      %dma_start3A_279 = tpu.memref_squeeze %dma_start3A_278 : memref<1x8x128xf32, #tpu.memory_space<vmem>> -> memref<8x128xf32, #tpu.memory_space<vmem>>
      tpu.enqueue_dma source(%dma_start3A_279 : memref<8x128xf32, #tpu.memory_space<vmem>>) target(%dma_start3A_275 : memref<8x128xf32, #tpu.memory_space<hbm>>) target_semaphore(%arg9 : memref<!tpu.dma_semaphore, #tpu.memory_space<semaphore_mem>>)
      %dma_start3A_280 = arith.constant 1 : i32
      %dma_start3A_281 = arith.constant 2 : i32
      %dma_start3A_282 = arith.constant 16 : i32
      %dma_start3A_283 = arith.constant 0 : i32
      %dma_start3A_284 = tpu.memref_slice %arg7[%dma_start3A_280, %dma_start3A_282, %dma_start3A_283] : memref<4x32x129xf32, #tpu.memory_space<vmem>> -> memref<1x8x128xf32, #tpu.memory_space<vmem>>
      %dma_start3A_285 = tpu.memref_squeeze %dma_start3A_284 : memref<1x8x128xf32, #tpu.memory_space<vmem>> -> memref<8x128xf32, #tpu.memory_space<vmem>>
      %dma_start3A_286 = arith.constant 0 : i32
      %dma_start3A_287 = arith.constant 0 : i32
      %dma_start3A_288 = tpu.memref_slice %arg4[%add3A_213, %dma_start3A_281, %add3A, %dma_start3A_286, %dma_start3A_287] : memref<200x4x32x8x128xf32, #tpu.memory_space<hbm>> -> memref<1x1x1x8x128xf32, #tpu.memory_space<hbm>>
      %dma_start3A_289 = tpu.memref_squeeze %dma_start3A_288 : memref<1x1x1x8x128xf32, #tpu.memory_space<hbm>> -> memref<8x128xf32, #tpu.memory_space<hbm>>
      %dma_start3A_290 = arith.constant 0 : i32
      %dma_start3A_291 = arith.constant 0 : i32
      %dma_start3A_292 = tpu.memref_slice %arg4[%add3A_213, %dma_start3A_281, %add3A, %dma_start3A_290, %dma_start3A_291] : memref<200x4x32x8x128xf32, #tpu.memory_space<hbm>> -> memref<1x1x1x8x128xf32, #tpu.memory_space<hbm>>
      %dma_start3A_293 = tpu.memref_squeeze %dma_start3A_292 : memref<1x1x1x8x128xf32, #tpu.memory_space<hbm>> -> memref<8x128xf32, #tpu.memory_space<hbm>>
      %dma_start3A_294 = arith.constant 16 : i32
      %dma_start3A_295 = arith.constant 0 : i32
      %dma_start3A_296 = tpu.memref_slice %arg7[%dma_start3A_280, %dma_start3A_294, %dma_start3A_295] : memref<4x32x129xf32, #tpu.memory_space<vmem>> -> memref<1x8x128xf32, #tpu.memory_space<vmem>>
      %dma_start3A_297 = tpu.memref_squeeze %dma_start3A_296 : memref<1x8x128xf32, #tpu.memory_space<vmem>> -> memref<8x128xf32, #tpu.memory_space<vmem>>
      tpu.enqueue_dma source(%dma_start3A_297 : memref<8x128xf32, #tpu.memory_space<vmem>>) target(%dma_start3A_293 : memref<8x128xf32, #tpu.memory_space<hbm>>) target_semaphore(%arg9 : memref<!tpu.dma_semaphore, #tpu.memory_space<semaphore_mem>>)
      %dma_start3A_298 = arith.constant 1 : i32
      %dma_start3A_299 = arith.constant 3 : i32
      %dma_start3A_300 = arith.constant 24 : i32
      %dma_start3A_301 = arith.constant 0 : i32
      %dma_start3A_302 = tpu.memref_slice %arg7[%dma_start3A_298, %dma_start3A_300, %dma_start3A_301] : memref<4x32x129xf32, #tpu.memory_space<vmem>> -> memref<1x8x128xf32, #tpu.memory_space<vmem>>
      %dma_start3A_303 = tpu.memref_squeeze %dma_start3A_302 : memref<1x8x128xf32, #tpu.memory_space<vmem>> -> memref<8x128xf32, #tpu.memory_space<vmem>>
      %dma_start3A_304 = arith.constant 0 : i32
      %dma_start3A_305 = arith.constant 0 : i32
      %dma_start3A_306 = tpu.memref_slice %arg4[%add3A_213, %dma_start3A_299, %add3A, %dma_start3A_304, %dma_start3A_305] : memref<200x4x32x8x128xf32, #tpu.memory_space<hbm>> -> memref<1x1x1x8x128xf32, #tpu.memory_space<hbm>>
      %dma_start3A_307 = tpu.memref_squeeze %dma_start3A_306 : memref<1x1x1x8x128xf32, #tpu.memory_space<hbm>> -> memref<8x128xf32, #tpu.memory_space<hbm>>
      %dma_start3A_308 = arith.constant 0 : i32
      %dma_start3A_309 = arith.constant 0 : i32
      %dma_start3A_310 = tpu.memref_slice %arg4[%add3A_213, %dma_start3A_299, %add3A, %dma_start3A_308, %dma_start3A_309] : memref<200x4x32x8x128xf32, #tpu.memory_space<hbm>> -> memref<1x1x1x8x128xf32, #tpu.memory_space<hbm>>
      %dma_start3A_311 = tpu.memref_squeeze %dma_start3A_310 : memref<1x1x1x8x128xf32, #tpu.memory_space<hbm>> -> memref<8x128xf32, #tpu.memory_space<hbm>>
      %dma_start3A_312 = arith.constant 24 : i32
      %dma_start3A_313 = arith.constant 0 : i32
      %dma_start3A_314 = tpu.memref_slice %arg7[%dma_start3A_298, %dma_start3A_312, %dma_start3A_313] : memref<4x32x129xf32, #tpu.memory_space<vmem>> -> memref<1x8x128xf32, #tpu.memory_space<vmem>>
      %dma_start3A_315 = tpu.memref_squeeze %dma_start3A_314 : memref<1x8x128xf32, #tpu.memory_space<vmem>> -> memref<8x128xf32, #tpu.memory_space<vmem>>
      tpu.enqueue_dma source(%dma_start3A_315 : memref<8x128xf32, #tpu.memory_space<vmem>>) target(%dma_start3A_311 : memref<8x128xf32, #tpu.memory_space<hbm>>) target_semaphore(%arg9 : memref<!tpu.dma_semaphore, #tpu.memory_space<semaphore_mem>>)
      %mul3A_316 = arith.constant 8 : i32
      %mul3A_317 = arith.muli %scan3A_107, %mul3A_316 : i32
      %add3A_318 = arith.constant 2 : i32
      %add3A_319 = arith.addi %mul3A_317, %add3A_318 : i32
      %add3A_320 = arith.constant 0 : i32
      %add3A_321 = arith.addi %scan3A_107, %add3A_320 : i32
      %lt3A_322 = arith.constant 197 : i32
      %lt3A_323 = arith.cmpi slt, %add3A_319, %lt3A_322 : i32
      %convert_element_type3A_324 = arith.extui %lt3A_323 : i1 to i32
      %cond3A_325 = arith.constant 0 : i32
      %cond3A_326 = arith.cmpi ne, %convert_element_type3A_324, %cond3A_325 : i32
      scf.if %cond3A_326 {
        %dma_start3A_953 = arith.constant 5 : i32
        %dma_start3A_954 = arith.constant 1 : i32
        %dma_start3A_955 = arith.constant 0 : i32
        %dma_start3A_956 = arith.constant 0 : i32
        %dma_start3A_957 = tpu.memref_slice %arg6[%dma_start3A_954, %dma_start3A_955, %dma_start3A_956] : memref<4x128x32xf32, #tpu.memory_space<vmem>> -> memref<1x128x32xf32, #tpu.memory_space<vmem>>
        %dma_start3A_958 = tpu.memref_squeeze %dma_start3A_957 : memref<1x128x32xf32, #tpu.memory_space<vmem>> -> memref<128x32xf32, #tpu.memory_space<vmem>>
        %dma_start3A_959 = arith.constant 0 : i32
        %dma_start3A_960 = tpu.memref_slice %arg5[%add3A_321, %dma_start3A_953, %dma_start3A_959] : memref<25x8x128xi32, #tpu.memory_space<vmem>> -> memref<1x1x128xi32, #tpu.memory_space<vmem>>
        %dma_start3A_961 = tpu.memref_squeeze %dma_start3A_960 : memref<1x1x128xi32, #tpu.memory_space<vmem>> -> memref<128xi32, #tpu.memory_space<vmem>>
        %dma_start3A_962 = arith.constant 0 : i32
        %dma_start3A_963 = arith.constant 0 : i32
        %dma_start3A_964 = tpu.memref_slice %arg3[%dma_start3A_962, %dma_start3A_963] : memref<1000000x32xf32, #tpu.memory_space<hbm>> -> memref<1000000x32xf32, #tpu.memory_space<hbm>>
        tpu.enqueue_indirect_dma source(%dma_start3A_964 : memref<1000000x32xf32, #tpu.memory_space<hbm>>) target(%dma_start3A_958 : memref<128x32xf32, #tpu.memory_space<vmem>>) offsets(%dma_start3A_961 : memref<128xi32, #tpu.memory_space<vmem>>) semaphore(%arg8 : memref<!tpu.dma_semaphore, #tpu.memory_space<semaphore_mem>>)
      } else {
      }
      %dma_wait3A_327 = arith.constant 2 : i32
      %dma_wait3A_328 = arith.constant 0 : i32
      %dma_wait3A_329 = arith.constant 0 : i32
      %dma_wait3A_330 = tpu.memref_slice %arg6[%dma_wait3A_327, %dma_wait3A_328, %dma_wait3A_329] : memref<4x128x32xf32, #tpu.memory_space<vmem>> -> memref<1x128x32xf32, #tpu.memory_space<vmem>>
      %dma_wait3A_331 = tpu.memref_squeeze %dma_wait3A_330 : memref<1x128x32xf32, #tpu.memory_space<vmem>> -> memref<128x32xf32, #tpu.memory_space<vmem>>
      %dma_wait3A_332 = arith.constant 0 : i32
      %dma_wait3A_333 = arith.constant 0 : i32
      %dma_wait3A_334 = tpu.memref_slice %arg3[%dma_wait3A_332, %dma_wait3A_333] : memref<1000000x32xf32, #tpu.memory_space<hbm>> -> memref<128x32xf32, #tpu.memory_space<hbm>>
      %dma_wait3A_335 = arith.constant 0 : i32
      %dma_wait3A_336 = arith.constant 0 : i32
      %dma_wait3A_337 = tpu.memref_slice %arg6[%dma_wait3A_327, %dma_wait3A_335, %dma_wait3A_336] : memref<4x128x32xf32, #tpu.memory_space<vmem>> -> memref<1x128x32xf32, #tpu.memory_space<vmem>>
      %dma_wait3A_338 = tpu.memref_squeeze %dma_wait3A_337 : memref<1x128x32xf32, #tpu.memory_space<vmem>> -> memref<128x32xf32, #tpu.memory_space<vmem>>
      %dma_wait3A_339 = arith.constant 0 : i32
      %dma_wait3A_340 = arith.constant 0 : i32
      %dma_wait3A_341 = tpu.memref_slice %arg3[%dma_wait3A_339, %dma_wait3A_340] : memref<1000000x32xf32, #tpu.memory_space<hbm>> -> memref<128x32xf32, #tpu.memory_space<hbm>>
      tpu.wait_dma2 semaphore(%arg8 : memref<!tpu.dma_semaphore, #tpu.memory_space<semaphore_mem>>) src(%dma_wait3A_341 : memref<128x32xf32, #tpu.memory_space<hbm>>) dst(%dma_wait3A_338 : memref<128x32xf32, #tpu.memory_space<vmem>>)
      %ge3A_342 = arith.constant 4 : i32
      %ge3A_343 = arith.cmpi sge, %add3A_319, %ge3A_342 : i32
      %convert_element_type3A_344 = arith.extui %ge3A_343 : i1 to i32
      %cond3A_345 = arith.constant 0 : i32
      %cond3A_346 = arith.cmpi ne, %convert_element_type3A_344, %cond3A_345 : i32
      scf.if %cond3A_346 {
        %dma_wait3A_953 = arith.constant 0 : i32
        %dma_wait3A_954 = arith.constant 0 : i32
        %dma_wait3A_955 = arith.constant 0 : i32
        %dma_wait3A_956 = tpu.memref_slice %arg6[%dma_wait3A_953, %dma_wait3A_954, %dma_wait3A_955] : memref<4x128x32xf32, #tpu.memory_space<vmem>> -> memref<1x128x32xf32, #tpu.memory_space<vmem>>
        %dma_wait3A_957 = tpu.memref_squeeze %dma_wait3A_956 : memref<1x128x32xf32, #tpu.memory_space<vmem>> -> memref<128x32xf32, #tpu.memory_space<vmem>>
        %dma_wait3A_958 = arith.constant 0 : i32
        %dma_wait3A_959 = arith.constant 0 : i32
        %dma_wait3A_960 = tpu.memref_slice %arg3[%dma_wait3A_958, %dma_wait3A_959] : memref<1000000x32xf32, #tpu.memory_space<hbm>> -> memref<128x32xf32, #tpu.memory_space<hbm>>
        %dma_wait3A_961 = arith.constant 0 : i32
        %dma_wait3A_962 = arith.constant 0 : i32
        %dma_wait3A_963 = tpu.memref_slice %arg6[%dma_wait3A_953, %dma_wait3A_961, %dma_wait3A_962] : memref<4x128x32xf32, #tpu.memory_space<vmem>> -> memref<1x128x32xf32, #tpu.memory_space<vmem>>
        %dma_wait3A_964 = tpu.memref_squeeze %dma_wait3A_963 : memref<1x128x32xf32, #tpu.memory_space<vmem>> -> memref<128x32xf32, #tpu.memory_space<vmem>>
        %dma_wait3A_965 = arith.constant 0 : i32
        %dma_wait3A_966 = arith.constant 0 : i32
        %dma_wait3A_967 = tpu.memref_slice %arg3[%dma_wait3A_965, %dma_wait3A_966] : memref<1000000x32xf32, #tpu.memory_space<hbm>> -> memref<128x32xf32, #tpu.memory_space<hbm>>
        tpu.wait_dma2 semaphore(%arg9 : memref<!tpu.dma_semaphore, #tpu.memory_space<semaphore_mem>>) src(%dma_wait3A_967 : memref<128x32xf32, #tpu.memory_space<hbm>>) dst(%dma_wait3A_964 : memref<128x32xf32, #tpu.memory_space<vmem>>)
      } else {
      }
      %parallel_loop3A_347 = arith.constant 0 : i32
      %parallel_loop3A_348 = arith.constant 128 : i32
      %parallel_loop3A_349 = arith.constant 1 : i32
      scf.for %parallel_loop3A_953 = %parallel_loop3A_347 to %parallel_loop3A_348 step %parallel_loop3A_349  : i32 {
        %parallel_loop3A_954 = vector.broadcast %parallel_loop3A_953 : i32 to vector<16xi32>
        %parallel_loop3A_955 = arith.constant 2 : i32
        %parallel_loop3A_956 = arith.index_cast %parallel_loop3A_955 : i32 to index
        %parallel_loop3A_957 = arith.index_cast %parallel_loop3A_953 : i32 to index
        %parallel_loop3A_958 = arith.constant 0 : index
        %parallel_loop3A_959 = tpu.vector_load %arg6[%parallel_loop3A_956, %parallel_loop3A_957, %parallel_loop3A_958] {strides = array<i32>} : memref<4x128x32xf32, #tpu.memory_space<vmem>>, vector<16xf32>,
        %parallel_loop3A_960 = arith.constant 2 : i32
        %parallel_loop3A_961 = arith.index_cast %parallel_loop3A_960 : i32 to index
        %parallel_loop3A_962 = arith.index_cast %parallel_loop3A_953 : i32 to index
        %parallel_loop3A_963 = arith.constant 16 : index
        %parallel_loop3A_964 = tpu.vector_load %arg6[%parallel_loop3A_961, %parallel_loop3A_962, %parallel_loop3A_963] {strides = array<i32>} : memref<4x128x32xf32, #tpu.memory_space<vmem>>, vector<16xf32>,
        %parallel_loop3A_965 = arith.constant 2 : i32
        %parallel_loop3A_966 = arith.constant 0 : i32
        %parallel_loop3A_967 = arith.constant 0 : i32
        %parallel_loop3A_968 = tpu.memref_slice %arg7[%parallel_loop3A_965, %parallel_loop3A_966, %parallel_loop3A_967] : memref<4x32x129xf32, #tpu.memory_space<vmem>> -> memref<1x32x129xf32, #tpu.memory_space<vmem>>
        %parallel_loop3A_969 = tpu.memref_squeeze %parallel_loop3A_968 : memref<1x32x129xf32, #tpu.memory_space<vmem>> -> memref<32x129xf32, #tpu.memory_space<vmem>>
        tpu.vector_store_idx %parallel_loop3A_969[%iota3A, %parallel_loop3A_954], %parallel_loop3A_959 : memref<32x129xf32, #tpu.memory_space<vmem>>[vector<16xi32>, vector<16xi32>], vector<16xf32>,
        %parallel_loop3A_970 = arith.constant 2 : i32
        %parallel_loop3A_971 = arith.constant 0 : i32
        %parallel_loop3A_972 = arith.constant 0 : i32
        %parallel_loop3A_973 = tpu.memref_slice %arg7[%parallel_loop3A_970, %parallel_loop3A_971, %parallel_loop3A_972] : memref<4x32x129xf32, #tpu.memory_space<vmem>> -> memref<1x32x129xf32, #tpu.memory_space<vmem>>
        %parallel_loop3A_974 = tpu.memref_squeeze %parallel_loop3A_973 : memref<1x32x129xf32, #tpu.memory_space<vmem>> -> memref<32x129xf32, #tpu.memory_space<vmem>>
        tpu.vector_store_idx %parallel_loop3A_974[%add3A_3, %parallel_loop3A_954], %parallel_loop3A_964 : memref<32x129xf32, #tpu.memory_space<vmem>>[vector<16xi32>, vector<16xi32>], vector<16xf32>,
      } {sc.loop_unroll_factor = 8 : i64, sc.parallel_access}
      %dma_start3A_350 = arith.constant 2 : i32
      %dma_start3A_351 = arith.constant 0 : i32
      %dma_start3A_352 = arith.constant 0 : i32
      %dma_start3A_353 = arith.constant 0 : i32
      %dma_start3A_354 = tpu.memref_slice %arg7[%dma_start3A_350, %dma_start3A_352, %dma_start3A_353] : memref<4x32x129xf32, #tpu.memory_space<vmem>> -> memref<1x8x128xf32, #tpu.memory_space<vmem>>
      %dma_start3A_355 = tpu.memref_squeeze %dma_start3A_354 : memref<1x8x128xf32, #tpu.memory_space<vmem>> -> memref<8x128xf32, #tpu.memory_space<vmem>>
      %dma_start3A_356 = arith.constant 0 : i32
      %dma_start3A_357 = arith.constant 0 : i32
      %dma_start3A_358 = tpu.memref_slice %arg4[%add3A_319, %dma_start3A_351, %add3A, %dma_start3A_356, %dma_start3A_357] : memref<200x4x32x8x128xf32, #tpu.memory_space<hbm>> -> memref<1x1x1x8x128xf32, #tpu.memory_space<hbm>>
      %dma_start3A_359 = tpu.memref_squeeze %dma_start3A_358 : memref<1x1x1x8x128xf32, #tpu.memory_space<hbm>> -> memref<8x128xf32, #tpu.memory_space<hbm>>
      %dma_start3A_360 = arith.constant 0 : i32
      %dma_start3A_361 = arith.constant 0 : i32
      %dma_start3A_362 = tpu.memref_slice %arg4[%add3A_319, %dma_start3A_351, %add3A, %dma_start3A_360, %dma_start3A_361] : memref<200x4x32x8x128xf32, #tpu.memory_space<hbm>> -> memref<1x1x1x8x128xf32, #tpu.memory_space<hbm>>
      %dma_start3A_363 = tpu.memref_squeeze %dma_start3A_362 : memref<1x1x1x8x128xf32, #tpu.memory_space<hbm>> -> memref<8x128xf32, #tpu.memory_space<hbm>>
      %dma_start3A_364 = arith.constant 0 : i32
      %dma_start3A_365 = arith.constant 0 : i32
      %dma_start3A_366 = tpu.memref_slice %arg7[%dma_start3A_350, %dma_start3A_364, %dma_start3A_365] : memref<4x32x129xf32, #tpu.memory_space<vmem>> -> memref<1x8x128xf32, #tpu.memory_space<vmem>>
      %dma_start3A_367 = tpu.memref_squeeze %dma_start3A_366 : memref<1x8x128xf32, #tpu.memory_space<vmem>> -> memref<8x128xf32, #tpu.memory_space<vmem>>
      tpu.enqueue_dma source(%dma_start3A_367 : memref<8x128xf32, #tpu.memory_space<vmem>>) target(%dma_start3A_363 : memref<8x128xf32, #tpu.memory_space<hbm>>) target_semaphore(%arg9 : memref<!tpu.dma_semaphore, #tpu.memory_space<semaphore_mem>>)
      %dma_start3A_368 = arith.constant 2 : i32
      %dma_start3A_369 = arith.constant 1 : i32
      %dma_start3A_370 = arith.constant 8 : i32
      %dma_start3A_371 = arith.constant 0 : i32
      %dma_start3A_372 = tpu.memref_slice %arg7[%dma_start3A_368, %dma_start3A_370, %dma_start3A_371] : memref<4x32x129xf32, #tpu.memory_space<vmem>> -> memref<1x8x128xf32, #tpu.memory_space<vmem>>
      %dma_start3A_373 = tpu.memref_squeeze %dma_start3A_372 : memref<1x8x128xf32, #tpu.memory_space<vmem>> -> memref<8x128xf32, #tpu.memory_space<vmem>>
      %dma_start3A_374 = arith.constant 0 : i32
      %dma_start3A_375 = arith.constant 0 : i32
      %dma_start3A_376 = tpu.memref_slice %arg4[%add3A_319, %dma_start3A_369, %add3A, %dma_start3A_374, %dma_start3A_375] : memref<200x4x32x8x128xf32, #tpu.memory_space<hbm>> -> memref<1x1x1x8x128xf32, #tpu.memory_space<hbm>>
      %dma_start3A_377 = tpu.memref_squeeze %dma_start3A_376 : memref<1x1x1x8x128xf32, #tpu.memory_space<hbm>> -> memref<8x128xf32, #tpu.memory_space<hbm>>
      %dma_start3A_378 = arith.constant 0 : i32
      %dma_start3A_379 = arith.constant 0 : i32
      %dma_start3A_380 = tpu.memref_slice %arg4[%add3A_319, %dma_start3A_369, %add3A, %dma_start3A_378, %dma_start3A_379] : memref<200x4x32x8x128xf32, #tpu.memory_space<hbm>> -> memref<1x1x1x8x128xf32, #tpu.memory_space<hbm>>
      %dma_start3A_381 = tpu.memref_squeeze %dma_start3A_380 : memref<1x1x1x8x128xf32, #tpu.memory_space<hbm>> -> memref<8x128xf32, #tpu.memory_space<hbm>>
      %dma_start3A_382 = arith.constant 8 : i32
      %dma_start3A_383 = arith.constant 0 : i32
      %dma_start3A_384 = tpu.memref_slice %arg7[%dma_start3A_368, %dma_start3A_382, %dma_start3A_383] : memref<4x32x129xf32, #tpu.memory_space<vmem>> -> memref<1x8x128xf32, #tpu.memory_space<vmem>>
      %dma_start3A_385 = tpu.memref_squeeze %dma_start3A_384 : memref<1x8x128xf32, #tpu.memory_space<vmem>> -> memref<8x128xf32, #tpu.memory_space<vmem>>
      tpu.enqueue_dma source(%dma_start3A_385 : memref<8x128xf32, #tpu.memory_space<vmem>>) target(%dma_start3A_381 : memref<8x128xf32, #tpu.memory_space<hbm>>) target_semaphore(%arg9 : memref<!tpu.dma_semaphore, #tpu.memory_space<semaphore_mem>>)
      %dma_start3A_386 = arith.constant 2 : i32
      %dma_start3A_387 = arith.constant 2 : i32
      %dma_start3A_388 = arith.constant 16 : i32
      %dma_start3A_389 = arith.constant 0 : i32
      %dma_start3A_390 = tpu.memref_slice %arg7[%dma_start3A_386, %dma_start3A_388, %dma_start3A_389] : memref<4x32x129xf32, #tpu.memory_space<vmem>> -> memref<1x8x128xf32, #tpu.memory_space<vmem>>
      %dma_start3A_391 = tpu.memref_squeeze %dma_start3A_390 : memref<1x8x128xf32, #tpu.memory_space<vmem>> -> memref<8x128xf32, #tpu.memory_space<vmem>>
      %dma_start3A_392 = arith.constant 0 : i32
      %dma_start3A_393 = arith.constant 0 : i32
      %dma_start3A_394 = tpu.memref_slice %arg4[%add3A_319, %dma_start3A_387, %add3A, %dma_start3A_392, %dma_start3A_393] : memref<200x4x32x8x128xf32, #tpu.memory_space<hbm>> -> memref<1x1x1x8x128xf32, #tpu.memory_space<hbm>>
      %dma_start3A_395 = tpu.memref_squeeze %dma_start3A_394 : memref<1x1x1x8x128xf32, #tpu.memory_space<hbm>> -> memref<8x128xf32, #tpu.memory_space<hbm>>
      %dma_start3A_396 = arith.constant 0 : i32
      %dma_start3A_397 = arith.constant 0 : i32
      %dma_start3A_398 = tpu.memref_slice %arg4[%add3A_319, %dma_start3A_387, %add3A, %dma_start3A_396, %dma_start3A_397] : memref<200x4x32x8x128xf32, #tpu.memory_space<hbm>> -> memref<1x1x1x8x128xf32, #tpu.memory_space<hbm>>
      %dma_start3A_399 = tpu.memref_squeeze %dma_start3A_398 : memref<1x1x1x8x128xf32, #tpu.memory_space<hbm>> -> memref<8x128xf32, #tpu.memory_space<hbm>>
      %dma_start3A_400 = arith.constant 16 : i32
      %dma_start3A_401 = arith.constant 0 : i32
      %dma_start3A_402 = tpu.memref_slice %arg7[%dma_start3A_386, %dma_start3A_400, %dma_start3A_401] : memref<4x32x129xf32, #tpu.memory_space<vmem>> -> memref<1x8x128xf32, #tpu.memory_space<vmem>>
      %dma_start3A_403 = tpu.memref_squeeze %dma_start3A_402 : memref<1x8x128xf32, #tpu.memory_space<vmem>> -> memref<8x128xf32, #tpu.memory_space<vmem>>
      tpu.enqueue_dma source(%dma_start3A_403 : memref<8x128xf32, #tpu.memory_space<vmem>>) target(%dma_start3A_399 : memref<8x128xf32, #tpu.memory_space<hbm>>) target_semaphore(%arg9 : memref<!tpu.dma_semaphore, #tpu.memory_space<semaphore_mem>>)
      %dma_start3A_404 = arith.constant 2 : i32
      %dma_start3A_405 = arith.constant 3 : i32
      %dma_start3A_406 = arith.constant 24 : i32
      %dma_start3A_407 = arith.constant 0 : i32
      %dma_start3A_408 = tpu.memref_slice %arg7[%dma_start3A_404, %dma_start3A_406, %dma_start3A_407] : memref<4x32x129xf32, #tpu.memory_space<vmem>> -> memref<1x8x128xf32, #tpu.memory_space<vmem>>
      %dma_start3A_409 = tpu.memref_squeeze %dma_start3A_408 : memref<1x8x128xf32, #tpu.memory_space<vmem>> -> memref<8x128xf32, #tpu.memory_space<vmem>>
      %dma_start3A_410 = arith.constant 0 : i32
      %dma_start3A_411 = arith.constant 0 : i32
      %dma_start3A_412 = tpu.memref_slice %arg4[%add3A_319, %dma_start3A_405, %add3A, %dma_start3A_410, %dma_start3A_411] : memref<200x4x32x8x128xf32, #tpu.memory_space<hbm>> -> memref<1x1x1x8x128xf32, #tpu.memory_space<hbm>>
      %dma_start3A_413 = tpu.memref_squeeze %dma_start3A_412 : memref<1x1x1x8x128xf32, #tpu.memory_space<hbm>> -> memref<8x128xf32, #tpu.memory_space<hbm>>
      %dma_start3A_414 = arith.constant 0 : i32
      %dma_start3A_415 = arith.constant 0 : i32
      %dma_start3A_416 = tpu.memref_slice %arg4[%add3A_319, %dma_start3A_405, %add3A, %dma_start3A_414, %dma_start3A_415] : memref<200x4x32x8x128xf32, #tpu.memory_space<hbm>> -> memref<1x1x1x8x128xf32, #tpu.memory_space<hbm>>
      %dma_start3A_417 = tpu.memref_squeeze %dma_start3A_416 : memref<1x1x1x8x128xf32, #tpu.memory_space<hbm>> -> memref<8x128xf32, #tpu.memory_space<hbm>>
      %dma_start3A_418 = arith.constant 24 : i32
      %dma_start3A_419 = arith.constant 0 : i32
      %dma_start3A_420 = tpu.memref_slice %arg7[%dma_start3A_404, %dma_start3A_418, %dma_start3A_419] : memref<4x32x129xf32, #tpu.memory_space<vmem>> -> memref<1x8x128xf32, #tpu.memory_space<vmem>>
      %dma_start3A_421 = tpu.memref_squeeze %dma_start3A_420 : memref<1x8x128xf32, #tpu.memory_space<vmem>> -> memref<8x128xf32, #tpu.memory_space<vmem>>
      tpu.enqueue_dma source(%dma_start3A_421 : memref<8x128xf32, #tpu.memory_space<vmem>>) target(%dma_start3A_417 : memref<8x128xf32, #tpu.memory_space<hbm>>) target_semaphore(%arg9 : memref<!tpu.dma_semaphore, #tpu.memory_space<semaphore_mem>>)
      %mul3A_422 = arith.constant 8 : i32
      %mul3A_423 = arith.muli %scan3A_107, %mul3A_422 : i32
      %add3A_424 = arith.constant 3 : i32
      %add3A_425 = arith.addi %mul3A_423, %add3A_424 : i32
      %add3A_426 = arith.constant 0 : i32
      %add3A_427 = arith.addi %scan3A_107, %add3A_426 : i32
      %lt3A_428 = arith.constant 197 : i32
      %lt3A_429 = arith.cmpi slt, %add3A_425, %lt3A_428 : i32
      %convert_element_type3A_430 = arith.extui %lt3A_429 : i1 to i32
      %cond3A_431 = arith.constant 0 : i32
      %cond3A_432 = arith.cmpi ne, %convert_element_type3A_430, %cond3A_431 : i32
      scf.if %cond3A_432 {
        %dma_start3A_953 = arith.constant 6 : i32
        %dma_start3A_954 = arith.constant 2 : i32
        %dma_start3A_955 = arith.constant 0 : i32
        %dma_start3A_956 = arith.constant 0 : i32
        %dma_start3A_957 = tpu.memref_slice %arg6[%dma_start3A_954, %dma_start3A_955, %dma_start3A_956] : memref<4x128x32xf32, #tpu.memory_space<vmem>> -> memref<1x128x32xf32, #tpu.memory_space<vmem>>
        %dma_start3A_958 = tpu.memref_squeeze %dma_start3A_957 : memref<1x128x32xf32, #tpu.memory_space<vmem>> -> memref<128x32xf32, #tpu.memory_space<vmem>>
        %dma_start3A_959 = arith.constant 0 : i32
        %dma_start3A_960 = tpu.memref_slice %arg5[%add3A_427, %dma_start3A_953, %dma_start3A_959] : memref<25x8x128xi32, #tpu.memory_space<vmem>> -> memref<1x1x128xi32, #tpu.memory_space<vmem>>
        %dma_start3A_961 = tpu.memref_squeeze %dma_start3A_960 : memref<1x1x128xi32, #tpu.memory_space<vmem>> -> memref<128xi32, #tpu.memory_space<vmem>>
        %dma_start3A_962 = arith.constant 0 : i32
        %dma_start3A_963 = arith.constant 0 : i32
        %dma_start3A_964 = tpu.memref_slice %arg3[%dma_start3A_962, %dma_start3A_963] : memref<1000000x32xf32, #tpu.memory_space<hbm>> -> memref<1000000x32xf32, #tpu.memory_space<hbm>>
        tpu.enqueue_indirect_dma source(%dma_start3A_964 : memref<1000000x32xf32, #tpu.memory_space<hbm>>) target(%dma_start3A_958 : memref<128x32xf32, #tpu.memory_space<vmem>>) offsets(%dma_start3A_961 : memref<128xi32, #tpu.memory_space<vmem>>) semaphore(%arg8 : memref<!tpu.dma_semaphore, #tpu.memory_space<semaphore_mem>>)
      } else {
      }
      %dma_wait3A_433 = arith.constant 3 : i32
      %dma_wait3A_434 = arith.constant 0 : i32
      %dma_wait3A_435 = arith.constant 0 : i32
      %dma_wait3A_436 = tpu.memref_slice %arg6[%dma_wait3A_433, %dma_wait3A_434, %dma_wait3A_435] : memref<4x128x32xf32, #tpu.memory_space<vmem>> -> memref<1x128x32xf32, #tpu.memory_space<vmem>>
      %dma_wait3A_437 = tpu.memref_squeeze %dma_wait3A_436 : memref<1x128x32xf32, #tpu.memory_space<vmem>> -> memref<128x32xf32, #tpu.memory_space<vmem>>
      %dma_wait3A_438 = arith.constant 0 : i32
      %dma_wait3A_439 = arith.constant 0 : i32
      %dma_wait3A_440 = tpu.memref_slice %arg3[%dma_wait3A_438, %dma_wait3A_439] : memref<1000000x32xf32, #tpu.memory_space<hbm>> -> memref<128x32xf32, #tpu.memory_space<hbm>>
      %dma_wait3A_441 = arith.constant 0 : i32
      %dma_wait3A_442 = arith.constant 0 : i32
      %dma_wait3A_443 = tpu.memref_slice %arg6[%dma_wait3A_433, %dma_wait3A_441, %dma_wait3A_442] : memref<4x128x32xf32, #tpu.memory_space<vmem>> -> memref<1x128x32xf32, #tpu.memory_space<vmem>>
      %dma_wait3A_444 = tpu.memref_squeeze %dma_wait3A_443 : memref<1x128x32xf32, #tpu.memory_space<vmem>> -> memref<128x32xf32, #tpu.memory_space<vmem>>
      %dma_wait3A_445 = arith.constant 0 : i32
      %dma_wait3A_446 = arith.constant 0 : i32
      %dma_wait3A_447 = tpu.memref_slice %arg3[%dma_wait3A_445, %dma_wait3A_446] : memref<1000000x32xf32, #tpu.memory_space<hbm>> -> memref<128x32xf32, #tpu.memory_space<hbm>>
      tpu.wait_dma2 semaphore(%arg8 : memref<!tpu.dma_semaphore, #tpu.memory_space<semaphore_mem>>) src(%dma_wait3A_447 : memref<128x32xf32, #tpu.memory_space<hbm>>) dst(%dma_wait3A_444 : memref<128x32xf32, #tpu.memory_space<vmem>>)
      %ge3A_448 = arith.constant 4 : i32
      %ge3A_449 = arith.cmpi sge, %add3A_425, %ge3A_448 : i32
      %convert_element_type3A_450 = arith.extui %ge3A_449 : i1 to i32
      %cond3A_451 = arith.constant 0 : i32
      %cond3A_452 = arith.cmpi ne, %convert_element_type3A_450, %cond3A_451 : i32
      scf.if %cond3A_452 {
        %dma_wait3A_953 = arith.constant 0 : i32
        %dma_wait3A_954 = arith.constant 0 : i32
        %dma_wait3A_955 = arith.constant 0 : i32
        %dma_wait3A_956 = tpu.memref_slice %arg6[%dma_wait3A_953, %dma_wait3A_954, %dma_wait3A_955] : memref<4x128x32xf32, #tpu.memory_space<vmem>> -> memref<1x128x32xf32, #tpu.memory_space<vmem>>
        %dma_wait3A_957 = tpu.memref_squeeze %dma_wait3A_956 : memref<1x128x32xf32, #tpu.memory_space<vmem>> -> memref<128x32xf32, #tpu.memory_space<vmem>>
        %dma_wait3A_958 = arith.constant 0 : i32
        %dma_wait3A_959 = arith.constant 0 : i32
        %dma_wait3A_960 = tpu.memref_slice %arg3[%dma_wait3A_958, %dma_wait3A_959] : memref<1000000x32xf32, #tpu.memory_space<hbm>> -> memref<128x32xf32, #tpu.memory_space<hbm>>
        %dma_wait3A_961 = arith.constant 0 : i32
        %dma_wait3A_962 = arith.constant 0 : i32
        %dma_wait3A_963 = tpu.memref_slice %arg6[%dma_wait3A_953, %dma_wait3A_961, %dma_wait3A_962] : memref<4x128x32xf32, #tpu.memory_space<vmem>> -> memref<1x128x32xf32, #tpu.memory_space<vmem>>
        %dma_wait3A_964 = tpu.memref_squeeze %dma_wait3A_963 : memref<1x128x32xf32, #tpu.memory_space<vmem>> -> memref<128x32xf32, #tpu.memory_space<vmem>>
        %dma_wait3A_965 = arith.constant 0 : i32
        %dma_wait3A_966 = arith.constant 0 : i32
        %dma_wait3A_967 = tpu.memref_slice %arg3[%dma_wait3A_965, %dma_wait3A_966] : memref<1000000x32xf32, #tpu.memory_space<hbm>> -> memref<128x32xf32, #tpu.memory_space<hbm>>
        tpu.wait_dma2 semaphore(%arg9 : memref<!tpu.dma_semaphore, #tpu.memory_space<semaphore_mem>>) src(%dma_wait3A_967 : memref<128x32xf32, #tpu.memory_space<hbm>>) dst(%dma_wait3A_964 : memref<128x32xf32, #tpu.memory_space<vmem>>)
      } else {
      }
      %parallel_loop3A_453 = arith.constant 0 : i32
      %parallel_loop3A_454 = arith.constant 128 : i32
      %parallel_loop3A_455 = arith.constant 1 : i32
      scf.for %parallel_loop3A_953 = %parallel_loop3A_453 to %parallel_loop3A_454 step %parallel_loop3A_455  : i32 {
        %parallel_loop3A_954 = vector.broadcast %parallel_loop3A_953 : i32 to vector<16xi32>
        %parallel_loop3A_955 = arith.constant 3 : i32
        %parallel_loop3A_956 = arith.index_cast %parallel_loop3A_955 : i32 to index
        %parallel_loop3A_957 = arith.index_cast %parallel_loop3A_953 : i32 to index
        %parallel_loop3A_958 = arith.constant 0 : index
        %parallel_loop3A_959 = tpu.vector_load %arg6[%parallel_loop3A_956, %parallel_loop3A_957, %parallel_loop3A_958] {strides = array<i32>} : memref<4x128x32xf32, #tpu.memory_space<vmem>>, vector<16xf32>,
        %parallel_loop3A_960 = arith.constant 3 : i32
        %parallel_loop3A_961 = arith.index_cast %parallel_loop3A_960 : i32 to index
        %parallel_loop3A_962 = arith.index_cast %parallel_loop3A_953 : i32 to index
        %parallel_loop3A_963 = arith.constant 16 : index
        %parallel_loop3A_964 = tpu.vector_load %arg6[%parallel_loop3A_961, %parallel_loop3A_962, %parallel_loop3A_963] {strides = array<i32>} : memref<4x128x32xf32, #tpu.memory_space<vmem>>, vector<16xf32>,
        %parallel_loop3A_965 = arith.constant 3 : i32
        %parallel_loop3A_966 = arith.constant 0 : i32
        %parallel_loop3A_967 = arith.constant 0 : i32
        %parallel_loop3A_968 = tpu.memref_slice %arg7[%parallel_loop3A_965, %parallel_loop3A_966, %parallel_loop3A_967] : memref<4x32x129xf32, #tpu.memory_space<vmem>> -> memref<1x32x129xf32, #tpu.memory_space<vmem>>
        %parallel_loop3A_969 = tpu.memref_squeeze %parallel_loop3A_968 : memref<1x32x129xf32, #tpu.memory_space<vmem>> -> memref<32x129xf32, #tpu.memory_space<vmem>>
        tpu.vector_store_idx %parallel_loop3A_969[%iota3A, %parallel_loop3A_954], %parallel_loop3A_959 : memref<32x129xf32, #tpu.memory_space<vmem>>[vector<16xi32>, vector<16xi32>], vector<16xf32>,
        %parallel_loop3A_970 = arith.constant 3 : i32
        %parallel_loop3A_971 = arith.constant 0 : i32
        %parallel_loop3A_972 = arith.constant 0 : i32
        %parallel_loop3A_973 = tpu.memref_slice %arg7[%parallel_loop3A_970, %parallel_loop3A_971, %parallel_loop3A_972] : memref<4x32x129xf32, #tpu.memory_space<vmem>> -> memref<1x32x129xf32, #tpu.memory_space<vmem>>
        %parallel_loop3A_974 = tpu.memref_squeeze %parallel_loop3A_973 : memref<1x32x129xf32, #tpu.memory_space<vmem>> -> memref<32x129xf32, #tpu.memory_space<vmem>>
        tpu.vector_store_idx %parallel_loop3A_974[%add3A_3, %parallel_loop3A_954], %parallel_loop3A_964 : memref<32x129xf32, #tpu.memory_space<vmem>>[vector<16xi32>, vector<16xi32>], vector<16xf32>,
      } {sc.loop_unroll_factor = 8 : i64, sc.parallel_access}
      %dma_start3A_456 = arith.constant 3 : i32
      %dma_start3A_457 = arith.constant 0 : i32
      %dma_start3A_458 = arith.constant 0 : i32
      %dma_start3A_459 = arith.constant 0 : i32
      %dma_start3A_460 = tpu.memref_slice %arg7[%dma_start3A_456, %dma_start3A_458, %dma_start3A_459] : memref<4x32x129xf32, #tpu.memory_space<vmem>> -> memref<1x8x128xf32, #tpu.memory_space<vmem>>
      %dma_start3A_461 = tpu.memref_squeeze %dma_start3A_460 : memref<1x8x128xf32, #tpu.memory_space<vmem>> -> memref<8x128xf32, #tpu.memory_space<vmem>>
      %dma_start3A_462 = arith.constant 0 : i32
      %dma_start3A_463 = arith.constant 0 : i32
      %dma_start3A_464 = tpu.memref_slice %arg4[%add3A_425, %dma_start3A_457, %add3A, %dma_start3A_462, %dma_start3A_463] : memref<200x4x32x8x128xf32, #tpu.memory_space<hbm>> -> memref<1x1x1x8x128xf32, #tpu.memory_space<hbm>>
      %dma_start3A_465 = tpu.memref_squeeze %dma_start3A_464 : memref<1x1x1x8x128xf32, #tpu.memory_space<hbm>> -> memref<8x128xf32, #tpu.memory_space<hbm>>
      %dma_start3A_466 = arith.constant 0 : i32
      %dma_start3A_467 = arith.constant 0 : i32
      %dma_start3A_468 = tpu.memref_slice %arg4[%add3A_425, %dma_start3A_457, %add3A, %dma_start3A_466, %dma_start3A_467] : memref<200x4x32x8x128xf32, #tpu.memory_space<hbm>> -> memref<1x1x1x8x128xf32, #tpu.memory_space<hbm>>
      %dma_start3A_469 = tpu.memref_squeeze %dma_start3A_468 : memref<1x1x1x8x128xf32, #tpu.memory_space<hbm>> -> memref<8x128xf32, #tpu.memory_space<hbm>>
      %dma_start3A_470 = arith.constant 0 : i32
      %dma_start3A_471 = arith.constant 0 : i32
      %dma_start3A_472 = tpu.memref_slice %arg7[%dma_start3A_456, %dma_start3A_470, %dma_start3A_471] : memref<4x32x129xf32, #tpu.memory_space<vmem>> -> memref<1x8x128xf32, #tpu.memory_space<vmem>>
      %dma_start3A_473 = tpu.memref_squeeze %dma_start3A_472 : memref<1x8x128xf32, #tpu.memory_space<vmem>> -> memref<8x128xf32, #tpu.memory_space<vmem>>
      tpu.enqueue_dma source(%dma_start3A_473 : memref<8x128xf32, #tpu.memory_space<vmem>>) target(%dma_start3A_469 : memref<8x128xf32, #tpu.memory_space<hbm>>) target_semaphore(%arg9 : memref<!tpu.dma_semaphore, #tpu.memory_space<semaphore_mem>>)
      %dma_start3A_474 = arith.constant 3 : i32
      %dma_start3A_475 = arith.constant 1 : i32
      %dma_start3A_476 = arith.constant 8 : i32
      %dma_start3A_477 = arith.constant 0 : i32
      %dma_start3A_478 = tpu.memref_slice %arg7[%dma_start3A_474, %dma_start3A_476, %dma_start3A_477] : memref<4x32x129xf32, #tpu.memory_space<vmem>> -> memref<1x8x128xf32, #tpu.memory_space<vmem>>
      %dma_start3A_479 = tpu.memref_squeeze %dma_start3A_478 : memref<1x8x128xf32, #tpu.memory_space<vmem>> -> memref<8x128xf32, #tpu.memory_space<vmem>>
      %dma_start3A_480 = arith.constant 0 : i32
      %dma_start3A_481 = arith.constant 0 : i32
      %dma_start3A_482 = tpu.memref_slice %arg4[%add3A_425, %dma_start3A_475, %add3A, %dma_start3A_480, %dma_start3A_481] : memref<200x4x32x8x128xf32, #tpu.memory_space<hbm>> -> memref<1x1x1x8x128xf32, #tpu.memory_space<hbm>>
      %dma_start3A_483 = tpu.memref_squeeze %dma_start3A_482 : memref<1x1x1x8x128xf32, #tpu.memory_space<hbm>> -> memref<8x128xf32, #tpu.memory_space<hbm>>
      %dma_start3A_484 = arith.constant 0 : i32
      %dma_start3A_485 = arith.constant 0 : i32
      %dma_start3A_486 = tpu.memref_slice %arg4[%add3A_425, %dma_start3A_475, %add3A, %dma_start3A_484, %dma_start3A_485] : memref<200x4x32x8x128xf32, #tpu.memory_space<hbm>> -> memref<1x1x1x8x128xf32, #tpu.memory_space<hbm>>
      %dma_start3A_487 = tpu.memref_squeeze %dma_start3A_486 : memref<1x1x1x8x128xf32, #tpu.memory_space<hbm>> -> memref<8x128xf32, #tpu.memory_space<hbm>>
      %dma_start3A_488 = arith.constant 8 : i32
      %dma_start3A_489 = arith.constant 0 : i32
      %dma_start3A_490 = tpu.memref_slice %arg7[%dma_start3A_474, %dma_start3A_488, %dma_start3A_489] : memref<4x32x129xf32, #tpu.memory_space<vmem>> -> memref<1x8x128xf32, #tpu.memory_space<vmem>>
      %dma_start3A_491 = tpu.memref_squeeze %dma_start3A_490 : memref<1x8x128xf32, #tpu.memory_space<vmem>> -> memref<8x128xf32, #tpu.memory_space<vmem>>
      tpu.enqueue_dma source(%dma_start3A_491 : memref<8x128xf32, #tpu.memory_space<vmem>>) target(%dma_start3A_487 : memref<8x128xf32, #tpu.memory_space<hbm>>) target_semaphore(%arg9 : memref<!tpu.dma_semaphore, #tpu.memory_space<semaphore_mem>>)
      %dma_start3A_492 = arith.constant 3 : i32
      %dma_start3A_493 = arith.constant 2 : i32
      %dma_start3A_494 = arith.constant 16 : i32
      %dma_start3A_495 = arith.constant 0 : i32
      %dma_start3A_496 = tpu.memref_slice %arg7[%dma_start3A_492, %dma_start3A_494, %dma_start3A_495] : memref<4x32x129xf32, #tpu.memory_space<vmem>> -> memref<1x8x128xf32, #tpu.memory_space<vmem>>
      %dma_start3A_497 = tpu.memref_squeeze %dma_start3A_496 : memref<1x8x128xf32, #tpu.memory_space<vmem>> -> memref<8x128xf32, #tpu.memory_space<vmem>>
      %dma_start3A_498 = arith.constant 0 : i32
      %dma_start3A_499 = arith.constant 0 : i32
      %dma_start3A_500 = tpu.memref_slice %arg4[%add3A_425, %dma_start3A_493, %add3A, %dma_start3A_498, %dma_start3A_499] : memref<200x4x32x8x128xf32, #tpu.memory_space<hbm>> -> memref<1x1x1x8x128xf32, #tpu.memory_space<hbm>>
      %dma_start3A_501 = tpu.memref_squeeze %dma_start3A_500 : memref<1x1x1x8x128xf32, #tpu.memory_space<hbm>> -> memref<8x128xf32, #tpu.memory_space<hbm>>
      %dma_start3A_502 = arith.constant 0 : i32
      %dma_start3A_503 = arith.constant 0 : i32
      %dma_start3A_504 = tpu.memref_slice %arg4[%add3A_425, %dma_start3A_493, %add3A, %dma_start3A_502, %dma_start3A_503] : memref<200x4x32x8x128xf32, #tpu.memory_space<hbm>> -> memref<1x1x1x8x128xf32, #tpu.memory_space<hbm>>
      %dma_start3A_505 = tpu.memref_squeeze %dma_start3A_504 : memref<1x1x1x8x128xf32, #tpu.memory_space<hbm>> -> memref<8x128xf32, #tpu.memory_space<hbm>>
      %dma_start3A_506 = arith.constant 16 : i32
      %dma_start3A_507 = arith.constant 0 : i32
      %dma_start3A_508 = tpu.memref_slice %arg7[%dma_start3A_492, %dma_start3A_506, %dma_start3A_507] : memref<4x32x129xf32, #tpu.memory_space<vmem>> -> memref<1x8x128xf32, #tpu.memory_space<vmem>>
      %dma_start3A_509 = tpu.memref_squeeze %dma_start3A_508 : memref<1x8x128xf32, #tpu.memory_space<vmem>> -> memref<8x128xf32, #tpu.memory_space<vmem>>
      tpu.enqueue_dma source(%dma_start3A_509 : memref<8x128xf32, #tpu.memory_space<vmem>>) target(%dma_start3A_505 : memref<8x128xf32, #tpu.memory_space<hbm>>) target_semaphore(%arg9 : memref<!tpu.dma_semaphore, #tpu.memory_space<semaphore_mem>>)
      %dma_start3A_510 = arith.constant 3 : i32
      %dma_start3A_511 = arith.constant 3 : i32
      %dma_start3A_512 = arith.constant 24 : i32
      %dma_start3A_513 = arith.constant 0 : i32
      %dma_start3A_514 = tpu.memref_slice %arg7[%dma_start3A_510, %dma_start3A_512, %dma_start3A_513] : memref<4x32x129xf32, #tpu.memory_space<vmem>> -> memref<1x8x128xf32, #tpu.memory_space<vmem>>
      %dma_start3A_515 = tpu.memref_squeeze %dma_start3A_514 : memref<1x8x128xf32, #tpu.memory_space<vmem>> -> memref<8x128xf32, #tpu.memory_space<vmem>>
      %dma_start3A_516 = arith.constant 0 : i32
      %dma_start3A_517 = arith.constant 0 : i32
      %dma_start3A_518 = tpu.memref_slice %arg4[%add3A_425, %dma_start3A_511, %add3A, %dma_start3A_516, %dma_start3A_517] : memref<200x4x32x8x128xf32, #tpu.memory_space<hbm>> -> memref<1x1x1x8x128xf32, #tpu.memory_space<hbm>>
      %dma_start3A_519 = tpu.memref_squeeze %dma_start3A_518 : memref<1x1x1x8x128xf32, #tpu.memory_space<hbm>> -> memref<8x128xf32, #tpu.memory_space<hbm>>
      %dma_start3A_520 = arith.constant 0 : i32
      %dma_start3A_521 = arith.constant 0 : i32
      %dma_start3A_522 = tpu.memref_slice %arg4[%add3A_425, %dma_start3A_511, %add3A, %dma_start3A_520, %dma_start3A_521] : memref<200x4x32x8x128xf32, #tpu.memory_space<hbm>> -> memref<1x1x1x8x128xf32, #tpu.memory_space<hbm>>
      %dma_start3A_523 = tpu.memref_squeeze %dma_start3A_522 : memref<1x1x1x8x128xf32, #tpu.memory_space<hbm>> -> memref<8x128xf32, #tpu.memory_space<hbm>>
      %dma_start3A_524 = arith.constant 24 : i32
      %dma_start3A_525 = arith.constant 0 : i32
      %dma_start3A_526 = tpu.memref_slice %arg7[%dma_start3A_510, %dma_start3A_524, %dma_start3A_525] : memref<4x32x129xf32, #tpu.memory_space<vmem>> -> memref<1x8x128xf32, #tpu.memory_space<vmem>>
      %dma_start3A_527 = tpu.memref_squeeze %dma_start3A_526 : memref<1x8x128xf32, #tpu.memory_space<vmem>> -> memref<8x128xf32, #tpu.memory_space<vmem>>
      tpu.enqueue_dma source(%dma_start3A_527 : memref<8x128xf32, #tpu.memory_space<vmem>>) target(%dma_start3A_523 : memref<8x128xf32, #tpu.memory_space<hbm>>) target_semaphore(%arg9 : memref<!tpu.dma_semaphore, #tpu.memory_space<semaphore_mem>>)
      %mul3A_528 = arith.constant 8 : i32
      %mul3A_529 = arith.muli %scan3A_107, %mul3A_528 : i32
      %add3A_530 = arith.constant 4 : i32
      %add3A_531 = arith.addi %mul3A_529, %add3A_530 : i32
      %add3A_532 = arith.constant 0 : i32
      %add3A_533 = arith.addi %scan3A_107, %add3A_532 : i32
      %lt3A_534 = arith.constant 197 : i32
      %lt3A_535 = arith.cmpi slt, %add3A_531, %lt3A_534 : i32
      %convert_element_type3A_536 = arith.extui %lt3A_535 : i1 to i32
      %cond3A_537 = arith.constant 0 : i32
      %cond3A_538 = arith.cmpi ne, %convert_element_type3A_536, %cond3A_537 : i32
      scf.if %cond3A_538 {
        %dma_start3A_953 = arith.constant 7 : i32
        %dma_start3A_954 = arith.constant 3 : i32
        %dma_start3A_955 = arith.constant 0 : i32
        %dma_start3A_956 = arith.constant 0 : i32
        %dma_start3A_957 = tpu.memref_slice %arg6[%dma_start3A_954, %dma_start3A_955, %dma_start3A_956] : memref<4x128x32xf32, #tpu.memory_space<vmem>> -> memref<1x128x32xf32, #tpu.memory_space<vmem>>
        %dma_start3A_958 = tpu.memref_squeeze %dma_start3A_957 : memref<1x128x32xf32, #tpu.memory_space<vmem>> -> memref<128x32xf32, #tpu.memory_space<vmem>>
        %dma_start3A_959 = arith.constant 0 : i32
        %dma_start3A_960 = tpu.memref_slice %arg5[%add3A_533, %dma_start3A_953, %dma_start3A_959] : memref<25x8x128xi32, #tpu.memory_space<vmem>> -> memref<1x1x128xi32, #tpu.memory_space<vmem>>
        %dma_start3A_961 = tpu.memref_squeeze %dma_start3A_960 : memref<1x1x128xi32, #tpu.memory_space<vmem>> -> memref<128xi32, #tpu.memory_space<vmem>>
        %dma_start3A_962 = arith.constant 0 : i32
        %dma_start3A_963 = arith.constant 0 : i32
        %dma_start3A_964 = tpu.memref_slice %arg3[%dma_start3A_962, %dma_start3A_963] : memref<1000000x32xf32, #tpu.memory_space<hbm>> -> memref<1000000x32xf32, #tpu.memory_space<hbm>>
        tpu.enqueue_indirect_dma source(%dma_start3A_964 : memref<1000000x32xf32, #tpu.memory_space<hbm>>) target(%dma_start3A_958 : memref<128x32xf32, #tpu.memory_space<vmem>>) offsets(%dma_start3A_961 : memref<128xi32, #tpu.memory_space<vmem>>) semaphore(%arg8 : memref<!tpu.dma_semaphore, #tpu.memory_space<semaphore_mem>>)
      } else {
      }
      %dma_wait3A_539 = arith.constant 0 : i32
      %dma_wait3A_540 = arith.constant 0 : i32
      %dma_wait3A_541 = arith.constant 0 : i32
      %dma_wait3A_542 = tpu.memref_slice %arg6[%dma_wait3A_539, %dma_wait3A_540, %dma_wait3A_541] : memref<4x128x32xf32, #tpu.memory_space<vmem>> -> memref<1x128x32xf32, #tpu.memory_space<vmem>>
      %dma_wait3A_543 = tpu.memref_squeeze %dma_wait3A_542 : memref<1x128x32xf32, #tpu.memory_space<vmem>> -> memref<128x32xf32, #tpu.memory_space<vmem>>
      %dma_wait3A_544 = arith.constant 0 : i32
      %dma_wait3A_545 = arith.constant 0 : i32
      %dma_wait3A_546 = tpu.memref_slice %arg3[%dma_wait3A_544, %dma_wait3A_545] : memref<1000000x32xf32, #tpu.memory_space<hbm>> -> memref<128x32xf32, #tpu.memory_space<hbm>>
      %dma_wait3A_547 = arith.constant 0 : i32
      %dma_wait3A_548 = arith.constant 0 : i32
      %dma_wait3A_549 = tpu.memref_slice %arg6[%dma_wait3A_539, %dma_wait3A_547, %dma_wait3A_548] : memref<4x128x32xf32, #tpu.memory_space<vmem>> -> memref<1x128x32xf32, #tpu.memory_space<vmem>>
      %dma_wait3A_550 = tpu.memref_squeeze %dma_wait3A_549 : memref<1x128x32xf32, #tpu.memory_space<vmem>> -> memref<128x32xf32, #tpu.memory_space<vmem>>
      %dma_wait3A_551 = arith.constant 0 : i32
      %dma_wait3A_552 = arith.constant 0 : i32
      %dma_wait3A_553 = tpu.memref_slice %arg3[%dma_wait3A_551, %dma_wait3A_552] : memref<1000000x32xf32, #tpu.memory_space<hbm>> -> memref<128x32xf32, #tpu.memory_space<hbm>>
      tpu.wait_dma2 semaphore(%arg8 : memref<!tpu.dma_semaphore, #tpu.memory_space<semaphore_mem>>) src(%dma_wait3A_553 : memref<128x32xf32, #tpu.memory_space<hbm>>) dst(%dma_wait3A_550 : memref<128x32xf32, #tpu.memory_space<vmem>>)
      %ge3A_554 = arith.constant 4 : i32
      %ge3A_555 = arith.cmpi sge, %add3A_531, %ge3A_554 : i32
      %convert_element_type3A_556 = arith.extui %ge3A_555 : i1 to i32
      %cond3A_557 = arith.constant 0 : i32
      %cond3A_558 = arith.cmpi ne, %convert_element_type3A_556, %cond3A_557 : i32
      scf.if %cond3A_558 {
        %dma_wait3A_953 = arith.constant 0 : i32
        %dma_wait3A_954 = arith.constant 0 : i32
        %dma_wait3A_955 = arith.constant 0 : i32
        %dma_wait3A_956 = tpu.memref_slice %arg6[%dma_wait3A_953, %dma_wait3A_954, %dma_wait3A_955] : memref<4x128x32xf32, #tpu.memory_space<vmem>> -> memref<1x128x32xf32, #tpu.memory_space<vmem>>
        %dma_wait3A_957 = tpu.memref_squeeze %dma_wait3A_956 : memref<1x128x32xf32, #tpu.memory_space<vmem>> -> memref<128x32xf32, #tpu.memory_space<vmem>>
        %dma_wait3A_958 = arith.constant 0 : i32
        %dma_wait3A_959 = arith.constant 0 : i32
        %dma_wait3A_960 = tpu.memref_slice %arg3[%dma_wait3A_958, %dma_wait3A_959] : memref<1000000x32xf32, #tpu.memory_space<hbm>> -> memref<128x32xf32, #tpu.memory_space<hbm>>
        %dma_wait3A_961 = arith.constant 0 : i32
        %dma_wait3A_962 = arith.constant 0 : i32
        %dma_wait3A_963 = tpu.memref_slice %arg6[%dma_wait3A_953, %dma_wait3A_961, %dma_wait3A_962] : memref<4x128x32xf32, #tpu.memory_space<vmem>> -> memref<1x128x32xf32, #tpu.memory_space<vmem>>
        %dma_wait3A_964 = tpu.memref_squeeze %dma_wait3A_963 : memref<1x128x32xf32, #tpu.memory_space<vmem>> -> memref<128x32xf32, #tpu.memory_space<vmem>>
        %dma_wait3A_965 = arith.constant 0 : i32
        %dma_wait3A_966 = arith.constant 0 : i32
        %dma_wait3A_967 = tpu.memref_slice %arg3[%dma_wait3A_965, %dma_wait3A_966] : memref<1000000x32xf32, #tpu.memory_space<hbm>> -> memref<128x32xf32, #tpu.memory_space<hbm>>
        tpu.wait_dma2 semaphore(%arg9 : memref<!tpu.dma_semaphore, #tpu.memory_space<semaphore_mem>>) src(%dma_wait3A_967 : memref<128x32xf32, #tpu.memory_space<hbm>>) dst(%dma_wait3A_964 : memref<128x32xf32, #tpu.memory_space<vmem>>)
      } else {
      }
      %parallel_loop3A_559 = arith.constant 0 : i32
      %parallel_loop3A_560 = arith.constant 128 : i32
      %parallel_loop3A_561 = arith.constant 1 : i32
      scf.for %parallel_loop3A_953 = %parallel_loop3A_559 to %parallel_loop3A_560 step %parallel_loop3A_561  : i32 {
        %parallel_loop3A_954 = vector.broadcast %parallel_loop3A_953 : i32 to vector<16xi32>
        %parallel_loop3A_955 = arith.constant 0 : i32
        %parallel_loop3A_956 = arith.index_cast %parallel_loop3A_955 : i32 to index
        %parallel_loop3A_957 = arith.index_cast %parallel_loop3A_953 : i32 to index
        %parallel_loop3A_958 = arith.constant 0 : index
        %parallel_loop3A_959 = tpu.vector_load %arg6[%parallel_loop3A_956, %parallel_loop3A_957, %parallel_loop3A_958] {strides = array<i32>} : memref<4x128x32xf32, #tpu.memory_space<vmem>>, vector<16xf32>,
        %parallel_loop3A_960 = arith.constant 0 : i32
        %parallel_loop3A_961 = arith.index_cast %parallel_loop3A_960 : i32 to index
        %parallel_loop3A_962 = arith.index_cast %parallel_loop3A_953 : i32 to index
        %parallel_loop3A_963 = arith.constant 16 : index
        %parallel_loop3A_964 = tpu.vector_load %arg6[%parallel_loop3A_961, %parallel_loop3A_962, %parallel_loop3A_963] {strides = array<i32>} : memref<4x128x32xf32, #tpu.memory_space<vmem>>, vector<16xf32>,
        %parallel_loop3A_965 = arith.constant 0 : i32
        %parallel_loop3A_966 = arith.constant 0 : i32
        %parallel_loop3A_967 = arith.constant 0 : i32
        %parallel_loop3A_968 = tpu.memref_slice %arg7[%parallel_loop3A_965, %parallel_loop3A_966, %parallel_loop3A_967] : memref<4x32x129xf32, #tpu.memory_space<vmem>> -> memref<1x32x129xf32, #tpu.memory_space<vmem>>
        %parallel_loop3A_969 = tpu.memref_squeeze %parallel_loop3A_968 : memref<1x32x129xf32, #tpu.memory_space<vmem>> -> memref<32x129xf32, #tpu.memory_space<vmem>>
        tpu.vector_store_idx %parallel_loop3A_969[%iota3A, %parallel_loop3A_954], %parallel_loop3A_959 : memref<32x129xf32, #tpu.memory_space<vmem>>[vector<16xi32>, vector<16xi32>], vector<16xf32>,
        %parallel_loop3A_970 = arith.constant 0 : i32
        %parallel_loop3A_971 = arith.constant 0 : i32
        %parallel_loop3A_972 = arith.constant 0 : i32
        %parallel_loop3A_973 = tpu.memref_slice %arg7[%parallel_loop3A_970, %parallel_loop3A_971, %parallel_loop3A_972] : memref<4x32x129xf32, #tpu.memory_space<vmem>> -> memref<1x32x129xf32, #tpu.memory_space<vmem>>
        %parallel_loop3A_974 = tpu.memref_squeeze %parallel_loop3A_973 : memref<1x32x129xf32, #tpu.memory_space<vmem>> -> memref<32x129xf32, #tpu.memory_space<vmem>>
        tpu.vector_store_idx %parallel_loop3A_974[%add3A_3, %parallel_loop3A_954], %parallel_loop3A_964 : memref<32x129xf32, #tpu.memory_space<vmem>>[vector<16xi32>, vector<16xi32>], vector<16xf32>,
      } {sc.loop_unroll_factor = 8 : i64, sc.parallel_access}
      %dma_start3A_562 = arith.constant 0 : i32
      %dma_start3A_563 = arith.constant 0 : i32
      %dma_start3A_564 = arith.constant 0 : i32
      %dma_start3A_565 = arith.constant 0 : i32
      %dma_start3A_566 = tpu.memref_slice %arg7[%dma_start3A_562, %dma_start3A_564, %dma_start3A_565] : memref<4x32x129xf32, #tpu.memory_space<vmem>> -> memref<1x8x128xf32, #tpu.memory_space<vmem>>
      %dma_start3A_567 = tpu.memref_squeeze %dma_start3A_566 : memref<1x8x128xf32, #tpu.memory_space<vmem>> -> memref<8x128xf32, #tpu.memory_space<vmem>>
      %dma_start3A_568 = arith.constant 0 : i32
      %dma_start3A_569 = arith.constant 0 : i32
      %dma_start3A_570 = tpu.memref_slice %arg4[%add3A_531, %dma_start3A_563, %add3A, %dma_start3A_568, %dma_start3A_569] : memref<200x4x32x8x128xf32, #tpu.memory_space<hbm>> -> memref<1x1x1x8x128xf32, #tpu.memory_space<hbm>>
      %dma_start3A_571 = tpu.memref_squeeze %dma_start3A_570 : memref<1x1x1x8x128xf32, #tpu.memory_space<hbm>> -> memref<8x128xf32, #tpu.memory_space<hbm>>
      %dma_start3A_572 = arith.constant 0 : i32
      %dma_start3A_573 = arith.constant 0 : i32
      %dma_start3A_574 = tpu.memref_slice %arg4[%add3A_531, %dma_start3A_563, %add3A, %dma_start3A_572, %dma_start3A_573] : memref<200x4x32x8x128xf32, #tpu.memory_space<hbm>> -> memref<1x1x1x8x128xf32, #tpu.memory_space<hbm>>
      %dma_start3A_575 = tpu.memref_squeeze %dma_start3A_574 : memref<1x1x1x8x128xf32, #tpu.memory_space<hbm>> -> memref<8x128xf32, #tpu.memory_space<hbm>>
      %dma_start3A_576 = arith.constant 0 : i32
      %dma_start3A_577 = arith.constant 0 : i32
      %dma_start3A_578 = tpu.memref_slice %arg7[%dma_start3A_562, %dma_start3A_576, %dma_start3A_577] : memref<4x32x129xf32, #tpu.memory_space<vmem>> -> memref<1x8x128xf32, #tpu.memory_space<vmem>>
      %dma_start3A_579 = tpu.memref_squeeze %dma_start3A_578 : memref<1x8x128xf32, #tpu.memory_space<vmem>> -> memref<8x128xf32, #tpu.memory_space<vmem>>
      tpu.enqueue_dma source(%dma_start3A_579 : memref<8x128xf32, #tpu.memory_space<vmem>>) target(%dma_start3A_575 : memref<8x128xf32, #tpu.memory_space<hbm>>) target_semaphore(%arg9 : memref<!tpu.dma_semaphore, #tpu.memory_space<semaphore_mem>>)
      %dma_start3A_580 = arith.constant 0 : i32
      %dma_start3A_581 = arith.constant 1 : i32
      %dma_start3A_582 = arith.constant 8 : i32
      %dma_start3A_583 = arith.constant 0 : i32
      %dma_start3A_584 = tpu.memref_slice %arg7[%dma_start3A_580, %dma_start3A_582, %dma_start3A_583] : memref<4x32x129xf32, #tpu.memory_space<vmem>> -> memref<1x8x128xf32, #tpu.memory_space<vmem>>
      %dma_start3A_585 = tpu.memref_squeeze %dma_start3A_584 : memref<1x8x128xf32, #tpu.memory_space<vmem>> -> memref<8x128xf32, #tpu.memory_space<vmem>>
      %dma_start3A_586 = arith.constant 0 : i32
      %dma_start3A_587 = arith.constant 0 : i32
      %dma_start3A_588 = tpu.memref_slice %arg4[%add3A_531, %dma_start3A_581, %add3A, %dma_start3A_586, %dma_start3A_587] : memref<200x4x32x8x128xf32, #tpu.memory_space<hbm>> -> memref<1x1x1x8x128xf32, #tpu.memory_space<hbm>>
      %dma_start3A_589 = tpu.memref_squeeze %dma_start3A_588 : memref<1x1x1x8x128xf32, #tpu.memory_space<hbm>> -> memref<8x128xf32, #tpu.memory_space<hbm>>
      %dma_start3A_590 = arith.constant 0 : i32
      %dma_start3A_591 = arith.constant 0 : i32
      %dma_start3A_592 = tpu.memref_slice %arg4[%add3A_531, %dma_start3A_581, %add3A, %dma_start3A_590, %dma_start3A_591] : memref<200x4x32x8x128xf32, #tpu.memory_space<hbm>> -> memref<1x1x1x8x128xf32, #tpu.memory_space<hbm>>
      %dma_start3A_593 = tpu.memref_squeeze %dma_start3A_592 : memref<1x1x1x8x128xf32, #tpu.memory_space<hbm>> -> memref<8x128xf32, #tpu.memory_space<hbm>>
      %dma_start3A_594 = arith.constant 8 : i32
      %dma_start3A_595 = arith.constant 0 : i32
      %dma_start3A_596 = tpu.memref_slice %arg7[%dma_start3A_580, %dma_start3A_594, %dma_start3A_595] : memref<4x32x129xf32, #tpu.memory_space<vmem>> -> memref<1x8x128xf32, #tpu.memory_space<vmem>>
      %dma_start3A_597 = tpu.memref_squeeze %dma_start3A_596 : memref<1x8x128xf32, #tpu.memory_space<vmem>> -> memref<8x128xf32, #tpu.memory_space<vmem>>
      tpu.enqueue_dma source(%dma_start3A_597 : memref<8x128xf32, #tpu.memory_space<vmem>>) target(%dma_start3A_593 : memref<8x128xf32, #tpu.memory_space<hbm>>) target_semaphore(%arg9 : memref<!tpu.dma_semaphore, #tpu.memory_space<semaphore_mem>>)
      %dma_start3A_598 = arith.constant 0 : i32
      %dma_start3A_599 = arith.constant 2 : i32
      %dma_start3A_600 = arith.constant 16 : i32
      %dma_start3A_601 = arith.constant 0 : i32
      %dma_start3A_602 = tpu.memref_slice %arg7[%dma_start3A_598, %dma_start3A_600, %dma_start3A_601] : memref<4x32x129xf32, #tpu.memory_space<vmem>> -> memref<1x8x128xf32, #tpu.memory_space<vmem>>
      %dma_start3A_603 = tpu.memref_squeeze %dma_start3A_602 : memref<1x8x128xf32, #tpu.memory_space<vmem>> -> memref<8x128xf32, #tpu.memory_space<vmem>>
      %dma_start3A_604 = arith.constant 0 : i32
      %dma_start3A_605 = arith.constant 0 : i32
      %dma_start3A_606 = tpu.memref_slice %arg4[%add3A_531, %dma_start3A_599, %add3A, %dma_start3A_604, %dma_start3A_605] : memref<200x4x32x8x128xf32, #tpu.memory_space<hbm>> -> memref<1x1x1x8x128xf32, #tpu.memory_space<hbm>>
      %dma_start3A_607 = tpu.memref_squeeze %dma_start3A_606 : memref<1x1x1x8x128xf32, #tpu.memory_space<hbm>> -> memref<8x128xf32, #tpu.memory_space<hbm>>
      %dma_start3A_608 = arith.constant 0 : i32
      %dma_start3A_609 = arith.constant 0 : i32
      %dma_start3A_610 = tpu.memref_slice %arg4[%add3A_531, %dma_start3A_599, %add3A, %dma_start3A_608, %dma_start3A_609] : memref<200x4x32x8x128xf32, #tpu.memory_space<hbm>> -> memref<1x1x1x8x128xf32, #tpu.memory_space<hbm>>
      %dma_start3A_611 = tpu.memref_squeeze %dma_start3A_610 : memref<1x1x1x8x128xf32, #tpu.memory_space<hbm>> -> memref<8x128xf32, #tpu.memory_space<hbm>>
      %dma_start3A_612 = arith.constant 16 : i32
      %dma_start3A_613 = arith.constant 0 : i32
      %dma_start3A_614 = tpu.memref_slice %arg7[%dma_start3A_598, %dma_start3A_612, %dma_start3A_613] : memref<4x32x129xf32, #tpu.memory_space<vmem>> -> memref<1x8x128xf32, #tpu.memory_space<vmem>>
      %dma_start3A_615 = tpu.memref_squeeze %dma_start3A_614 : memref<1x8x128xf32, #tpu.memory_space<vmem>> -> memref<8x128xf32, #tpu.memory_space<vmem>>
      tpu.enqueue_dma source(%dma_start3A_615 : memref<8x128xf32, #tpu.memory_space<vmem>>) target(%dma_start3A_611 : memref<8x128xf32, #tpu.memory_space<hbm>>) target_semaphore(%arg9 : memref<!tpu.dma_semaphore, #tpu.memory_space<semaphore_mem>>)
      %dma_start3A_616 = arith.constant 0 : i32
      %dma_start3A_617 = arith.constant 3 : i32
      %dma_start3A_618 = arith.constant 24 : i32
      %dma_start3A_619 = arith.constant 0 : i32
      %dma_start3A_620 = tpu.memref_slice %arg7[%dma_start3A_616, %dma_start3A_618, %dma_start3A_619] : memref<4x32x129xf32, #tpu.memory_space<vmem>> -> memref<1x8x128xf32, #tpu.memory_space<vmem>>
      %dma_start3A_621 = tpu.memref_squeeze %dma_start3A_620 : memref<1x8x128xf32, #tpu.memory_space<vmem>> -> memref<8x128xf32, #tpu.memory_space<vmem>>
      %dma_start3A_622 = arith.constant 0 : i32
      %dma_start3A_623 = arith.constant 0 : i32
      %dma_start3A_624 = tpu.memref_slice %arg4[%add3A_531, %dma_start3A_617, %add3A, %dma_start3A_622, %dma_start3A_623] : memref<200x4x32x8x128xf32, #tpu.memory_space<hbm>> -> memref<1x1x1x8x128xf32, #tpu.memory_space<hbm>>
      %dma_start3A_625 = tpu.memref_squeeze %dma_start3A_624 : memref<1x1x1x8x128xf32, #tpu.memory_space<hbm>> -> memref<8x128xf32, #tpu.memory_space<hbm>>
      %dma_start3A_626 = arith.constant 0 : i32
      %dma_start3A_627 = arith.constant 0 : i32
      %dma_start3A_628 = tpu.memref_slice %arg4[%add3A_531, %dma_start3A_617, %add3A, %dma_start3A_626, %dma_start3A_627] : memref<200x4x32x8x128xf32, #tpu.memory_space<hbm>> -> memref<1x1x1x8x128xf32, #tpu.memory_space<hbm>>
      %dma_start3A_629 = tpu.memref_squeeze %dma_start3A_628 : memref<1x1x1x8x128xf32, #tpu.memory_space<hbm>> -> memref<8x128xf32, #tpu.memory_space<hbm>>
      %dma_start3A_630 = arith.constant 24 : i32
      %dma_start3A_631 = arith.constant 0 : i32
      %dma_start3A_632 = tpu.memref_slice %arg7[%dma_start3A_616, %dma_start3A_630, %dma_start3A_631] : memref<4x32x129xf32, #tpu.memory_space<vmem>> -> memref<1x8x128xf32, #tpu.memory_space<vmem>>
      %dma_start3A_633 = tpu.memref_squeeze %dma_start3A_632 : memref<1x8x128xf32, #tpu.memory_space<vmem>> -> memref<8x128xf32, #tpu.memory_space<vmem>>
      tpu.enqueue_dma source(%dma_start3A_633 : memref<8x128xf32, #tpu.memory_space<vmem>>) target(%dma_start3A_629 : memref<8x128xf32, #tpu.memory_space<hbm>>) target_semaphore(%arg9 : memref<!tpu.dma_semaphore, #tpu.memory_space<semaphore_mem>>)
      %mul3A_634 = arith.constant 8 : i32
      %mul3A_635 = arith.muli %scan3A_107, %mul3A_634 : i32
      %add3A_636 = arith.constant 5 : i32
      %add3A_637 = arith.addi %mul3A_635, %add3A_636 : i32
      %add3A_638 = arith.constant 1 : i32
      %add3A_639 = arith.addi %scan3A_107, %add3A_638 : i32
      %lt3A_640 = arith.constant 197 : i32
      %lt3A_641 = arith.cmpi slt, %add3A_637, %lt3A_640 : i32
      %convert_element_type3A_642 = arith.extui %lt3A_641 : i1 to i32
      %cond3A_643 = arith.constant 0 : i32
      %cond3A_644 = arith.cmpi ne, %convert_element_type3A_642, %cond3A_643 : i32
      scf.if %cond3A_644 {
        %dma_start3A_953 = arith.constant 0 : i32
        %dma_start3A_954 = arith.constant 0 : i32
        %dma_start3A_955 = arith.constant 0 : i32
        %dma_start3A_956 = arith.constant 0 : i32
        %dma_start3A_957 = tpu.memref_slice %arg6[%dma_start3A_954, %dma_start3A_955, %dma_start3A_956] : memref<4x128x32xf32, #tpu.memory_space<vmem>> -> memref<1x128x32xf32, #tpu.memory_space<vmem>>
        %dma_start3A_958 = tpu.memref_squeeze %dma_start3A_957 : memref<1x128x32xf32, #tpu.memory_space<vmem>> -> memref<128x32xf32, #tpu.memory_space<vmem>>
        %dma_start3A_959 = arith.constant 0 : i32
        %dma_start3A_960 = tpu.memref_slice %arg5[%add3A_639, %dma_start3A_953, %dma_start3A_959] : memref<25x8x128xi32, #tpu.memory_space<vmem>> -> memref<1x1x128xi32, #tpu.memory_space<vmem>>
        %dma_start3A_961 = tpu.memref_squeeze %dma_start3A_960 : memref<1x1x128xi32, #tpu.memory_space<vmem>> -> memref<128xi32, #tpu.memory_space<vmem>>
        %dma_start3A_962 = arith.constant 0 : i32
        %dma_start3A_963 = arith.constant 0 : i32
        %dma_start3A_964 = tpu.memref_slice %arg3[%dma_start3A_962, %dma_start3A_963] : memref<1000000x32xf32, #tpu.memory_space<hbm>> -> memref<1000000x32xf32, #tpu.memory_space<hbm>>
        tpu.enqueue_indirect_dma source(%dma_start3A_964 : memref<1000000x32xf32, #tpu.memory_space<hbm>>) target(%dma_start3A_958 : memref<128x32xf32, #tpu.memory_space<vmem>>) offsets(%dma_start3A_961 : memref<128xi32, #tpu.memory_space<vmem>>) semaphore(%arg8 : memref<!tpu.dma_semaphore, #tpu.memory_space<semaphore_mem>>)
      } else {
      }
      %dma_wait3A_645 = arith.constant 1 : i32
      %dma_wait3A_646 = arith.constant 0 : i32
      %dma_wait3A_647 = arith.constant 0 : i32
      %dma_wait3A_648 = tpu.memref_slice %arg6[%dma_wait3A_645, %dma_wait3A_646, %dma_wait3A_647] : memref<4x128x32xf32, #tpu.memory_space<vmem>> -> memref<1x128x32xf32, #tpu.memory_space<vmem>>
      %dma_wait3A_649 = tpu.memref_squeeze %dma_wait3A_648 : memref<1x128x32xf32, #tpu.memory_space<vmem>> -> memref<128x32xf32, #tpu.memory_space<vmem>>
      %dma_wait3A_650 = arith.constant 0 : i32
      %dma_wait3A_651 = arith.constant 0 : i32
      %dma_wait3A_652 = tpu.memref_slice %arg3[%dma_wait3A_650, %dma_wait3A_651] : memref<1000000x32xf32, #tpu.memory_space<hbm>> -> memref<128x32xf32, #tpu.memory_space<hbm>>
      %dma_wait3A_653 = arith.constant 0 : i32
      %dma_wait3A_654 = arith.constant 0 : i32
      %dma_wait3A_655 = tpu.memref_slice %arg6[%dma_wait3A_645, %dma_wait3A_653, %dma_wait3A_654] : memref<4x128x32xf32, #tpu.memory_space<vmem>> -> memref<1x128x32xf32, #tpu.memory_space<vmem>>
      %dma_wait3A_656 = tpu.memref_squeeze %dma_wait3A_655 : memref<1x128x32xf32, #tpu.memory_space<vmem>> -> memref<128x32xf32, #tpu.memory_space<vmem>>
      %dma_wait3A_657 = arith.constant 0 : i32
      %dma_wait3A_658 = arith.constant 0 : i32
      %dma_wait3A_659 = tpu.memref_slice %arg3[%dma_wait3A_657, %dma_wait3A_658] : memref<1000000x32xf32, #tpu.memory_space<hbm>> -> memref<128x32xf32, #tpu.memory_space<hbm>>
      tpu.wait_dma2 semaphore(%arg8 : memref<!tpu.dma_semaphore, #tpu.memory_space<semaphore_mem>>) src(%dma_wait3A_659 : memref<128x32xf32, #tpu.memory_space<hbm>>) dst(%dma_wait3A_656 : memref<128x32xf32, #tpu.memory_space<vmem>>)
      %ge3A_660 = arith.constant 4 : i32
      %ge3A_661 = arith.cmpi sge, %add3A_637, %ge3A_660 : i32
      %convert_element_type3A_662 = arith.extui %ge3A_661 : i1 to i32
      %cond3A_663 = arith.constant 0 : i32
      %cond3A_664 = arith.cmpi ne, %convert_element_type3A_662, %cond3A_663 : i32
      scf.if %cond3A_664 {
        %dma_wait3A_953 = arith.constant 0 : i32
        %dma_wait3A_954 = arith.constant 0 : i32
        %dma_wait3A_955 = arith.constant 0 : i32
        %dma_wait3A_956 = tpu.memref_slice %arg6[%dma_wait3A_953, %dma_wait3A_954, %dma_wait3A_955] : memref<4x128x32xf32, #tpu.memory_space<vmem>> -> memref<1x128x32xf32, #tpu.memory_space<vmem>>
        %dma_wait3A_957 = tpu.memref_squeeze %dma_wait3A_956 : memref<1x128x32xf32, #tpu.memory_space<vmem>> -> memref<128x32xf32, #tpu.memory_space<vmem>>
        %dma_wait3A_958 = arith.constant 0 : i32
        %dma_wait3A_959 = arith.constant 0 : i32
        %dma_wait3A_960 = tpu.memref_slice %arg3[%dma_wait3A_958, %dma_wait3A_959] : memref<1000000x32xf32, #tpu.memory_space<hbm>> -> memref<128x32xf32, #tpu.memory_space<hbm>>
        %dma_wait3A_961 = arith.constant 0 : i32
        %dma_wait3A_962 = arith.constant 0 : i32
        %dma_wait3A_963 = tpu.memref_slice %arg6[%dma_wait3A_953, %dma_wait3A_961, %dma_wait3A_962] : memref<4x128x32xf32, #tpu.memory_space<vmem>> -> memref<1x128x32xf32, #tpu.memory_space<vmem>>
        %dma_wait3A_964 = tpu.memref_squeeze %dma_wait3A_963 : memref<1x128x32xf32, #tpu.memory_space<vmem>> -> memref<128x32xf32, #tpu.memory_space<vmem>>
        %dma_wait3A_965 = arith.constant 0 : i32
        %dma_wait3A_966 = arith.constant 0 : i32
        %dma_wait3A_967 = tpu.memref_slice %arg3[%dma_wait3A_965, %dma_wait3A_966] : memref<1000000x32xf32, #tpu.memory_space<hbm>> -> memref<128x32xf32, #tpu.memory_space<hbm>>
        tpu.wait_dma2 semaphore(%arg9 : memref<!tpu.dma_semaphore, #tpu.memory_space<semaphore_mem>>) src(%dma_wait3A_967 : memref<128x32xf32, #tpu.memory_space<hbm>>) dst(%dma_wait3A_964 : memref<128x32xf32, #tpu.memory_space<vmem>>)
      } else {
      }
      %parallel_loop3A_665 = arith.constant 0 : i32
      %parallel_loop3A_666 = arith.constant 128 : i32
      %parallel_loop3A_667 = arith.constant 1 : i32
      scf.for %parallel_loop3A_953 = %parallel_loop3A_665 to %parallel_loop3A_666 step %parallel_loop3A_667  : i32 {
        %parallel_loop3A_954 = vector.broadcast %parallel_loop3A_953 : i32 to vector<16xi32>
        %parallel_loop3A_955 = arith.constant 1 : i32
        %parallel_loop3A_956 = arith.index_cast %parallel_loop3A_955 : i32 to index
        %parallel_loop3A_957 = arith.index_cast %parallel_loop3A_953 : i32 to index
        %parallel_loop3A_958 = arith.constant 0 : index
        %parallel_loop3A_959 = tpu.vector_load %arg6[%parallel_loop3A_956, %parallel_loop3A_957, %parallel_loop3A_958] {strides = array<i32>} : memref<4x128x32xf32, #tpu.memory_space<vmem>>, vector<16xf32>,
        %parallel_loop3A_960 = arith.constant 1 : i32
        %parallel_loop3A_961 = arith.index_cast %parallel_loop3A_960 : i32 to index
        %parallel_loop3A_962 = arith.index_cast %parallel_loop3A_953 : i32 to index
        %parallel_loop3A_963 = arith.constant 16 : index
        %parallel_loop3A_964 = tpu.vector_load %arg6[%parallel_loop3A_961, %parallel_loop3A_962, %parallel_loop3A_963] {strides = array<i32>} : memref<4x128x32xf32, #tpu.memory_space<vmem>>, vector<16xf32>,
        %parallel_loop3A_965 = arith.constant 1 : i32
        %parallel_loop3A_966 = arith.constant 0 : i32
        %parallel_loop3A_967 = arith.constant 0 : i32
        %parallel_loop3A_968 = tpu.memref_slice %arg7[%parallel_loop3A_965, %parallel_loop3A_966, %parallel_loop3A_967] : memref<4x32x129xf32, #tpu.memory_space<vmem>> -> memref<1x32x129xf32, #tpu.memory_space<vmem>>
        %parallel_loop3A_969 = tpu.memref_squeeze %parallel_loop3A_968 : memref<1x32x129xf32, #tpu.memory_space<vmem>> -> memref<32x129xf32, #tpu.memory_space<vmem>>
        tpu.vector_store_idx %parallel_loop3A_969[%iota3A, %parallel_loop3A_954], %parallel_loop3A_959 : memref<32x129xf32, #tpu.memory_space<vmem>>[vector<16xi32>, vector<16xi32>], vector<16xf32>,
        %parallel_loop3A_970 = arith.constant 1 : i32
        %parallel_loop3A_971 = arith.constant 0 : i32
        %parallel_loop3A_972 = arith.constant 0 : i32
        %parallel_loop3A_973 = tpu.memref_slice %arg7[%parallel_loop3A_970, %parallel_loop3A_971, %parallel_loop3A_972] : memref<4x32x129xf32, #tpu.memory_space<vmem>> -> memref<1x32x129xf32, #tpu.memory_space<vmem>>
        %parallel_loop3A_974 = tpu.memref_squeeze %parallel_loop3A_973 : memref<1x32x129xf32, #tpu.memory_space<vmem>> -> memref<32x129xf32, #tpu.memory_space<vmem>>
        tpu.vector_store_idx %parallel_loop3A_974[%add3A_3, %parallel_loop3A_954], %parallel_loop3A_964 : memref<32x129xf32, #tpu.memory_space<vmem>>[vector<16xi32>, vector<16xi32>], vector<16xf32>,
      } {sc.loop_unroll_factor = 8 : i64, sc.parallel_access}
      %dma_start3A_668 = arith.constant 1 : i32
      %dma_start3A_669 = arith.constant 0 : i32
      %dma_start3A_670 = arith.constant 0 : i32
      %dma_start3A_671 = arith.constant 0 : i32
      %dma_start3A_672 = tpu.memref_slice %arg7[%dma_start3A_668, %dma_start3A_670, %dma_start3A_671] : memref<4x32x129xf32, #tpu.memory_space<vmem>> -> memref<1x8x128xf32, #tpu.memory_space<vmem>>
      %dma_start3A_673 = tpu.memref_squeeze %dma_start3A_672 : memref<1x8x128xf32, #tpu.memory_space<vmem>> -> memref<8x128xf32, #tpu.memory_space<vmem>>
      %dma_start3A_674 = arith.constant 0 : i32
      %dma_start3A_675 = arith.constant 0 : i32
      %dma_start3A_676 = tpu.memref_slice %arg4[%add3A_637, %dma_start3A_669, %add3A, %dma_start3A_674, %dma_start3A_675] : memref<200x4x32x8x128xf32, #tpu.memory_space<hbm>> -> memref<1x1x1x8x128xf32, #tpu.memory_space<hbm>>
      %dma_start3A_677 = tpu.memref_squeeze %dma_start3A_676 : memref<1x1x1x8x128xf32, #tpu.memory_space<hbm>> -> memref<8x128xf32, #tpu.memory_space<hbm>>
      %dma_start3A_678 = arith.constant 0 : i32
      %dma_start3A_679 = arith.constant 0 : i32
      %dma_start3A_680 = tpu.memref_slice %arg4[%add3A_637, %dma_start3A_669, %add3A, %dma_start3A_678, %dma_start3A_679] : memref<200x4x32x8x128xf32, #tpu.memory_space<hbm>> -> memref<1x1x1x8x128xf32, #tpu.memory_space<hbm>>
      %dma_start3A_681 = tpu.memref_squeeze %dma_start3A_680 : memref<1x1x1x8x128xf32, #tpu.memory_space<hbm>> -> memref<8x128xf32, #tpu.memory_space<hbm>>
      %dma_start3A_682 = arith.constant 0 : i32
      %dma_start3A_683 = arith.constant 0 : i32
      %dma_start3A_684 = tpu.memref_slice %arg7[%dma_start3A_668, %dma_start3A_682, %dma_start3A_683] : memref<4x32x129xf32, #tpu.memory_space<vmem>> -> memref<1x8x128xf32, #tpu.memory_space<vmem>>
      %dma_start3A_685 = tpu.memref_squeeze %dma_start3A_684 : memref<1x8x128xf32, #tpu.memory_space<vmem>> -> memref<8x128xf32, #tpu.memory_space<vmem>>
      tpu.enqueue_dma source(%dma_start3A_685 : memref<8x128xf32, #tpu.memory_space<vmem>>) target(%dma_start3A_681 : memref<8x128xf32, #tpu.memory_space<hbm>>) target_semaphore(%arg9 : memref<!tpu.dma_semaphore, #tpu.memory_space<semaphore_mem>>)
      %dma_start3A_686 = arith.constant 1 : i32
      %dma_start3A_687 = arith.constant 1 : i32
      %dma_start3A_688 = arith.constant 8 : i32
      %dma_start3A_689 = arith.constant 0 : i32
      %dma_start3A_690 = tpu.memref_slice %arg7[%dma_start3A_686, %dma_start3A_688, %dma_start3A_689] : memref<4x32x129xf32, #tpu.memory_space<vmem>> -> memref<1x8x128xf32, #tpu.memory_space<vmem>>
      %dma_start3A_691 = tpu.memref_squeeze %dma_start3A_690 : memref<1x8x128xf32, #tpu.memory_space<vmem>> -> memref<8x128xf32, #tpu.memory_space<vmem>>
      %dma_start3A_692 = arith.constant 0 : i32
      %dma_start3A_693 = arith.constant 0 : i32
      %dma_start3A_694 = tpu.memref_slice %arg4[%add3A_637, %dma_start3A_687, %add3A, %dma_start3A_692, %dma_start3A_693] : memref<200x4x32x8x128xf32, #tpu.memory_space<hbm>> -> memref<1x1x1x8x128xf32, #tpu.memory_space<hbm>>
      %dma_start3A_695 = tpu.memref_squeeze %dma_start3A_694 : memref<1x1x1x8x128xf32, #tpu.memory_space<hbm>> -> memref<8x128xf32, #tpu.memory_space<hbm>>
      %dma_start3A_696 = arith.constant 0 : i32
      %dma_start3A_697 = arith.constant 0 : i32
      %dma_start3A_698 = tpu.memref_slice %arg4[%add3A_637, %dma_start3A_687, %add3A, %dma_start3A_696, %dma_start3A_697] : memref<200x4x32x8x128xf32, #tpu.memory_space<hbm>> -> memref<1x1x1x8x128xf32, #tpu.memory_space<hbm>>
      %dma_start3A_699 = tpu.memref_squeeze %dma_start3A_698 : memref<1x1x1x8x128xf32, #tpu.memory_space<hbm>> -> memref<8x128xf32, #tpu.memory_space<hbm>>
      %dma_start3A_700 = arith.constant 8 : i32
      %dma_start3A_701 = arith.constant 0 : i32
      %dma_start3A_702 = tpu.memref_slice %arg7[%dma_start3A_686, %dma_start3A_700, %dma_start3A_701] : memref<4x32x129xf32, #tpu.memory_space<vmem>> -> memref<1x8x128xf32, #tpu.memory_space<vmem>>
      %dma_start3A_703 = tpu.memref_squeeze %dma_start3A_702 : memref<1x8x128xf32, #tpu.memory_space<vmem>> -> memref<8x128xf32, #tpu.memory_space<vmem>>
      tpu.enqueue_dma source(%dma_start3A_703 : memref<8x128xf32, #tpu.memory_space<vmem>>) target(%dma_start3A_699 : memref<8x128xf32, #tpu.memory_space<hbm>>) target_semaphore(%arg9 : memref<!tpu.dma_semaphore, #tpu.memory_space<semaphore_mem>>)
      %dma_start3A_704 = arith.constant 1 : i32
      %dma_start3A_705 = arith.constant 2 : i32
      %dma_start3A_706 = arith.constant 16 : i32
      %dma_start3A_707 = arith.constant 0 : i32
      %dma_start3A_708 = tpu.memref_slice %arg7[%dma_start3A_704, %dma_start3A_706, %dma_start3A_707] : memref<4x32x129xf32, #tpu.memory_space<vmem>> -> memref<1x8x128xf32, #tpu.memory_space<vmem>>
      %dma_start3A_709 = tpu.memref_squeeze %dma_start3A_708 : memref<1x8x128xf32, #tpu.memory_space<vmem>> -> memref<8x128xf32, #tpu.memory_space<vmem>>
      %dma_start3A_710 = arith.constant 0 : i32
      %dma_start3A_711 = arith.constant 0 : i32
      %dma_start3A_712 = tpu.memref_slice %arg4[%add3A_637, %dma_start3A_705, %add3A, %dma_start3A_710, %dma_start3A_711] : memref<200x4x32x8x128xf32, #tpu.memory_space<hbm>> -> memref<1x1x1x8x128xf32, #tpu.memory_space<hbm>>
      %dma_start3A_713 = tpu.memref_squeeze %dma_start3A_712 : memref<1x1x1x8x128xf32, #tpu.memory_space<hbm>> -> memref<8x128xf32, #tpu.memory_space<hbm>>
      %dma_start3A_714 = arith.constant 0 : i32
      %dma_start3A_715 = arith.constant 0 : i32
      %dma_start3A_716 = tpu.memref_slice %arg4[%add3A_637, %dma_start3A_705, %add3A, %dma_start3A_714, %dma_start3A_715] : memref<200x4x32x8x128xf32, #tpu.memory_space<hbm>> -> memref<1x1x1x8x128xf32, #tpu.memory_space<hbm>>
      %dma_start3A_717 = tpu.memref_squeeze %dma_start3A_716 : memref<1x1x1x8x128xf32, #tpu.memory_space<hbm>> -> memref<8x128xf32, #tpu.memory_space<hbm>>
      %dma_start3A_718 = arith.constant 16 : i32
      %dma_start3A_719 = arith.constant 0 : i32
      %dma_start3A_720 = tpu.memref_slice %arg7[%dma_start3A_704, %dma_start3A_718, %dma_start3A_719] : memref<4x32x129xf32, #tpu.memory_space<vmem>> -> memref<1x8x128xf32, #tpu.memory_space<vmem>>
      %dma_start3A_721 = tpu.memref_squeeze %dma_start3A_720 : memref<1x8x128xf32, #tpu.memory_space<vmem>> -> memref<8x128xf32, #tpu.memory_space<vmem>>
      tpu.enqueue_dma source(%dma_start3A_721 : memref<8x128xf32, #tpu.memory_space<vmem>>) target(%dma_start3A_717 : memref<8x128xf32, #tpu.memory_space<hbm>>) target_semaphore(%arg9 : memref<!tpu.dma_semaphore, #tpu.memory_space<semaphore_mem>>)
      %dma_start3A_722 = arith.constant 1 : i32
      %dma_start3A_723 = arith.constant 3 : i32
      %dma_start3A_724 = arith.constant 24 : i32
      %dma_start3A_725 = arith.constant 0 : i32
      %dma_start3A_726 = tpu.memref_slice %arg7[%dma_start3A_722, %dma_start3A_724, %dma_start3A_725] : memref<4x32x129xf32, #tpu.memory_space<vmem>> -> memref<1x8x128xf32, #tpu.memory_space<vmem>>
      %dma_start3A_727 = tpu.memref_squeeze %dma_start3A_726 : memref<1x8x128xf32, #tpu.memory_space<vmem>> -> memref<8x128xf32, #tpu.memory_space<vmem>>
      %dma_start3A_728 = arith.constant 0 : i32
      %dma_start3A_729 = arith.constant 0 : i32
      %dma_start3A_730 = tpu.memref_slice %arg4[%add3A_637, %dma_start3A_723, %add3A, %dma_start3A_728, %dma_start3A_729] : memref<200x4x32x8x128xf32, #tpu.memory_space<hbm>> -> memref<1x1x1x8x128xf32, #tpu.memory_space<hbm>>
      %dma_start3A_731 = tpu.memref_squeeze %dma_start3A_730 : memref<1x1x1x8x128xf32, #tpu.memory_space<hbm>> -> memref<8x128xf32, #tpu.memory_space<hbm>>
      %dma_start3A_732 = arith.constant 0 : i32
      %dma_start3A_733 = arith.constant 0 : i32
      %dma_start3A_734 = tpu.memref_slice %arg4[%add3A_637, %dma_start3A_723, %add3A, %dma_start3A_732, %dma_start3A_733] : memref<200x4x32x8x128xf32, #tpu.memory_space<hbm>> -> memref<1x1x1x8x128xf32, #tpu.memory_space<hbm>>
      %dma_start3A_735 = tpu.memref_squeeze %dma_start3A_734 : memref<1x1x1x8x128xf32, #tpu.memory_space<hbm>> -> memref<8x128xf32, #tpu.memory_space<hbm>>
      %dma_start3A_736 = arith.constant 24 : i32
      %dma_start3A_737 = arith.constant 0 : i32
      %dma_start3A_738 = tpu.memref_slice %arg7[%dma_start3A_722, %dma_start3A_736, %dma_start3A_737] : memref<4x32x129xf32, #tpu.memory_space<vmem>> -> memref<1x8x128xf32, #tpu.memory_space<vmem>>
      %dma_start3A_739 = tpu.memref_squeeze %dma_start3A_738 : memref<1x8x128xf32, #tpu.memory_space<vmem>> -> memref<8x128xf32, #tpu.memory_space<vmem>>
      tpu.enqueue_dma source(%dma_start3A_739 : memref<8x128xf32, #tpu.memory_space<vmem>>) target(%dma_start3A_735 : memref<8x128xf32, #tpu.memory_space<hbm>>) target_semaphore(%arg9 : memref<!tpu.dma_semaphore, #tpu.memory_space<semaphore_mem>>)
      %mul3A_740 = arith.constant 8 : i32
      %mul3A_741 = arith.muli %scan3A_107, %mul3A_740 : i32
      %add3A_742 = arith.constant 6 : i32
      %add3A_743 = arith.addi %mul3A_741, %add3A_742 : i32
      %add3A_744 = arith.constant 1 : i32
      %add3A_745 = arith.addi %scan3A_107, %add3A_744 : i32
      %lt3A_746 = arith.constant 197 : i32
      %lt3A_747 = arith.cmpi slt, %add3A_743, %lt3A_746 : i32
      %convert_element_type3A_748 = arith.extui %lt3A_747 : i1 to i32
      %cond3A_749 = arith.constant 0 : i32
      %cond3A_750 = arith.cmpi ne, %convert_element_type3A_748, %cond3A_749 : i32
      scf.if %cond3A_750 {
        %dma_start3A_953 = arith.constant 1 : i32
        %dma_start3A_954 = arith.constant 1 : i32
        %dma_start3A_955 = arith.constant 0 : i32
        %dma_start3A_956 = arith.constant 0 : i32
        %dma_start3A_957 = tpu.memref_slice %arg6[%dma_start3A_954, %dma_start3A_955, %dma_start3A_956] : memref<4x128x32xf32, #tpu.memory_space<vmem>> -> memref<1x128x32xf32, #tpu.memory_space<vmem>>
        %dma_start3A_958 = tpu.memref_squeeze %dma_start3A_957 : memref<1x128x32xf32, #tpu.memory_space<vmem>> -> memref<128x32xf32, #tpu.memory_space<vmem>>
        %dma_start3A_959 = arith.constant 0 : i32
        %dma_start3A_960 = tpu.memref_slice %arg5[%add3A_745, %dma_start3A_953, %dma_start3A_959] : memref<25x8x128xi32, #tpu.memory_space<vmem>> -> memref<1x1x128xi32, #tpu.memory_space<vmem>>
        %dma_start3A_961 = tpu.memref_squeeze %dma_start3A_960 : memref<1x1x128xi32, #tpu.memory_space<vmem>> -> memref<128xi32, #tpu.memory_space<vmem>>
        %dma_start3A_962 = arith.constant 0 : i32
        %dma_start3A_963 = arith.constant 0 : i32
        %dma_start3A_964 = tpu.memref_slice %arg3[%dma_start3A_962, %dma_start3A_963] : memref<1000000x32xf32, #tpu.memory_space<hbm>> -> memref<1000000x32xf32, #tpu.memory_space<hbm>>
        tpu.enqueue_indirect_dma source(%dma_start3A_964 : memref<1000000x32xf32, #tpu.memory_space<hbm>>) target(%dma_start3A_958 : memref<128x32xf32, #tpu.memory_space<vmem>>) offsets(%dma_start3A_961 : memref<128xi32, #tpu.memory_space<vmem>>) semaphore(%arg8 : memref<!tpu.dma_semaphore, #tpu.memory_space<semaphore_mem>>)
      } else {
      }
      %dma_wait3A_751 = arith.constant 2 : i32
      %dma_wait3A_752 = arith.constant 0 : i32
      %dma_wait3A_753 = arith.constant 0 : i32
      %dma_wait3A_754 = tpu.memref_slice %arg6[%dma_wait3A_751, %dma_wait3A_752, %dma_wait3A_753] : memref<4x128x32xf32, #tpu.memory_space<vmem>> -> memref<1x128x32xf32, #tpu.memory_space<vmem>>
      %dma_wait3A_755 = tpu.memref_squeeze %dma_wait3A_754 : memref<1x128x32xf32, #tpu.memory_space<vmem>> -> memref<128x32xf32, #tpu.memory_space<vmem>>
      %dma_wait3A_756 = arith.constant 0 : i32
      %dma_wait3A_757 = arith.constant 0 : i32
      %dma_wait3A_758 = tpu.memref_slice %arg3[%dma_wait3A_756, %dma_wait3A_757] : memref<1000000x32xf32, #tpu.memory_space<hbm>> -> memref<128x32xf32, #tpu.memory_space<hbm>>
      %dma_wait3A_759 = arith.constant 0 : i32
      %dma_wait3A_760 = arith.constant 0 : i32
      %dma_wait3A_761 = tpu.memref_slice %arg6[%dma_wait3A_751, %dma_wait3A_759, %dma_wait3A_760] : memref<4x128x32xf32, #tpu.memory_space<vmem>> -> memref<1x128x32xf32, #tpu.memory_space<vmem>>
      %dma_wait3A_762 = tpu.memref_squeeze %dma_wait3A_761 : memref<1x128x32xf32, #tpu.memory_space<vmem>> -> memref<128x32xf32, #tpu.memory_space<vmem>>
      %dma_wait3A_763 = arith.constant 0 : i32
      %dma_wait3A_764 = arith.constant 0 : i32
      %dma_wait3A_765 = tpu.memref_slice %arg3[%dma_wait3A_763, %dma_wait3A_764] : memref<1000000x32xf32, #tpu.memory_space<hbm>> -> memref<128x32xf32, #tpu.memory_space<hbm>>
      tpu.wait_dma2 semaphore(%arg8 : memref<!tpu.dma_semaphore, #tpu.memory_space<semaphore_mem>>) src(%dma_wait3A_765 : memref<128x32xf32, #tpu.memory_space<hbm>>) dst(%dma_wait3A_762 : memref<128x32xf32, #tpu.memory_space<vmem>>)
      %ge3A_766 = arith.constant 4 : i32
      %ge3A_767 = arith.cmpi sge, %add3A_743, %ge3A_766 : i32
      %convert_element_type3A_768 = arith.extui %ge3A_767 : i1 to i32
      %cond3A_769 = arith.constant 0 : i32
      %cond3A_770 = arith.cmpi ne, %convert_element_type3A_768, %cond3A_769 : i32
      scf.if %cond3A_770 {
        %dma_wait3A_953 = arith.constant 0 : i32
        %dma_wait3A_954 = arith.constant 0 : i32
        %dma_wait3A_955 = arith.constant 0 : i32
        %dma_wait3A_956 = tpu.memref_slice %arg6[%dma_wait3A_953, %dma_wait3A_954, %dma_wait3A_955] : memref<4x128x32xf32, #tpu.memory_space<vmem>> -> memref<1x128x32xf32, #tpu.memory_space<vmem>>
        %dma_wait3A_957 = tpu.memref_squeeze %dma_wait3A_956 : memref<1x128x32xf32, #tpu.memory_space<vmem>> -> memref<128x32xf32, #tpu.memory_space<vmem>>
        %dma_wait3A_958 = arith.constant 0 : i32
        %dma_wait3A_959 = arith.constant 0 : i32
        %dma_wait3A_960 = tpu.memref_slice %arg3[%dma_wait3A_958, %dma_wait3A_959] : memref<1000000x32xf32, #tpu.memory_space<hbm>> -> memref<128x32xf32, #tpu.memory_space<hbm>>
        %dma_wait3A_961 = arith.constant 0 : i32
        %dma_wait3A_962 = arith.constant 0 : i32
        %dma_wait3A_963 = tpu.memref_slice %arg6[%dma_wait3A_953, %dma_wait3A_961, %dma_wait3A_962] : memref<4x128x32xf32, #tpu.memory_space<vmem>> -> memref<1x128x32xf32, #tpu.memory_space<vmem>>
        %dma_wait3A_964 = tpu.memref_squeeze %dma_wait3A_963 : memref<1x128x32xf32, #tpu.memory_space<vmem>> -> memref<128x32xf32, #tpu.memory_space<vmem>>
        %dma_wait3A_965 = arith.constant 0 : i32
        %dma_wait3A_966 = arith.constant 0 : i32
        %dma_wait3A_967 = tpu.memref_slice %arg3[%dma_wait3A_965, %dma_wait3A_966] : memref<1000000x32xf32, #tpu.memory_space<hbm>> -> memref<128x32xf32, #tpu.memory_space<hbm>>
        tpu.wait_dma2 semaphore(%arg9 : memref<!tpu.dma_semaphore, #tpu.memory_space<semaphore_mem>>) src(%dma_wait3A_967 : memref<128x32xf32, #tpu.memory_space<hbm>>) dst(%dma_wait3A_964 : memref<128x32xf32, #tpu.memory_space<vmem>>)
      } else {
      }
      %parallel_loop3A_771 = arith.constant 0 : i32
      %parallel_loop3A_772 = arith.constant 128 : i32
      %parallel_loop3A_773 = arith.constant 1 : i32
      scf.for %parallel_loop3A_953 = %parallel_loop3A_771 to %parallel_loop3A_772 step %parallel_loop3A_773  : i32 {
        %parallel_loop3A_954 = vector.broadcast %parallel_loop3A_953 : i32 to vector<16xi32>
        %parallel_loop3A_955 = arith.constant 2 : i32
        %parallel_loop3A_956 = arith.index_cast %parallel_loop3A_955 : i32 to index
        %parallel_loop3A_957 = arith.index_cast %parallel_loop3A_953 : i32 to index
        %parallel_loop3A_958 = arith.constant 0 : index
        %parallel_loop3A_959 = tpu.vector_load %arg6[%parallel_loop3A_956, %parallel_loop3A_957, %parallel_loop3A_958] {strides = array<i32>} : memref<4x128x32xf32, #tpu.memory_space<vmem>>, vector<16xf32>,
        %parallel_loop3A_960 = arith.constant 2 : i32
        %parallel_loop3A_961 = arith.index_cast %parallel_loop3A_960 : i32 to index
        %parallel_loop3A_962 = arith.index_cast %parallel_loop3A_953 : i32 to index
        %parallel_loop3A_963 = arith.constant 16 : index
        %parallel_loop3A_964 = tpu.vector_load %arg6[%parallel_loop3A_961, %parallel_loop3A_962, %parallel_loop3A_963] {strides = array<i32>} : memref<4x128x32xf32, #tpu.memory_space<vmem>>, vector<16xf32>,
        %parallel_loop3A_965 = arith.constant 2 : i32
        %parallel_loop3A_966 = arith.constant 0 : i32
        %parallel_loop3A_967 = arith.constant 0 : i32
        %parallel_loop3A_968 = tpu.memref_slice %arg7[%parallel_loop3A_965, %parallel_loop3A_966, %parallel_loop3A_967] : memref<4x32x129xf32, #tpu.memory_space<vmem>> -> memref<1x32x129xf32, #tpu.memory_space<vmem>>
        %parallel_loop3A_969 = tpu.memref_squeeze %parallel_loop3A_968 : memref<1x32x129xf32, #tpu.memory_space<vmem>> -> memref<32x129xf32, #tpu.memory_space<vmem>>
        tpu.vector_store_idx %parallel_loop3A_969[%iota3A, %parallel_loop3A_954], %parallel_loop3A_959 : memref<32x129xf32, #tpu.memory_space<vmem>>[vector<16xi32>, vector<16xi32>], vector<16xf32>,
        %parallel_loop3A_970 = arith.constant 2 : i32
        %parallel_loop3A_971 = arith.constant 0 : i32
        %parallel_loop3A_972 = arith.constant 0 : i32
        %parallel_loop3A_973 = tpu.memref_slice %arg7[%parallel_loop3A_970, %parallel_loop3A_971, %parallel_loop3A_972] : memref<4x32x129xf32, #tpu.memory_space<vmem>> -> memref<1x32x129xf32, #tpu.memory_space<vmem>>
        %parallel_loop3A_974 = tpu.memref_squeeze %parallel_loop3A_973 : memref<1x32x129xf32, #tpu.memory_space<vmem>> -> memref<32x129xf32, #tpu.memory_space<vmem>>
        tpu.vector_store_idx %parallel_loop3A_974[%add3A_3, %parallel_loop3A_954], %parallel_loop3A_964 : memref<32x129xf32, #tpu.memory_space<vmem>>[vector<16xi32>, vector<16xi32>], vector<16xf32>,
      } {sc.loop_unroll_factor = 8 : i64, sc.parallel_access}
      %dma_start3A_774 = arith.constant 2 : i32
      %dma_start3A_775 = arith.constant 0 : i32
      %dma_start3A_776 = arith.constant 0 : i32
      %dma_start3A_777 = arith.constant 0 : i32
      %dma_start3A_778 = tpu.memref_slice %arg7[%dma_start3A_774, %dma_start3A_776, %dma_start3A_777] : memref<4x32x129xf32, #tpu.memory_space<vmem>> -> memref<1x8x128xf32, #tpu.memory_space<vmem>>
      %dma_start3A_779 = tpu.memref_squeeze %dma_start3A_778 : memref<1x8x128xf32, #tpu.memory_space<vmem>> -> memref<8x128xf32, #tpu.memory_space<vmem>>
      %dma_start3A_780 = arith.constant 0 : i32
      %dma_start3A_781 = arith.constant 0 : i32
      %dma_start3A_782 = tpu.memref_slice %arg4[%add3A_743, %dma_start3A_775, %add3A, %dma_start3A_780, %dma_start3A_781] : memref<200x4x32x8x128xf32, #tpu.memory_space<hbm>> -> memref<1x1x1x8x128xf32, #tpu.memory_space<hbm>>
      %dma_start3A_783 = tpu.memref_squeeze %dma_start3A_782 : memref<1x1x1x8x128xf32, #tpu.memory_space<hbm>> -> memref<8x128xf32, #tpu.memory_space<hbm>>
      %dma_start3A_784 = arith.constant 0 : i32
      %dma_start3A_785 = arith.constant 0 : i32
      %dma_start3A_786 = tpu.memref_slice %arg4[%add3A_743, %dma_start3A_775, %add3A, %dma_start3A_784, %dma_start3A_785] : memref<200x4x32x8x128xf32, #tpu.memory_space<hbm>> -> memref<1x1x1x8x128xf32, #tpu.memory_space<hbm>>
      %dma_start3A_787 = tpu.memref_squeeze %dma_start3A_786 : memref<1x1x1x8x128xf32, #tpu.memory_space<hbm>> -> memref<8x128xf32, #tpu.memory_space<hbm>>
      %dma_start3A_788 = arith.constant 0 : i32
      %dma_start3A_789 = arith.constant 0 : i32
      %dma_start3A_790 = tpu.memref_slice %arg7[%dma_start3A_774, %dma_start3A_788, %dma_start3A_789] : memref<4x32x129xf32, #tpu.memory_space<vmem>> -> memref<1x8x128xf32, #tpu.memory_space<vmem>>
      %dma_start3A_791 = tpu.memref_squeeze %dma_start3A_790 : memref<1x8x128xf32, #tpu.memory_space<vmem>> -> memref<8x128xf32, #tpu.memory_space<vmem>>
      tpu.enqueue_dma source(%dma_start3A_791 : memref<8x128xf32, #tpu.memory_space<vmem>>) target(%dma_start3A_787 : memref<8x128xf32, #tpu.memory_space<hbm>>) target_semaphore(%arg9 : memref<!tpu.dma_semaphore, #tpu.memory_space<semaphore_mem>>)
      %dma_start3A_792 = arith.constant 2 : i32
      %dma_start3A_793 = arith.constant 1 : i32
      %dma_start3A_794 = arith.constant 8 : i32
      %dma_start3A_795 = arith.constant 0 : i32
      %dma_start3A_796 = tpu.memref_slice %arg7[%dma_start3A_792, %dma_start3A_794, %dma_start3A_795] : memref<4x32x129xf32, #tpu.memory_space<vmem>> -> memref<1x8x128xf32, #tpu.memory_space<vmem>>
      %dma_start3A_797 = tpu.memref_squeeze %dma_start3A_796 : memref<1x8x128xf32, #tpu.memory_space<vmem>> -> memref<8x128xf32, #tpu.memory_space<vmem>>
      %dma_start3A_798 = arith.constant 0 : i32
      %dma_start3A_799 = arith.constant 0 : i32
      %dma_start3A_800 = tpu.memref_slice %arg4[%add3A_743, %dma_start3A_793, %add3A, %dma_start3A_798, %dma_start3A_799] : memref<200x4x32x8x128xf32, #tpu.memory_space<hbm>> -> memref<1x1x1x8x128xf32, #tpu.memory_space<hbm>>
      %dma_start3A_801 = tpu.memref_squeeze %dma_start3A_800 : memref<1x1x1x8x128xf32, #tpu.memory_space<hbm>> -> memref<8x128xf32, #tpu.memory_space<hbm>>
      %dma_start3A_802 = arith.constant 0 : i32
      %dma_start3A_803 = arith.constant 0 : i32
      %dma_start3A_804 = tpu.memref_slice %arg4[%add3A_743, %dma_start3A_793, %add3A, %dma_start3A_802, %dma_start3A_803] : memref<200x4x32x8x128xf32, #tpu.memory_space<hbm>> -> memref<1x1x1x8x128xf32, #tpu.memory_space<hbm>>
      %dma_start3A_805 = tpu.memref_squeeze %dma_start3A_804 : memref<1x1x1x8x128xf32, #tpu.memory_space<hbm>> -> memref<8x128xf32, #tpu.memory_space<hbm>>
      %dma_start3A_806 = arith.constant 8 : i32
      %dma_start3A_807 = arith.constant 0 : i32
      %dma_start3A_808 = tpu.memref_slice %arg7[%dma_start3A_792, %dma_start3A_806, %dma_start3A_807] : memref<4x32x129xf32, #tpu.memory_space<vmem>> -> memref<1x8x128xf32, #tpu.memory_space<vmem>>
      %dma_start3A_809 = tpu.memref_squeeze %dma_start3A_808 : memref<1x8x128xf32, #tpu.memory_space<vmem>> -> memref<8x128xf32, #tpu.memory_space<vmem>>
      tpu.enqueue_dma source(%dma_start3A_809 : memref<8x128xf32, #tpu.memory_space<vmem>>) target(%dma_start3A_805 : memref<8x128xf32, #tpu.memory_space<hbm>>) target_semaphore(%arg9 : memref<!tpu.dma_semaphore, #tpu.memory_space<semaphore_mem>>)
      %dma_start3A_810 = arith.constant 2 : i32
      %dma_start3A_811 = arith.constant 2 : i32
      %dma_start3A_812 = arith.constant 16 : i32
      %dma_start3A_813 = arith.constant 0 : i32
      %dma_start3A_814 = tpu.memref_slice %arg7[%dma_start3A_810, %dma_start3A_812, %dma_start3A_813] : memref<4x32x129xf32, #tpu.memory_space<vmem>> -> memref<1x8x128xf32, #tpu.memory_space<vmem>>
      %dma_start3A_815 = tpu.memref_squeeze %dma_start3A_814 : memref<1x8x128xf32, #tpu.memory_space<vmem>> -> memref<8x128xf32, #tpu.memory_space<vmem>>
      %dma_start3A_816 = arith.constant 0 : i32
      %dma_start3A_817 = arith.constant 0 : i32
      %dma_start3A_818 = tpu.memref_slice %arg4[%add3A_743, %dma_start3A_811, %add3A, %dma_start3A_816, %dma_start3A_817] : memref<200x4x32x8x128xf32, #tpu.memory_space<hbm>> -> memref<1x1x1x8x128xf32, #tpu.memory_space<hbm>>
      %dma_start3A_819 = tpu.memref_squeeze %dma_start3A_818 : memref<1x1x1x8x128xf32, #tpu.memory_space<hbm>> -> memref<8x128xf32, #tpu.memory_space<hbm>>
      %dma_start3A_820 = arith.constant 0 : i32
      %dma_start3A_821 = arith.constant 0 : i32
      %dma_start3A_822 = tpu.memref_slice %arg4[%add3A_743, %dma_start3A_811, %add3A, %dma_start3A_820, %dma_start3A_821] : memref<200x4x32x8x128xf32, #tpu.memory_space<hbm>> -> memref<1x1x1x8x128xf32, #tpu.memory_space<hbm>>
      %dma_start3A_823 = tpu.memref_squeeze %dma_start3A_822 : memref<1x1x1x8x128xf32, #tpu.memory_space<hbm>> -> memref<8x128xf32, #tpu.memory_space<hbm>>
      %dma_start3A_824 = arith.constant 16 : i32
      %dma_start3A_825 = arith.constant 0 : i32
      %dma_start3A_826 = tpu.memref_slice %arg7[%dma_start3A_810, %dma_start3A_824, %dma_start3A_825] : memref<4x32x129xf32, #tpu.memory_space<vmem>> -> memref<1x8x128xf32, #tpu.memory_space<vmem>>
      %dma_start3A_827 = tpu.memref_squeeze %dma_start3A_826 : memref<1x8x128xf32, #tpu.memory_space<vmem>> -> memref<8x128xf32, #tpu.memory_space<vmem>>
      tpu.enqueue_dma source(%dma_start3A_827 : memref<8x128xf32, #tpu.memory_space<vmem>>) target(%dma_start3A_823 : memref<8x128xf32, #tpu.memory_space<hbm>>) target_semaphore(%arg9 : memref<!tpu.dma_semaphore, #tpu.memory_space<semaphore_mem>>)
      %dma_start3A_828 = arith.constant 2 : i32
      %dma_start3A_829 = arith.constant 3 : i32
      %dma_start3A_830 = arith.constant 24 : i32
      %dma_start3A_831 = arith.constant 0 : i32
      %dma_start3A_832 = tpu.memref_slice %arg7[%dma_start3A_828, %dma_start3A_830, %dma_start3A_831] : memref<4x32x129xf32, #tpu.memory_space<vmem>> -> memref<1x8x128xf32, #tpu.memory_space<vmem>>
      %dma_start3A_833 = tpu.memref_squeeze %dma_start3A_832 : memref<1x8x128xf32, #tpu.memory_space<vmem>> -> memref<8x128xf32, #tpu.memory_space<vmem>>
      %dma_start3A_834 = arith.constant 0 : i32
      %dma_start3A_835 = arith.constant 0 : i32
      %dma_start3A_836 = tpu.memref_slice %arg4[%add3A_743, %dma_start3A_829, %add3A, %dma_start3A_834, %dma_start3A_835] : memref<200x4x32x8x128xf32, #tpu.memory_space<hbm>> -> memref<1x1x1x8x128xf32, #tpu.memory_space<hbm>>
      %dma_start3A_837 = tpu.memref_squeeze %dma_start3A_836 : memref<1x1x1x8x128xf32, #tpu.memory_space<hbm>> -> memref<8x128xf32, #tpu.memory_space<hbm>>
      %dma_start3A_838 = arith.constant 0 : i32
      %dma_start3A_839 = arith.constant 0 : i32
      %dma_start3A_840 = tpu.memref_slice %arg4[%add3A_743, %dma_start3A_829, %add3A, %dma_start3A_838, %dma_start3A_839] : memref<200x4x32x8x128xf32, #tpu.memory_space<hbm>> -> memref<1x1x1x8x128xf32, #tpu.memory_space<hbm>>
      %dma_start3A_841 = tpu.memref_squeeze %dma_start3A_840 : memref<1x1x1x8x128xf32, #tpu.memory_space<hbm>> -> memref<8x128xf32, #tpu.memory_space<hbm>>
      %dma_start3A_842 = arith.constant 24 : i32
      %dma_start3A_843 = arith.constant 0 : i32
      %dma_start3A_844 = tpu.memref_slice %arg7[%dma_start3A_828, %dma_start3A_842, %dma_start3A_843] : memref<4x32x129xf32, #tpu.memory_space<vmem>> -> memref<1x8x128xf32, #tpu.memory_space<vmem>>
      %dma_start3A_845 = tpu.memref_squeeze %dma_start3A_844 : memref<1x8x128xf32, #tpu.memory_space<vmem>> -> memref<8x128xf32, #tpu.memory_space<vmem>>
      tpu.enqueue_dma source(%dma_start3A_845 : memref<8x128xf32, #tpu.memory_space<vmem>>) target(%dma_start3A_841 : memref<8x128xf32, #tpu.memory_space<hbm>>) target_semaphore(%arg9 : memref<!tpu.dma_semaphore, #tpu.memory_space<semaphore_mem>>)
      %mul3A_846 = arith.constant 8 : i32
      %mul3A_847 = arith.muli %scan3A_107, %mul3A_846 : i32
      %add3A_848 = arith.constant 7 : i32
      %add3A_849 = arith.addi %mul3A_847, %add3A_848 : i32
      %add3A_850 = arith.constant 1 : i32
      %add3A_851 = arith.addi %scan3A_107, %add3A_850 : i32
      %lt3A_852 = arith.constant 197 : i32
      %lt3A_853 = arith.cmpi slt, %add3A_849, %lt3A_852 : i32
      %convert_element_type3A_854 = arith.extui %lt3A_853 : i1 to i32
      %cond3A_855 = arith.constant 0 : i32
      %cond3A_856 = arith.cmpi ne, %convert_element_type3A_854, %cond3A_855 : i32
      scf.if %cond3A_856 {
        %dma_start3A_953 = arith.constant 2 : i32
        %dma_start3A_954 = arith.constant 2 : i32
        %dma_start3A_955 = arith.constant 0 : i32
        %dma_start3A_956 = arith.constant 0 : i32
        %dma_start3A_957 = tpu.memref_slice %arg6[%dma_start3A_954, %dma_start3A_955, %dma_start3A_956] : memref<4x128x32xf32, #tpu.memory_space<vmem>> -> memref<1x128x32xf32, #tpu.memory_space<vmem>>
        %dma_start3A_958 = tpu.memref_squeeze %dma_start3A_957 : memref<1x128x32xf32, #tpu.memory_space<vmem>> -> memref<128x32xf32, #tpu.memory_space<vmem>>
        %dma_start3A_959 = arith.constant 0 : i32
        %dma_start3A_960 = tpu.memref_slice %arg5[%add3A_851, %dma_start3A_953, %dma_start3A_959] : memref<25x8x128xi32, #tpu.memory_space<vmem>> -> memref<1x1x128xi32, #tpu.memory_space<vmem>>
        %dma_start3A_961 = tpu.memref_squeeze %dma_start3A_960 : memref<1x1x128xi32, #tpu.memory_space<vmem>> -> memref<128xi32, #tpu.memory_space<vmem>>
        %dma_start3A_962 = arith.constant 0 : i32
        %dma_start3A_963 = arith.constant 0 : i32
        %dma_start3A_964 = tpu.memref_slice %arg3[%dma_start3A_962, %dma_start3A_963] : memref<1000000x32xf32, #tpu.memory_space<hbm>> -> memref<1000000x32xf32, #tpu.memory_space<hbm>>
        tpu.enqueue_indirect_dma source(%dma_start3A_964 : memref<1000000x32xf32, #tpu.memory_space<hbm>>) target(%dma_start3A_958 : memref<128x32xf32, #tpu.memory_space<vmem>>) offsets(%dma_start3A_961 : memref<128xi32, #tpu.memory_space<vmem>>) semaphore(%arg8 : memref<!tpu.dma_semaphore, #tpu.memory_space<semaphore_mem>>)
      } else {
      }
      %dma_wait3A_857 = arith.constant 3 : i32
      %dma_wait3A_858 = arith.constant 0 : i32
      %dma_wait3A_859 = arith.constant 0 : i32
      %dma_wait3A_860 = tpu.memref_slice %arg6[%dma_wait3A_857, %dma_wait3A_858, %dma_wait3A_859] : memref<4x128x32xf32, #tpu.memory_space<vmem>> -> memref<1x128x32xf32, #tpu.memory_space<vmem>>
      %dma_wait3A_861 = tpu.memref_squeeze %dma_wait3A_860 : memref<1x128x32xf32, #tpu.memory_space<vmem>> -> memref<128x32xf32, #tpu.memory_space<vmem>>
      %dma_wait3A_862 = arith.constant 0 : i32
      %dma_wait3A_863 = arith.constant 0 : i32
      %dma_wait3A_864 = tpu.memref_slice %arg3[%dma_wait3A_862, %dma_wait3A_863] : memref<1000000x32xf32, #tpu.memory_space<hbm>> -> memref<128x32xf32, #tpu.memory_space<hbm>>
      %dma_wait3A_865 = arith.constant 0 : i32
      %dma_wait3A_866 = arith.constant 0 : i32
      %dma_wait3A_867 = tpu.memref_slice %arg6[%dma_wait3A_857, %dma_wait3A_865, %dma_wait3A_866] : memref<4x128x32xf32, #tpu.memory_space<vmem>> -> memref<1x128x32xf32, #tpu.memory_space<vmem>>
      %dma_wait3A_868 = tpu.memref_squeeze %dma_wait3A_867 : memref<1x128x32xf32, #tpu.memory_space<vmem>> -> memref<128x32xf32, #tpu.memory_space<vmem>>
      %dma_wait3A_869 = arith.constant 0 : i32
      %dma_wait3A_870 = arith.constant 0 : i32
      %dma_wait3A_871 = tpu.memref_slice %arg3[%dma_wait3A_869, %dma_wait3A_870] : memref<1000000x32xf32, #tpu.memory_space<hbm>> -> memref<128x32xf32, #tpu.memory_space<hbm>>
      tpu.wait_dma2 semaphore(%arg8 : memref<!tpu.dma_semaphore, #tpu.memory_space<semaphore_mem>>) src(%dma_wait3A_871 : memref<128x32xf32, #tpu.memory_space<hbm>>) dst(%dma_wait3A_868 : memref<128x32xf32, #tpu.memory_space<vmem>>)
      %ge3A_872 = arith.constant 4 : i32
      %ge3A_873 = arith.cmpi sge, %add3A_849, %ge3A_872 : i32
      %convert_element_type3A_874 = arith.extui %ge3A_873 : i1 to i32
      %cond3A_875 = arith.constant 0 : i32
      %cond3A_876 = arith.cmpi ne, %convert_element_type3A_874, %cond3A_875 : i32
      scf.if %cond3A_876 {
        %dma_wait3A_953 = arith.constant 0 : i32
        %dma_wait3A_954 = arith.constant 0 : i32
        %dma_wait3A_955 = arith.constant 0 : i32
        %dma_wait3A_956 = tpu.memref_slice %arg6[%dma_wait3A_953, %dma_wait3A_954, %dma_wait3A_955] : memref<4x128x32xf32, #tpu.memory_space<vmem>> -> memref<1x128x32xf32, #tpu.memory_space<vmem>>
        %dma_wait3A_957 = tpu.memref_squeeze %dma_wait3A_956 : memref<1x128x32xf32, #tpu.memory_space<vmem>> -> memref<128x32xf32, #tpu.memory_space<vmem>>
        %dma_wait3A_958 = arith.constant 0 : i32
        %dma_wait3A_959 = arith.constant 0 : i32
        %dma_wait3A_960 = tpu.memref_slice %arg3[%dma_wait3A_958, %dma_wait3A_959] : memref<1000000x32xf32, #tpu.memory_space<hbm>> -> memref<128x32xf32, #tpu.memory_space<hbm>>
        %dma_wait3A_961 = arith.constant 0 : i32
        %dma_wait3A_962 = arith.constant 0 : i32
        %dma_wait3A_963 = tpu.memref_slice %arg6[%dma_wait3A_953, %dma_wait3A_961, %dma_wait3A_962] : memref<4x128x32xf32, #tpu.memory_space<vmem>> -> memref<1x128x32xf32, #tpu.memory_space<vmem>>
        %dma_wait3A_964 = tpu.memref_squeeze %dma_wait3A_963 : memref<1x128x32xf32, #tpu.memory_space<vmem>> -> memref<128x32xf32, #tpu.memory_space<vmem>>
        %dma_wait3A_965 = arith.constant 0 : i32
        %dma_wait3A_966 = arith.constant 0 : i32
        %dma_wait3A_967 = tpu.memref_slice %arg3[%dma_wait3A_965, %dma_wait3A_966] : memref<1000000x32xf32, #tpu.memory_space<hbm>> -> memref<128x32xf32, #tpu.memory_space<hbm>>
        tpu.wait_dma2 semaphore(%arg9 : memref<!tpu.dma_semaphore, #tpu.memory_space<semaphore_mem>>) src(%dma_wait3A_967 : memref<128x32xf32, #tpu.memory_space<hbm>>) dst(%dma_wait3A_964 : memref<128x32xf32, #tpu.memory_space<vmem>>)
      } else {
      }
      %parallel_loop3A_877 = arith.constant 0 : i32
      %parallel_loop3A_878 = arith.constant 128 : i32
      %parallel_loop3A_879 = arith.constant 1 : i32
      scf.for %parallel_loop3A_953 = %parallel_loop3A_877 to %parallel_loop3A_878 step %parallel_loop3A_879  : i32 {
        %parallel_loop3A_954 = vector.broadcast %parallel_loop3A_953 : i32 to vector<16xi32>
        %parallel_loop3A_955 = arith.constant 3 : i32
        %parallel_loop3A_956 = arith.index_cast %parallel_loop3A_955 : i32 to index
        %parallel_loop3A_957 = arith.index_cast %parallel_loop3A_953 : i32 to index
        %parallel_loop3A_958 = arith.constant 0 : index
        %parallel_loop3A_959 = tpu.vector_load %arg6[%parallel_loop3A_956, %parallel_loop3A_957, %parallel_loop3A_958] {strides = array<i32>} : memref<4x128x32xf32, #tpu.memory_space<vmem>>, vector<16xf32>,
        %parallel_loop3A_960 = arith.constant 3 : i32
        %parallel_loop3A_961 = arith.index_cast %parallel_loop3A_960 : i32 to index
        %parallel_loop3A_962 = arith.index_cast %parallel_loop3A_953 : i32 to index
        %parallel_loop3A_963 = arith.constant 16 : index
        %parallel_loop3A_964 = tpu.vector_load %arg6[%parallel_loop3A_961, %parallel_loop3A_962, %parallel_loop3A_963] {strides = array<i32>} : memref<4x128x32xf32, #tpu.memory_space<vmem>>, vector<16xf32>,
        %parallel_loop3A_965 = arith.constant 3 : i32
        %parallel_loop3A_966 = arith.constant 0 : i32
        %parallel_loop3A_967 = arith.constant 0 : i32
        %parallel_loop3A_968 = tpu.memref_slice %arg7[%parallel_loop3A_965, %parallel_loop3A_966, %parallel_loop3A_967] : memref<4x32x129xf32, #tpu.memory_space<vmem>> -> memref<1x32x129xf32, #tpu.memory_space<vmem>>
        %parallel_loop3A_969 = tpu.memref_squeeze %parallel_loop3A_968 : memref<1x32x129xf32, #tpu.memory_space<vmem>> -> memref<32x129xf32, #tpu.memory_space<vmem>>
        tpu.vector_store_idx %parallel_loop3A_969[%iota3A, %parallel_loop3A_954], %parallel_loop3A_959 : memref<32x129xf32, #tpu.memory_space<vmem>>[vector<16xi32>, vector<16xi32>], vector<16xf32>,
        %parallel_loop3A_970 = arith.constant 3 : i32
        %parallel_loop3A_971 = arith.constant 0 : i32
        %parallel_loop3A_972 = arith.constant 0 : i32
        %parallel_loop3A_973 = tpu.memref_slice %arg7[%parallel_loop3A_970, %parallel_loop3A_971, %parallel_loop3A_972] : memref<4x32x129xf32, #tpu.memory_space<vmem>> -> memref<1x32x129xf32, #tpu.memory_space<vmem>>
        %parallel_loop3A_974 = tpu.memref_squeeze %parallel_loop3A_973 : memref<1x32x129xf32, #tpu.memory_space<vmem>> -> memref<32x129xf32, #tpu.memory_space<vmem>>
        tpu.vector_store_idx %parallel_loop3A_974[%add3A_3, %parallel_loop3A_954], %parallel_loop3A_964 : memref<32x129xf32, #tpu.memory_space<vmem>>[vector<16xi32>, vector<16xi32>], vector<16xf32>,
      } {sc.loop_unroll_factor = 8 : i64, sc.parallel_access}
      %dma_start3A_880 = arith.constant 3 : i32
      %dma_start3A_881 = arith.constant 0 : i32
      %dma_start3A_882 = arith.constant 0 : i32
      %dma_start3A_883 = arith.constant 0 : i32
      %dma_start3A_884 = tpu.memref_slice %arg7[%dma_start3A_880, %dma_start3A_882, %dma_start3A_883] : memref<4x32x129xf32, #tpu.memory_space<vmem>> -> memref<1x8x128xf32, #tpu.memory_space<vmem>>
      %dma_start3A_885 = tpu.memref_squeeze %dma_start3A_884 : memref<1x8x128xf32, #tpu.memory_space<vmem>> -> memref<8x128xf32, #tpu.memory_space<vmem>>
      %dma_start3A_886 = arith.constant 0 : i32
      %dma_start3A_887 = arith.constant 0 : i32
      %dma_start3A_888 = tpu.memref_slice %arg4[%add3A_849, %dma_start3A_881, %add3A, %dma_start3A_886, %dma_start3A_887] : memref<200x4x32x8x128xf32, #tpu.memory_space<hbm>> -> memref<1x1x1x8x128xf32, #tpu.memory_space<hbm>>
      %dma_start3A_889 = tpu.memref_squeeze %dma_start3A_888 : memref<1x1x1x8x128xf32, #tpu.memory_space<hbm>> -> memref<8x128xf32, #tpu.memory_space<hbm>>
      %dma_start3A_890 = arith.constant 0 : i32
      %dma_start3A_891 = arith.constant 0 : i32
      %dma_start3A_892 = tpu.memref_slice %arg4[%add3A_849, %dma_start3A_881, %add3A, %dma_start3A_890, %dma_start3A_891] : memref<200x4x32x8x128xf32, #tpu.memory_space<hbm>> -> memref<1x1x1x8x128xf32, #tpu.memory_space<hbm>>
      %dma_start3A_893 = tpu.memref_squeeze %dma_start3A_892 : memref<1x1x1x8x128xf32, #tpu.memory_space<hbm>> -> memref<8x128xf32, #tpu.memory_space<hbm>>
      %dma_start3A_894 = arith.constant 0 : i32
      %dma_start3A_895 = arith.constant 0 : i32
      %dma_start3A_896 = tpu.memref_slice %arg7[%dma_start3A_880, %dma_start3A_894, %dma_start3A_895] : memref<4x32x129xf32, #tpu.memory_space<vmem>> -> memref<1x8x128xf32, #tpu.memory_space<vmem>>
      %dma_start3A_897 = tpu.memref_squeeze %dma_start3A_896 : memref<1x8x128xf32, #tpu.memory_space<vmem>> -> memref<8x128xf32, #tpu.memory_space<vmem>>
      tpu.enqueue_dma source(%dma_start3A_897 : memref<8x128xf32, #tpu.memory_space<vmem>>) target(%dma_start3A_893 : memref<8x128xf32, #tpu.memory_space<hbm>>) target_semaphore(%arg9 : memref<!tpu.dma_semaphore, #tpu.memory_space<semaphore_mem>>)
      %dma_start3A_898 = arith.constant 3 : i32
      %dma_start3A_899 = arith.constant 1 : i32
      %dma_start3A_900 = arith.constant 8 : i32
      %dma_start3A_901 = arith.constant 0 : i32
      %dma_start3A_902 = tpu.memref_slice %arg7[%dma_start3A_898, %dma_start3A_900, %dma_start3A_901] : memref<4x32x129xf32, #tpu.memory_space<vmem>> -> memref<1x8x128xf32, #tpu.memory_space<vmem>>
      %dma_start3A_903 = tpu.memref_squeeze %dma_start3A_902 : memref<1x8x128xf32, #tpu.memory_space<vmem>> -> memref<8x128xf32, #tpu.memory_space<vmem>>
      %dma_start3A_904 = arith.constant 0 : i32
      %dma_start3A_905 = arith.constant 0 : i32
      %dma_start3A_906 = tpu.memref_slice %arg4[%add3A_849, %dma_start3A_899, %add3A, %dma_start3A_904, %dma_start3A_905] : memref<200x4x32x8x128xf32, #tpu.memory_space<hbm>> -> memref<1x1x1x8x128xf32, #tpu.memory_space<hbm>>
      %dma_start3A_907 = tpu.memref_squeeze %dma_start3A_906 : memref<1x1x1x8x128xf32, #tpu.memory_space<hbm>> -> memref<8x128xf32, #tpu.memory_space<hbm>>
      %dma_start3A_908 = arith.constant 0 : i32
      %dma_start3A_909 = arith.constant 0 : i32
      %dma_start3A_910 = tpu.memref_slice %arg4[%add3A_849, %dma_start3A_899, %add3A, %dma_start3A_908, %dma_start3A_909] : memref<200x4x32x8x128xf32, #tpu.memory_space<hbm>> -> memref<1x1x1x8x128xf32, #tpu.memory_space<hbm>>
      %dma_start3A_911 = tpu.memref_squeeze %dma_start3A_910 : memref<1x1x1x8x128xf32, #tpu.memory_space<hbm>> -> memref<8x128xf32, #tpu.memory_space<hbm>>
      %dma_start3A_912 = arith.constant 8 : i32
      %dma_start3A_913 = arith.constant 0 : i32
      %dma_start3A_914 = tpu.memref_slice %arg7[%dma_start3A_898, %dma_start3A_912, %dma_start3A_913] : memref<4x32x129xf32, #tpu.memory_space<vmem>> -> memref<1x8x128xf32, #tpu.memory_space<vmem>>
      %dma_start3A_915 = tpu.memref_squeeze %dma_start3A_914 : memref<1x8x128xf32, #tpu.memory_space<vmem>> -> memref<8x128xf32, #tpu.memory_space<vmem>>
      tpu.enqueue_dma source(%dma_start3A_915 : memref<8x128xf32, #tpu.memory_space<vmem>>) target(%dma_start3A_911 : memref<8x128xf32, #tpu.memory_space<hbm>>) target_semaphore(%arg9 : memref<!tpu.dma_semaphore, #tpu.memory_space<semaphore_mem>>)
      %dma_start3A_916 = arith.constant 3 : i32
      %dma_start3A_917 = arith.constant 2 : i32
      %dma_start3A_918 = arith.constant 16 : i32
      %dma_start3A_919 = arith.constant 0 : i32
      %dma_start3A_920 = tpu.memref_slice %arg7[%dma_start3A_916, %dma_start3A_918, %dma_start3A_919] : memref<4x32x129xf32, #tpu.memory_space<vmem>> -> memref<1x8x128xf32, #tpu.memory_space<vmem>>
      %dma_start3A_921 = tpu.memref_squeeze %dma_start3A_920 : memref<1x8x128xf32, #tpu.memory_space<vmem>> -> memref<8x128xf32, #tpu.memory_space<vmem>>
      %dma_start3A_922 = arith.constant 0 : i32
      %dma_start3A_923 = arith.constant 0 : i32
      %dma_start3A_924 = tpu.memref_slice %arg4[%add3A_849, %dma_start3A_917, %add3A, %dma_start3A_922, %dma_start3A_923] : memref<200x4x32x8x128xf32, #tpu.memory_space<hbm>> -> memref<1x1x1x8x128xf32, #tpu.memory_space<hbm>>
      %dma_start3A_925 = tpu.memref_squeeze %dma_start3A_924 : memref<1x1x1x8x128xf32, #tpu.memory_space<hbm>> -> memref<8x128xf32, #tpu.memory_space<hbm>>
      %dma_start3A_926 = arith.constant 0 : i32
      %dma_start3A_927 = arith.constant 0 : i32
      %dma_start3A_928 = tpu.memref_slice %arg4[%add3A_849, %dma_start3A_917, %add3A, %dma_start3A_926, %dma_start3A_927] : memref<200x4x32x8x128xf32, #tpu.memory_space<hbm>> -> memref<1x1x1x8x128xf32, #tpu.memory_space<hbm>>
      %dma_start3A_929 = tpu.memref_squeeze %dma_start3A_928 : memref<1x1x1x8x128xf32, #tpu.memory_space<hbm>> -> memref<8x128xf32, #tpu.memory_space<hbm>>
      %dma_start3A_930 = arith.constant 16 : i32
      %dma_start3A_931 = arith.constant 0 : i32
      %dma_start3A_932 = tpu.memref_slice %arg7[%dma_start3A_916, %dma_start3A_930, %dma_start3A_931] : memref<4x32x129xf32, #tpu.memory_space<vmem>> -> memref<1x8x128xf32, #tpu.memory_space<vmem>>
      %dma_start3A_933 = tpu.memref_squeeze %dma_start3A_932 : memref<1x8x128xf32, #tpu.memory_space<vmem>> -> memref<8x128xf32, #tpu.memory_space<vmem>>
      tpu.enqueue_dma source(%dma_start3A_933 : memref<8x128xf32, #tpu.memory_space<vmem>>) target(%dma_start3A_929 : memref<8x128xf32, #tpu.memory_space<hbm>>) target_semaphore(%arg9 : memref<!tpu.dma_semaphore, #tpu.memory_space<semaphore_mem>>)
      %dma_start3A_934 = arith.constant 3 : i32
      %dma_start3A_935 = arith.constant 3 : i32
      %dma_start3A_936 = arith.constant 24 : i32
      %dma_start3A_937 = arith.constant 0 : i32
      %dma_start3A_938 = tpu.memref_slice %arg7[%dma_start3A_934, %dma_start3A_936, %dma_start3A_937] : memref<4x32x129xf32, #tpu.memory_space<vmem>> -> memref<1x8x128xf32, #tpu.memory_space<vmem>>
      %dma_start3A_939 = tpu.memref_squeeze %dma_start3A_938 : memref<1x8x128xf32, #tpu.memory_space<vmem>> -> memref<8x128xf32, #tpu.memory_space<vmem>>
      %dma_start3A_940 = arith.constant 0 : i32
      %dma_start3A_941 = arith.constant 0 : i32
      %dma_start3A_942 = tpu.memref_slice %arg4[%add3A_849, %dma_start3A_935, %add3A, %dma_start3A_940, %dma_start3A_941] : memref<200x4x32x8x128xf32, #tpu.memory_space<hbm>> -> memref<1x1x1x8x128xf32, #tpu.memory_space<hbm>>
      %dma_start3A_943 = tpu.memref_squeeze %dma_start3A_942 : memref<1x1x1x8x128xf32, #tpu.memory_space<hbm>> -> memref<8x128xf32, #tpu.memory_space<hbm>>
      %dma_start3A_944 = arith.constant 0 : i32
      %dma_start3A_945 = arith.constant 0 : i32
      %dma_start3A_946 = tpu.memref_slice %arg4[%add3A_849, %dma_start3A_935, %add3A, %dma_start3A_944, %dma_start3A_945] : memref<200x4x32x8x128xf32, #tpu.memory_space<hbm>> -> memref<1x1x1x8x128xf32, #tpu.memory_space<hbm>>
      %dma_start3A_947 = tpu.memref_squeeze %dma_start3A_946 : memref<1x1x1x8x128xf32, #tpu.memory_space<hbm>> -> memref<8x128xf32, #tpu.memory_space<hbm>>
      %dma_start3A_948 = arith.constant 24 : i32
      %dma_start3A_949 = arith.constant 0 : i32
      %dma_start3A_950 = tpu.memref_slice %arg7[%dma_start3A_934, %dma_start3A_948, %dma_start3A_949] : memref<4x32x129xf32, #tpu.memory_space<vmem>> -> memref<1x8x128xf32, #tpu.memory_space<vmem>>
      %dma_start3A_951 = tpu.memref_squeeze %dma_start3A_950 : memref<1x8x128xf32, #tpu.memory_space<vmem>> -> memref<8x128xf32, #tpu.memory_space<vmem>>
      tpu.enqueue_dma source(%dma_start3A_951 : memref<8x128xf32, #tpu.memory_space<vmem>>) target(%dma_start3A_947 : memref<8x128xf32, #tpu.memory_space<hbm>>) target_semaphore(%arg9 : memref<!tpu.dma_semaphore, #tpu.memory_space<semaphore_mem>>)
      %scan3A_952 = arith.constant 0 : i32
      scf.yield %scan3A_952 : i32
    }
    %scan3A_47 = arith.constant 25 : i32
    %dma_wait3A = arith.constant 0 : i32
    %dma_wait3A_48 = arith.constant 0 : i32
    %dma_wait3A_49 = arith.constant 0 : i32
    %dma_wait3A_50 = tpu.memref_slice %arg6[%dma_wait3A, %dma_wait3A_48, %dma_wait3A_49] : memref<4x128x32xf32, #tpu.memory_space<vmem>> -> memref<1x128x32xf32, #tpu.memory_space<vmem>>
    %dma_wait3A_51 = tpu.memref_squeeze %dma_wait3A_50 : memref<1x128x32xf32, #tpu.memory_space<vmem>> -> memref<128x32xf32, #tpu.memory_space<vmem>>
    %dma_wait3A_52 = arith.constant 0 : i32
    %dma_wait3A_53 = arith.constant 0 : i32
    %dma_wait3A_54 = tpu.memref_slice %arg3[%dma_wait3A_52, %dma_wait3A_53] : memref<1000000x32xf32, #tpu.memory_space<hbm>> -> memref<128x32xf32, #tpu.memory_space<hbm>>
    %dma_wait3A_55 = arith.constant 0 : i32
    %dma_wait3A_56 = arith.constant 0 : i32
    %dma_wait3A_57 = tpu.memref_slice %arg6[%dma_wait3A, %dma_wait3A_55, %dma_wait3A_56] : memref<4x128x32xf32, #tpu.memory_space<vmem>> -> memref<1x128x32xf32, #tpu.memory_space<vmem>>
    %dma_wait3A_58 = tpu.memref_squeeze %dma_wait3A_57 : memref<1x128x32xf32, #tpu.memory_space<vmem>> -> memref<128x32xf32, #tpu.memory_space<vmem>>
    %dma_wait3A_59 = arith.constant 0 : i32
    %dma_wait3A_60 = arith.constant 0 : i32
    %dma_wait3A_61 = tpu.memref_slice %arg3[%dma_wait3A_59, %dma_wait3A_60] : memref<1000000x32xf32, #tpu.memory_space<hbm>> -> memref<128x32xf32, #tpu.memory_space<hbm>>
    tpu.wait_dma2 semaphore(%arg9 : memref<!tpu.dma_semaphore, #tpu.memory_space<semaphore_mem>>) src(%dma_wait3A_61 : memref<128x32xf32, #tpu.memory_space<hbm>>) dst(%dma_wait3A_58 : memref<128x32xf32, #tpu.memory_space<vmem>>)
    %dma_wait3A_62 = arith.constant 0 : i32
    %dma_wait3A_63 = arith.constant 0 : i32
    %dma_wait3A_64 = arith.constant 0 : i32
    %dma_wait3A_65 = tpu.memref_slice %arg6[%dma_wait3A_62, %dma_wait3A_63, %dma_wait3A_64] : memref<4x128x32xf32, #tpu.memory_space<vmem>> -> memref<1x128x32xf32, #tpu.memory_space<vmem>>
    %dma_wait3A_66 = tpu.memref_squeeze %dma_wait3A_65 : memref<1x128x32xf32, #tpu.memory_space<vmem>> -> memref<128x32xf32, #tpu.memory_space<vmem>>
    %dma_wait3A_67 = arith.constant 0 : i32
    %dma_wait3A_68 = arith.constant 0 : i32
    %dma_wait3A_69 = tpu.memref_slice %arg3[%dma_wait3A_67, %dma_wait3A_68] : memref<1000000x32xf32, #tpu.memory_space<hbm>> -> memref<128x32xf32, #tpu.memory_space<hbm>>
    %dma_wait3A_70 = arith.constant 0 : i32
    %dma_wait3A_71 = arith.constant 0 : i32
    %dma_wait3A_72 = tpu.memref_slice %arg6[%dma_wait3A_62, %dma_wait3A_70, %dma_wait3A_71] : memref<4x128x32xf32, #tpu.memory_space<vmem>> -> memref<1x128x32xf32, #tpu.memory_space<vmem>>
    %dma_wait3A_73 = tpu.memref_squeeze %dma_wait3A_72 : memref<1x128x32xf32, #tpu.memory_space<vmem>> -> memref<128x32xf32, #tpu.memory_space<vmem>>
    %dma_wait3A_74 = arith.constant 0 : i32
    %dma_wait3A_75 = arith.constant 0 : i32
    %dma_wait3A_76 = tpu.memref_slice %arg3[%dma_wait3A_74, %dma_wait3A_75] : memref<1000000x32xf32, #tpu.memory_space<hbm>> -> memref<128x32xf32, #tpu.memory_space<hbm>>
    tpu.wait_dma2 semaphore(%arg9 : memref<!tpu.dma_semaphore, #tpu.memory_space<semaphore_mem>>) src(%dma_wait3A_76 : memref<128x32xf32, #tpu.memory_space<hbm>>) dst(%dma_wait3A_73 : memref<128x32xf32, #tpu.memory_space<vmem>>)
    %dma_wait3A_77 = arith.constant 0 : i32
    %dma_wait3A_78 = arith.constant 0 : i32
    %dma_wait3A_79 = arith.constant 0 : i32
    %dma_wait3A_80 = tpu.memref_slice %arg6[%dma_wait3A_77, %dma_wait3A_78, %dma_wait3A_79] : memref<4x128x32xf32, #tpu.memory_space<vmem>> -> memref<1x128x32xf32, #tpu.memory_space<vmem>>
    %dma_wait3A_81 = tpu.memref_squeeze %dma_wait3A_80 : memref<1x128x32xf32, #tpu.memory_space<vmem>> -> memref<128x32xf32, #tpu.memory_space<vmem>>
    %dma_wait3A_82 = arith.constant 0 : i32
    %dma_wait3A_83 = arith.constant 0 : i32
    %dma_wait3A_84 = tpu.memref_slice %arg3[%dma_wait3A_82, %dma_wait3A_83] : memref<1000000x32xf32, #tpu.memory_space<hbm>> -> memref<128x32xf32, #tpu.memory_space<hbm>>
    %dma_wait3A_85 = arith.constant 0 : i32
    %dma_wait3A_86 = arith.constant 0 : i32
    %dma_wait3A_87 = tpu.memref_slice %arg6[%dma_wait3A_77, %dma_wait3A_85, %dma_wait3A_86] : memref<4x128x32xf32, #tpu.memory_space<vmem>> -> memref<1x128x32xf32, #tpu.memory_space<vmem>>
    %dma_wait3A_88 = tpu.memref_squeeze %dma_wait3A_87 : memref<1x128x32xf32, #tpu.memory_space<vmem>> -> memref<128x32xf32, #tpu.memory_space<vmem>>
    %dma_wait3A_89 = arith.constant 0 : i32
    %dma_wait3A_90 = arith.constant 0 : i32
    %dma_wait3A_91 = tpu.memref_slice %arg3[%dma_wait3A_89, %dma_wait3A_90] : memref<1000000x32xf32, #tpu.memory_space<hbm>> -> memref<128x32xf32, #tpu.memory_space<hbm>>
    tpu.wait_dma2 semaphore(%arg9 : memref<!tpu.dma_semaphore, #tpu.memory_space<semaphore_mem>>) src(%dma_wait3A_91 : memref<128x32xf32, #tpu.memory_space<hbm>>) dst(%dma_wait3A_88 : memref<128x32xf32, #tpu.memory_space<vmem>>)
    %dma_wait3A_92 = arith.constant 0 : i32
    %dma_wait3A_93 = arith.constant 0 : i32
    %dma_wait3A_94 = arith.constant 0 : i32
    %dma_wait3A_95 = tpu.memref_slice %arg6[%dma_wait3A_92, %dma_wait3A_93, %dma_wait3A_94] : memref<4x128x32xf32, #tpu.memory_space<vmem>> -> memref<1x128x32xf32, #tpu.memory_space<vmem>>
    %dma_wait3A_96 = tpu.memref_squeeze %dma_wait3A_95 : memref<1x128x32xf32, #tpu.memory_space<vmem>> -> memref<128x32xf32, #tpu.memory_space<vmem>>
    %dma_wait3A_97 = arith.constant 0 : i32
    %dma_wait3A_98 = arith.constant 0 : i32
    %dma_wait3A_99 = tpu.memref_slice %arg3[%dma_wait3A_97, %dma_wait3A_98] : memref<1000000x32xf32, #tpu.memory_space<hbm>> -> memref<128x32xf32, #tpu.memory_space<hbm>>
    %dma_wait3A_100 = arith.constant 0 : i32
    %dma_wait3A_101 = arith.constant 0 : i32
    %dma_wait3A_102 = tpu.memref_slice %arg6[%dma_wait3A_92, %dma_wait3A_100, %dma_wait3A_101] : memref<4x128x32xf32, #tpu.memory_space<vmem>> -> memref<1x128x32xf32, #tpu.memory_space<vmem>>
    %dma_wait3A_103 = tpu.memref_squeeze %dma_wait3A_102 : memref<1x128x32xf32, #tpu.memory_space<vmem>> -> memref<128x32xf32, #tpu.memory_space<vmem>>
    %dma_wait3A_104 = arith.constant 0 : i32
    %dma_wait3A_105 = arith.constant 0 : i32
    %dma_wait3A_106 = tpu.memref_slice %arg3[%dma_wait3A_104, %dma_wait3A_105] : memref<1000000x32xf32, #tpu.memory_space<hbm>> -> memref<128x32xf32, #tpu.memory_space<hbm>>
    tpu.wait_dma2 semaphore(%arg9 : memref<!tpu.dma_semaphore, #tpu.memory_space<semaphore_mem>>) src(%dma_wait3A_106 : memref<128x32xf32, #tpu.memory_space<hbm>>) dst(%dma_wait3A_103 : memref<128x32xf32, #tpu.memory_space<vmem>>)
    return
  }
}

#map = affine_map<(d0, d1) -> (0, 0)>
#map1 = affine_map<(d0, d1) -> (0)>
module attributes {stable_mosaic.version = 14 : i64} {
  func.func @_detile_kernel(%arg0: i32, %arg1: i32, %arg2: memref<32x1000000xf32, #tpu.memory_space<hbm>>, %arg3: memref<2048xf32, #tpu.memory_space<hbm>>, %arg4: memref<32000000xf32, #tpu.memory_space<hbm>>, %arg5: memref<32x512xf32, #tpu.memory_space<vmem>>, %arg6: memref<32x512xf32, #tpu.memory_space<vmem>>, %arg7: memref<16384xf32, #tpu.memory_space<vmem>>, %arg8: memref<16384xf32, #tpu.memory_space<vmem>>, %arg9: memref<2048xf32, #tpu.memory_space<vmem>>, %arg10: memref<!tpu.dma_semaphore, #tpu.memory_space<semaphore_mem>>, %arg11: memref<!tpu.dma_semaphore, #tpu.memory_space<semaphore_mem>>) attributes {dimension_semantics = [#tpu.dimension_semantics<core_parallel>, #tpu.dimension_semantics<subcore_parallel>], iteration_bounds = array<i64: 2, 16>, scalar_prefetch = 0 : i64, scratch_operands = 7 : i64, tpu.core_type = #tpu.core_type<sc_vector_subcore>, window_params = [{transform_indices = #map}, {transform_indices = #map1}, {transform_indices = #map1}]} {
    %mul3A = arith.constant 2 : i32
    %mul3A_0 = arith.muli %arg1, %mul3A : i32
    %add3A = arith.addi %mul3A_0, %arg0 : i32
    %iota3A = tpu.iota {dimensions = array<i32: 0>} : vector<16xi32>
    %add3A_1 = arith.constant 0 : i32
    %add3A_2 = vector.broadcast %add3A_1 : i32 to vector<16xi32>
    %add3A_3 = arith.addi %iota3A, %add3A_2 : vector<16xi32>
    %and3A = arith.constant 15 : i32
    %and3A_4 = vector.broadcast %and3A : i32 to vector<16xi32>
    %and3A_5 = arith.andi %add3A_3, %and3A_4 : vector<16xi32>
    %add3A_6 = arith.constant 1 : i32
    %add3A_7 = vector.broadcast %add3A_6 : i32 to vector<16xi32>
    %add3A_8 = arith.addi %iota3A, %add3A_7 : vector<16xi32>
    %and3A_9 = arith.constant 15 : i32
    %and3A_10 = vector.broadcast %and3A_9 : i32 to vector<16xi32>
    %and3A_11 = arith.andi %add3A_8, %and3A_10 : vector<16xi32>
    %add3A_12 = arith.constant 2 : i32
    %add3A_13 = vector.broadcast %add3A_12 : i32 to vector<16xi32>
    %add3A_14 = arith.addi %iota3A, %add3A_13 : vector<16xi32>
    %and3A_15 = arith.constant 15 : i32
    %and3A_16 = vector.broadcast %and3A_15 : i32 to vector<16xi32>
    %and3A_17 = arith.andi %add3A_14, %and3A_16 : vector<16xi32>
    %add3A_18 = arith.constant 3 : i32
    %add3A_19 = vector.broadcast %add3A_18 : i32 to vector<16xi32>
    %add3A_20 = arith.addi %iota3A, %add3A_19 : vector<16xi32>
    %and3A_21 = arith.constant 15 : i32
    %and3A_22 = vector.broadcast %and3A_21 : i32 to vector<16xi32>
    %and3A_23 = arith.andi %add3A_20, %and3A_22 : vector<16xi32>
    %add3A_24 = arith.constant 4 : i32
    %add3A_25 = vector.broadcast %add3A_24 : i32 to vector<16xi32>
    %add3A_26 = arith.addi %iota3A, %add3A_25 : vector<16xi32>
    %and3A_27 = arith.constant 15 : i32
    %and3A_28 = vector.broadcast %and3A_27 : i32 to vector<16xi32>
    %and3A_29 = arith.andi %add3A_26, %and3A_28 : vector<16xi32>
    %add3A_30 = arith.constant 5 : i32
    %add3A_31 = vector.broadcast %add3A_30 : i32 to vector<16xi32>
    %add3A_32 = arith.addi %iota3A, %add3A_31 : vector<16xi32>
    %and3A_33 = arith.constant 15 : i32
    %and3A_34 = vector.broadcast %and3A_33 : i32 to vector<16xi32>
    %and3A_35 = arith.andi %add3A_32, %and3A_34 : vector<16xi32>
    %add3A_36 = arith.constant 6 : i32
    %add3A_37 = vector.broadcast %add3A_36 : i32 to vector<16xi32>
    %add3A_38 = arith.addi %iota3A, %add3A_37 : vector<16xi32>
    %and3A_39 = arith.constant 15 : i32
    %and3A_40 = vector.broadcast %and3A_39 : i32 to vector<16xi32>
    %and3A_41 = arith.andi %add3A_38, %and3A_40 : vector<16xi32>
    %add3A_42 = arith.constant 7 : i32
    %add3A_43 = vector.broadcast %add3A_42 : i32 to vector<16xi32>
    %add3A_44 = arith.addi %iota3A, %add3A_43 : vector<16xi32>
    %and3A_45 = arith.constant 15 : i32
    %and3A_46 = vector.broadcast %and3A_45 : i32 to vector<16xi32>
    %and3A_47 = arith.andi %add3A_44, %and3A_46 : vector<16xi32>
    %add3A_48 = arith.constant 8 : i32
    %add3A_49 = vector.broadcast %add3A_48 : i32 to vector<16xi32>
    %add3A_50 = arith.addi %iota3A, %add3A_49 : vector<16xi32>
    %and3A_51 = arith.constant 15 : i32
    %and3A_52 = vector.broadcast %and3A_51 : i32 to vector<16xi32>
    %and3A_53 = arith.andi %add3A_50, %and3A_52 : vector<16xi32>
    %add3A_54 = arith.constant 9 : i32
    %add3A_55 = vector.broadcast %add3A_54 : i32 to vector<16xi32>
    %add3A_56 = arith.addi %iota3A, %add3A_55 : vector<16xi32>
    %and3A_57 = arith.constant 15 : i32
    %and3A_58 = vector.broadcast %and3A_57 : i32 to vector<16xi32>
    %and3A_59 = arith.andi %add3A_56, %and3A_58 : vector<16xi32>
    %add3A_60 = arith.constant 10 : i32
    %add3A_61 = vector.broadcast %add3A_60 : i32 to vector<16xi32>
    %add3A_62 = arith.addi %iota3A, %add3A_61 : vector<16xi32>
    %and3A_63 = arith.constant 15 : i32
    %and3A_64 = vector.broadcast %and3A_63 : i32 to vector<16xi32>
    %and3A_65 = arith.andi %add3A_62, %and3A_64 : vector<16xi32>
    %add3A_66 = arith.constant 11 : i32
    %add3A_67 = vector.broadcast %add3A_66 : i32 to vector<16xi32>
    %add3A_68 = arith.addi %iota3A, %add3A_67 : vector<16xi32>
    %and3A_69 = arith.constant 15 : i32
    %and3A_70 = vector.broadcast %and3A_69 : i32 to vector<16xi32>
    %and3A_71 = arith.andi %add3A_68, %and3A_70 : vector<16xi32>
    %add3A_72 = arith.constant 12 : i32
    %add3A_73 = vector.broadcast %add3A_72 : i32 to vector<16xi32>
    %add3A_74 = arith.addi %iota3A, %add3A_73 : vector<16xi32>
    %and3A_75 = arith.constant 15 : i32
    %and3A_76 = vector.broadcast %and3A_75 : i32 to vector<16xi32>
    %and3A_77 = arith.andi %add3A_74, %and3A_76 : vector<16xi32>
    %add3A_78 = arith.constant 13 : i32
    %add3A_79 = vector.broadcast %add3A_78 : i32 to vector<16xi32>
    %add3A_80 = arith.addi %iota3A, %add3A_79 : vector<16xi32>
    %and3A_81 = arith.constant 15 : i32
    %and3A_82 = vector.broadcast %and3A_81 : i32 to vector<16xi32>
    %and3A_83 = arith.andi %add3A_80, %and3A_82 : vector<16xi32>
    %add3A_84 = arith.constant 14 : i32
    %add3A_85 = vector.broadcast %add3A_84 : i32 to vector<16xi32>
    %add3A_86 = arith.addi %iota3A, %add3A_85 : vector<16xi32>
    %and3A_87 = arith.constant 15 : i32
    %and3A_88 = vector.broadcast %and3A_87 : i32 to vector<16xi32>
    %and3A_89 = arith.andi %add3A_86, %and3A_88 : vector<16xi32>
    %add3A_90 = arith.constant 15 : i32
    %add3A_91 = vector.broadcast %add3A_90 : i32 to vector<16xi32>
    %add3A_92 = arith.addi %iota3A, %add3A_91 : vector<16xi32>
    %and3A_93 = arith.constant 15 : i32
    %and3A_94 = vector.broadcast %and3A_93 : i32 to vector<16xi32>
    %and3A_95 = arith.andi %add3A_92, %and3A_94 : vector<16xi32>
    %shift_left3A = arith.constant 5 : i32
    %shift_left3A_96 = vector.broadcast %shift_left3A : i32 to vector<16xi32>
    %shift_left3A_97 = arith.shli %and3A_5, %shift_left3A_96 : vector<16xi32>
    %shift_left3A_98 = arith.constant 5 : i32
    %shift_left3A_99 = vector.broadcast %shift_left3A_98 : i32 to vector<16xi32>
    %shift_left3A_100 = arith.shli %and3A_11, %shift_left3A_99 : vector<16xi32>
    %shift_left3A_101 = arith.constant 5 : i32
    %shift_left3A_102 = vector.broadcast %shift_left3A_101 : i32 to vector<16xi32>
    %shift_left3A_103 = arith.shli %and3A_17, %shift_left3A_102 : vector<16xi32>
    %shift_left3A_104 = arith.constant 5 : i32
    %shift_left3A_105 = vector.broadcast %shift_left3A_104 : i32 to vector<16xi32>
    %shift_left3A_106 = arith.shli %and3A_23, %shift_left3A_105 : vector<16xi32>
    %shift_left3A_107 = arith.constant 5 : i32
    %shift_left3A_108 = vector.broadcast %shift_left3A_107 : i32 to vector<16xi32>
    %shift_left3A_109 = arith.shli %and3A_29, %shift_left3A_108 : vector<16xi32>
    %shift_left3A_110 = arith.constant 5 : i32
    %shift_left3A_111 = vector.broadcast %shift_left3A_110 : i32 to vector<16xi32>
    %shift_left3A_112 = arith.shli %and3A_35, %shift_left3A_111 : vector<16xi32>
    %shift_left3A_113 = arith.constant 5 : i32
    %shift_left3A_114 = vector.broadcast %shift_left3A_113 : i32 to vector<16xi32>
    %shift_left3A_115 = arith.shli %and3A_41, %shift_left3A_114 : vector<16xi32>
    %shift_left3A_116 = arith.constant 5 : i32
    %shift_left3A_117 = vector.broadcast %shift_left3A_116 : i32 to vector<16xi32>
    %shift_left3A_118 = arith.shli %and3A_47, %shift_left3A_117 : vector<16xi32>
    %shift_left3A_119 = arith.constant 5 : i32
    %shift_left3A_120 = vector.broadcast %shift_left3A_119 : i32 to vector<16xi32>
    %shift_left3A_121 = arith.shli %and3A_53, %shift_left3A_120 : vector<16xi32>
    %shift_left3A_122 = arith.constant 5 : i32
    %shift_left3A_123 = vector.broadcast %shift_left3A_122 : i32 to vector<16xi32>
    %shift_left3A_124 = arith.shli %and3A_59, %shift_left3A_123 : vector<16xi32>
    %shift_left3A_125 = arith.constant 5 : i32
    %shift_left3A_126 = vector.broadcast %shift_left3A_125 : i32 to vector<16xi32>
    %shift_left3A_127 = arith.shli %and3A_65, %shift_left3A_126 : vector<16xi32>
    %shift_left3A_128 = arith.constant 5 : i32
    %shift_left3A_129 = vector.broadcast %shift_left3A_128 : i32 to vector<16xi32>
    %shift_left3A_130 = arith.shli %and3A_71, %shift_left3A_129 : vector<16xi32>
    %shift_left3A_131 = arith.constant 5 : i32
    %shift_left3A_132 = vector.broadcast %shift_left3A_131 : i32 to vector<16xi32>
    %shift_left3A_133 = arith.shli %and3A_77, %shift_left3A_132 : vector<16xi32>
    %shift_left3A_134 = arith.constant 5 : i32
    %shift_left3A_135 = vector.broadcast %shift_left3A_134 : i32 to vector<16xi32>
    %shift_left3A_136 = arith.shli %and3A_83, %shift_left3A_135 : vector<16xi32>
    %shift_left3A_137 = arith.constant 5 : i32
    %shift_left3A_138 = vector.broadcast %shift_left3A_137 : i32 to vector<16xi32>
    %shift_left3A_139 = arith.shli %and3A_89, %shift_left3A_138 : vector<16xi32>
    %shift_left3A_140 = arith.constant 5 : i32
    %shift_left3A_141 = vector.broadcast %shift_left3A_140 : i32 to vector<16xi32>
    %shift_left3A_142 = arith.shli %and3A_95, %shift_left3A_141 : vector<16xi32>
    %mul3A_143 = arith.constant 512 : i32
    %mul3A_144 = arith.muli %add3A, %mul3A_143 : i32
    %multiple_of3A = tpu.assume_multiple %mul3A_144, 512 : i32
    %dma_start3A = arith.constant 0 : i32
    %dma_start3A_145 = tpu.memref_slice %arg2[%dma_start3A, %multiple_of3A] : memref<32x1000000xf32, #tpu.memory_space<hbm>> -> memref<32x512xf32, #tpu.memory_space<hbm>>
    %dma_start3A_146 = arith.constant 0 : i32
    %dma_start3A_147 = tpu.memref_slice %arg2[%dma_start3A_146, %multiple_of3A] : memref<32x1000000xf32, #tpu.memory_space<hbm>> -> memref<32x512xf32, #tpu.memory_space<hbm>>
    tpu.enqueue_dma source(%dma_start3A_147 : memref<32x512xf32, #tpu.memory_space<hbm>>) target(%arg5 : memref<32x512xf32, #tpu.memory_space<vmem>>) target_semaphore(%arg10 : memref<!tpu.dma_semaphore, #tpu.memory_space<semaphore_mem>>)
    %scan3A = arith.constant 0 : i32
    %scan3A_148 = arith.constant 0 : i32
    %scan3A_149 = arith.constant 31 : i32
    %scan3A_150 = arith.addi %scan3A_148, %scan3A_149 : i32
    %scan3A_151 = arith.constant 1 : i32
    %scan3A_152 = scf.for %scan3A_163 = %scan3A_148 to %scan3A_150 step %scan3A_151 iter_args(%scan3A_164 = %scan3A) -> (i32)  : i32 {
      %mul3A_165 = arith.constant 2 : i32
      %mul3A_166 = arith.muli %scan3A_163, %mul3A_165 : i32
      %add3A_167 = arith.constant 0 : i32
      %add3A_168 = arith.addi %mul3A_166, %add3A_167 : i32
      %mul3A_169 = arith.constant 32 : i32
      %mul3A_170 = arith.muli %add3A_168, %mul3A_169 : i32
      %add3A_171 = arith.addi %mul3A_170, %add3A : i32
      %add3A_172 = arith.constant 32 : i32
      %add3A_173 = arith.addi %add3A_171, %add3A_172 : i32
      %lt3A = arith.constant 1953 : i32
      %lt3A_174 = arith.cmpi slt, %add3A_173, %lt3A : i32
      %convert_element_type3A_175 = arith.extui %lt3A_174 : i1 to i32
      %cond3A_176 = arith.constant 0 : i32
      %cond3A_177 = arith.cmpi ne, %convert_element_type3A_175, %cond3A_176 : i32
      scf.if %cond3A_177 {
        %mul3A_203 = arith.constant 512 : i32
        %mul3A_204 = arith.muli %add3A_173, %mul3A_203 : i32
        %multiple_of3A_205 = tpu.assume_multiple %mul3A_204, 512 : i32
        %dma_start3A_206 = arith.constant 0 : i32
        %dma_start3A_207 = tpu.memref_slice %arg2[%dma_start3A_206, %multiple_of3A_205] : memref<32x1000000xf32, #tpu.memory_space<hbm>> -> memref<32x512xf32, #tpu.memory_space<hbm>>
        %dma_start3A_208 = arith.constant 0 : i32
        %dma_start3A_209 = tpu.memref_slice %arg2[%dma_start3A_208, %multiple_of3A_205] : memref<32x1000000xf32, #tpu.memory_space<hbm>> -> memref<32x512xf32, #tpu.memory_space<hbm>>
        tpu.enqueue_dma source(%dma_start3A_209 : memref<32x512xf32, #tpu.memory_space<hbm>>) target(%arg6 : memref<32x512xf32, #tpu.memory_space<vmem>>) target_semaphore(%arg10 : memref<!tpu.dma_semaphore, #tpu.memory_space<semaphore_mem>>)
      } else {
      }
      %lt3A_178 = arith.constant 1953 : i32
      %lt3A_179 = arith.cmpi slt, %add3A_171, %lt3A_178 : i32
      %convert_element_type3A_180 = arith.extui %lt3A_179 : i1 to i32
      %cond3A_181 = arith.constant 0 : i32
      %cond3A_182 = arith.cmpi ne, %convert_element_type3A_180, %cond3A_181 : i32
      scf.if %cond3A_182 {
        %dma_wait3A_203 = arith.constant 0 : i32
        %dma_wait3A_204 = arith.constant 0 : i32
        %dma_wait3A_205 = tpu.memref_slice %arg2[%dma_wait3A_203, %dma_wait3A_204] : memref<32x1000000xf32, #tpu.memory_space<hbm>> -> memref<32x512xf32, #tpu.memory_space<hbm>>
        %dma_wait3A_206 = arith.constant 0 : i32
        %dma_wait3A_207 = arith.constant 0 : i32
        %dma_wait3A_208 = tpu.memref_slice %arg2[%dma_wait3A_206, %dma_wait3A_207] : memref<32x1000000xf32, #tpu.memory_space<hbm>> -> memref<32x512xf32, #tpu.memory_space<hbm>>
        tpu.wait_dma2 semaphore(%arg10 : memref<!tpu.dma_semaphore, #tpu.memory_space<semaphore_mem>>) src(%dma_wait3A_208 : memref<32x512xf32, #tpu.memory_space<hbm>>) dst(%arg5 : memref<32x512xf32, #tpu.memory_space<vmem>>)
        %ge3A = arith.constant 2 : i32
        %ge3A_209 = arith.cmpi sge, %add3A_168, %ge3A : i32
        %convert_element_type3A_210 = arith.extui %ge3A_209 : i1 to i32
        %cond3A_211 = arith.constant 0 : i32
        %cond3A_212 = arith.cmpi ne, %convert_element_type3A_210, %cond3A_211 : i32
        scf.if %cond3A_212 {
          %dma_wait3A_225 = arith.constant 0 : i32
          %dma_wait3A_226 = tpu.memref_slice %arg4[%dma_wait3A_225] : memref<32000000xf32, #tpu.memory_space<hbm>> -> memref<16384xf32, #tpu.memory_space<hbm>>
          %dma_wait3A_227 = arith.constant 0 : i32
          %dma_wait3A_228 = tpu.memref_slice %arg4[%dma_wait3A_227] : memref<32000000xf32, #tpu.memory_space<hbm>> -> memref<16384xf32, #tpu.memory_space<hbm>>
          tpu.wait_dma2 semaphore(%arg11 : memref<!tpu.dma_semaphore, #tpu.memory_space<semaphore_mem>>) src(%dma_wait3A_228 : memref<16384xf32, #tpu.memory_space<hbm>>) dst(%arg7 : memref<16384xf32, #tpu.memory_space<vmem>>)
        } else {
        }
        %scan3A_213 = arith.constant 0 : i32
        %scan3A_214 = arith.constant 0 : i32
        %scan3A_215 = arith.constant 32 : i32
        %scan3A_216 = arith.addi %scan3A_214, %scan3A_215 : i32
        %scan3A_217 = arith.constant 1 : i32
        %scan3A_218 = scf.for %scan3A_225 = %scan3A_214 to %scan3A_216 step %scan3A_217 iter_args(%scan3A_226 = %scan3A_213) -> (i32)  : i32 {
          %mul3A_227 = arith.constant 16 : i32
          %mul3A_228 = arith.muli %mul3A_227, %scan3A_225 : i32
          %broadcast_in_dim3A = vector.broadcast %mul3A_228 : i32 to vector<16xi32>
          %mul3A_229 = arith.constant 512 : i32
          %mul3A_230 = arith.muli %mul3A_229, %scan3A_225 : i32
          %broadcast_in_dim3A_231 = vector.broadcast %mul3A_230 : i32 to vector<16xi32>
          %add3A_232 = arith.constant 0 : i32
          %add3A_233 = vector.broadcast %add3A_232 : i32 to vector<16xi32>
          %add3A_234 = arith.addi %iota3A, %add3A_233 : vector<16xi32>
          %add3A_235 = arith.addi %broadcast_in_dim3A_231, %add3A_234 : vector<16xi32>
          %add3A_236 = arith.addi %broadcast_in_dim3A, %and3A_5 : vector<16xi32>
          %gather3A = tpu.vector_load_idx %arg5[%add3A_234, %add3A_236] : memref<32x512xf32, #tpu.memory_space<vmem>>[vector<16xi32>, vector<16xi32>], vector<16xf32>,
          %add3A_237 = arith.addi %broadcast_in_dim3A, %and3A_11 : vector<16xi32>
          %gather3A_238 = tpu.vector_load_idx %arg5[%add3A_234, %add3A_237] : memref<32x512xf32, #tpu.memory_space<vmem>>[vector<16xi32>, vector<16xi32>], vector<16xf32>,
          %add3A_239 = arith.addi %broadcast_in_dim3A, %and3A_17 : vector<16xi32>
          %gather3A_240 = tpu.vector_load_idx %arg5[%add3A_234, %add3A_239] : memref<32x512xf32, #tpu.memory_space<vmem>>[vector<16xi32>, vector<16xi32>], vector<16xf32>,
          %add3A_241 = arith.addi %broadcast_in_dim3A, %and3A_23 : vector<16xi32>
          %gather3A_242 = tpu.vector_load_idx %arg5[%add3A_234, %add3A_241] : memref<32x512xf32, #tpu.memory_space<vmem>>[vector<16xi32>, vector<16xi32>], vector<16xf32>,
          %add3A_243 = arith.addi %broadcast_in_dim3A, %and3A_29 : vector<16xi32>
          %gather3A_244 = tpu.vector_load_idx %arg5[%add3A_234, %add3A_243] : memref<32x512xf32, #tpu.memory_space<vmem>>[vector<16xi32>, vector<16xi32>], vector<16xf32>,
          %add3A_245 = arith.addi %broadcast_in_dim3A, %and3A_35 : vector<16xi32>
          %gather3A_246 = tpu.vector_load_idx %arg5[%add3A_234, %add3A_245] : memref<32x512xf32, #tpu.memory_space<vmem>>[vector<16xi32>, vector<16xi32>], vector<16xf32>,
          %add3A_247 = arith.addi %broadcast_in_dim3A, %and3A_41 : vector<16xi32>
          %gather3A_248 = tpu.vector_load_idx %arg5[%add3A_234, %add3A_247] : memref<32x512xf32, #tpu.memory_space<vmem>>[vector<16xi32>, vector<16xi32>], vector<16xf32>,
          %add3A_249 = arith.addi %broadcast_in_dim3A, %and3A_47 : vector<16xi32>
          %gather3A_250 = tpu.vector_load_idx %arg5[%add3A_234, %add3A_249] : memref<32x512xf32, #tpu.memory_space<vmem>>[vector<16xi32>, vector<16xi32>], vector<16xf32>,
          %add3A_251 = arith.addi %add3A_235, %shift_left3A_97 : vector<16xi32>
          tpu.vector_store_idx %arg7[%add3A_251], %gather3A : memref<16384xf32, #tpu.memory_space<vmem>>[vector<16xi32>], vector<16xf32>,
          %add3A_252 = arith.addi %add3A_235, %shift_left3A_100 : vector<16xi32>
          tpu.vector_store_idx %arg7[%add3A_252], %gather3A_238 : memref<16384xf32, #tpu.memory_space<vmem>>[vector<16xi32>], vector<16xf32>,
          %add3A_253 = arith.addi %add3A_235, %shift_left3A_103 : vector<16xi32>
          tpu.vector_store_idx %arg7[%add3A_253], %gather3A_240 : memref<16384xf32, #tpu.memory_space<vmem>>[vector<16xi32>], vector<16xf32>,
          %add3A_254 = arith.addi %add3A_235, %shift_left3A_106 : vector<16xi32>
          tpu.vector_store_idx %arg7[%add3A_254], %gather3A_242 : memref<16384xf32, #tpu.memory_space<vmem>>[vector<16xi32>], vector<16xf32>,
          %add3A_255 = arith.addi %add3A_235, %shift_left3A_109 : vector<16xi32>
          tpu.vector_store_idx %arg7[%add3A_255], %gather3A_244 : memref<16384xf32, #tpu.memory_space<vmem>>[vector<16xi32>], vector<16xf32>,
          %add3A_256 = arith.addi %add3A_235, %shift_left3A_112 : vector<16xi32>
          tpu.vector_store_idx %arg7[%add3A_256], %gather3A_246 : memref<16384xf32, #tpu.memory_space<vmem>>[vector<16xi32>], vector<16xf32>,
          %add3A_257 = arith.addi %add3A_235, %shift_left3A_115 : vector<16xi32>
          tpu.vector_store_idx %arg7[%add3A_257], %gather3A_248 : memref<16384xf32, #tpu.memory_space<vmem>>[vector<16xi32>], vector<16xf32>,
          %add3A_258 = arith.addi %add3A_235, %shift_left3A_118 : vector<16xi32>
          tpu.vector_store_idx %arg7[%add3A_258], %gather3A_250 : memref<16384xf32, #tpu.memory_space<vmem>>[vector<16xi32>], vector<16xf32>,
          %add3A_259 = arith.addi %broadcast_in_dim3A, %and3A_53 : vector<16xi32>
          %gather3A_260 = tpu.vector_load_idx %arg5[%add3A_234, %add3A_259] : memref<32x512xf32, #tpu.memory_space<vmem>>[vector<16xi32>, vector<16xi32>], vector<16xf32>,
          %add3A_261 = arith.addi %broadcast_in_dim3A, %and3A_59 : vector<16xi32>
          %gather3A_262 = tpu.vector_load_idx %arg5[%add3A_234, %add3A_261] : memref<32x512xf32, #tpu.memory_space<vmem>>[vector<16xi32>, vector<16xi32>], vector<16xf32>,
          %add3A_263 = arith.addi %broadcast_in_dim3A, %and3A_65 : vector<16xi32>
          %gather3A_264 = tpu.vector_load_idx %arg5[%add3A_234, %add3A_263] : memref<32x512xf32, #tpu.memory_space<vmem>>[vector<16xi32>, vector<16xi32>], vector<16xf32>,
          %add3A_265 = arith.addi %broadcast_in_dim3A, %and3A_71 : vector<16xi32>
          %gather3A_266 = tpu.vector_load_idx %arg5[%add3A_234, %add3A_265] : memref<32x512xf32, #tpu.memory_space<vmem>>[vector<16xi32>, vector<16xi32>], vector<16xf32>,
          %add3A_267 = arith.addi %broadcast_in_dim3A, %and3A_77 : vector<16xi32>
          %gather3A_268 = tpu.vector_load_idx %arg5[%add3A_234, %add3A_267] : memref<32x512xf32, #tpu.memory_space<vmem>>[vector<16xi32>, vector<16xi32>], vector<16xf32>,
          %add3A_269 = arith.addi %broadcast_in_dim3A, %and3A_83 : vector<16xi32>
          %gather3A_270 = tpu.vector_load_idx %arg5[%add3A_234, %add3A_269] : memref<32x512xf32, #tpu.memory_space<vmem>>[vector<16xi32>, vector<16xi32>], vector<16xf32>,
          %add3A_271 = arith.addi %broadcast_in_dim3A, %and3A_89 : vector<16xi32>
          %gather3A_272 = tpu.vector_load_idx %arg5[%add3A_234, %add3A_271] : memref<32x512xf32, #tpu.memory_space<vmem>>[vector<16xi32>, vector<16xi32>], vector<16xf32>,
          %add3A_273 = arith.addi %broadcast_in_dim3A, %and3A_95 : vector<16xi32>
          %gather3A_274 = tpu.vector_load_idx %arg5[%add3A_234, %add3A_273] : memref<32x512xf32, #tpu.memory_space<vmem>>[vector<16xi32>, vector<16xi32>], vector<16xf32>,
          %add3A_275 = arith.addi %add3A_235, %shift_left3A_121 : vector<16xi32>
          tpu.vector_store_idx %arg7[%add3A_275], %gather3A_260 : memref<16384xf32, #tpu.memory_space<vmem>>[vector<16xi32>], vector<16xf32>,
          %add3A_276 = arith.addi %add3A_235, %shift_left3A_124 : vector<16xi32>
          tpu.vector_store_idx %arg7[%add3A_276], %gather3A_262 : memref<16384xf32, #tpu.memory_space<vmem>>[vector<16xi32>], vector<16xf32>,
          %add3A_277 = arith.addi %add3A_235, %shift_left3A_127 : vector<16xi32>
          tpu.vector_store_idx %arg7[%add3A_277], %gather3A_264 : memref<16384xf32, #tpu.memory_space<vmem>>[vector<16xi32>], vector<16xf32>,
          %add3A_278 = arith.addi %add3A_235, %shift_left3A_130 : vector<16xi32>
          tpu.vector_store_idx %arg7[%add3A_278], %gather3A_266 : memref<16384xf32, #tpu.memory_space<vmem>>[vector<16xi32>], vector<16xf32>,
          %add3A_279 = arith.addi %add3A_235, %shift_left3A_133 : vector<16xi32>
          tpu.vector_store_idx %arg7[%add3A_279], %gather3A_268 : memref<16384xf32, #tpu.memory_space<vmem>>[vector<16xi32>], vector<16xf32>,
          %add3A_280 = arith.addi %add3A_235, %shift_left3A_136 : vector<16xi32>
          tpu.vector_store_idx %arg7[%add3A_280], %gather3A_270 : memref<16384xf32, #tpu.memory_space<vmem>>[vector<16xi32>], vector<16xf32>,
          %add3A_281 = arith.addi %add3A_235, %shift_left3A_139 : vector<16xi32>
          tpu.vector_store_idx %arg7[%add3A_281], %gather3A_272 : memref<16384xf32, #tpu.memory_space<vmem>>[vector<16xi32>], vector<16xf32>,
          %add3A_282 = arith.addi %add3A_235, %shift_left3A_142 : vector<16xi32>
          tpu.vector_store_idx %arg7[%add3A_282], %gather3A_274 : memref<16384xf32, #tpu.memory_space<vmem>>[vector<16xi32>], vector<16xf32>,
          %add3A_283 = arith.constant 16 : i32
          %add3A_284 = vector.broadcast %add3A_283 : i32 to vector<16xi32>
          %add3A_285 = arith.addi %iota3A, %add3A_284 : vector<16xi32>
          %add3A_286 = arith.addi %broadcast_in_dim3A_231, %add3A_285 : vector<16xi32>
          %add3A_287 = arith.addi %broadcast_in_dim3A, %and3A_5 : vector<16xi32>
          %gather3A_288 = tpu.vector_load_idx %arg5[%add3A_285, %add3A_287] : memref<32x512xf32, #tpu.memory_space<vmem>>[vector<16xi32>, vector<16xi32>], vector<16xf32>,
          %add3A_289 = arith.addi %broadcast_in_dim3A, %and3A_11 : vector<16xi32>
          %gather3A_290 = tpu.vector_load_idx %arg5[%add3A_285, %add3A_289] : memref<32x512xf32, #tpu.memory_space<vmem>>[vector<16xi32>, vector<16xi32>], vector<16xf32>,
          %add3A_291 = arith.addi %broadcast_in_dim3A, %and3A_17 : vector<16xi32>
          %gather3A_292 = tpu.vector_load_idx %arg5[%add3A_285, %add3A_291] : memref<32x512xf32, #tpu.memory_space<vmem>>[vector<16xi32>, vector<16xi32>], vector<16xf32>,
          %add3A_293 = arith.addi %broadcast_in_dim3A, %and3A_23 : vector<16xi32>
          %gather3A_294 = tpu.vector_load_idx %arg5[%add3A_285, %add3A_293] : memref<32x512xf32, #tpu.memory_space<vmem>>[vector<16xi32>, vector<16xi32>], vector<16xf32>,
          %add3A_295 = arith.addi %broadcast_in_dim3A, %and3A_29 : vector<16xi32>
          %gather3A_296 = tpu.vector_load_idx %arg5[%add3A_285, %add3A_295] : memref<32x512xf32, #tpu.memory_space<vmem>>[vector<16xi32>, vector<16xi32>], vector<16xf32>,
          %add3A_297 = arith.addi %broadcast_in_dim3A, %and3A_35 : vector<16xi32>
          %gather3A_298 = tpu.vector_load_idx %arg5[%add3A_285, %add3A_297] : memref<32x512xf32, #tpu.memory_space<vmem>>[vector<16xi32>, vector<16xi32>], vector<16xf32>,
          %add3A_299 = arith.addi %broadcast_in_dim3A, %and3A_41 : vector<16xi32>
          %gather3A_300 = tpu.vector_load_idx %arg5[%add3A_285, %add3A_299] : memref<32x512xf32, #tpu.memory_space<vmem>>[vector<16xi32>, vector<16xi32>], vector<16xf32>,
          %add3A_301 = arith.addi %broadcast_in_dim3A, %and3A_47 : vector<16xi32>
          %gather3A_302 = tpu.vector_load_idx %arg5[%add3A_285, %add3A_301] : memref<32x512xf32, #tpu.memory_space<vmem>>[vector<16xi32>, vector<16xi32>], vector<16xf32>,
          %add3A_303 = arith.addi %add3A_286, %shift_left3A_97 : vector<16xi32>
          tpu.vector_store_idx %arg7[%add3A_303], %gather3A_288 : memref<16384xf32, #tpu.memory_space<vmem>>[vector<16xi32>], vector<16xf32>,
          %add3A_304 = arith.addi %add3A_286, %shift_left3A_100 : vector<16xi32>
          tpu.vector_store_idx %arg7[%add3A_304], %gather3A_290 : memref<16384xf32, #tpu.memory_space<vmem>>[vector<16xi32>], vector<16xf32>,
          %add3A_305 = arith.addi %add3A_286, %shift_left3A_103 : vector<16xi32>
          tpu.vector_store_idx %arg7[%add3A_305], %gather3A_292 : memref<16384xf32, #tpu.memory_space<vmem>>[vector<16xi32>], vector<16xf32>,
          %add3A_306 = arith.addi %add3A_286, %shift_left3A_106 : vector<16xi32>
          tpu.vector_store_idx %arg7[%add3A_306], %gather3A_294 : memref<16384xf32, #tpu.memory_space<vmem>>[vector<16xi32>], vector<16xf32>,
          %add3A_307 = arith.addi %add3A_286, %shift_left3A_109 : vector<16xi32>
          tpu.vector_store_idx %arg7[%add3A_307], %gather3A_296 : memref<16384xf32, #tpu.memory_space<vmem>>[vector<16xi32>], vector<16xf32>,
          %add3A_308 = arith.addi %add3A_286, %shift_left3A_112 : vector<16xi32>
          tpu.vector_store_idx %arg7[%add3A_308], %gather3A_298 : memref<16384xf32, #tpu.memory_space<vmem>>[vector<16xi32>], vector<16xf32>,
          %add3A_309 = arith.addi %add3A_286, %shift_left3A_115 : vector<16xi32>
          tpu.vector_store_idx %arg7[%add3A_309], %gather3A_300 : memref<16384xf32, #tpu.memory_space<vmem>>[vector<16xi32>], vector<16xf32>,
          %add3A_310 = arith.addi %add3A_286, %shift_left3A_118 : vector<16xi32>
          tpu.vector_store_idx %arg7[%add3A_310], %gather3A_302 : memref<16384xf32, #tpu.memory_space<vmem>>[vector<16xi32>], vector<16xf32>,
          %add3A_311 = arith.addi %broadcast_in_dim3A, %and3A_53 : vector<16xi32>
          %gather3A_312 = tpu.vector_load_idx %arg5[%add3A_285, %add3A_311] : memref<32x512xf32, #tpu.memory_space<vmem>>[vector<16xi32>, vector<16xi32>], vector<16xf32>,
          %add3A_313 = arith.addi %broadcast_in_dim3A, %and3A_59 : vector<16xi32>
          %gather3A_314 = tpu.vector_load_idx %arg5[%add3A_285, %add3A_313] : memref<32x512xf32, #tpu.memory_space<vmem>>[vector<16xi32>, vector<16xi32>], vector<16xf32>,
          %add3A_315 = arith.addi %broadcast_in_dim3A, %and3A_65 : vector<16xi32>
          %gather3A_316 = tpu.vector_load_idx %arg5[%add3A_285, %add3A_315] : memref<32x512xf32, #tpu.memory_space<vmem>>[vector<16xi32>, vector<16xi32>], vector<16xf32>,
          %add3A_317 = arith.addi %broadcast_in_dim3A, %and3A_71 : vector<16xi32>
          %gather3A_318 = tpu.vector_load_idx %arg5[%add3A_285, %add3A_317] : memref<32x512xf32, #tpu.memory_space<vmem>>[vector<16xi32>, vector<16xi32>], vector<16xf32>,
          %add3A_319 = arith.addi %broadcast_in_dim3A, %and3A_77 : vector<16xi32>
          %gather3A_320 = tpu.vector_load_idx %arg5[%add3A_285, %add3A_319] : memref<32x512xf32, #tpu.memory_space<vmem>>[vector<16xi32>, vector<16xi32>], vector<16xf32>,
          %add3A_321 = arith.addi %broadcast_in_dim3A, %and3A_83 : vector<16xi32>
          %gather3A_322 = tpu.vector_load_idx %arg5[%add3A_285, %add3A_321] : memref<32x512xf32, #tpu.memory_space<vmem>>[vector<16xi32>, vector<16xi32>], vector<16xf32>,
          %add3A_323 = arith.addi %broadcast_in_dim3A, %and3A_89 : vector<16xi32>
          %gather3A_324 = tpu.vector_load_idx %arg5[%add3A_285, %add3A_323] : memref<32x512xf32, #tpu.memory_space<vmem>>[vector<16xi32>, vector<16xi32>], vector<16xf32>,
          %add3A_325 = arith.addi %broadcast_in_dim3A, %and3A_95 : vector<16xi32>
          %gather3A_326 = tpu.vector_load_idx %arg5[%add3A_285, %add3A_325] : memref<32x512xf32, #tpu.memory_space<vmem>>[vector<16xi32>, vector<16xi32>], vector<16xf32>,
          %add3A_327 = arith.addi %add3A_286, %shift_left3A_121 : vector<16xi32>
          tpu.vector_store_idx %arg7[%add3A_327], %gather3A_312 : memref<16384xf32, #tpu.memory_space<vmem>>[vector<16xi32>], vector<16xf32>,
          %add3A_328 = arith.addi %add3A_286, %shift_left3A_124 : vector<16xi32>
          tpu.vector_store_idx %arg7[%add3A_328], %gather3A_314 : memref<16384xf32, #tpu.memory_space<vmem>>[vector<16xi32>], vector<16xf32>,
          %add3A_329 = arith.addi %add3A_286, %shift_left3A_127 : vector<16xi32>
          tpu.vector_store_idx %arg7[%add3A_329], %gather3A_316 : memref<16384xf32, #tpu.memory_space<vmem>>[vector<16xi32>], vector<16xf32>,
          %add3A_330 = arith.addi %add3A_286, %shift_left3A_130 : vector<16xi32>
          tpu.vector_store_idx %arg7[%add3A_330], %gather3A_318 : memref<16384xf32, #tpu.memory_space<vmem>>[vector<16xi32>], vector<16xf32>,
          %add3A_331 = arith.addi %add3A_286, %shift_left3A_133 : vector<16xi32>
          tpu.vector_store_idx %arg7[%add3A_331], %gather3A_320 : memref<16384xf32, #tpu.memory_space<vmem>>[vector<16xi32>], vector<16xf32>,
          %add3A_332 = arith.addi %add3A_286, %shift_left3A_136 : vector<16xi32>
          tpu.vector_store_idx %arg7[%add3A_332], %gather3A_322 : memref<16384xf32, #tpu.memory_space<vmem>>[vector<16xi32>], vector<16xf32>,
          %add3A_333 = arith.addi %add3A_286, %shift_left3A_139 : vector<16xi32>
          tpu.vector_store_idx %arg7[%add3A_333], %gather3A_324 : memref<16384xf32, #tpu.memory_space<vmem>>[vector<16xi32>], vector<16xf32>,
          %add3A_334 = arith.addi %add3A_286, %shift_left3A_142 : vector<16xi32>
          tpu.vector_store_idx %arg7[%add3A_334], %gather3A_326 : memref<16384xf32, #tpu.memory_space<vmem>>[vector<16xi32>], vector<16xf32>,
          %scan3A_335 = arith.constant 0 : i32
          scf.yield %scan3A_335 : i32
        }
        %scan3A_219 = arith.constant 32 : i32
        %mul3A_220 = arith.constant 16384 : i32
        %mul3A_221 = arith.muli %add3A_171, %mul3A_220 : i32
        %multiple_of3A_222 = tpu.assume_multiple %mul3A_221, 16384 : i32
        %dma_start3A_223 = tpu.memref_slice %arg4[%multiple_of3A_222] : memref<32000000xf32, #tpu.memory_space<hbm>> -> memref<16384xf32, #tpu.memory_space<hbm>>
        %dma_start3A_224 = tpu.memref_slice %arg4[%multiple_of3A_222] : memref<32000000xf32, #tpu.memory_space<hbm>> -> memref<16384xf32, #tpu.memory_space<hbm>>
        tpu.enqueue_dma source(%arg7 : memref<16384xf32, #tpu.memory_space<vmem>>) target(%dma_start3A_224 : memref<16384xf32, #tpu.memory_space<hbm>>) target_semaphore(%arg11 : memref<!tpu.dma_semaphore, #tpu.memory_space<semaphore_mem>>)
      } else {
      }
      %mul3A_183 = arith.constant 2 : i32
      %mul3A_184 = arith.muli %scan3A_163, %mul3A_183 : i32
      %add3A_185 = arith.constant 1 : i32
      %add3A_186 = arith.addi %mul3A_184, %add3A_185 : i32
      %mul3A_187 = arith.constant 32 : i32
      %mul3A_188 = arith.muli %add3A_186, %mul3A_187 : i32
      %add3A_189 = arith.addi %mul3A_188, %add3A : i32
      %add3A_190 = arith.constant 32 : i32
      %add3A_191 = arith.addi %add3A_189, %add3A_190 : i32
      %lt3A_192 = arith.constant 1953 : i32
      %lt3A_193 = arith.cmpi slt, %add3A_191, %lt3A_192 : i32
      %convert_element_type3A_194 = arith.extui %lt3A_193 : i1 to i32
      %cond3A_195 = arith.constant 0 : i32
      %cond3A_196 = arith.cmpi ne, %convert_element_type3A_194, %cond3A_195 : i32
      scf.if %cond3A_196 {
        %mul3A_203 = arith.constant 512 : i32
        %mul3A_204 = arith.muli %add3A_191, %mul3A_203 : i32
        %multiple_of3A_205 = tpu.assume_multiple %mul3A_204, 512 : i32
        %dma_start3A_206 = arith.constant 0 : i32
        %dma_start3A_207 = tpu.memref_slice %arg2[%dma_start3A_206, %multiple_of3A_205] : memref<32x1000000xf32, #tpu.memory_space<hbm>> -> memref<32x512xf32, #tpu.memory_space<hbm>>
        %dma_start3A_208 = arith.constant 0 : i32
        %dma_start3A_209 = tpu.memref_slice %arg2[%dma_start3A_208, %multiple_of3A_205] : memref<32x1000000xf32, #tpu.memory_space<hbm>> -> memref<32x512xf32, #tpu.memory_space<hbm>>
        tpu.enqueue_dma source(%dma_start3A_209 : memref<32x512xf32, #tpu.memory_space<hbm>>) target(%arg5 : memref<32x512xf32, #tpu.memory_space<vmem>>) target_semaphore(%arg10 : memref<!tpu.dma_semaphore, #tpu.memory_space<semaphore_mem>>)
      } else {
      }
      %lt3A_197 = arith.constant 1953 : i32
      %lt3A_198 = arith.cmpi slt, %add3A_189, %lt3A_197 : i32
      %convert_element_type3A_199 = arith.extui %lt3A_198 : i1 to i32
      %cond3A_200 = arith.constant 0 : i32
      %cond3A_201 = arith.cmpi ne, %convert_element_type3A_199, %cond3A_200 : i32
      scf.if %cond3A_201 {
        %dma_wait3A_203 = arith.constant 0 : i32
        %dma_wait3A_204 = arith.constant 0 : i32
        %dma_wait3A_205 = tpu.memref_slice %arg2[%dma_wait3A_203, %dma_wait3A_204] : memref<32x1000000xf32, #tpu.memory_space<hbm>> -> memref<32x512xf32, #tpu.memory_space<hbm>>
        %dma_wait3A_206 = arith.constant 0 : i32
        %dma_wait3A_207 = arith.constant 0 : i32
        %dma_wait3A_208 = tpu.memref_slice %arg2[%dma_wait3A_206, %dma_wait3A_207] : memref<32x1000000xf32, #tpu.memory_space<hbm>> -> memref<32x512xf32, #tpu.memory_space<hbm>>
        tpu.wait_dma2 semaphore(%arg10 : memref<!tpu.dma_semaphore, #tpu.memory_space<semaphore_mem>>) src(%dma_wait3A_208 : memref<32x512xf32, #tpu.memory_space<hbm>>) dst(%arg6 : memref<32x512xf32, #tpu.memory_space<vmem>>)
        %ge3A = arith.constant 2 : i32
        %ge3A_209 = arith.cmpi sge, %add3A_186, %ge3A : i32
        %convert_element_type3A_210 = arith.extui %ge3A_209 : i1 to i32
        %cond3A_211 = arith.constant 0 : i32
        %cond3A_212 = arith.cmpi ne, %convert_element_type3A_210, %cond3A_211 : i32
        scf.if %cond3A_212 {
          %dma_wait3A_225 = arith.constant 0 : i32
          %dma_wait3A_226 = tpu.memref_slice %arg4[%dma_wait3A_225] : memref<32000000xf32, #tpu.memory_space<hbm>> -> memref<16384xf32, #tpu.memory_space<hbm>>
          %dma_wait3A_227 = arith.constant 0 : i32
          %dma_wait3A_228 = tpu.memref_slice %arg4[%dma_wait3A_227] : memref<32000000xf32, #tpu.memory_space<hbm>> -> memref<16384xf32, #tpu.memory_space<hbm>>
          tpu.wait_dma2 semaphore(%arg11 : memref<!tpu.dma_semaphore, #tpu.memory_space<semaphore_mem>>) src(%dma_wait3A_228 : memref<16384xf32, #tpu.memory_space<hbm>>) dst(%arg8 : memref<16384xf32, #tpu.memory_space<vmem>>)
        } else {
        }
        %scan3A_213 = arith.constant 0 : i32
        %scan3A_214 = arith.constant 0 : i32
        %scan3A_215 = arith.constant 32 : i32
        %scan3A_216 = arith.addi %scan3A_214, %scan3A_215 : i32
        %scan3A_217 = arith.constant 1 : i32
        %scan3A_218 = scf.for %scan3A_225 = %scan3A_214 to %scan3A_216 step %scan3A_217 iter_args(%scan3A_226 = %scan3A_213) -> (i32)  : i32 {
          %mul3A_227 = arith.constant 16 : i32
          %mul3A_228 = arith.muli %mul3A_227, %scan3A_225 : i32
          %broadcast_in_dim3A = vector.broadcast %mul3A_228 : i32 to vector<16xi32>
          %mul3A_229 = arith.constant 512 : i32
          %mul3A_230 = arith.muli %mul3A_229, %scan3A_225 : i32
          %broadcast_in_dim3A_231 = vector.broadcast %mul3A_230 : i32 to vector<16xi32>
          %add3A_232 = arith.constant 0 : i32
          %add3A_233 = vector.broadcast %add3A_232 : i32 to vector<16xi32>
          %add3A_234 = arith.addi %iota3A, %add3A_233 : vector<16xi32>
          %add3A_235 = arith.addi %broadcast_in_dim3A_231, %add3A_234 : vector<16xi32>
          %add3A_236 = arith.addi %broadcast_in_dim3A, %and3A_5 : vector<16xi32>
          %gather3A = tpu.vector_load_idx %arg6[%add3A_234, %add3A_236] : memref<32x512xf32, #tpu.memory_space<vmem>>[vector<16xi32>, vector<16xi32>], vector<16xf32>,
          %add3A_237 = arith.addi %broadcast_in_dim3A, %and3A_11 : vector<16xi32>
          %gather3A_238 = tpu.vector_load_idx %arg6[%add3A_234, %add3A_237] : memref<32x512xf32, #tpu.memory_space<vmem>>[vector<16xi32>, vector<16xi32>], vector<16xf32>,
          %add3A_239 = arith.addi %broadcast_in_dim3A, %and3A_17 : vector<16xi32>
          %gather3A_240 = tpu.vector_load_idx %arg6[%add3A_234, %add3A_239] : memref<32x512xf32, #tpu.memory_space<vmem>>[vector<16xi32>, vector<16xi32>], vector<16xf32>,
          %add3A_241 = arith.addi %broadcast_in_dim3A, %and3A_23 : vector<16xi32>
          %gather3A_242 = tpu.vector_load_idx %arg6[%add3A_234, %add3A_241] : memref<32x512xf32, #tpu.memory_space<vmem>>[vector<16xi32>, vector<16xi32>], vector<16xf32>,
          %add3A_243 = arith.addi %broadcast_in_dim3A, %and3A_29 : vector<16xi32>
          %gather3A_244 = tpu.vector_load_idx %arg6[%add3A_234, %add3A_243] : memref<32x512xf32, #tpu.memory_space<vmem>>[vector<16xi32>, vector<16xi32>], vector<16xf32>,
          %add3A_245 = arith.addi %broadcast_in_dim3A, %and3A_35 : vector<16xi32>
          %gather3A_246 = tpu.vector_load_idx %arg6[%add3A_234, %add3A_245] : memref<32x512xf32, #tpu.memory_space<vmem>>[vector<16xi32>, vector<16xi32>], vector<16xf32>,
          %add3A_247 = arith.addi %broadcast_in_dim3A, %and3A_41 : vector<16xi32>
          %gather3A_248 = tpu.vector_load_idx %arg6[%add3A_234, %add3A_247] : memref<32x512xf32, #tpu.memory_space<vmem>>[vector<16xi32>, vector<16xi32>], vector<16xf32>,
          %add3A_249 = arith.addi %broadcast_in_dim3A, %and3A_47 : vector<16xi32>
          %gather3A_250 = tpu.vector_load_idx %arg6[%add3A_234, %add3A_249] : memref<32x512xf32, #tpu.memory_space<vmem>>[vector<16xi32>, vector<16xi32>], vector<16xf32>,
          %add3A_251 = arith.addi %add3A_235, %shift_left3A_97 : vector<16xi32>
          tpu.vector_store_idx %arg8[%add3A_251], %gather3A : memref<16384xf32, #tpu.memory_space<vmem>>[vector<16xi32>], vector<16xf32>,
          %add3A_252 = arith.addi %add3A_235, %shift_left3A_100 : vector<16xi32>
          tpu.vector_store_idx %arg8[%add3A_252], %gather3A_238 : memref<16384xf32, #tpu.memory_space<vmem>>[vector<16xi32>], vector<16xf32>,
          %add3A_253 = arith.addi %add3A_235, %shift_left3A_103 : vector<16xi32>
          tpu.vector_store_idx %arg8[%add3A_253], %gather3A_240 : memref<16384xf32, #tpu.memory_space<vmem>>[vector<16xi32>], vector<16xf32>,
          %add3A_254 = arith.addi %add3A_235, %shift_left3A_106 : vector<16xi32>
          tpu.vector_store_idx %arg8[%add3A_254], %gather3A_242 : memref<16384xf32, #tpu.memory_space<vmem>>[vector<16xi32>], vector<16xf32>,
          %add3A_255 = arith.addi %add3A_235, %shift_left3A_109 : vector<16xi32>
          tpu.vector_store_idx %arg8[%add3A_255], %gather3A_244 : memref<16384xf32, #tpu.memory_space<vmem>>[vector<16xi32>], vector<16xf32>,
          %add3A_256 = arith.addi %add3A_235, %shift_left3A_112 : vector<16xi32>
          tpu.vector_store_idx %arg8[%add3A_256], %gather3A_246 : memref<16384xf32, #tpu.memory_space<vmem>>[vector<16xi32>], vector<16xf32>,
          %add3A_257 = arith.addi %add3A_235, %shift_left3A_115 : vector<16xi32>
          tpu.vector_store_idx %arg8[%add3A_257], %gather3A_248 : memref<16384xf32, #tpu.memory_space<vmem>>[vector<16xi32>], vector<16xf32>,
          %add3A_258 = arith.addi %add3A_235, %shift_left3A_118 : vector<16xi32>
          tpu.vector_store_idx %arg8[%add3A_258], %gather3A_250 : memref<16384xf32, #tpu.memory_space<vmem>>[vector<16xi32>], vector<16xf32>,
          %add3A_259 = arith.addi %broadcast_in_dim3A, %and3A_53 : vector<16xi32>
          %gather3A_260 = tpu.vector_load_idx %arg6[%add3A_234, %add3A_259] : memref<32x512xf32, #tpu.memory_space<vmem>>[vector<16xi32>, vector<16xi32>], vector<16xf32>,
          %add3A_261 = arith.addi %broadcast_in_dim3A, %and3A_59 : vector<16xi32>
          %gather3A_262 = tpu.vector_load_idx %arg6[%add3A_234, %add3A_261] : memref<32x512xf32, #tpu.memory_space<vmem>>[vector<16xi32>, vector<16xi32>], vector<16xf32>,
          %add3A_263 = arith.addi %broadcast_in_dim3A, %and3A_65 : vector<16xi32>
          %gather3A_264 = tpu.vector_load_idx %arg6[%add3A_234, %add3A_263] : memref<32x512xf32, #tpu.memory_space<vmem>>[vector<16xi32>, vector<16xi32>], vector<16xf32>,
          %add3A_265 = arith.addi %broadcast_in_dim3A, %and3A_71 : vector<16xi32>
          %gather3A_266 = tpu.vector_load_idx %arg6[%add3A_234, %add3A_265] : memref<32x512xf32, #tpu.memory_space<vmem>>[vector<16xi32>, vector<16xi32>], vector<16xf32>,
          %add3A_267 = arith.addi %broadcast_in_dim3A, %and3A_77 : vector<16xi32>
          %gather3A_268 = tpu.vector_load_idx %arg6[%add3A_234, %add3A_267] : memref<32x512xf32, #tpu.memory_space<vmem>>[vector<16xi32>, vector<16xi32>], vector<16xf32>,
          %add3A_269 = arith.addi %broadcast_in_dim3A, %and3A_83 : vector<16xi32>
          %gather3A_270 = tpu.vector_load_idx %arg6[%add3A_234, %add3A_269] : memref<32x512xf32, #tpu.memory_space<vmem>>[vector<16xi32>, vector<16xi32>], vector<16xf32>,
          %add3A_271 = arith.addi %broadcast_in_dim3A, %and3A_89 : vector<16xi32>
          %gather3A_272 = tpu.vector_load_idx %arg6[%add3A_234, %add3A_271] : memref<32x512xf32, #tpu.memory_space<vmem>>[vector<16xi32>, vector<16xi32>], vector<16xf32>,
          %add3A_273 = arith.addi %broadcast_in_dim3A, %and3A_95 : vector<16xi32>
          %gather3A_274 = tpu.vector_load_idx %arg6[%add3A_234, %add3A_273] : memref<32x512xf32, #tpu.memory_space<vmem>>[vector<16xi32>, vector<16xi32>], vector<16xf32>,
          %add3A_275 = arith.addi %add3A_235, %shift_left3A_121 : vector<16xi32>
          tpu.vector_store_idx %arg8[%add3A_275], %gather3A_260 : memref<16384xf32, #tpu.memory_space<vmem>>[vector<16xi32>], vector<16xf32>,
          %add3A_276 = arith.addi %add3A_235, %shift_left3A_124 : vector<16xi32>
          tpu.vector_store_idx %arg8[%add3A_276], %gather3A_262 : memref<16384xf32, #tpu.memory_space<vmem>>[vector<16xi32>], vector<16xf32>,
          %add3A_277 = arith.addi %add3A_235, %shift_left3A_127 : vector<16xi32>
          tpu.vector_store_idx %arg8[%add3A_277], %gather3A_264 : memref<16384xf32, #tpu.memory_space<vmem>>[vector<16xi32>], vector<16xf32>,
          %add3A_278 = arith.addi %add3A_235, %shift_left3A_130 : vector<16xi32>
          tpu.vector_store_idx %arg8[%add3A_278], %gather3A_266 : memref<16384xf32, #tpu.memory_space<vmem>>[vector<16xi32>], vector<16xf32>,
          %add3A_279 = arith.addi %add3A_235, %shift_left3A_133 : vector<16xi32>
          tpu.vector_store_idx %arg8[%add3A_279], %gather3A_268 : memref<16384xf32, #tpu.memory_space<vmem>>[vector<16xi32>], vector<16xf32>,
          %add3A_280 = arith.addi %add3A_235, %shift_left3A_136 : vector<16xi32>
          tpu.vector_store_idx %arg8[%add3A_280], %gather3A_270 : memref<16384xf32, #tpu.memory_space<vmem>>[vector<16xi32>], vector<16xf32>,
          %add3A_281 = arith.addi %add3A_235, %shift_left3A_139 : vector<16xi32>
          tpu.vector_store_idx %arg8[%add3A_281], %gather3A_272 : memref<16384xf32, #tpu.memory_space<vmem>>[vector<16xi32>], vector<16xf32>,
          %add3A_282 = arith.addi %add3A_235, %shift_left3A_142 : vector<16xi32>
          tpu.vector_store_idx %arg8[%add3A_282], %gather3A_274 : memref<16384xf32, #tpu.memory_space<vmem>>[vector<16xi32>], vector<16xf32>,
          %add3A_283 = arith.constant 16 : i32
          %add3A_284 = vector.broadcast %add3A_283 : i32 to vector<16xi32>
          %add3A_285 = arith.addi %iota3A, %add3A_284 : vector<16xi32>
          %add3A_286 = arith.addi %broadcast_in_dim3A_231, %add3A_285 : vector<16xi32>
          %add3A_287 = arith.addi %broadcast_in_dim3A, %and3A_5 : vector<16xi32>
          %gather3A_288 = tpu.vector_load_idx %arg6[%add3A_285, %add3A_287] : memref<32x512xf32, #tpu.memory_space<vmem>>[vector<16xi32>, vector<16xi32>], vector<16xf32>,
          %add3A_289 = arith.addi %broadcast_in_dim3A, %and3A_11 : vector<16xi32>
          %gather3A_290 = tpu.vector_load_idx %arg6[%add3A_285, %add3A_289] : memref<32x512xf32, #tpu.memory_space<vmem>>[vector<16xi32>, vector<16xi32>], vector<16xf32>,
          %add3A_291 = arith.addi %broadcast_in_dim3A, %and3A_17 : vector<16xi32>
          %gather3A_292 = tpu.vector_load_idx %arg6[%add3A_285, %add3A_291] : memref<32x512xf32, #tpu.memory_space<vmem>>[vector<16xi32>, vector<16xi32>], vector<16xf32>,
          %add3A_293 = arith.addi %broadcast_in_dim3A, %and3A_23 : vector<16xi32>
          %gather3A_294 = tpu.vector_load_idx %arg6[%add3A_285, %add3A_293] : memref<32x512xf32, #tpu.memory_space<vmem>>[vector<16xi32>, vector<16xi32>], vector<16xf32>,
          %add3A_295 = arith.addi %broadcast_in_dim3A, %and3A_29 : vector<16xi32>
          %gather3A_296 = tpu.vector_load_idx %arg6[%add3A_285, %add3A_295] : memref<32x512xf32, #tpu.memory_space<vmem>>[vector<16xi32>, vector<16xi32>], vector<16xf32>,
          %add3A_297 = arith.addi %broadcast_in_dim3A, %and3A_35 : vector<16xi32>
          %gather3A_298 = tpu.vector_load_idx %arg6[%add3A_285, %add3A_297] : memref<32x512xf32, #tpu.memory_space<vmem>>[vector<16xi32>, vector<16xi32>], vector<16xf32>,
          %add3A_299 = arith.addi %broadcast_in_dim3A, %and3A_41 : vector<16xi32>
          %gather3A_300 = tpu.vector_load_idx %arg6[%add3A_285, %add3A_299] : memref<32x512xf32, #tpu.memory_space<vmem>>[vector<16xi32>, vector<16xi32>], vector<16xf32>,
          %add3A_301 = arith.addi %broadcast_in_dim3A, %and3A_47 : vector<16xi32>
          %gather3A_302 = tpu.vector_load_idx %arg6[%add3A_285, %add3A_301] : memref<32x512xf32, #tpu.memory_space<vmem>>[vector<16xi32>, vector<16xi32>], vector<16xf32>,
          %add3A_303 = arith.addi %add3A_286, %shift_left3A_97 : vector<16xi32>
          tpu.vector_store_idx %arg8[%add3A_303], %gather3A_288 : memref<16384xf32, #tpu.memory_space<vmem>>[vector<16xi32>], vector<16xf32>,
          %add3A_304 = arith.addi %add3A_286, %shift_left3A_100 : vector<16xi32>
          tpu.vector_store_idx %arg8[%add3A_304], %gather3A_290 : memref<16384xf32, #tpu.memory_space<vmem>>[vector<16xi32>], vector<16xf32>,
          %add3A_305 = arith.addi %add3A_286, %shift_left3A_103 : vector<16xi32>
          tpu.vector_store_idx %arg8[%add3A_305], %gather3A_292 : memref<16384xf32, #tpu.memory_space<vmem>>[vector<16xi32>], vector<16xf32>,
          %add3A_306 = arith.addi %add3A_286, %shift_left3A_106 : vector<16xi32>
          tpu.vector_store_idx %arg8[%add3A_306], %gather3A_294 : memref<16384xf32, #tpu.memory_space<vmem>>[vector<16xi32>], vector<16xf32>,
          %add3A_307 = arith.addi %add3A_286, %shift_left3A_109 : vector<16xi32>
          tpu.vector_store_idx %arg8[%add3A_307], %gather3A_296 : memref<16384xf32, #tpu.memory_space<vmem>>[vector<16xi32>], vector<16xf32>,
          %add3A_308 = arith.addi %add3A_286, %shift_left3A_112 : vector<16xi32>
          tpu.vector_store_idx %arg8[%add3A_308], %gather3A_298 : memref<16384xf32, #tpu.memory_space<vmem>>[vector<16xi32>], vector<16xf32>,
          %add3A_309 = arith.addi %add3A_286, %shift_left3A_115 : vector<16xi32>
          tpu.vector_store_idx %arg8[%add3A_309], %gather3A_300 : memref<16384xf32, #tpu.memory_space<vmem>>[vector<16xi32>], vector<16xf32>,
          %add3A_310 = arith.addi %add3A_286, %shift_left3A_118 : vector<16xi32>
          tpu.vector_store_idx %arg8[%add3A_310], %gather3A_302 : memref<16384xf32, #tpu.memory_space<vmem>>[vector<16xi32>], vector<16xf32>,
          %add3A_311 = arith.addi %broadcast_in_dim3A, %and3A_53 : vector<16xi32>
          %gather3A_312 = tpu.vector_load_idx %arg6[%add3A_285, %add3A_311] : memref<32x512xf32, #tpu.memory_space<vmem>>[vector<16xi32>, vector<16xi32>], vector<16xf32>,
          %add3A_313 = arith.addi %broadcast_in_dim3A, %and3A_59 : vector<16xi32>
          %gather3A_314 = tpu.vector_load_idx %arg6[%add3A_285, %add3A_313] : memref<32x512xf32, #tpu.memory_space<vmem>>[vector<16xi32>, vector<16xi32>], vector<16xf32>,
          %add3A_315 = arith.addi %broadcast_in_dim3A, %and3A_65 : vector<16xi32>
          %gather3A_316 = tpu.vector_load_idx %arg6[%add3A_285, %add3A_315] : memref<32x512xf32, #tpu.memory_space<vmem>>[vector<16xi32>, vector<16xi32>], vector<16xf32>,
          %add3A_317 = arith.addi %broadcast_in_dim3A, %and3A_71 : vector<16xi32>
          %gather3A_318 = tpu.vector_load_idx %arg6[%add3A_285, %add3A_317] : memref<32x512xf32, #tpu.memory_space<vmem>>[vector<16xi32>, vector<16xi32>], vector<16xf32>,
          %add3A_319 = arith.addi %broadcast_in_dim3A, %and3A_77 : vector<16xi32>
          %gather3A_320 = tpu.vector_load_idx %arg6[%add3A_285, %add3A_319] : memref<32x512xf32, #tpu.memory_space<vmem>>[vector<16xi32>, vector<16xi32>], vector<16xf32>,
          %add3A_321 = arith.addi %broadcast_in_dim3A, %and3A_83 : vector<16xi32>
          %gather3A_322 = tpu.vector_load_idx %arg6[%add3A_285, %add3A_321] : memref<32x512xf32, #tpu.memory_space<vmem>>[vector<16xi32>, vector<16xi32>], vector<16xf32>,
          %add3A_323 = arith.addi %broadcast_in_dim3A, %and3A_89 : vector<16xi32>
          %gather3A_324 = tpu.vector_load_idx %arg6[%add3A_285, %add3A_323] : memref<32x512xf32, #tpu.memory_space<vmem>>[vector<16xi32>, vector<16xi32>], vector<16xf32>,
          %add3A_325 = arith.addi %broadcast_in_dim3A, %and3A_95 : vector<16xi32>
          %gather3A_326 = tpu.vector_load_idx %arg6[%add3A_285, %add3A_325] : memref<32x512xf32, #tpu.memory_space<vmem>>[vector<16xi32>, vector<16xi32>], vector<16xf32>,
          %add3A_327 = arith.addi %add3A_286, %shift_left3A_121 : vector<16xi32>
          tpu.vector_store_idx %arg8[%add3A_327], %gather3A_312 : memref<16384xf32, #tpu.memory_space<vmem>>[vector<16xi32>], vector<16xf32>,
          %add3A_328 = arith.addi %add3A_286, %shift_left3A_124 : vector<16xi32>
          tpu.vector_store_idx %arg8[%add3A_328], %gather3A_314 : memref<16384xf32, #tpu.memory_space<vmem>>[vector<16xi32>], vector<16xf32>,
          %add3A_329 = arith.addi %add3A_286, %shift_left3A_127 : vector<16xi32>
          tpu.vector_store_idx %arg8[%add3A_329], %gather3A_316 : memref<16384xf32, #tpu.memory_space<vmem>>[vector<16xi32>], vector<16xf32>,
          %add3A_330 = arith.addi %add3A_286, %shift_left3A_130 : vector<16xi32>
          tpu.vector_store_idx %arg8[%add3A_330], %gather3A_318 : memref<16384xf32, #tpu.memory_space<vmem>>[vector<16xi32>], vector<16xf32>,
          %add3A_331 = arith.addi %add3A_286, %shift_left3A_133 : vector<16xi32>
          tpu.vector_store_idx %arg8[%add3A_331], %gather3A_320 : memref<16384xf32, #tpu.memory_space<vmem>>[vector<16xi32>], vector<16xf32>,
          %add3A_332 = arith.addi %add3A_286, %shift_left3A_136 : vector<16xi32>
          tpu.vector_store_idx %arg8[%add3A_332], %gather3A_322 : memref<16384xf32, #tpu.memory_space<vmem>>[vector<16xi32>], vector<16xf32>,
          %add3A_333 = arith.addi %add3A_286, %shift_left3A_139 : vector<16xi32>
          tpu.vector_store_idx %arg8[%add3A_333], %gather3A_324 : memref<16384xf32, #tpu.memory_space<vmem>>[vector<16xi32>], vector<16xf32>,
          %add3A_334 = arith.addi %add3A_286, %shift_left3A_142 : vector<16xi32>
          tpu.vector_store_idx %arg8[%add3A_334], %gather3A_326 : memref<16384xf32, #tpu.memory_space<vmem>>[vector<16xi32>], vector<16xf32>,
          %scan3A_335 = arith.constant 0 : i32
          scf.yield %scan3A_335 : i32
        }
        %scan3A_219 = arith.constant 32 : i32
        %mul3A_220 = arith.constant 16384 : i32
        %mul3A_221 = arith.muli %add3A_189, %mul3A_220 : i32
        %multiple_of3A_222 = tpu.assume_multiple %mul3A_221, 16384 : i32
        %dma_start3A_223 = tpu.memref_slice %arg4[%multiple_of3A_222] : memref<32000000xf32, #tpu.memory_space<hbm>> -> memref<16384xf32, #tpu.memory_space<hbm>>
        %dma_start3A_224 = tpu.memref_slice %arg4[%multiple_of3A_222] : memref<32000000xf32, #tpu.memory_space<hbm>> -> memref<16384xf32, #tpu.memory_space<hbm>>
        tpu.enqueue_dma source(%arg8 : memref<16384xf32, #tpu.memory_space<vmem>>) target(%dma_start3A_224 : memref<16384xf32, #tpu.memory_space<hbm>>) target_semaphore(%arg11 : memref<!tpu.dma_semaphore, #tpu.memory_space<semaphore_mem>>)
      } else {
      }
      %scan3A_202 = arith.constant 0 : i32
      scf.yield %scan3A_202 : i32
    }
    %scan3A_153 = arith.constant 31 : i32
    %dma_wait3A = arith.constant 0 : i32
    %dma_wait3A_154 = tpu.memref_slice %arg4[%dma_wait3A] : memref<32000000xf32, #tpu.memory_space<hbm>> -> memref<16384xf32, #tpu.memory_space<hbm>>
    %dma_wait3A_155 = arith.constant 0 : i32
    %dma_wait3A_156 = tpu.memref_slice %arg4[%dma_wait3A_155] : memref<32000000xf32, #tpu.memory_space<hbm>> -> memref<16384xf32, #tpu.memory_space<hbm>>
    tpu.wait_dma2 semaphore(%arg11 : memref<!tpu.dma_semaphore, #tpu.memory_space<semaphore_mem>>) src(%dma_wait3A_156 : memref<16384xf32, #tpu.memory_space<hbm>>) dst(%arg7 : memref<16384xf32, #tpu.memory_space<vmem>>)
    %dma_wait3A_157 = arith.constant 0 : i32
    %dma_wait3A_158 = tpu.memref_slice %arg4[%dma_wait3A_157] : memref<32000000xf32, #tpu.memory_space<hbm>> -> memref<16384xf32, #tpu.memory_space<hbm>>
    %dma_wait3A_159 = arith.constant 0 : i32
    %dma_wait3A_160 = tpu.memref_slice %arg4[%dma_wait3A_159] : memref<32000000xf32, #tpu.memory_space<hbm>> -> memref<16384xf32, #tpu.memory_space<hbm>>
    tpu.wait_dma2 semaphore(%arg11 : memref<!tpu.dma_semaphore, #tpu.memory_space<semaphore_mem>>) src(%dma_wait3A_160 : memref<16384xf32, #tpu.memory_space<hbm>>) dst(%arg8 : memref<16384xf32, #tpu.memory_space<vmem>>)
    %eq3A = arith.constant 0 : i32
    %eq3A_161 = arith.cmpi eq, %add3A, %eq3A : i32
    %convert_element_type3A = arith.extui %eq3A_161 : i1 to i32
    %cond3A = arith.constant 0 : i32
    %cond3A_162 = arith.cmpi ne, %convert_element_type3A, %cond3A : i32
    scf.if %cond3A_162 {
      "tpu.region"() ({
        %run_scoped3A = tpu.sem_alloc : memref<!tpu.dma_semaphore, #tpu.memory_space<semaphore_mem>>
        tpu.enqueue_dma source(%arg3 : memref<2048xf32, #tpu.memory_space<hbm>>) target(%arg9 : memref<2048xf32, #tpu.memory_space<vmem>>) target_semaphore(%run_scoped3A : memref<!tpu.dma_semaphore, #tpu.memory_space<semaphore_mem>>)
        tpu.wait_dma2 semaphore(%run_scoped3A : memref<!tpu.dma_semaphore, #tpu.memory_space<semaphore_mem>>) src(%arg3 : memref<2048xf32, #tpu.memory_space<hbm>>) dst(%arg9 : memref<2048xf32, #tpu.memory_space<vmem>>)
        tpu.yield
      }) : () -> ()
      "tpu.region"() ({
        %run_scoped3A = tpu.sem_alloc : memref<!tpu.dma_semaphore, #tpu.memory_space<semaphore_mem>>
        %dma_start3A_163 = arith.constant 31997952 : i32
        %dma_start3A_164 = tpu.memref_slice %arg4[%dma_start3A_163] : memref<32000000xf32, #tpu.memory_space<hbm>> -> memref<2048xf32, #tpu.memory_space<hbm>>
        %dma_start3A_165 = arith.constant 31997952 : i32
        %dma_start3A_166 = tpu.memref_slice %arg4[%dma_start3A_165] : memref<32000000xf32, #tpu.memory_space<hbm>> -> memref<2048xf32, #tpu.memory_space<hbm>>
        tpu.enqueue_dma source(%arg9 : memref<2048xf32, #tpu.memory_space<vmem>>) target(%dma_start3A_166 : memref<2048xf32, #tpu.memory_space<hbm>>) target_semaphore(%run_scoped3A : memref<!tpu.dma_semaphore, #tpu.memory_space<semaphore_mem>>)
        %dma_wait3A_167 = arith.constant 31997952 : i32
        %dma_wait3A_168 = tpu.memref_slice %arg4[%dma_wait3A_167] : memref<32000000xf32, #tpu.memory_space<hbm>> -> memref<2048xf32, #tpu.memory_space<hbm>>
        %dma_wait3A_169 = arith.constant 31997952 : i32
        %dma_wait3A_170 = tpu.memref_slice %arg4[%dma_wait3A_169] : memref<32000000xf32, #tpu.memory_space<hbm>> -> memref<2048xf32, #tpu.memory_space<hbm>>
        tpu.wait_dma2 semaphore(%run_scoped3A : memref<!tpu.dma_semaphore, #tpu.memory_space<semaphore_mem>>) src(%arg9 : memref<2048xf32, #tpu.memory_space<vmem>>) dst(%dma_wait3A_170 : memref<2048xf32, #tpu.memory_space<hbm>>)
        tpu.yield
      }) : () -> ()
    } else {
    }
    return
  }
}

</mosaic_0001>

<sc_bundles>
// kernel: kernel.4.cloned.1.call-start
scs
__scs_entry_jumppad:
0x0: {  	(pc) =	sbr.rel $0x88, $3  }
0x1: {  	(tag) =	ssettag $0x0;
	lr =	simm.s32 $0x1  }
0x2: {  	[smem:$0x3F9F] =	sst lr;
	_ =	strace $0xD0000000  }
0x3: {  	_ = 	snop  }
0x4: {  	_ = 	snop  }
0x5: {  	_ = 	snop  }
0x6: {  	_ = 	snop  }
0x7: {  	_ = 	snop  }
__scs_overlays_trampoline_lowered:
0x8: {  	[smem:$0x3FAE] =	sst s0  }
0x9: {  	[smem:$0x3FAF] =	sst s1  }
0xa: {  	[smem:$0x3FB0] =	sst s2  }
0xb: {  	[smem:$0x3FB1] =	sst s3  }
0xc: {  	[smem:$0x3FB2] =	sst s4  }
0xd: {  	[smem:$0x3FB3] =	sst s5  }
0xe: {  	[smem:$0x3FB4] =	sst s6  }
0xf: {  	[smem:$0x3FB5] =	sst s7  }
0x10: {  	[smem:$0x3FB6] =	sst s8  }
0x11: {  	[smem:$0x3FB7] =	sst s9;
	s0 =	simm.s32 @!p0 $0x0  }
0x12: {  	s1 =	sld [smem:$0x3F9D];
	s0 =	simm.s32 @p0 $0x1  }
0x13: {  	[smem:$0x3FB8] =	sst s0;
	s0 =	simm.s32 @!p1 $0x0  }
0x14: {  	s2 =	sld [smem:$0x3F9C];
	s0 =	simm.s32 @p1 $0x1  }
0x15: {  	[smem:$0x3FB9] =	sst s0;
	s0 =	simm.s32 @!p2 $0x0  }
0x16: {  	s3 =	sld [smem:$0x3FDB];
	s0 =	simm.s32 @p2 $0x1  }
0x17: {  	s4 =	simm.s32 $0x1BF5;
	[smem:$0x3FBB] =	sst s0  }
0x18: {  	s0 =	sld [smem:$0x3F9E];
	_ =	swait.ge [sflag:s4], $0x0  }
0x19: {  	s7 =	sld [smem:$0x3F9F]  }
0x1a: {  	s8 =	sadd.s32 $0xFFFFE003, lr  }
0x1b: {  	s9 =	sadd.s32 $0xFFFFFEF7, lr;
	s5 =	simm.s32 $0xFFFFFFFF;
	p2 =	slt.u32 s8, $0xFFFFF086  }
0x1c: {  	p1 =	slt.u32 s9, $0xF7A;
	s5 =	simm.s32 @!p2 $0x0  }
0x1d: {  	s5 =	simm.s32 @p1 $0x1;
	p0 =	seq.s32 s7, s2  }
0x1e: {  	s7 =	smul.u32 @!p0 $0xF7A, s2;
	p2 =	seq.s32 @!p0 s5, $0x0  }
0x1f: {  	s9 =	smul.u32 $0xF7A, s1;
	s8 =	simm.s32 @!p0 $0x1BF5;
	p2 =	por !p2, p0  }
0x20: {  	[sflag:s8] =	ssyncset.s32 @!p0 $0xFFFFF086;
	s6 =	sadd.s32 @!p0 s3, s7;
	s7 =	simm.s32 @!p0 $0x108  }
0x21: {  	s3 =	sadd.s32 s3, s9;
	s6 =	sadd.s32 @!p0 $0x88, s6;
	s7 =	simm.s32 @p2 $0x1082  }
0x22: {  	[simem:s7], [sflag:s8] =	dma.local @!p0 [hbm:s6], $0xF7A  }
0x23: {  	s9 =	sor.u32 $0xD0000000, s2;
	s6 =	simm.s32 $0x108;
	_ =	swait.ge @!p0 [sflag:s8], $0x0  }
0x24: {  	s3 =	sadd.s32 $0x88, s3;
	s6 =	simm.s32 @!p1 $0x1082;
	[sflag:s4] =	ssyncset.s32 $0xFFFFF086  }
0x25: {  	[simem:s6], [sflag:s4] =	dma.local [hbm:s3], $0xF7A  }
0x26: {  	[smem:$0x3F9F] =	sst s1;
	(tag) =	ssettag s2;
	_ =	strace s9  }
0x27: {  	s1 =	sld [smem:$0x3FAF]  }
0x28: {  	s2 =	sld [smem:$0x3FB0]  }
0x29: {  	s4 =	sld [smem:$0x3FB2]  }
0x2a: {  	p0 =	seq.s32 s5, $0x0;
	s5 =	sld [smem:$0x3FB3]  }
0x2b: {  	s6 =	sld [smem:$0x3FB4]  }
0x2c: {  	s7 =	sld [smem:$0x3FB5]  }
0x2d: {  	s3 =	simm.s32 $0x108;
	s8 =	sld [smem:$0x3FB6]  }
0x2e: {  	s3 =	simm.s32 @!p0 $0x1082;
	s9 =	sld [smem:$0x3FB7]  }
0x2f: {  	lr =	sadd.s32 s0, s3;
	s0 =	sld [smem:$0x3FAE]  }
0x30: {  	s3 =	sld [smem:$0x3FB1]  }
0x31: {  	[smem:$0x3FBA] =	sst s10  }
0x32: {  	s10 =	sld [smem:$0x3FB8];
	_ =	sdelay $0x3  }
0x33: {  	p0 =	seq.s32 s10, $0x1;
	s10 =	sld [smem:$0x3FBA];
	_ =	sdelay $0x3  }
0x34: {  	[smem:$0x3FBA] =	sst s10  }
0x35: {  	s10 =	sld [smem:$0x3FB9];
	_ =	sdelay $0x3  }
0x36: {  	p1 =	seq.s32 s10, $0x1;
	s10 =	sld [smem:$0x3FBA];
	_ =	sdelay $0x3  }
0x37: {  	[smem:$0x3FBA] =	sst s10  }
0x38: {  	s10 =	sld [smem:$0x3FBB]  }
0x39: {  	_ = 	snop;
	(pc) =	sbr.ind lr, $3  }
0x3a: {  	_ = 	snop  }
0x3b: {  	_ = 	snop  }
0x3c: {  	p2 =	seq.s32 s10, $0x1;
	s10 =	sld [smem:$0x3FBA]  }
0x3d: {  	_ =	shalt  }
0x3e: {  	_ =	shalt  }
0x3f: {  	_ =	shalt  }
0x40: {  	_ =	shalt  }
0x41: {  	_ =	shalt  }
0x42: {  	_ =	shalt  }
0x43: {  	_ =	shalt  }
0x44: {  	_ =	shalt  }
0x45: {  	_ =	shalt  }
0x46: {  	_ =	shalt  }
0x47: {  	_ =	shalt  }
0x48: {  	_ =	shalt  }
0x49: {  	_ =	shalt  }
0x4a: {  	_ =	shalt  }
0x4b: {  	_ =	shalt  }
0x4c: {  	_ =	shalt  }
0x4d: {  	_ =	shalt  }
0x4e: {  	_ =	shalt  }
0x4f: {  	_ =	shalt  }
0x50: {  	_ =	shalt  }
0x51: {  	_ =	shalt  }
0x52: {  	_ =	shalt  }
0x53: {  	_ =	shalt  }
0x54: {  	_ =	shalt  }
0x55: {  	_ =	shalt  }
0x56: {  	_ =	shalt  }
0x57: {  	_ =	shalt  }
0x58: {  	_ =	shalt  }
0x59: {  	_ =	shalt  }
0x5a: {  	_ =	shalt  }
0x5b: {  	_ =	shalt  }
0x5c: {  	_ =	shalt  }
0x5d: {  	_ =	shalt  }
0x5e: {  	_ =	shalt  }
0x5f: {  	_ =	shalt  }
0x60: {  	_ =	shalt  }
0x61: {  	_ =	shalt  }
0x62: {  	_ =	shalt  }
0x63: {  	_ =	shalt  }
0x64: {  	_ =	shalt  }
0x65: {  	_ =	shalt  }
0x66: {  	_ =	shalt  }
0x67: {  	_ =	shalt  }
0x68: {  	_ =	shalt  }
0x69: {  	_ =	shalt  }
0x6a: {  	_ =	shalt  }
0x6b: {  	_ =	shalt  }
0x6c: {  	_ =	shalt  }
0x6d: {  	_ =	shalt  }
0x6e: {  	_ =	shalt  }
0x6f: {  	_ =	shalt  }
0x70: {  	_ =	shalt  }
0x71: {  	_ =	shalt  }
0x72: {  	_ =	shalt  }
0x73: {  	_ =	shalt  }
0x74: {  	_ =	shalt  }
0x75: {  	_ =	shalt  }
0x76: {  	_ =	shalt  }
0x77: {  	_ =	shalt  }
0x78: {  	_ =	shalt  }
0x79: {  	_ =	shalt  }
0x7a: {  	_ =	shalt  }
0x7b: {  	_ =	shalt  }
0x7c: {  	_ =	shalt  }
0x7d: {  	_ =	shalt  }
0x7e: {  	_ =	shalt  }
0x7f: {  	_ =	shalt  }
0x80: {  	_ =	shalt  }
0x81: {  	_ =	shalt  }
0x82: {  	_ =	shalt  }
0x83: {  	_ =	shalt  }
0x84: {  	_ =	shalt  }
0x85: {  	_ =	shalt  }
0x86: {  	_ =	shalt  }
0x87: {  	_ =	shalt  }
.Lfunc_end0:
.L_simem_size_0:
called_computation_lowered:
.L_overlay_start_0:
0x88: {  	s2 =	sld [smem:$0x3FD9]  }
0x89: {  	s3 =	sld [smem:$0x3FFE];
	_ =	sdelay $0x1  }
0x8a: {  	s1 =	srdreg.scid  }
0x8b: {  	s0 =	sand.u32 $0x1, s1  }
0x8c: {  	s17 =	sshll.u32 s0, $0xA;
	s2 =	sadd.s32 s3, s2  }
0x8d: {  	s2 =	sadd.s32 s2, s17  }
0x8e: {  	[smem:$0x3FC6] =	sst s2  }
0x8f: {  	_ = 	snop  }
0x90: {  	s2 =	sld [smem:$0x3FC8]  }
0x91: {  	s18 =	sld [smem:$0x3FD0];
	(tm) =	ssettm $0x1  }
0x92: {  	s4 =	sld [smem:$0x3FFB];
	_ =	sdelay $0x3  }
0x93: {  	_ =	strace s4  }
0x94: {  	s4 =	sld [smem:$0x3FFC];
	_ =	sdelay $0x3  }
0x95: {  	_ =	strace s4  }
0x96: {  	s4 =	sld [smem:$0x3FFD];
	_ =	sdelay $0x3  }
0x97: {  	_ =	strace s4  }
0x98: {  	_ =	strace $0x8FFFFFFF  }
0x99: {  	s19 =	sld [smem:$0x3FDB];
	_ =	sdelay $0x1  }
0x9a: {  	s5 =	simm.s32 $_scs_section_size  }
0x9b: {  	s6 =	simm.s32 $_size__tile_overlayer_lowered;
	s7 =	simm.s32 $_tile_overlayer_lowered  }
0x9c: {  	s22 =	simm.s32 $0x1BFF;
	s21 =	sshll.u32 s7, $0x1;
	s4 =	sadd.s32 s5, s19  }
0x9d: {  	s8 =	simm.s32 $0x0;
	s20 =	sshll.u32 s6, $0x1;
	s6 =	sadd.s32 s21, s4  }
0x9e: {  	[timem:s8], [sflag:s22] =	dma.local [hbm:s6], s20  }
0x9f: {  	_ =	swait.ge [sflag:s22], s20  }
0xa0: {  	s5 =	ssub.s32 $0x0, s20;
	[sflag:s22] =	ssyncset.done $0x0  }
0xa1: {  	[sflag:s22] =	ssyncadd.s32 s5;
	_ =	sdelay $0x1  }
0xa2: {  	s23 =	simm.s32 $0x1B8B  }
0xa3: {  	_ =	swait.ge [sflag:s23], $0x1  }
0xa4: {  	[sflag:s23] =	ssyncset.done $0x0  }
0xa5: {  	s25 =	simm.s32 $0x1B8E;
	s24 =	sld [smem:$0x3FFE];
	[sflag:s23] =	ssyncadd.s32 $0xFFFFFFFF  }
0xa6: {  	s26 =	simm.s32 $execute0_lowered;
	[smem:$0x3FD2] =	sst s25  }
0xa7: {  	s6 =	sshll.u32 s26, $0x1;
	_ =	strace $0x80000046;
	[dreg:$0x1] =	wrdreg $0xFFFFFFFF  }
0xa8: {  	s28 =	simm.s32 $_size_execute0_lowered;
	s4 =	sadd.s32 s4, s6;
	[dreg:$0x0] =	wrdreg $0x0  }
0xa9: {  	s6 =	sshll.u32 s28, $0x1;
	[dreg:$0x2] =	wrdreg s4  }
0xaa: {  	[dreg:$0x3] =	wrdreg s6  }
0xab: {  	[dreg:$0x4] =	wrdreg $0xC0  }
0xac: {  	_ =	task [dreg:s8], $0x5FFFF  }
0xad: {  	[dreg:$0x1] =	wrdreg $0xFFFFFFFF  }
0xae: {  	[dreg:$0x0] =	wrdreg $0x60  }
0xaf: {  	[dreg:$0x2] =	wrdreg s2  }
0xb0: {  	[dreg:$0x3] =	wrdreg s18  }
0xb1: {  	[dreg:$0x4] =	wrdreg s24  }
0xb2: {  	[dreg:$0x5] =	wrdreg $0x9  }
0xb3: {  	_ =	task.clear_ibuf [dreg:s8], $0x6FFFF;
	_ =	strace $0x90000046  }
0xb4: {  	s29 =	simm.s32 $0x9;
	_ =	strace $0x80000048  }
0xb5: {  	_ =	swait.ge [sflag:s29], $0x1  }
0xb6: {  	[sflag:s29] =	ssyncadd.s32 $0xFFFFFFFF  }
0xb7: {  	_ =	strace $0x90000048  }
0xb8: {  	_ =	sfence  }
0xb9: {  	s30 =	sld [smem:$0x0];
	_ =	sdelay $0x2  }
0xba: {  	s31 =	sshll.u32 s1, $0xD;
	s1 =	sshrl.u32 s1, $0x2  }
0xbb: {  	s3 =	sand.u32 $0x4000, s31;
	s1 =	sadd.s32 s1, s30  }
0xbc: {  	s0 =	sor.u32 s3, s0;
	s1 =	sshll.u32 s1, $0x11  }
0xbd: {  	s0 =	sor.u32 s1, s0  }
0xbe: {  	s0 =	sadd.s32 $0x8F2B, s0  }
0xbf: {  	[sflag:s0] =	ssyncadd.remote.s32 $0x1  }
0xc0: {  	_ =	sfence.sel $0xFFFF  }
0xc1: {  	[dreg:$0x0] =	wrdreg $0xFFFFFFFF;
	(pc) =	sbr.abs _section_cstart, $3  }
0xc2: {  	[dreg:$0x1] =	wrdreg $0xFFFFFFFF  }
0xc3: {  	_ =	task.clear_ibuf [dreg:s8], $0x2FFFF;
	_ =	strace $0x9FFFFFFF  }
0xc4: {  	(tm) =	ssettm $0x7FFFFFFF  }
0xc5: {  	_ =	shalt  }
tec
execute0_lowered:
.L_overlay_start_1:
0x0: {  	(tag) =	ssettag $0x1  }
0x1: {  	v0 =	vimm.s32 $0x1380;
	vm0 =	vcmask $0x300  }
0x2: {  	vm1 =	vcmask $0x704;
	vm2 =	vcmask $0xB08;
	vm4 =	vcmask $0xF0C  }
0x3: {  	vm6 =	vcmask $0x1310;
	vm7 =	vcmask $0x1714;
	v1 =	vimm.s32 $0x83624120  }
0x4: {  	vm8 =	vcmask $0x1B18;
	v2 =	vimm.s32 $0xE6C5A4;
	vm9 =	vcmask $0x1F1C  }
0x5: {  	vm3 =	vcmask $0xF00;
	vm5 =	vcmask $0x1B10;
	v3 =	vimm.s32 $0xA3826140  }
0x6: {  	v4 =	vimm.s32 $0x93725130;
	v5 =	vimm.s32 $0xF6D5B4;
	v59 =	vimm.s32 $0x168  }
0x7: {  	v6 =	vimm.s32 $0xB3927150;
	vm11 =	vcmask $0x2320;
	vm12 =	vcmask $0x1F14  }
0x8: {  	v7 =	vimm.s32 $0xE2C1A0;
	v8 =	vimm.s32 $0x5F3E1D00;
	v10 =	vimm.s32 $0xF2D1B0  }
0x9: {  	vm13 =	vcmask $0xB00;
	v17 =	vimm.s32 $0xAF;
	v12 =	vimm.s32 $0x3380  }
0xa: {  	v34 =	vimm.s32 $0xB6E4D2C;
	v20 =	vimm.s32 $0xF3D2B190;
	v21 =	vimm.s32 $0x110  }
0xb: {  	vm14 =	vcmask $0x3B2C;
	v51 =	vimm.s32 $0x11F;
	v52 =	vimm.s32 $0x76A4928  }
0xc: {  	v55 =	vimm.s32 $0x177A5938;
	v57 =	vimm.s32 $0x13F;
	vm15 =	vcmask $0x3728  }
0xd: {  	v58 =	vimm.s32 $0x27066948;
	v36 =	vimm.s32 $0x3B1A7D5C;
	v37 =	vimm.s32 $0x37167958  }
0xe: {  	v42 =	vimm.s32 $0x6B4A2908;
	v43 =	vimm.s32 $0x47260568;
	v44 =	vimm.s32 $0x15F  }
0xf: {  	v23 =	vimm.s32 $0x5B3A197C;
	v24 =	vimm.s32 $0x57361578;
	v25 =	vimm.s32 $0xDBBA99FC  }
0x10: {  	v26 =	vimm.s32 $0xFFDEBD9C;
	v27 =	vimm.s32 $0x77563514;
	vm10 =	vcmask $0x1708  }
0x11: {  	v28 =	vimm.s32 $0xC7A685E8;
	v0 =	vsel vm0, $0x0, v0;
	v1 =	vunpack.c.0.s8.s32 v1  }
0x12: {  	v2 =	vunpack.c.0.s8.s32 v2;
	v3 =	vunpack.c.0.s8.s32 v3;
	v4 =	vunpack.c.0.s8.s32 v4  }
0x13: {  	v5 =	vunpack.c.0.s8.s32 v5;
	v7 =	vunpack.c.0.s8.s32 v7;
	v8 =	vunpack.c.0.s8.s32 v8  }
0x14: {  	v12 =	vsel vm0, $0x2000, v12;
	v20 =	vunpack.c.0.s8.s32 v20;
	v24 =	vunpack.c.0.s8.s32 v24  }
0x15: {  	v23 =	vunpack.c.0.s8.s32 v23;
	v25 =	vunpack.c.0.s8.s32 v25;
	v26 =	vunpack.c.0.s8.s32 v26  }
0x16: {  	v28 =	vunpack.c.0.s8.s32 v28;
	v0 =	vsel vm1, $0x80, v0;
	v12 =	vsel vm1, $0x2080, v12  }
0x17: {  	v0 =	vsel vm2, $0x100, v0;
	v1 =	vand.u32 $0xFF, v1;
	v2 =	vand.u32 $0xFF, v2  }
0x18: {  	v3 =	vand.u32 $0xFF, v3;
	v4 =	vand.u32 $0xFF, v4;
	v5 =	vand.u32 $0xFF, v5  }
0x19: {  	v7 =	vand.u32 $0xFF, v7;
	v12 =	vsel vm2, $0x2100, v12;
	v20 =	vand.u32 $0xFF, v20  }
0x1a: {  	v23 =	vand.u32 $0xFF, v23;
	v0 =	vsel vm4, $0x180, v0;
	v1 =	vnsel vm3, $0xF, v1  }
0x1b: {  	v4 =	vnsel vm3, $0x1F, v4;
	v3 =	vnsel vm3, $0x2F, v3;
	v61 =	vnsel vm13, $0x8F, v7  }
0x1c: {  	v12 =	vsel vm4, $0x2180, v12;
	v20 =	vsel vm6, $0x114, v20;
	v0 =	vsel vm6, $0x200, v0  }
0x1d: {  	v1 =	vsel vm5, v2, v1;
	v2 =	vsel vm1, $0x189, v59;
	v5 =	vsel vm5, v5, v4  }
0x1e: {  	v4 =	vunpack.c.0.s8.s32 v6;
	v6 =	vimm.s32 $0x4F2E0D00;
	v3 =	vsel vm6, $0xC4, v3  }
0x1f: {  	v12 =	vsel vm6, $0x2200, v12;
	vm5 =	vcmask $0x2B28;
	v20 =	vsel vm7, $0x135, v20  }
0x20: {  	v59 =	vimm.s32 $0x4B2A096C;
	v0 =	vsel vm7, $0x280, v0;
	v2 =	vsel vm2, $0x1AA, v2  }
0x21: {  	v6 =	vunpack.c.0.s8.s32 v6;
	v1 =	vsel vm9, $0x107, v1;
	v3 =	vsel vm7, $0xE5, v3  }
0x22: {  	v12 =	vsel vm7, $0x2280, v12;
	v19 =	vsel vm9, $0x117, v5;
	v20 =	vsel vm8, $0x156, v20  }
0x23: {  	v0 =	vsel vm8, $0x300, v0;
	v2 =	vsel vm4, $0x1CB, v2;
	v4 =	vand.u32 $0xFF, v4  }
0x24: {  	v3 =	vsel vm8, $0x106, v3;
	v7 =	vsel vm11, $0x128, v1;
	v12 =	vsel vm8, $0x2300, v12  }
0x25: {  	v47 =	vsel vm9, $0x177, v20;
	v20 =	vimm.s32 $0x8BEECDAC;
	v0 =	vsel vm9, $0x380, v0  }
0x26: {  	v2 =	vsel vm6, $0x1EC, v2;
	v11 =	vnsel vm3, $0x3F, v4;
	v4 =	vimm.s32 $0x178  }
0x27: {  	vm3 =	vcmask $0x2724;
	v63 =	vsel vm9, $0x127, v3;
	v3 =	vimm.s32 $0xE3C2A180  }
0x28: {  	v18 =	vsel vm9, $0x2380, v12;
	v12 =	vimm.s32 $0xDF;
	v20 =	vunpack.c.0.s8.s32 v20  }
0x29: {  	v4 =	vsel vm1, $0x199, v4;
	v3 =	vunpack.c.0.s8.s32 v3;
	v5 =	vsel vm6, $0xD4, v11  }
0x2a: {  	v11 =	vsel vm11, $0x138, v19;
	v14 =	vsel vm0, $0xF0, v12;
	v19 =	vimm.s32 $0xD3B29170  }
0x2b: {  	v7 =	vsel vm3, $0x149, v7;
	v4 =	vsel vm2, $0x1BA, v4;
	v32 =	vsel vm7, $0xF5, v5  }
0x2c: {  	v5 =	vimm.s32 $0xBF;
	v19 =	vunpack.c.0.s8.s32 v19;
	v53 =	vand.u32 $0xFF, v20  }
0x2d: {  	v20 =	vimm.s32 $0x12F;
	v11 =	vsel vm3, $0x159, v11;
	v7 =	vsel vm5, $0x16A, v7  }
0x2e: {  	v9 =	vsel vm4, $0x1DB, v4;
	v4 =	vsel vm12, v6, v2;
	v6 =	vunpack.c.0.s8.s32 v10  }
0x2f: {  	v10 =	vimm.s32 $0xCF;
	v5 =	vsel vm0, $0xD0, v5;
	v3 =	vand.u32 $0xFF, v3  }
0x30: {  	v54 =	vsel vm0, $0x140, v20;
	v20 =	vimm.s32 $0x1B7E5D3C;
	v11 =	vsel vm5, $0x17A, v11  }
0x31: {  	v60 =	vsel vm6, $0x1FC, v9;
	v9 =	vsel vm11, $0x1000, v0;
	v0 =	vsel vm4, $0x103, v61  }
0x32: {  	v10 =	vsel vm0, $0xE0, v10;
	v5 =	vsel vm1, $0xF1, v5;
	v3 =	vsel vm6, $0x104, v3  }
0x33: {  	v19 =	vand.u32 $0xFF, v19;
	v20 =	vunpack.c.0.s8.s32 v20;
	v38 =	vsel vm12, v8, v60  }
0x34: {  	v62 =	vand.u32 $0xFF, v6;
	v6 =	vimm.s32 $0xC3A28160;
	v0 =	vsel vm6, $0x124, v0  }
0x35: {  	v8 =	vsel vm11, $0x148, v63;
	v10 =	vsel vm1, $0x101, v10;
	v33 =	vsel vm2, $0x112, v5  }
0x36: {  	v5 =	vsel vm1, $0x111, v14;
	v3 =	vsel vm7, $0x125, v3;
	v19 =	vsel vm6, $0xF4, v19  }
0x37: {  	vm12 =	vcmask $0x3324;
	v9 =	vsel vm3, $0x1080, v9;
	v2 =	vnsel vm13, $0x9F, v62  }
0x38: {  	v6 =	vunpack.c.0.s8.s32 v6;
	v0 =	vsel vm7, $0x145, v0;
	v10 =	vsel vm2, $0x122, v10  }
0x39: {  	v5 =	vsel vm2, $0x132, v5;
	v3 =	vsel vm8, $0x146, v3;
	v19 =	vsel vm7, $0x115, v19  }
0x3a: {  	v20 =	vand.u32 $0xFF, v20;
	v62 =	vimm.s32 $0xAB8AEDCC;
	vm13 =	vcmask $0x2314  }
0x3b: {  	v9 =	vsel vm5, $0x1100, v9;
	v8 =	vsel vm3, $0x169, v8;
	v0 =	vsel vm8, $0x166, v0  }
0x3c: {  	v10 =	vsel vm4, $0x143, v10;
	v2 =	vsel vm4, $0x113, v2;
	v5 =	vsel vm4, $0x153, v5  }
0x3d: {  	v19 =	vsel vm8, $0x136, v19;
	v8 =	vsel vm5, $0x18A, v8;
	v16 =	vand.u32 $0xFF, v6  }
0x3e: {  	v0 =	vsel vm9, $0x187, v0;
	v10 =	vsel vm6, $0x164, v10;
	v2 =	vsel vm6, $0x134, v2  }
0x3f: {  	v5 =	vsel vm6, $0x174, v5;
	v39 =	vsel vm9, $0x157, v19;
	v1 =	vsel vm6, $0xE4, v16  }
0x40: {  	v0 =	vsel vm11, $0x1A8, v0;
	v10 =	vsel vm7, $0x185, v10;
	v2 =	vsel vm7, $0x155, v2  }
0x41: {  	v5 =	vsel vm7, $0x195, v5;
	v16 =	vimm.s32 $0x100;
	v6 =	vsel vm7, $0x105, v1  }
0x42: {  	v1 =	vsel vm0, $0xC0, v17;
	v10 =	vsel vm8, $0x1A6, v10;
	v2 =	vsel vm8, $0x176, v2  }
0x43: {  	v5 =	vsel vm8, $0x1B6, v5;
	v16 =	vsel vm1, $0x121, v16;
	v17 =	vimm.s32 $0x6F4E2D0C  }
0x44: {  	v0 =	vsel vm3, $0x1C9, v0;
	v1 =	vsel vm1, $0xE1, v1;
	v10 =	vsel vm9, $0x1C7, v10  }
0x45: {  	v2 =	vsel vm9, $0x197, v2;
	v5 =	vsel vm9, $0x1D7, v5;
	v16 =	vsel vm2, $0x142, v16  }
0x46: {  	v0 =	vsel vm5, $0x1EA, v0;
	v35 =	vunpack.c.0.s8.s32 v17;
	v17 =	vunpack.c.0.s8.s32 v52  }
0x47: {  	v1 =	vsel vm2, $0x102, v1;
	v13 =	vsel vm11, $0x1E8, v10;
	v10 =	vsel vm11, $0x3000, v18  }
0x48: {  	v2 =	vsel vm11, $0x1B8, v2;
	v14 =	vsel vm11, $0x1F8, v5;
	v5 =	vsel vm8, $0x126, v6  }
0x49: {  	v6 =	vimm.s32 $0x188;
	v1 =	vsel vm4, $0x123, v1;
	v5 =	vsel vm9, $0x147, v5  }
0x4a: {  	v6 =	vsel vm1, $0x1A9, v6;
	v17 =	vand.u32 $0xFF, v17;
	v2 =	vsel vm3, $0x1D9, v2  }
0x4b: {  	v10 =	vsel vm3, $0x3080, v10;
	v1 =	vsel vm6, $0x144, v1;
	v6 =	vsel vm2, $0x1CA, v6  }
0x4c: {  	v2 =	vsel vm5, $0x1FA, v2;
	v10 =	vsel vm5, $0x3100, v10;
	v1 =	vsel vm7, $0x165, v1  }
0x4d: {  	v18 =	vsel vm4, $0x1EB, v6;
	v6 =	vsel vm9, $0x167, v3;
	v3 =	vsel vm4, $0x163, v16  }
0x4e: {  	v16 =	vunpack.c.0.s8.s32 v34;
	v48 =	vsel vm14, v20, v2;
	v2 =	vsel vm0, $0x150, v57  }
0x4f: {  	v57 =	vunpack.c.0.s8.s32 v27;
	v27 =	vimm.s32 $0xB796F9D8;
	v34 =	vimm.s32 $0xA9876543  }
0x50: {  	v1 =	vsel vm8, $0x186, v1;
	v3 =	vsel vm6, $0x184, v3;
	v2 =	vsel vm1, $0x171, v2  }
0x51: {  	v27 =	vunpack.c.0.s8.s32 v27;
	v34 =	vunpack.c.l.s4.s8 v34;
	v1 =	vsel vm9, $0x1A7, v1  }
0x52: {  	v3 =	vsel vm7, $0x1A5, v3;
	v16 =	vand.u32 $0xFF, v16;
	v2 =	vsel vm2, $0x192, v2  }
0x53: {  	v15 =	vsel vm11, $0x1C8, v1;
	v1 =	vsel vm8, $0x116, v32;
	v3 =	vsel vm8, $0x1C6, v3  }
0x54: {  	v45 =	vsel vm14, v16, v0;
	v16 =	vsel vm0, $0x130, v51;
	v60 =	vsel vm4, $0x1B3, v2  }
0x55: {  	v32 =	vimm.s32 $0xD7B695F8;
	v34 =	vunpack.c.0.s8.s32 v34;
	v1 =	vsel vm9, $0x137, v1  }
0x56: {  	v29 =	vsel vm9, $0x1E7, v3;
	v3 =	vsel vm1, $0x131, v21;
	v15 =	vsel vm3, $0x1E9, v15  }
0x57: {  	v16 =	vsel vm1, $0x151, v16;
	v21 =	vimm.s32 $0x9BFEDDBC;
	v32 =	vunpack.c.0.s8.s32 v32  }
0x58: {  	v12 =	vsel vm11, $0x158, v1;
	v1 =	vsel vm4, $0x133, v33;
	v3 =	vsel vm2, $0x152, v3  }
0x59: {  	v16 =	vsel vm2, $0x172, v16;
	v21 =	vunpack.c.0.s8.s32 v21;
	v33 =	vimm.s32 $0x210FEDCB  }
0x5a: {  	v1 =	vsel vm6, $0x154, v1;
	v3 =	vsel vm4, $0x173, v3;
	v16 =	vsel vm4, $0x193, v16  }
0x5b: {  	v12 =	vsel vm3, $0x179, v12;
	v33 =	vunpack.c.l.s4.s8 v33;
	v3 =	vsel vm6, $0x194, v3  }
0x5c: {  	v1 =	vsel vm7, $0x175, v1;
	v16 =	vsel vm6, $0x1B4, v16;
	v3 =	vsel vm7, $0x1B5, v3  }
0x5d: {  	v56 =	vand.u32 $0xFF, v21;
	v12 =	vsel vm5, $0x19A, v12;
	v3 =	vsel vm8, $0x1D6, v3  }
0x5e: {  	v1 =	vsel vm8, $0x196, v1;
	v49 =	vsel vm9, $0x1F7, v3;
	v3 =	vimm.s32 $0x10F  }
0x5f: {  	v16 =	vsel vm7, $0x1D5, v16;
	v33 =	vunpack.c.0.s8.s32 v33;
	v50 =	vsel vm0, $0x120, v3  }
0x60: {  	v1 =	vsel vm9, $0x1B7, v1;
	v3 =	vimm.s32 $0x2B0A6D4C;
	v0 =	vsel vm1, $0x141, v50  }
0x61: {  	v16 =	vsel vm8, $0x1F6, v16;
	v3 =	vunpack.c.0.s8.s32 v3;
	v0 =	vsel vm2, $0x162, v0  }
0x62: {  	v1 =	vsel vm11, $0x1D8, v1;
	vm9 =	vcmask $0x1B0C;
	v0 =	vsel vm4, $0x183, v0  }
0x63: {  	vm11 =	vcmask $0x1304;
	v3 =	vand.u32 $0xFF, v3;
	v0 =	vsel vm6, $0x1A4, v0  }
0x64: {  	v63 =	vsel vm15, v3, v15;
	v3 =	vunpack.c.0.s8.s32 v59;
	v0 =	vsel vm7, $0x1C5, v0  }
0x65: {  	v1 =	vsel vm3, $0x1F9, v1;
	v0 =	vsel vm8, $0x1E6, v0;
	vm8 =	vcmask $0x2B1C  }
0x66: {  	v22 =	vand.u32 $0xFF, v3;
	v0 =	vsel vm8, v17, v0;
	v17 =	vunpack.c.0.s8.s32 v55  }
0x67: {  	v13 =	vsel vm12, v22, v13;
	v22 =	vimm.s32 $0xCBAA89EC;
	v46 =	vsel vm14, v53, v0  }
0x68: {  	v0 =	vsel vm1, $0x161, v54;
	v22 =	vunpack.c.0.s8.s32 v22;
	v17 =	vand.u32 $0xFF, v17  }
0x69: {  	v59 =	vimm.s32 $0x6543210F;
	v0 =	vsel vm2, $0x182, v0;
	v16 =	vsel vm8, v17, v16  }
0x6a: {  	v0 =	vsel vm4, $0x1A3, v0;
	v17 =	vunpack.c.0.s8.s32 v37;
	v50 =	vand.u32 $0xFF, v22  }
0x6b: {  	v22 =	vand.u32 $0xFF, v24;
	v24 =	vand.u32 $0xFF, v25;
	v25 =	vimm.s32 $0x7B5A3918  }
0x6c: {  	v37 =	vcombine.low v34, v33;
	v51 =	vsel vm14, v56, v16;
	v0 =	vsel vm6, $0x1C4, v0  }
0x6d: {  	v16 =	vunpack.c.0.s8.s32 v58;
	vm14 =	vcmask $0x1F10;
	v25 =	vunpack.c.0.s8.s32 v25  }
0x6e: {  	v58 =	vimm.s32 $0x98765432;
	v20 =	vsel vm7, $0x1E5, v0;
	v0 =	vsel vm6, $0x1D4, v60  }
0x6f: {  	v41 =	vand.u32 $0xFF, v17;
	v17 =	vsel vm0, $0x170, v44;
	v44 =	vimm.s32 $0x43210FED  }
0x70: {  	v60 =	vcombine.low v33, v34;
	v61 =	vand.u32 $0xFF, v16;
	v21 =	vsel vm7, $0x1F5, v0  }
0x71: {  	vm7 =	vcmask $0x2718;
	v16 =	vunpack.c.0.s8.s32 v62;
	v17 =	vsel vm1, $0x191, v17  }
0x72: {  	v44 =	vunpack.c.l.s4.s8 v44;
	v2 =	vsel vm7, v61, v20;
	v20 =	vimm.s32 $0xBB9AFDDC  }
0x73: {  	v17 =	vsel vm2, $0x1B2, v17;
	v15 =	vand.u32 $0xFF, v16;
	v16 =	vunpack.c.0.s8.s32 v36  }
0x74: {  	v40 =	vunpack.c.0.s8.s32 v20;
	v20 =	vunpack.c.0.s8.s32 v42;
	v17 =	vsel vm4, $0x1D3, v17  }
0x75: {  	v42 =	vimm.s32 $0xFEDCBA98;
	v3 =	vsel vm15, v15, v2;
	v17 =	vsel vm6, $0x1F4, v17  }
0x76: {  	v42 =	vunpack.c.l.s4.s8 v42;
	v15 =	vand.u32 $0xFF, v16;
	v2 =	vand.u32 $0xFF, v40  }
0x77: {  	v16 =	vunpack.c.0.s8.s32 v43;
	v22 =	vsel vm13, v22, v17;
	v20 =	vand.u32 $0xFF, v20  }
0x78: {  	v40 =	vimm.s32 $0x3210FEDC;
	v43 =	vimm.s32 $0x76543210;
	v1 =	vsel vm15, v15, v1  }
0x79: {  	v15 =	vsel vm7, v41, v21;
	v21 =	vimm.s32 $0xEFCEAD8C;
	v53 =	vsel vm12, v24, v22  }
0x7a: {  	v22 =	vimm.s32 $0x67462504;
	v2 =	vsel vm15, v2, v15;
	v15 =	vimm.s32 $0x14F  }
0x7b: {  	v24 =	vimm.s32 $0x7F5E3D1C;
	v40 =	vunpack.c.l.s4.s8 v40;
	v15 =	vsel vm0, $0x160, v15  }
0x7c: {  	v41 =	vimm.s32 $0xBA987654;
	v43 =	vunpack.c.l.s4.s8 v43;
	v15 =	vsel vm1, $0x181, v15  }
0x7d: {  	v42 =	vunpack.c.0.s8.s32 v42;
	v16 =	vand.u32 $0xFF, v16;
	v15 =	vsel vm2, $0x1A2, v15  }
0x7e: {  	v22 =	vunpack.c.0.s8.s32 v22;
	vm15 =	vcmask $0x2F20;
	v15 =	vsel vm4, $0x1C3, v15  }
0x7f: {  	v24 =	vunpack.c.0.s8.s32 v24;
	v41 =	vunpack.c.l.s4.s8 v41;
	v15 =	vsel vm6, $0x1E4, v15  }
0x80: {  	v40 =	vunpack.c.0.s8.s32 v40;
	v55 =	vand.u32 $0xFF, v22;
	v15 =	vsel vm13, v16, v15  }
0x81: {  	v22 =	vimm.s32 $0x17F;
	v41 =	vunpack.c.0.s8.s32 v41;
	v52 =	vsel vm12, v50, v15  }
0x82: {  	v15 =	vsel vm12, v23, v14;
	v14 =	vunpack.c.0.s8.s32 v21;
	v21 =	vimm.s32 $0x16F  }
0x83: {  	v62 =	vcombine.low v40, v41;
	vm12 =	vcmask $0x2F2C;
	v21 =	vsel vm0, $0x180, v21  }
0x84: {  	v7 =	vsel vm12, $0x18B, v7;
	v8 =	vsel vm12, $0x1AB, v8;
	v23 =	vand.u32 $0xFF, v14  }
0x85: {  	v21 =	vsel vm1, $0x1A1, v21;
	v14 =	vsel vm14, v35, v18;
	v31 =	vsel vm14, v23, v20  }
0x86: {  	v54 =	vsel vm2, $0x1C2, v21;
	v20 =	vimm.s32 $0xEBCAA988;
	v21 =	vimm.s32 $0x198  }
0x87: {  	v23 =	vimm.s32 $0x3664524;
	v18 =	vsel vm4, $0x1E3, v54;
	v20 =	vunpack.c.0.s8.s32 v20  }
0x88: {  	v56 =	vsel vm1, $0x1B9, v21;
	v21 =	vsel vm0, $0x190, v22;
	v22 =	vimm.s32 $0x18F  }
0x89: {  	v23 =	vunpack.c.0.s8.s32 v23;
	v18 =	vsel vm14, v55, v18;
	v19 =	vsel vm2, $0x1DA, v56  }
0x8a: {  	v21 =	vsel vm1, $0x1B1, v21;
	v22 =	vsel vm0, $0x1A0, v22;
	v20 =	vand.u32 $0xFF, v20  }
0x8b: {  	v19 =	vsel vm4, $0x1FB, v19;
	v21 =	vsel vm2, $0x1D2, v21;
	v22 =	vsel vm1, $0x1C1, v22  }
0x8c: {  	v21 =	vsel vm4, $0x1F3, v21;
	v30 =	vsel vm14, v24, v19;
	v24 =	vand.u32 $0xFF, v25  }
0x8d: {  	v25 =	vand.u32 $0xFF, v26;
	v26 =	vimm.s32 $0xFBDAB998;
	v19 =	vand.u32 $0xFF, v57  }
0x8e: {  	v18 =	vsel vm15, v20, v18;
	v20 =	vsel vm2, $0x1E2, v22;
	v50 =	vsel vm14, v25, v24  }
0x8f: {  	v24 =	vunpack.c.0.s8.s32 v26;
	v19 =	vsel vm14, v19, v21;
	v21 =	vand.u32 $0xFF, v23  }
0x90: {  	v23 =	vimm.s32 $0x19F;
	v25 =	vimm.s32 $0x1AF;
	v26 =	vimm.s32 $0x1BF  }
0x91: {  	vm14 =	vcmask $0x3734;
	v20 =	vsel vm9, v21, v20;
	v21 =	vimm.s32 $0x87EAC9A8  }
0x92: {  	v26 =	vsel vm0, $0x1D0, v26;
	v13 =	vsel vm14, $0x8D, v13;
	v17 =	vsel vm14, $0x10D, v52  }
0x93: {  	v16 =	vsel vm14, $0x11D, v53;
	v52 =	vcombine.low v5, v4;
	v5 =	vunpack.c.0.s8.s32 v43  }
0x94: {  	v53 =	vcombine.low v6, v14;
	v6 =	vand.u32 $0xF, v42;
	v14 =	vimm.s32 $0x543210FE  }
0x95: {  	v22 =	vand.u32 $0xFF, v24;
	v21 =	vunpack.c.0.s8.s32 v21;
	v24 =	vimm.s32 $0x97FAD9B8  }
0x96: {  	v26 =	vsel vm1, $0x1F1, v26;
	v19 =	vsel vm15, v22, v19;
	v22 =	vsel vm0, $0x1B0, v23  }
0x97: {  	v23 =	vimm.s32 $0x13765534;
	v24 =	vunpack.c.0.s8.s32 v24;
	vm15 =	vcmask $0x3B38  }
0x98: {  	v54 =	vcombine.low v6, v5;
	v5 =	vimm.s32 $0xDCBA9876;
	v6 =	vunpack.c.l.s4.s8 v14  }
0x99: {  	v22 =	vsel vm1, $0x1D1, v22;
	v23 =	vunpack.c.0.s8.s32 v23;
	v21 =	vand.u32 $0xFF, v21  }
0x9a: {  	v3 =	vsel vm15, $0x10E, v3;
	v22 =	vsel vm2, $0x1F2, v22;
	v20 =	vsel vm8, v21, v20  }
0x9b: {  	v21 =	vsel vm0, $0x1C0, v25;
	v24 =	vand.u32 $0xFF, v24;
	v23 =	vand.u32 $0xFF, v23  }
0x9c: {  	v25 =	vimm.s32 $0x33127554;
	v22 =	vsel vm9, v23, v22;
	v23 =	vimm.s32 $0x23026544  }
0x9d: {  	v23 =	vunpack.c.0.s8.s32 v23;
	v22 =	vsel vm8, v24, v22;
	v24 =	vimm.s32 $0xA786E9C8  }
0x9e: {  	[tilespmem:$0x1FD50] =	vst v3;
	v3 =	vsel vm15, $0x12E, v17;
	v25 =	vunpack.c.0.s8.s32 v25;
	v24 =	vunpack.c.0.s8.s32 v24  }
0x9f: {  	v21 =	vsel vm1, $0x1E1, v21;
	v20 =	vsel vm12, $0x10B, v20;
	v23 =	vand.u32 $0xFF, v23  }
0xa0: {  	v21 =	vsel vm10, v23, v21;
	v23 =	vand.u32 $0xFF, v25;
	v24 =	vand.u32 $0xFF, v24  }
0xa1: {  	v25 =	vand.u32 $0xFF, v27;
	v27 =	vimm.s32 $0x53321174;
	v23 =	vsel vm10, v23, v26  }
0xa2: {  	v21 =	vsel vm7, v24, v21;
	v24 =	vimm.s32 $0x43220164;
	v26 =	vimm.s32 $0x1DF  }
0xa3: {  	v27 =	vunpack.c.0.s8.s32 v27;
	v23 =	vsel vm7, v25, v23;
	v24 =	vunpack.c.0.s8.s32 v24  }
0xa4: {  	v25 =	vimm.s32 $0x1CF;
	v26 =	vsel vm0, $0x1F0, v26;
	v21 =	vsel vm5, $0x10A, v21  }
0xa5: {  	v25 =	vsel vm0, $0x1E0, v25;
	v27 =	vand.u32 $0xFF, v27;
	v24 =	vand.u32 $0xFF, v24  }
0xa6: {  	v24 =	vsel vm11, v24, v25;
	v25 =	vsel vm11, v27, v26;
	v26 =	vand.u32 $0xFF, v28  }
0xa7: {  	v21 =	vsel vm12, $0x12B, v21;
	v27 =	vand.u32 $0xFF, v32;
	v24 =	vsel vm13, v26, v24  }
0xa8: {  	v25 =	vsel vm13, v27, v25;
	vm13 =	vcmask $0x3330;
	v26 =	vimm.s32 $0xFEDCBA9  }
0xa9: {  	v27 =	vimm.s32 $0x87654321;
	v7 =	vsel vm13, $0x1AC, v7;
	v8 =	vsel vm13, $0x1CC, v8  }
0xaa: {  	v18 =	vsel vm13, $0x10C, v18;
	v26 =	vunpack.c.l.s4.s8 v26;
	v27 =	vunpack.c.l.s4.s8 v27  }
0xab: {  	v20 =	vsel vm13, $0x12C, v20;
	v21 =	vsel vm13, $0x14C, v21;
	v7 =	vsel vm14, $0x1CD, v7  }
0xac: {  	v18 =	vsel vm14, $0x12D, v18;
	v26 =	vunpack.c.0.s8.s32 v26;
	v27 =	vunpack.c.0.s8.s32 v27  }
0xad: {  	[tilespmem:$0x1FD60] =	vst v3;
	v8 =	vsel vm14, $0x1ED, v8;
	v20 =	vsel vm14, $0x14D, v20;
	v3 =	vsel vm15, $0x14E, v18  }
0xae: {  	v21 =	vsel vm14, $0x16D, v21;
	[tilespmem:$0x1FD70] =	vst v3;
	v3 =	vsel vm15, $0x16E, v20;
	v35 =	vcombine.low v27, v26  }
0xaf: {  	s0 =	rddreg [dreg:$0x0];
	v14 =	vcombine.low v26, v27;
	v27 =	vunpack.c.0.s8.s32 v44;
	v44 =	vsel vm15, $0x1EE, v7  }
0xb0: {  	s1 =	rddreg [dreg:$0x1];
	v7 =	vsel vm15, $0xE, v8;
	v8 =	vsel vm15, $0x8E, v63;
	v63 =	vsel vm15, $0xAE, v13;
	[tilespmem:$0x1FD80] =	vst v3  }
0xb1: {  	s9 =	rddreg [dreg:$0x2];
	s4 =	simm.s32 $0x0;
	v9 =	vsel vm12, $0x1180, v9;
	v5 =	vunpack.c.l.s4.s8 v5;
	v3 =	vsel vm15, $0x18E, v21;
	[tilespmem:$0x1FD40] =	vst v63  }
0xb2: {  	[smem:$0x7FF] =	sst s4;
	v34 =	vmovc v45;
	v10 =	vsel vm12, $0x3180, v10;
	v11 =	vsel vm12, $0x19B, v11;
	v4 =	vimm.s32 $0xCBA98765;
	[tilespmem:$0x1FD90] =	vst v3  }
0xb3: {  	s2 =	rddreg [dreg:$0x3];
	v4 =	vunpack.c.l.s4.s8 v4;
	v6 =	vunpack.c.0.s8.s32 v6;
	v5 =	vunpack.c.0.s8.s32 v5;
	_ =	strace $0x80000047;
	[tilespmem:$0x1FDA0] =	vst v34  }
0xb4: {  	v12 =	vsel vm12, $0x1BB, v12;
	v15 =	vsel vm14, $0x9D, v15;
	v50 =	vcombine.low v49, v50;
	[tilespmem:$0x1FDB0] =	vst v48  }
0xb5: {  	v4 =	vunpack.c.0.s8.s32 v4;
	v45 =	vcombine.low v6, v5;
	v28 =	vimm.s32 $0x10FEDCBA;
	[tilespmem:$0x1FDC0] =	vst v51  }
0xb6: {  	v15 =	vsel vm15, $0xBE, v15;
	v32 =	vunpack.c.l.s4.s8 v58;
	v28 =	vunpack.c.l.s4.s8 v28;
	[tilespmem:$0x1FDD0] =	vst v52  }
0xb7: {  	v16 =	vsel vm15, $0x13E, v16;
	v45 =	vand.u32 $0xF, v45;
	v10 =	vsel vm13, $0x3200, v10;
	[tilespmem:$0x1FDE0] =	vst v46  }
0xb8: {  	v11 =	vsel vm13, $0x1BC, v11;
	v32 =	vunpack.c.0.s8.s32 v32;
	v28 =	vunpack.c.0.s8.s32 v28;
	[tilespmem:$0x1FDF0] =	vst v53  }
0xb9: {  	v12 =	vsel vm13, $0x1DC, v12;
	v10 =	vsel vm14, $0x3280, v10;
	v11 =	vsel vm14, $0x1DD, v11;
	[tilespmem:$0x1FE80] =	vst v45  }
0xba: {  	v12 =	vsel vm14, $0x1FD, v12;
	v10 =	vsel vm15, $0x3300, v10;
	v36 =	vcombine.low v32, v28;
	[tilespmem:$0x1FEC0] =	vst v50  }
0xbb: {  	v28 =	vcombine.low v28, v32;
	v32 =	vunpack.c.l.s4.s8 v59;
	v59 =	vsel vm15, $0x1FE, v11;
	[tilespmem:$0x1FEE0] =	vst v10  }
0xbc: {  	v17 =	vsel vm15, $0x11E, v2;
	v23 =	vsel vm5, $0x11A, v23;
	v12 =	vsel vm15, $0x1E, v12;
	[tilespmem:$0x1FEF0] =	vst v59  }
0xbd: {  	v22 =	vsel vm12, $0x11B, v22;
	v23 =	vsel vm12, $0x13B, v23;
	v13 =	vsel vm15, $0x9E, v1;
	[tilespmem:$0x1FF00] =	vst v12  }
0xbe: {  	v24 =	vsel vm3, $0x109, v24;
	v25 =	vsel vm3, $0x119, v25;
	v9 =	vsel vm13, $0x1200, v9;
	[tilespmem:$0x1FF10] =	vst v13  }
0xbf: {  	v19 =	vsel vm13, $0x11C, v19;
	v22 =	vsel vm13, $0x13C, v22;
	v23 =	vsel vm13, $0x15C, v23;
	[tilespmem:$0x1FF20] =	vst v15  }
0xc0: {  	v25 =	vsel vm5, $0x13A, v25;
	v19 =	vsel vm14, $0x13D, v19;
	v22 =	vsel vm14, $0x15D, v22;
	[tilespmem:$0x1FF30] =	vst v17  }
0xc1: {  	v25 =	vsel vm12, $0x15B, v25;
	v26 =	vcombine.low v41, v40;
	v40 =	vmovc v54;
	v54 =	vsel vm15, $0x15E, v19;
	[tilespmem:$0x1FF40] =	vst v16  }
0xc2: {  	v23 =	vsel vm14, $0x17D, v23;
	v55 =	vsel vm15, $0x17E, v22;
	v25 =	vsel vm13, $0x17C, v25;
	[tilespmem:$0x1FF50] =	vst v54  }
0xc3: {  	v24 =	vsel vm5, $0x12A, v24;
	v20 =	vsel vm15, $0x19E, v23;
	v25 =	vsel vm14, $0x19D, v25;
	[tilespmem:$0x1FF60] =	vst v55  }
0xc4: {  	v9 =	vsel vm14, $0x1280, v9;
	v24 =	vsel vm12, $0x14B, v24;
	v21 =	vsel vm15, $0x1BE, v25;
	[tilespmem:$0x1FF70] =	vst v20  }
0xc5: {  	v24 =	vsel vm13, $0x16C, v24;
	v3 =	vcombine.low v29, v31;
	v31 =	vand.u32 $0xF, v36;
	[tilespmem:$0x1FF80] =	vst v21  }
0xc6: {  	v24 =	vsel vm14, $0x18D, v24;
	v41 =	vsel vm15, $0x1300, v9;
	v28 =	vand.u32 $0xF, v28;
	[tilespmem:$0x1FF90] =	vst v31  }
0xc7: {  	v9 =	vcombine.low v4, v27;
	v4 =	vcombine.low v27, v4;
	v23 =	vand.u32 $0xF, v26;
	[tilespmem:$0x1FFE0] =	vst v28  }
0xc8: {  	v27 =	vcombine.low v5, v6;
	v6 =	vsel vm15, $0x1AE, v24;
	v24 =	vand.u32 $0xF, v60;
	[tilespmem:$0x1FE20] =	vst v23  }
0xc9: {  	v61 =	vimm.s32 $0xEDCBA987;
	v58 =	vand.u32 $0xF, v14;
	v14 =	vand.u32 $0xF, v62;
	[tilespmem:$0x1FE60] =	vst v24  }
0xca: {  	v33 =	vunpack.c.l.s4.s8 v61;
	v29 =	vcombine.low v47, v30;
	[tilespmem:$0x1FEB0] =	vst v14  }
0xcb: {  	[tilespmem:$0x1FED0] =	vst v6  }
0xcc: {  	v33 =	vunpack.c.0.s8.s32 v33;
	v32 =	vunpack.c.0.s8.s32 v32;
	[tilespmem:$0x1FFA0] =	vst v29  }
0xcd: {  	[tilespmem:$0x1FFB0] =	vst v58  }
0xce: {  	v56 =	vcombine.low v33, v32;
	v57 =	vcombine.low v32, v33;
	v33 =	vand.u32 $0xF, v35;
	[tilespmem:$0x1FFF0] =	vst v3  }
0xcf: {  	v32 =	vand.u32 $0xF, v37;
	[tilespmem:$0x1FE00] =	vst v33  }
0xd0: {  	v25 =	vand.u32 $0xF, v9;
	[tilespmem:$0x1FE10] =	vst v32  }
0xd1: {  	s5 =	srdreg.scid;
	s3 =	stileid.u32;
	s12 =	simm.s32 $0x7A1400;
	v5 =	vlaneseq.u32;
	v26 =	vand.u32 $0xF, v27;
	[tilespmem:$0x1FE30] =	vst v25  }
0xd2: {  	s13 =	simm.s32 $0x1;
	s14 =	simm.s32 $0x8000;
	s15 =	simm.s32 $0x4000;
	v43 =	vmov v8;
	v22 =	vmul.u32 $0x21, v5;
	v8 =	vand.u32 $0xF, v4;
	[tilespmem:$0x1FE40] =	vst v26  }
0xd3: {  	s16 =	simm.s32 $0xC000;
	s17 =	simm.s32 $0x2;
	s18 =	simm.s32 $0x0;
	[tilespmem:$0x1FE70] =	vst v8  }
.Ltmp0:
0xd4: {  	s5 =	sand.u32 $0x1, s5;
	s6 =	sshll.u32 s3, $0x1;
	v27 =	vand.u32 $0xF, v56;
	[tilespmem:$0x1FFD0] =	vst v22;
	(pc) =	sbr.rel .LBB2_1-.Ltmp0, $4  }
0xd5: {  	s7 =	ssub.s32 $0x2, s5;
	s5 =	sor.u32 s5, s6;
	s6 =	sadd.s32 $0x800, s9;
	v9 =	vcombine.low v39, v38;
	v4 =	vadd.s32 $0x10, v22;
	[tilespmem:$0x1FE50] =	vst v27  }
0xd6: {  	s9 =	sadd.s32 $0x3D1000, s9;
	s8 =	sshrl.u32 s7, $0x1;
	s10 =	sshll.u32 s5, $0x9;
	[tilespmem:$0x1FE90] =	vst v4  }
0xd7: {  	p0 =	sne.s32 s5, $0x0;
	s11 =	ssub.s32 s7, s8;
	s7 =	sadd.s32 s0, s10;
	v60 =	vand.u32 $0xF, v57;
	[tilespmem:$0x1FEA0] =	vst v9  }
0xd8: {  	s8 =	sadd.s32 $0x8000, s0;
	s10 =	smax.u32 s11, $0x1;
	s11 =	simm.s32 $0x1000;
	v42 =	vmov v7;
	v37 =	vmov v52;
	v39 =	vmov v53;
	[tilespmem:$0x1FFC0] =	vst v60  }
.LBB2_11:
0xd9: {  	_ =	swait.ge [sflag:s17], $0x4000  }
0xda: {  	[sflag:s17] =	ssyncset.done $0x0  }
0xdb: {  	[sflag:s17] =	ssyncadd.s32 $0xFFFFC000  }
0xdc: {  	_ =	swait.ge [sflag:s17], $0x4000  }
0xdd: {  	s19 =	simm.s32 @!p0 $0x0;
	[sflag:s17] =	ssyncset.done $0x0  }
0xde: {  	s20 =	simm.s32 @!p0 $0x10000;
	s21 =	simm.s32 @!p0 $0x3;
	[sflag:s17] =	ssyncadd.s32 $0xFFFFC000  }
0xdf: {  	[tilespmem:s20], [sflag:$0x3] =	stream.linear.gather @!p0 [hbm4b:s1+s19], $0x800, $0x38;
	[tilespmem:$0x10800] =	vst v63  }
0xe0: {  	s18 =	sadd.s32 $0x1, s18;
	_ =	swait.ge @!p0 [sflag:s21], $0x800  }
0xe1: {  	p1 =	sne.s32 s18, s10;
	[sflag:s21] =	ssyncset.done @!p0 $0x0  }
.Ltmp1:
0xe2: {  	[sflag:s21] =	ssyncadd.s32 @!p0 $0xFFFFF800;
	(pc) =	sbr.rel @!p1 .LBB2_12-.Ltmp1, $4  }
0xe3: {  	[hbm4b:s9+s19] =	stream.linear.scatter @!p0 [tilespmem:s20], [sflag:$0x3], $0x800, $0x38;
	[tilespmem:$0x10800] =	vst v63  }
0xe4: {  	_ =	swait.ge @!p0 [sflag:s21], $0x800  }
0xe5: {  	[sflag:s21] =	ssyncset.done @!p0 $0x0  }
0xe6: {  	[sflag:s21] =	ssyncadd.s32 @!p0 $0xFFFFF800  }
.LBB2_1:
.Ltmp2:
0xe7: {  	(pc) =	sbr.rel .LBB2_2-.Ltmp2, $3  }
0xe8: {  	_ =	sdelay $0x1  }
0xe9: {  	[tilespmem:s4], [sflag:$0x1] =	stream.strided.gather [hbm4b:s7+s11], $0x4000, s12, s11, $0x38;
	[tilespmem:$0x10800] =	vst v63  }
0xea: {  	s19 =	simm.s32 $0x0  }
.LBB2_10:
0xeb: {  	s19 =	sadd.s32 $0x1, s19  }
0xec: {  	p1 =	sne.s32 s19, $0x1F  }
.Ltmp3:
0xed: {  	_ = 	snop;
	(pc) =	sbr.rel @!p1 .LBB2_11-.Ltmp3, $4  }
0xee: {  	_ = 	snop  }
0xef: {  	v24 =	vld [tilespmem:$0x1FE60]  }
0xf0: {  	v8 =	vld [tilespmem:$0x1FE70]  }
0xf1: {  	v45 =	vld [tilespmem:$0x1FE80]  }
.LBB2_2:
0xf2: {  	s22 =	simm.s32 $0x0  }
0xf3: {  	v0 =	vor.u32 s22, v25  }
0xf4: {  	v4 =	vor.u32 s22, v31;
	v1 =	vor.u32 s22, v26;
	v2 =	vor.u32 s22, v32  }
0xf5: {  	v3 =	vor.u32 s22, v33;
	v5 =	vor.u32 s22, v5;
	v17 =	vor.u32 s22, v22  }
0xf6: {  	v18 =	vor.u32 s22, v44;
	v19 =	vor.u32 s22, v42;
	v20 =	vor.u32 s22, v37  }
0xf7: {  	v21 =	vor.u32 s22, v39;
	v22 =	vor.u32 s22, v34;
	v53 =	vand.u32 $0x7F, v0  }
0xf8: {  	v0 =	vor.u32 s22, v27;
	v51 =	vand.u32 $0x7F, v2;
	v2 =	vor.u32 s22, v14  }
0xf9: {  	s20 =	sshll.u32 s19, $0x6;
	v54 =	vand.u32 $0x7F, v3;
	v57 =	vand.u32 $0x7F, v5;
	v58 =	vand.u32 $0x7F, v1  }
0xfa: {  	s21 =	sor.u32 s5, s20;
	v62 =	vand.u32 $0x7F, v4;
	v4 =	vor.u32 s22, v60;
	v14 =	vor.u32 s22, v28  }
0xfb: {  	s20 =	sor.u32 $0x20, s21;
	v7 =	vor.u32 s22, v24;
	v24 =	vor.u32 s22, v43;
	v52 =	vand.u32 $0x7F, v0  }
0xfc: {  	v0 =	vor.u32 s22, v23;
	v50 =	vand.u32 $0x7F, v2;
	p2 =	sgt.u32 s20, $0x7A0;
	v60 =	vand.u32 $0x7F, v4  }
0xfd: {  	v4 =	vor.u32 s22, v40;
	v9 =	vand.u32 $0x7F, v7;
	v7 =	vor.u32 s22, v8;
	s23 =	sshll.u32 @!p2 s20, $0x9;
	s24 =	simm.s32 @!p2 $0x1000  }
0xfe: {  	v14 =	vand.u32 $0x7F, v14;
	v56 =	vand.u32 $0x7F, v0;
	v0 =	vmov s22;
	s25 =	simm.s32 @!p2 $0x7A1400;
	s26 =	simm.s32 @!p2 $0x4000;
	s23 =	sadd.s32 @!p2 s0, s23  }
0xff: {  	v7 =	vand.u32 $0x7F, v7;
	v8 =	vor.u32 s22, v45;
	v0 =	vshll.u32 v0, $0x3;
	[tilespmem:s26], [sflag:$0x1] =	stream.strided.gather @!p2 [hbm4b:s23+s24], $0x4000, s25, s24, $0x38;
	[tilespmem:$0x10800] =	vst v63  }
0x100: {  	v11 =	vand.u32 $0x7F, v4;
	v8 =	vand.u32 $0x7F, v8;
	v55 =	vand.u32 $0xC00, v0;
	s23 =	simm.s32 $0x10  }
0x101: {  	v0 =	vor.u32 v41, v55;
	v13 =	vor.u32 s23, v31;
	v4 =	vor.u32 s23, v25  }
0x102: {  	_ =	swait.ge [sflag:s13], $0x4000;
	v16 =	vor.u32 s23, v26;
	v25 =	vor.u32 s23, v32;
	v3 =	vor.u32 v57, v0  }
0x103: {  	p1 =	seq.s32 s19, $0x0;
	v2 =	vor.u32 v54, v0;
	v59 =	vor.u32 v50, v0;
	v12 =	vor.u32 v52, v0;
	[sflag:s13] =	ssyncset.done $0x0  }
0x104: {  	s24 =	simm.s32 @!p1 $0x2;
	v30 =	vor.u32 v51, v0;
	v1 =	vor.u32 v56, v0;
	v10 =	vor.u32 v58, v0;
	[sflag:s13] =	ssyncadd.s32 $0xFFFFC000  }
0x105: {  	v6 =	vor.u32 v62, v0;
	v5 =	vor.u32 v53, v0;
	v15 =	vor.u32 v8, v0;
	_ =	swait.ge @!p1 [sflag:s24], $0x4000  }
0x106: {  	v61 =	vand.u32 $0x7F, v4;
	v4 =	vor.u32 s23, v27;
	v28 =	vor.u32 v14, v0;
	[sflag:s24] =	ssyncset.done @!p1 $0x0  }
0x107: {  	v26 =	vor.u32 v11, v0;
	v63 =	vand.u32 $0x7F, v4;
	v4 =	vor.u32 s23, v23;
	[sflag:s24] =	ssyncadd.s32 @!p1 $0xFFFFC000  }
0x108: {  	s26 =	simm.s32 $0x20;
	s25 =	simm.s32 $0x0;
	v27 =	vor.u32 v9, v0;
	v23 =	vor.u32 v7, v0;
	v4 =	vand.u32 $0x7F, v4;
	s24 =	simm.s32 $0x0;
	v29 =	vld.idx.msk [tilespmem:v12+s4+$0x0], $0xffff  }
.LBB2_3:
0x109: {  	_ = 	snop  }
0x10a: {  	v31 =	vld [tilespmem:$0x1FEB0]  }
0x10b: {  	v12 =	vmov s23;
	v32 =	vld.idx.msk [tilespmem:v10+s4+$0x0], $0xffff  }
0x10c: {  	v10 =	vshll.u32 v12, $0x3;
	v12 =	vor.u32 s23, v33;
	v33 =	vld.idx.msk [tilespmem:v3+s4+$0x0], $0xffff  }
0x10d: {  	v36 =	vld.idx.msk [tilespmem:v2+s4+$0x0], $0xffff  }
0x10e: {  	v39 =	vld.idx.msk [tilespmem:v6+s4+$0x0], $0xffff  }
0x10f: {  	v46 =	vmov v42;
	v42 =	vld.idx.msk [tilespmem:v30+s4+$0x0], $0xffff  }
0x110: {  	v45 =	vmov v43;
	v43 =	vld.idx.msk [tilespmem:v1+s4+$0x0], $0xffff  }
0x111: {  	v49 =	vmov v44;
	v44 =	vld.idx.msk [tilespmem:v5+s4+$0x0], $0xffff;
	[tilespmem:v17+s14+$0x0] =	vst.idx.msk $0xffff, v33  }
0x112: {  	[tilespmem:v18+s14+$0x0] =	vst.idx.msk $0xffff, v36;
	v18 =	vld [tilespmem:$0x1FFB0]  }
0x113: {  	v17 =	vld [tilespmem:$0x1FD40]  }
0x114: {  	v34 =	vand.u32 $0xC00, v10;
	[tilespmem:v19+s14+$0x0] =	vst.idx.msk $0xffff, v39;
	v19 =	vld [tilespmem:$0x1FEE0]  }
0x115: {  	v25 =	vand.u32 $0x7F, v25;
	v47 =	vmovc v40;
	v40 =	vor.u32 v60, v0;
	v38 =	vor.u32 v41, v34  }
0x116: {  	v3 =	vlaneseq.u32;
	v30 =	vor.u32 v25, v38;
	v31 =	vor.u32 s23, v31  }
0x117: {  	v5 =	vor.u32 v61, v38;
	v31 =	vand.u32 $0x7F, v31;
	v18 =	vor.u32 s25, v18  }
0x118: {  	v48 =	vmovc v41;
	v41 =	vor.u32 v31, v38;
	[tilespmem:v20+s14+$0x0] =	vst.idx.msk $0xffff, v42;
	v17 =	vor.u32 s24, v17;
	v18 =	vand.u32 $0x7F, v18  }
0x119: {  	v3 =	vor.u32 s23, v3;
	[tilespmem:v21+s14+$0x0] =	vst.idx.msk $0xffff, v43;
	v19 =	vor.u32 v19, v55;
	v0 =	vor.u32 v18, v0  }
0x11a: {  	v37 =	vand.u32 $0x7F, v3;
	[tilespmem:v22+s14+$0x0] =	vst.idx.msk $0xffff, v44;
	v55 =	vmovc v34;
	v34 =	vor.u32 v50, v19;
	v50 =	vmov v31;
	v31 =	vld [tilespmem:$0x1FD50]  }
0x11b: {  	v3 =	vor.u32 v37, v38;
	[tilespmem:v24+s14+$0x0] =	vst.idx.msk $0xffff, v32;
	v22 =	vor.u32 v57, v19;
	v57 =	vmov v37;
	v37 =	vld [tilespmem:$0x1FD60]  }
0x11c: {  	v16 =	vand.u32 $0x7F, v16;
	v24 =	vor.u32 v51, v19;
	v51 =	vmovc v25;
	v25 =	vor.u32 v53, v19;
	v53 =	vmovc v61;
	v61 =	vld [tilespmem:$0x1FD70]  }
0x11d: {  	v10 =	vor.u32 v16, v38;
	[tilespmem:v17+s14+$0x0] =	vst.idx.msk $0xffff, v29;
	v29 =	vor.u32 v58, v19;
	v58 =	vmov v16;
	v16 =	vld [tilespmem:$0x1FFF0]  }
0x11e: {  	v13 =	vand.u32 $0x7F, v13;
	v1 =	vor.u32 v4, v38;
	v35 =	vand.u32 $0x7F, v12;
	v33 =	vld.idx.msk [tilespmem:v0+s4+$0x0], $0xffff  }
0x11f: {  	v6 =	vor.u32 v13, v38;
	v12 =	vor.u32 v63, v38;
	v2 =	vor.u32 v35, v38;
	v0 =	vmovc v38;
	v38 =	vld [tilespmem:$0x1FDE0]  }
0x120: {  	v28 =	vld.idx.msk [tilespmem:v28+s4+$0x0], $0xffff  }
0x121: {  	v21 =	vor.u32 v62, v19;
	v62 =	vmov v13;
	v13 =	vld.idx.msk [tilespmem:v26+s4+$0x0], $0xffff  }
0x122: {  	v17 =	vor.u32 v56, v19;
	v56 =	vmov v4;
	v4 =	vld.idx.msk [tilespmem:v27+s4+$0x0], $0xffff;
	v16 =	vor.u32 s24, v16  }
0x123: {  	v26 =	vld.idx.msk [tilespmem:v59+s4+$0x0], $0xffff  }
0x124: {  	v23 =	vld.idx.msk [tilespmem:v23+s4+$0x0], $0xffff;
	v27 =	vor.u32 s24, v38  }
0x125: {  	v15 =	vld.idx.msk [tilespmem:v15+s4+$0x0], $0xffff  }
0x126: {  	v36 =	vld.idx.msk [tilespmem:v40+s4+$0x0], $0xffff  }
0x127: {  	[tilespmem:v16+s14+$0x0] =	vst.idx.msk $0xffff, v13;
	v13 =	vld [tilespmem:$0x1FD80]  }
0x128: {  	v16 =	vld [tilespmem:$0x1FD90]  }
0x129: {  	v31 =	vor.u32 s24, v31;
	[tilespmem:v27+s14+$0x0] =	vst.idx.msk $0xffff, v33;
	v27 =	vld [tilespmem:$0x1FED0]  }
0x12a: {  	v20 =	vor.u32 v54, v19;
	v54 =	vmov v35;
	v35 =	vor.u32 s24, v37  }
0x12b: {  	v37 =	vor.u32 s24, v61  }
0x12c: {  	v13 =	vor.u32 s24, v13  }
0x12d: {  	v16 =	vor.u32 s24, v16  }
0x12e: {  	[tilespmem:v31+s14+$0x0] =	vst.idx.msk $0xffff, v28;
	v27 =	vor.u32 s24, v27  }
0x12f: {  	[tilespmem:v35+s14+$0x0] =	vst.idx.msk $0xffff, v4  }
0x130: {  	[tilespmem:v37+s14+$0x0] =	vst.idx.msk $0xffff, v26  }
0x131: {  	[tilespmem:v13+s14+$0x0] =	vst.idx.msk $0xffff, v23  }
0x132: {  	[tilespmem:v16+s14+$0x0] =	vst.idx.msk $0xffff, v15  }
0x133: {  	v35 =	vld [tilespmem:$0x1FDB0];
	[tilespmem:v27+s14+$0x0] =	vst.idx.msk $0xffff, v36  }
0x134: {  	v15 =	vld.idx.msk [tilespmem:v20+s4+$0x0], $0xffff  }
0x135: {  	v16 =	vld.idx.msk [tilespmem:v22+s4+$0x0], $0xffff  }
0x136: {  	v20 =	vld [tilespmem:$0x1FE90]  }
0x137: {  	v22 =	vld [tilespmem:$0x1FEF0]  }
0x138: {  	v23 =	vld [tilespmem:$0x1FF00]  }
0x139: {  	v27 =	vld [tilespmem:$0x1FFA0]  }
0x13a: {  	v32 =	vor.u32 v52, v19;
	v13 =	vld.idx.msk [tilespmem:v21+s4+$0x0], $0xffff  }
0x13b: {  	v4 =	vor.u32 v11, v19;
	v11 =	vor.u32 v18, v19;
	v18 =	vld.idx.msk [tilespmem:v24+s4+$0x0], $0xffff;
	v20 =	vor.u32 s24, v20  }
0x13c: {  	v14 =	vor.u32 v14, v19;
	v9 =	vor.u32 v9, v19;
	v17 =	vld.idx.msk [tilespmem:v17+s4+$0x0], $0xffff;
	v22 =	vor.u32 s24, v22  }
0x13d: {  	v7 =	vor.u32 v7, v19;
	v8 =	vor.u32 v8, v19;
	v21 =	vor.u32 v60, v19;
	v19 =	vld.idx.msk [tilespmem:v25+s4+$0x0], $0xffff  }
0x13e: {  	v25 =	vld [tilespmem:$0x1FEA0]  }
0x13f: {  	v24 =	vld.idx.msk [tilespmem:v32+s4+$0x0], $0xffff;
	v23 =	vor.u32 s24, v23  }
0x140: {  	v26 =	vld.idx.msk [tilespmem:v29+s4+$0x0], $0xffff;
	[tilespmem:v20+s14+$0x0] =	vst.idx.msk $0xffff, v16  }
0x141: {  	[tilespmem:v22+s14+$0x0] =	vst.idx.msk $0xffff, v15;
	v15 =	vld [tilespmem:$0x1FF10];
	_ =	sdelay $0x1  }
0x142: {  	v25 =	vor.u32 s24, v25  }
0x143: {  	v27 =	vor.u32 s24, v27;
	[tilespmem:v23+s14+$0x0] =	vst.idx.msk $0xffff, v13;
	v13 =	vld [tilespmem:$0x1FF20]  }
0x144: {  	v16 =	vor.u32 s24, v35  }
0x145: {  	v15 =	vor.u32 s24, v15;
	_ =	sdelay $0x1  }
0x146: {  	[tilespmem:v25+s14+$0x0] =	vst.idx.msk $0xffff, v18  }
0x147: {  	[tilespmem:v27+s14+$0x0] =	vst.idx.msk $0xffff, v17;
	v13 =	vor.u32 s24, v13  }
0x148: {  	[tilespmem:v16+s14+$0x0] =	vst.idx.msk $0xffff, v19  }
0x149: {  	[tilespmem:v15+s14+$0x0] =	vst.idx.msk $0xffff, v26;
	v15 =	vld [tilespmem:$0x1FF70];
	_ =	sdelay $0x2  }
0x14a: {  	[tilespmem:v13+s14+$0x0] =	vst.idx.msk $0xffff, v24  }
0x14b: {  	v26 =	vld.idx.msk [tilespmem:v7+s4+$0x0], $0xffff  }
0x14c: {  	v23 =	vor.u32 s24, v15;
	v15 =	vld [tilespmem:$0x1FFC0]  }
0x14d: {  	v7 =	vld [tilespmem:$0x1FF30];
	_ =	sdelay $0x2  }
0x14e: {  	s25 =	smov.u32 s23  }
0x14f: {  	v15 =	vor.u32 s25, v15  }
0x150: {  	v60 =	vand.u32 $0x7F, v15;
	v15 =	vor.u32 s24, v7;
	v7 =	vld [tilespmem:$0x1FF40];
	_ =	sdelay $0x4  }
0x151: {  	v28 =	vor.u32 s24, v7;
	v7 =	vld [tilespmem:$0x1FF60];
	_ =	sdelay $0x2  }
0x152: {  	v13 =	vld.idx.msk [tilespmem:v9+s4+$0x0], $0xffff  }
0x153: {  	v9 =	vld [tilespmem:$0x1FEC0]  }
0x154: {  	v29 =	vor.u32 s24, v7;
	v7 =	vld [tilespmem:$0x1FF50];
	_ =	sdelay $0x1  }
0x155: {  	v14 =	vld.idx.msk [tilespmem:v14+s4+$0x0], $0xffff  }
0x156: {  	v4 =	vld.idx.msk [tilespmem:v4+s4+$0x0], $0xffff  }
0x157: {  	v11 =	vld.idx.msk [tilespmem:v11+s4+$0x0], $0xffff;
	v9 =	vor.u32 s24, v9  }
0x158: {  	v52 =	vmov v63;
	v63 =	vor.u32 s24, v7;
	v7 =	vld [tilespmem:$0x1FFE0]  }
0x159: {  	v16 =	vld.idx.msk [tilespmem:v34+s4+$0x0], $0xffff  }
0x15a: {  	v27 =	vld.idx.msk [tilespmem:v8+s4+$0x0], $0xffff  }
0x15b: {  	v31 =	vld.idx.msk [tilespmem:v21+s4+$0x0], $0xffff  }
0x15c: {  	[tilespmem:v9+s14+$0x0] =	vst.idx.msk $0xffff, v4;
	v4 =	vld [tilespmem:$0x1FE70]  }
0x15d: {  	v33 =	vor.u32 s25, v7;
	v7 =	vld [tilespmem:$0x1FE60];
	_ =	sdelay $0x1  }
0x15e: {  	v36 =	vld [tilespmem:$0x1FDC0];
	_ =	sdelay $0x2  }
0x15f: {  	v4 =	vor.u32 s25, v4;
	v7 =	vor.u32 s25, v7  }
0x160: {  	v9 =	vand.u32 $0x7F, v7;
	v7 =	vand.u32 $0x7F, v4;
	v4 =	vld [tilespmem:$0x1FE80]  }
0x161: {  	v22 =	vor.u32 s24, v36;
	_ =	sdelay $0x3  }
0x162: {  	v8 =	vor.u32 s25, v47;
	v4 =	vor.u32 s25, v4  }
0x163: {  	[tilespmem:v22+s14+$0x0] =	vst.idx.msk $0xffff, v11;
	v11 =	vand.u32 $0x7F, v8;
	v8 =	vand.u32 $0x7F, v4;
	v4 =	vld [tilespmem:$0x1FF90];
	_ =	sdelay $0x2  }
0x164: {  	s28 =	smov.u32 s26  }
0x165: {  	s23 =	smov.u32 s28;
	[tilespmem:v15+s14+$0x0] =	vst.idx.msk $0xffff, v14  }
0x166: {  	[tilespmem:v28+s14+$0x0] =	vst.idx.msk $0xffff, v13;
	v13 =	vor.u32 s23, v4;
	v4 =	vld [tilespmem:$0x1FE30];
	_ =	sdelay $0x3  }
0x167: {  	v17 =	vld [tilespmem:$0x1FF80]  }
0x168: {  	v39 =	vld [tilespmem:$0x1FDF0];
	v4 =	vor.u32 s23, v4  }
0x169: {  	v61 =	vand.u32 $0x7F, v4;
	v4 =	vld [tilespmem:$0x1FE50]  }
0x16a: {  	v37 =	vld [tilespmem:$0x1FDD0]  }
0x16b: {  	v32 =	vld [tilespmem:$0x1FE10]  }
0x16c: {  	v25 =	vor.u32 s24, v17;
	v17 =	vld [tilespmem:$0x1FFD0]  }
0x16d: {  	v34 =	vld [tilespmem:$0x1FDA0]  }
0x16e: {  	[tilespmem:v63+s14+$0x0] =	vst.idx.msk $0xffff, v16;
	v16 =	vld [tilespmem:$0x1FE40];
	v4 =	vor.u32 s23, v4  }
0x16f: {  	s22 =	sadd.s32 $0x200, s22;
	v63 =	vand.u32 $0x7F, v4;
	v4 =	vld [tilespmem:$0x1FE20]  }
0x170: {  	p3 =	sne.s32 s26, $0x1F0;
	v20 =	vor.u32 s22, v37;
	v18 =	vor.u32 s22, v49  }
.Ltmp4:
0x171: {  	v42 =	vmovc v46;
	v19 =	vor.u32 s22, v46;
	v24 =	vor.u32 s22, v45;
	v21 =	vor.u32 s22, v39;
	[tilespmem:v29+s14+$0x0] =	vst.idx.msk $0xffff, v26;
	(pc) =	sbr.rel @p3 .LBB2_3-.Ltmp4, $4  }
0x172: {  	v43 =	vmovc v45;
	v44 =	vmovc v49;
	v17 =	vor.u32 s22, v17;
	v22 =	vor.u32 s22, v34;
	v14 =	vand.u32 $0x7F, v33;
	[tilespmem:v23+s14+$0x0] =	vst.idx.msk $0xffff, v27  }
0x173: {  	v26 =	vor.u32 v11, v0;
	v28 =	vor.u32 v14, v0;
	[tilespmem:v25+s14+$0x0] =	vst.idx.msk $0xffff, v31;
	v25 =	vor.u32 s23, v32  }
0x174: {  	v59 =	vmovc v41;
	v41 =	vmovc v48;
	v33 =	vld [tilespmem:$0x1FE00];
	v16 =	vor.u32 s23, v16;
	v23 =	vor.u32 v7, v0;
	v4 =	vor.u32 s23, v4  }
0x175: {  	s26 =	sadd.s32 $0x10, s26;
	v40 =	vmovc v47;
	s24 =	smov.u32 s22;
	v29 =	vld.idx.msk [tilespmem:v12+s4+$0x0], $0xffff;
	v27 =	vor.u32 v9, v0;
	v15 =	vor.u32 v8, v0;
	v4 =	vand.u32 $0x7F, v4  }
0x176: {  	_ =	sdelay $0x3  }
0x177: {  	v3 =	vld.idx.msk [tilespmem:v3+s4+$0x0], $0xffff  }
0x178: {  	v2 =	vld.idx.msk [tilespmem:v2+s4+$0x0], $0xffff  }
0x179: {  	v6 =	vld.idx.msk [tilespmem:v6+s4+$0x0], $0xffff  }
0x17a: {  	v12 =	vld.idx.msk [tilespmem:v30+s4+$0x0], $0xffff  }
0x17b: {  	v30 =	vld [tilespmem:$0x1FD40]  }
0x17c: {  	v10 =	vld.idx.msk [tilespmem:v10+s4+$0x0], $0xffff  }
0x17d: {  	v1 =	vld.idx.msk [tilespmem:v1+s4+$0x0], $0xffff  }
0x17e: {  	v5 =	vld.idx.msk [tilespmem:v5+s4+$0x0], $0xffff;
	[tilespmem:v17+s14+$0x0] =	vst.idx.msk $0xffff, v3  }
0x17f: {  	v31 =	vld [tilespmem:$0x1FFB0];
	[tilespmem:v18+s14+$0x0] =	vst.idx.msk $0xffff, v2  }
0x180: {  	v18 =	vor.u32 s24, v30;
	[tilespmem:v19+s14+$0x0] =	vst.idx.msk $0xffff, v6  }
0x181: {  	[tilespmem:v20+s14+$0x0] =	vst.idx.msk $0xffff, v12  }
0x182: {  	[tilespmem:v21+s14+$0x0] =	vst.idx.msk $0xffff, v1  }
0x183: {  	[tilespmem:v22+s14+$0x0] =	vst.idx.msk $0xffff, v5  }
0x184: {  	v3 =	vor.u32 s25, v31;
	[tilespmem:v24+s14+$0x0] =	vst.idx.msk $0xffff, v10  }
0x185: {  	v3 =	vand.u32 $0x7F, v3;
	v24 =	vld [tilespmem:$0x1FFF0];
	[tilespmem:v18+s14+$0x0] =	vst.idx.msk $0xffff, v29  }
0x186: {  	v19 =	vor.u32 v3, v0;
	v12 =	vld.idx.msk [tilespmem:v59+s4+$0x0], $0xffff  }
0x187: {  	v59 =	vld [tilespmem:$0x1FD50];
	_ =	sdelay $0x1  }
0x188: {  	v2 =	vld.idx.msk [tilespmem:v28+s4+$0x0], $0xffff  }
0x189: {  	v0 =	vor.u32 v60, v0;
	v5 =	vld.idx.msk [tilespmem:v26+s4+$0x0], $0xffff;
	v10 =	vor.u32 s24, v24  }
0x18a: {  	v17 =	vor.u32 s24, v38;
	v1 =	vld.idx.msk [tilespmem:v19+s4+$0x0], $0xffff  }
0x18b: {  	v6 =	vld.idx.msk [tilespmem:v27+s4+$0x0], $0xffff;
	v19 =	vor.u32 s24, v59  }
0x18c: {  	v18 =	vld.idx.msk [tilespmem:v23+s4+$0x0], $0xffff  }
0x18d: {  	v15 =	vld.idx.msk [tilespmem:v15+s4+$0x0], $0xffff  }
0x18e: {  	v0 =	vld.idx.msk [tilespmem:v0+s4+$0x0], $0xffff;
	[tilespmem:v10+s14+$0x0] =	vst.idx.msk $0xffff, v5  }
0x18f: {  	[tilespmem:v17+s14+$0x0] =	vst.idx.msk $0xffff, v1  }
0x190: {  	[tilespmem:v19+s14+$0x0] =	vst.idx.msk $0xffff, v2;
	v19 =	vld [tilespmem:$0x1FEE0]  }
0x191: {  	v26 =	vld [tilespmem:$0x1FD60]  }
0x192: {  	v27 =	vld [tilespmem:$0x1FD70]  }
0x193: {  	v5 =	vld [tilespmem:$0x1FD80]  }
0x194: {  	v17 =	vld [tilespmem:$0x1FD90]  }
0x195: {  	v2 =	vor.u32 v19, v55;
	v55 =	vld [tilespmem:$0x1FED0]  }
0x196: {  	v20 =	vor.u32 s24, v26  }
0x197: {  	v21 =	vor.u32 s24, v27  }
0x198: {  	v5 =	vor.u32 s24, v5  }
0x199: {  	v1 =	vor.u32 s24, v17  }
0x19a: {  	v10 =	vor.u32 s24, v55  }
0x19b: {  	[tilespmem:v20+s14+$0x0] =	vst.idx.msk $0xffff, v6;
	v59 =	vor.u32 v57, v2  }
0x19c: {  	v22 =	vld [tilespmem:$0x1FFA0];
	[tilespmem:v21+s14+$0x0] =	vst.idx.msk $0xffff, v12  }
0x19d: {  	v21 =	vld [tilespmem:$0x1FEA0];
	v6 =	vor.u32 v62, v2;
	[tilespmem:v5+s14+$0x0] =	vst.idx.msk $0xffff, v18  }
0x19e: {  	v12 =	vor.u32 v54, v2;
	v57 =	vld [tilespmem:$0x1FE90];
	[tilespmem:v1+s14+$0x0] =	vst.idx.msk $0xffff, v15  }
0x19f: {  	v54 =	vor.u32 v56, v2;
	v55 =	vor.u32 v53, v2;
	v53 =	vld [tilespmem:$0x1FF00];
	[tilespmem:v10+s14+$0x0] =	vst.idx.msk $0xffff, v0  }
0x1a0: {  	v17 =	vld.idx.msk [tilespmem:v59+s4+$0x0], $0xffff  }
0x1a1: {  	v59 =	vld [tilespmem:$0x1FEF0]  }
0x1a2: {  	v6 =	vld.idx.msk [tilespmem:v6+s4+$0x0], $0xffff  }
0x1a3: {  	v5 =	vor.u32 v51, v2;
	v12 =	vld.idx.msk [tilespmem:v12+s4+$0x0], $0xffff  }
0x1a4: {  	v62 =	vor.u32 v52, v2;
	v1 =	vld.idx.msk [tilespmem:v54+s4+$0x0], $0xffff  }
0x1a5: {  	v15 =	vor.u32 v58, v2;
	v18 =	vor.u32 s24, v57;
	v0 =	vld.idx.msk [tilespmem:v55+s4+$0x0], $0xffff  }
0x1a6: {  	v54 =	vld [tilespmem:$0x1FF10];
	v58 =	vor.u32 s24, v59  }
0x1a7: {  	v20 =	vor.u32 s24, v53;
	v55 =	vld [tilespmem:$0x1FF20]  }
0x1a8: {  	v21 =	vor.u32 s24, v21;
	v5 =	vld.idx.msk [tilespmem:v5+s4+$0x0], $0xffff  }
0x1a9: {  	v22 =	vor.u32 s24, v22;
	v10 =	vld.idx.msk [tilespmem:v62+s4+$0x0], $0xffff  }
0x1aa: {  	v15 =	vld.idx.msk [tilespmem:v15+s4+$0x0], $0xffff;
	v62 =	vor.u32 s24, v35;
	[tilespmem:v18+s14+$0x0] =	vst.idx.msk $0xffff, v17  }
0x1ab: {  	v28 =	vld [tilespmem:$0x1FF80];
	[tilespmem:v58+s14+$0x0] =	vst.idx.msk $0xffff, v12;
	v12 =	vor.u32 s24, v54  }
0x1ac: {  	v56 =	vld [tilespmem:$0x1FF30];
	[tilespmem:v20+s14+$0x0] =	vst.idx.msk $0xffff, v6;
	v6 =	vor.u32 s24, v55  }
0x1ad: {  	v9 =	vor.u32 v9, v2;
	v51 =	vld [tilespmem:$0x1FEC0];
	[tilespmem:v21+s14+$0x0] =	vst.idx.msk $0xffff, v5  }
0x1ae: {  	v57 =	vld [tilespmem:$0x1FF40];
	v5 =	vor.u32 v14, v2;
	[tilespmem:v22+s14+$0x0] =	vst.idx.msk $0xffff, v1  }
0x1af: {  	v19 =	vor.u32 v3, v2;
	v18 =	vor.u32 v11, v2;
	v58 =	vld [tilespmem:$0x1FF50];
	[tilespmem:v62+s14+$0x0] =	vst.idx.msk $0xffff, v0  }
0x1b0: {  	v3 =	vor.u32 v50, v2;
	v8 =	vor.u32 v8, v2;
	v62 =	vld [tilespmem:$0x1FF70];
	[tilespmem:v12+s14+$0x0] =	vst.idx.msk $0xffff, v15  }
0x1b1: {  	[tilespmem:v6+s14+$0x0] =	vst.idx.msk $0xffff, v10;
	v6 =	vor.u32 v7, v2;
	v2 =	vor.u32 v60, v2;
	v60 =	vld [tilespmem:$0x1FF60]  }
0x1b2: {  	v7 =	vld.idx.msk [tilespmem:v9+s4+$0x0], $0xffff  }
0x1b3: {  	v5 =	vld.idx.msk [tilespmem:v5+s4+$0x0], $0xffff  }
0x1b4: {  	v1 =	vld.idx.msk [tilespmem:v18+s4+$0x0], $0xffff;
	v9 =	vor.u32 s24, v51  }
0x1b5: {  	v10 =	vor.u32 s24, v36;
	v0 =	vld.idx.msk [tilespmem:v19+s4+$0x0], $0xffff  }
0x1b6: {  	v50 =	vor.u32 s24, v56;
	v3 =	vld.idx.msk [tilespmem:v3+s4+$0x0], $0xffff  }
0x1b7: {  	v12 =	vor.u32 s24, v57;
	v8 =	vld.idx.msk [tilespmem:v8+s4+$0x0], $0xffff  }
0x1b8: {  	v14 =	vmov s23;
	v15 =	vor.u32 s24, v58;
	v6 =	vld.idx.msk [tilespmem:v6+s4+$0x0], $0xffff  }
0x1b9: {  	v14 =	vshll.u32 v14, $0x3;
	v2 =	vld.idx.msk [tilespmem:v2+s4+$0x0], $0xffff;
	v52 =	vor.u32 s24, v60;
	[tilespmem:v9+s14+$0x0] =	vst.idx.msk $0xffff, v1  }
0x1ba: {  	v18 =	vor.u32 s24, v62;
	v1 =	vand.u32 $0xC00, v14;
	[tilespmem:v10+s14+$0x0] =	vst.idx.msk $0xffff, v0  }
0x1bb: {  	v19 =	vor.u32 s24, v28;
	v0 =	vor.u32 v41, v1;
	[tilespmem:v50+s14+$0x0] =	vst.idx.msk $0xffff, v5  }
0x1bc: {  	v11 =	vand.u32 $0x7F, v16;
	v5 =	vlaneseq.u32;
	v14 =	vor.u32 v63, v0;
	[tilespmem:v12+s14+$0x0] =	vst.idx.msk $0xffff, v7  }
0x1bd: {  	v5 =	vor.u32 s23, v5;
	v12 =	vor.u32 v11, v0;
	[tilespmem:v15+s14+$0x0] =	vst.idx.msk $0xffff, v3  }
0x1be: {  	v7 =	vor.u32 s23, v33;
	v5 =	vand.u32 $0x7F, v5;
	v15 =	vor.u32 v61, v0;
	[tilespmem:v52+s14+$0x0] =	vst.idx.msk $0xffff, v6  }
0x1bf: {  	v3 =	vand.u32 $0x7F, v7;
	v7 =	vor.u32 v5, v0;
	v52 =	vld [tilespmem:$0x1FFD0];
	[tilespmem:v18+s14+$0x0] =	vst.idx.msk $0xffff, v8  }
0x1c0: {  	v13 =	vand.u32 $0x7F, v13;
	v6 =	vor.u32 v3, v0;
	[tilespmem:v19+s14+$0x0] =	vst.idx.msk $0xffff, v2  }
0x1c1: {  	v8 =	vand.u32 $0x7F, v25;
	v25 =	vor.u32 v13, v0;
	v10 =	vld.idx.msk [tilespmem:v14+s4+$0x0], $0xffff  }
0x1c2: {  	v2 =	vor.u32 v8, v0;
	v12 =	vld.idx.msk [tilespmem:v12+s4+$0x0], $0xffff  }
0x1c3: {  	s22 =	sadd.s32 $0x200, s22;
	v14 =	vor.u32 v4, v0;
	v15 =	vld.idx.msk [tilespmem:v15+s4+$0x0], $0xffff  }
0x1c4: {  	v7 =	vld.idx.msk [tilespmem:v7+s4+$0x0], $0xffff;
	v50 =	vor.u32 s22, v52  }
0x1c5: {  	v6 =	vld.idx.msk [tilespmem:v6+s4+$0x0], $0xffff  }
0x1c6: {  	v9 =	vld.idx.msk [tilespmem:v25+s4+$0x0], $0xffff  }
0x1c7: {  	v2 =	vld.idx.msk [tilespmem:v2+s4+$0x0], $0xffff  }
0x1c8: {  	v14 =	vld.idx.msk [tilespmem:v14+s4+$0x0], $0xffff  }
0x1c9: {  	[tilespmem:v50+s14+$0x0] =	vst.idx.msk $0xffff, v7;
	v50 =	vld [tilespmem:$0x1FFE0]  }
0x1ca: {  	v17 =	vor.u32 s22, v44;
	_ =	sdelay $0x2  }
0x1cb: {  	v25 =	vor.u32 s22, v42  }
0x1cc: {  	v19 =	vor.u32 s22, v37;
	v7 =	vor.u32 s23, v50  }
0x1cd: {  	v20 =	vor.u32 s22, v39;
	[tilespmem:v17+s14+$0x0] =	vst.idx.msk $0xffff, v6;
	v6 =	vand.u32 $0x7F, v7;
	v7 =	vor.u32 s22, v30;
	v30 =	vld [tilespmem:$0x1FEB0]  }
0x1ce: {  	v21 =	vor.u32 s22, v34;
	_ =	sdelay $0x1  }
0x1cf: {  	[tilespmem:v25+s14+$0x0] =	vst.idx.msk $0xffff, v9  }
0x1d0: {  	v25 =	vor.u32 s23, v40;
	[tilespmem:v19+s14+$0x0] =	vst.idx.msk $0xffff, v2  }
0x1d1: {  	v19 =	vld [tilespmem:$0x1FE60];
	v17 =	vand.u32 $0x7F, v25;
	[tilespmem:v20+s14+$0x0] =	vst.idx.msk $0xffff, v14;
	v25 =	vor.u32 s23, v30  }
0x1d2: {  	[tilespmem:v21+s14+$0x0] =	vst.idx.msk $0xffff, v15;
	v15 =	vand.u32 $0x7F, v25;
	v25 =	vld [tilespmem:$0x1FE70];
	_ =	sdelay $0x3  }
0x1d3: {  	v16 =	vor.u32 s22, v43;
	v9 =	vor.u32 s23, v31  }
0x1d4: {  	v2 =	vand.u32 $0x7F, v9;
	v9 =	vor.u32 s23, v19;
	v19 =	vor.u32 s23, v25;
	v25 =	vld [tilespmem:$0x1FE80]  }
0x1d5: {  	v29 =	vld [tilespmem:$0x1FFC0];
	v18 =	vor.u32 v6, v0  }
0x1d6: {  	v14 =	vor.u32 v2, v0  }
0x1d7: {  	v20 =	vor.u32 v17, v0;
	v9 =	vand.u32 $0x7F, v9  }
0x1d8: {  	v23 =	vor.u32 s22, v24;
	v24 =	vor.u32 s22, v38;
	[tilespmem:v16+s14+$0x0] =	vst.idx.msk $0xffff, v12;
	v21 =	vor.u32 v9, v0  }
0x1d9: {  	v38 =	vld [tilespmem:$0x1FD50];
	[tilespmem:v7+s14+$0x0] =	vst.idx.msk $0xffff, v10;
	v12 =	vor.u32 v15, v0;
	v16 =	vand.u32 $0x7F, v19;
	v19 =	vor.u32 s23, v25  }
0x1da: {  	v7 =	vor.u32 s23, v29;
	v18 =	vld.idx.msk [tilespmem:v18+s4+$0x0], $0xffff;
	v10 =	vand.u32 $0x7F, v19;
	v19 =	vor.u32 v16, v0  }
0x1db: {  	v7 =	vand.u32 $0x7F, v7;
	v14 =	vld.idx.msk [tilespmem:v14+s4+$0x0], $0xffff;
	v22 =	vor.u32 v10, v0  }
0x1dc: {  	v20 =	vld.idx.msk [tilespmem:v20+s4+$0x0], $0xffff;
	v0 =	vor.u32 v7, v0  }
0x1dd: {  	v21 =	vld.idx.msk [tilespmem:v21+s4+$0x0], $0xffff  }
0x1de: {  	v12 =	vld.idx.msk [tilespmem:v12+s4+$0x0], $0xffff  }
0x1df: {  	v25 =	vor.u32 s22, v38;
	v19 =	vld.idx.msk [tilespmem:v19+s4+$0x0], $0xffff  }
0x1e0: {  	v22 =	vld.idx.msk [tilespmem:v22+s4+$0x0], $0xffff  }
0x1e1: {  	v0 =	vld.idx.msk [tilespmem:v0+s4+$0x0], $0xffff  }
0x1e2: {  	[tilespmem:v23+s14+$0x0] =	vst.idx.msk $0xffff, v20;
	v20 =	vld [tilespmem:$0x1FD80]  }
0x1e3: {  	[tilespmem:v24+s14+$0x0] =	vst.idx.msk $0xffff, v14;
	v14 =	vld [tilespmem:$0x1FD90]  }
0x1e4: {  	[tilespmem:v25+s14+$0x0] =	vst.idx.msk $0xffff, v18;
	v18 =	vld [tilespmem:$0x1FED0]  }
0x1e5: {  	v26 =	vor.u32 s22, v26;
	v23 =	vld [tilespmem:$0x1FEE0]  }
0x1e6: {  	v27 =	vor.u32 s22, v27  }
0x1e7: {  	v20 =	vor.u32 s22, v20  }
0x1e8: {  	v14 =	vor.u32 s22, v14  }
0x1e9: {  	v38 =	vor.u32 s22, v18  }
0x1ea: {  	[tilespmem:v26+s14+$0x0] =	vst.idx.msk $0xffff, v21;
	v1 =	vor.u32 v23, v1  }
0x1eb: {  	[tilespmem:v27+s14+$0x0] =	vst.idx.msk $0xffff, v12;
	v13 =	vor.u32 v13, v1  }
0x1ec: {  	v3 =	vor.u32 v3, v1;
	[tilespmem:v20+s14+$0x0] =	vst.idx.msk $0xffff, v19  }
0x1ed: {  	[tilespmem:v14+s14+$0x0] =	vst.idx.msk $0xffff, v22  }
0x1ee: {  	v5 =	vor.u32 v5, v1;
	[tilespmem:v38+s14+$0x0] =	vst.idx.msk $0xffff, v0;
	v38 =	vld [tilespmem:$0x1FE90]  }
0x1ef: {  	v8 =	vor.u32 v8, v1;
	v22 =	vld [tilespmem:$0x1FEA0]  }
0x1f0: {  	v61 =	vor.u32 v61, v1;
	v12 =	vld.idx.msk [tilespmem:v13+s4+$0x0], $0xffff  }
0x1f1: {  	v4 =	vor.u32 v4, v1;
	v3 =	vld.idx.msk [tilespmem:v3+s4+$0x0], $0xffff  }
0x1f2: {  	v11 =	vor.u32 v11, v1;
	v13 =	vor.u32 v63, v1;
	v63 =	vld [tilespmem:$0x1FFA0]  }
0x1f3: {  	v5 =	vld.idx.msk [tilespmem:v5+s4+$0x0], $0xffff;
	v14 =	vor.u32 s22, v38  }
0x1f4: {  	v59 =	vor.u32 s22, v59;
	v8 =	vld.idx.msk [tilespmem:v8+s4+$0x0], $0xffff  }
0x1f5: {  	v0 =	vld.idx.msk [tilespmem:v61+s4+$0x0], $0xffff;
	v61 =	vor.u32 s22, v53  }
0x1f6: {  	v4 =	vld.idx.msk [tilespmem:v4+s4+$0x0], $0xffff;
	v20 =	vor.u32 s22, v22  }
0x1f7: {  	v11 =	vld.idx.msk [tilespmem:v11+s4+$0x0], $0xffff;
	v21 =	vor.u32 s22, v63  }
0x1f8: {  	v13 =	vld.idx.msk [tilespmem:v13+s4+$0x0], $0xffff;
	[tilespmem:v14+s14+$0x0] =	vst.idx.msk $0xffff, v5;
	v5 =	vor.u32 s22, v35  }
0x1f9: {  	[tilespmem:v59+s14+$0x0] =	vst.idx.msk $0xffff, v3;
	v3 =	vor.u32 s22, v54  }
0x1fa: {  	[tilespmem:v61+s14+$0x0] =	vst.idx.msk $0xffff, v12;
	v12 =	vor.u32 s22, v55  }
0x1fb: {  	v38 =	vor.u32 v9, v1;
	[tilespmem:v20+s14+$0x0] =	vst.idx.msk $0xffff, v8  }
0x1fc: {  	v53 =	vor.u32 v17, v1;
	[tilespmem:v21+s14+$0x0] =	vst.idx.msk $0xffff, v4  }
0x1fd: {  	v2 =	vor.u32 v2, v1;
	[tilespmem:v5+s14+$0x0] =	vst.idx.msk $0xffff, v0  }
0x1fe: {  	v54 =	vor.u32 v10, v1;
	[tilespmem:v3+s14+$0x0] =	vst.idx.msk $0xffff, v11  }
0x1ff: {  	v4 =	vor.u32 v6, v1;
	[tilespmem:v12+s14+$0x0] =	vst.idx.msk $0xffff, v13  }
0x200: {  	v5 =	vor.u32 v16, v1;
	v6 =	vld.idx.msk [tilespmem:v38+s4+$0x0], $0xffff  }
0x201: {  	v3 =	vor.u32 v15, v1;
	v0 =	vld.idx.msk [tilespmem:v53+s4+$0x0], $0xffff  }
0x202: {  	v1 =	vor.u32 v7, v1;
	v7 =	vor.u32 s22, v51;
	v2 =	vld.idx.msk [tilespmem:v2+s4+$0x0], $0xffff  }
0x203: {  	v55 =	vor.u32 s22, v36;
	v8 =	vld.idx.msk [tilespmem:v54+s4+$0x0], $0xffff  }
0x204: {  	v56 =	vor.u32 s22, v56;
	v4 =	vld.idx.msk [tilespmem:v4+s4+$0x0], $0xffff  }
0x205: {  	v59 =	vor.u32 s22, v57;
	v5 =	vld.idx.msk [tilespmem:v5+s4+$0x0], $0xffff  }
0x206: {  	v12 =	vor.u32 s22, v58;
	v3 =	vld.idx.msk [tilespmem:v3+s4+$0x0], $0xffff  }
0x207: {  	v61 =	vor.u32 s22, v60;
	v1 =	vld.idx.msk [tilespmem:v1+s4+$0x0], $0xffff;
	[tilespmem:v7+s14+$0x0] =	vst.idx.msk $0xffff, v0  }
0x208: {  	v63 =	vor.u32 s22, v62;
	[tilespmem:v55+s14+$0x0] =	vst.idx.msk $0xffff, v2  }
0x209: {  	[tilespmem:v56+s14+$0x0] =	vst.idx.msk $0xffff, v4;
	v4 =	vor.u32 s22, v28  }
0x20a: {  	p3 =	sgt.u32 s21, $0x760;
	[tilespmem:v59+s14+$0x0] =	vst.idx.msk $0xffff, v6  }
.Ltmp5:
0x20b: {  	[tilespmem:v12+s14+$0x0] =	vst.idx.msk $0xffff, v3;
	(pc) =	sbr.rel @p3 .LBB2_6-.Ltmp5, $4  }
0x20c: {  	[tilespmem:v61+s14+$0x0] =	vst.idx.msk $0xffff, v5  }
0x20d: {  	s31 =	sshll.u32 s21, $0xB;
	[tilespmem:v63+s14+$0x0] =	vst.idx.msk $0xffff, v8  }
0x20e: {  	s22 =	sadd.s32 s6, s31;
	[tilespmem:v4+s14+$0x0] =	vst.idx.msk $0xffff, v1  }
0x20f: {  	v22 =	vmovc v52;
	v14 =	vmovc v30;
	v60 =	vmov v29;
	v28 =	vmov v50;
	v5 =	vlaneseq.u32;
	[hbm4b:s22+s4] =	stream.linear.scatter [tilespmem:s14], [sflag:$0x2], $0x4000, $0x38;
	[tilespmem:$0x10800] =	vst v63  }
.Ltmp6:
0x210: {  	v31 =	vld [tilespmem:$0x1FF90];
	(pc) =	sbr.rel .LBB2_7-.Ltmp6, $4  }
0x211: {  	v23 =	vld [tilespmem:$0x1FE20]  }
0x212: {  	s21 =	sshll.u32 s21, $0x9;
	v25 =	vld [tilespmem:$0x1FE30]  }
0x213: {  	v26 =	vld [tilespmem:$0x1FE40];
	s21 =	sadd.s32 s21, s8  }
0x214: {  	v27 =	vld [tilespmem:$0x1FE50];
	[tilespmem:s4], [sflag:$0x1] =	stream.strided.gather [hbm4b:s21+s11], $0x4000, s12, s11, $0x38  }
.LBB2_6:
.Ltmp7:
0x215: {  	v31 =	vld [tilespmem:$0x1FF90];
	(pc) =	sbr.rel @p2 .LBB2_10-.Ltmp7, $4  }
0x216: {  	v23 =	vld [tilespmem:$0x1FE20]  }
0x217: {  	v25 =	vld [tilespmem:$0x1FE30]  }
0x218: {  	v26 =	vld [tilespmem:$0x1FE40]  }
0x219: {  	v27 =	vld [tilespmem:$0x1FE50]  }
.LBB2_7:
0x21a: {  	s21 =	simm.s32 $0x0  }
0x21b: {  	v1 =	vor.u32 s21, v31  }
0x21c: {  	v3 =	vor.u32 s21, v32;
	v4 =	vor.u32 s21, v14;
	v5 =	vor.u32 s21, v5  }
0x21d: {  	v17 =	vor.u32 s21, v22;
	v18 =	vor.u32 s21, v44;
	v20 =	vor.u32 s21, v42  }
0x21e: {  	s22 =	simm.s32 $0x10;
	v19 =	vor.u32 s21, v37;
	v14 =	vor.u32 s21, v28;
	v21 =	vor.u32 s21, v39  }
0x21f: {  	v22 =	vor.u32 s21, v34;
	v24 =	vor.u32 s21, v43;
	v13 =	vor.u32 s22, v31  }
0x220: {  	v0 =	vor.u32 s21, v25;
	v51 =	vand.u32 $0x7F, v3;
	v3 =	vor.u32 s21, v33  }
0x221: {  	v6 =	vld [tilespmem:$0x1FE60];
	v58 =	vand.u32 $0x7F, v5;
	v50 =	vand.u32 $0x7F, v4;
	v63 =	vand.u32 $0x7F, v1  }
0x222: {  	v1 =	vor.u32 s21, v60;
	v14 =	vand.u32 $0x7F, v14;
	v53 =	vand.u32 $0x7F, v0  }
0x223: {  	v2 =	vor.u32 s21, v26;
	v54 =	vand.u32 $0x7F, v3;
	v60 =	vand.u32 $0x7F, v1  }
0x224: {  	v1 =	vor.u32 s21, v40;
	v16 =	vor.u32 s22, v26;
	v0 =	vor.u32 s21, v27  }
0x225: {  	v56 =	vand.u32 $0x7F, v2;
	v11 =	vand.u32 $0x7F, v1;
	v1 =	vor.u32 s22, v25  }
0x226: {  	v52 =	vand.u32 $0x7F, v0;
	v0 =	vor.u32 s21, v23;
	v6 =	vor.u32 s21, v6  }
0x227: {  	v59 =	vand.u32 $0x7F, v1;
	v57 =	vand.u32 $0x7F, v0;
	v0 =	vmov s21  }
0x228: {  	v1 =	vor.u32 s22, v27;
	v9 =	vand.u32 $0x7F, v6;
	v6 =	vld [tilespmem:$0x1FE70];
	_ =	swait.ge [sflag:s13], $0x4000;
	v0 =	vshll.u32 v0, $0x3  }
0x229: {  	v62 =	vand.u32 $0x7F, v1;
	v1 =	vor.u32 s22, v23;
	v8 =	vld [tilespmem:$0x1FE80];
	v55 =	vand.u32 $0xC00, v0  }
0x22a: {  	v25 =	vor.u32 s22, v32;
	v1 =	vand.u32 $0x7F, v1;
	v3 =	vor.u32 v41, v55  }
0x22b: {  	[sflag:s13] =	ssyncset.done $0x0;
	v30 =	vor.u32 v58, v3;
	v4 =	vor.u32 v54, v3;
	v12 =	vor.u32 v52, v3  }
0x22c: {  	s23 =	simm.s32 @!p1 $0x2;
	[sflag:s13] =	ssyncadd.s32 $0xFFFFC000;
	v61 =	vor.u32 v50, v3;
	v0 =	vor.u32 v51, v3;
	v2 =	vor.u32 v57, v3  }
0x22d: {  	_ =	swait.ge @!p1 [sflag:s23], $0x4000;
	v10 =	vor.u32 v56, v3;
	v7 =	vor.u32 v63, v3;
	v5 =	vor.u32 v53, v3  }
0x22e: {  	[sflag:s23] =	ssyncset.done @!p1 $0x0;
	v28 =	vor.u32 v14, v3;
	v6 =	vor.u32 s21, v6;
	v8 =	vor.u32 s21, v8  }
0x22f: {  	v26 =	vor.u32 v11, v3;
	[sflag:s23] =	ssyncadd.s32 @!p1 $0xFFFFC000;
	v6 =	vand.u32 $0x7F, v6;
	v8 =	vand.u32 $0x7F, v8  }
0x230: {  	s25 =	simm.s32 $0x20;
	s24 =	simm.s32 $0x0;
	v27 =	vor.u32 v9, v3;
	s23 =	simm.s32 $0x0;
	v23 =	vor.u32 v6, v3;
	v15 =	vor.u32 v8, v3;
	v29 =	vld.idx.msk [tilespmem:v12+s15+$0x0], $0xffff  }
.LBB2_8:
0x231: {  	_ =	sdelay $0x1  }
0x232: {  	v12 =	vmov s22;
	v32 =	vld.idx.msk [tilespmem:v10+s15+$0x0], $0xffff  }
0x233: {  	v10 =	vshll.u32 v12, $0x3;
	v12 =	vor.u32 s22, v33;
	v33 =	vld.idx.msk [tilespmem:v30+s15+$0x0], $0xffff  }
0x234: {  	v36 =	vld.idx.msk [tilespmem:v4+s15+$0x0], $0xffff  }
0x235: {  	v39 =	vld.idx.msk [tilespmem:v7+s15+$0x0], $0xffff  }
0x236: {  	v42 =	vld.idx.msk [tilespmem:v0+s15+$0x0], $0xffff  }
0x237: {  	v43 =	vld.idx.msk [tilespmem:v2+s15+$0x0], $0xffff  }
0x238: {  	v44 =	vld.idx.msk [tilespmem:v5+s15+$0x0], $0xffff;
	[tilespmem:v17+s16+$0x0] =	vst.idx.msk $0xffff, v33  }
0x239: {  	[tilespmem:v18+s16+$0x0] =	vst.idx.msk $0xffff, v36;
	v18 =	vld [tilespmem:$0x1FFB0]  }
0x23a: {  	v17 =	vld [tilespmem:$0x1FD40]  }
0x23b: {  	v31 =	vld [tilespmem:$0x1FEB0]  }
0x23c: {  	v25 =	vand.u32 $0x7F, v25;
	[tilespmem:v20+s16+$0x0] =	vst.idx.msk $0xffff, v39  }
0x23d: {  	v40 =	vor.u32 v60, v3;
	v16 =	vand.u32 $0x7F, v16;
	v34 =	vand.u32 $0xC00, v10;
	[tilespmem:v19+s16+$0x0] =	vst.idx.msk $0xffff, v42;
	v19 =	vld [tilespmem:$0x1FEE0]  }
0x23e: {  	v13 =	vand.u32 $0x7F, v13;
	v38 =	vor.u32 v41, v34;
	v18 =	vor.u32 s24, v18  }
0x23f: {  	v0 =	vor.u32 v25, v38;
	v17 =	vor.u32 s23, v17;
	v18 =	vand.u32 $0x7F, v18  }
0x240: {  	v2 =	vor.u32 v1, v38;
	v31 =	vor.u32 s22, v31;
	v3 =	vor.u32 v18, v3  }
0x241: {  	v10 =	vor.u32 v16, v38;
	v7 =	vor.u32 v13, v38;
	v31 =	vand.u32 $0x7F, v31;
	[tilespmem:v21+s16+$0x0] =	vst.idx.msk $0xffff, v43;
	v43 =	vld [tilespmem:$0x1FD60]  }
0x242: {  	v41 =	vor.u32 v31, v38;
	[tilespmem:v22+s16+$0x0] =	vst.idx.msk $0xffff, v44;
	v44 =	vld [tilespmem:$0x1FD70];
	v19 =	vor.u32 v19, v55  }
0x243: {  	v30 =	vlaneseq.u32;
	[tilespmem:v24+s16+$0x0] =	vst.idx.msk $0xffff, v32;
	v55 =	vmovc v34;
	v34 =	vor.u32 v50, v19;
	v50 =	vmov v31;
	v31 =	vld [tilespmem:$0x1FD50]  }
0x244: {  	v30 =	vor.u32 s22, v30;
	[tilespmem:v17+s16+$0x0] =	vst.idx.msk $0xffff, v29;
	v29 =	vor.u32 v56, v19;
	v56 =	vmov v16;
	v16 =	vld [tilespmem:$0x1FFF0]  }
0x245: {  	v5 =	vor.u32 v59, v38;
	v35 =	vand.u32 $0x7F, v12;
	v37 =	vand.u32 $0x7F, v30;
	v33 =	vld.idx.msk [tilespmem:v3+s15+$0x0], $0xffff  }
0x246: {  	v12 =	vor.u32 v62, v38;
	v4 =	vor.u32 v35, v38;
	v30 =	vor.u32 v37, v38;
	v3 =	vmovc v38;
	v38 =	vld [tilespmem:$0x1FDE0]  }
0x247: {  	v28 =	vld.idx.msk [tilespmem:v28+s15+$0x0], $0xffff  }
0x248: {  	v21 =	vor.u32 v63, v19;
	v63 =	vmov v13;
	v13 =	vld.idx.msk [tilespmem:v26+s15+$0x0], $0xffff  }
0x249: {  	v17 =	vor.u32 v57, v19;
	v57 =	vmov v1;
	v1 =	vld.idx.msk [tilespmem:v27+s15+$0x0], $0xffff;
	v16 =	vor.u32 s23, v16  }
0x24a: {  	v26 =	vld.idx.msk [tilespmem:v61+s15+$0x0], $0xffff  }
0x24b: {  	v23 =	vld.idx.msk [tilespmem:v23+s15+$0x0], $0xffff;
	v27 =	vor.u32 s23, v38  }
0x24c: {  	v15 =	vld.idx.msk [tilespmem:v15+s15+$0x0], $0xffff  }
0x24d: {  	v36 =	vld.idx.msk [tilespmem:v40+s15+$0x0], $0xffff  }
0x24e: {  	[tilespmem:v16+s16+$0x0] =	vst.idx.msk $0xffff, v13;
	v13 =	vld [tilespmem:$0x1FD80]  }
0x24f: {  	v16 =	vld [tilespmem:$0x1FD90]  }
0x250: {  	v31 =	vor.u32 s23, v31;
	[tilespmem:v27+s16+$0x0] =	vst.idx.msk $0xffff, v33;
	v27 =	vld [tilespmem:$0x1FED0]  }
0x251: {  	v20 =	vor.u32 v54, v19;
	v54 =	vmov v35;
	v35 =	vor.u32 s23, v43  }
0x252: {  	v22 =	vor.u32 v58, v19;
	v58 =	vmov v37;
	v37 =	vor.u32 s23, v44  }
0x253: {  	v13 =	vor.u32 s23, v13  }
0x254: {  	v16 =	vor.u32 s23, v16  }
0x255: {  	[tilespmem:v31+s16+$0x0] =	vst.idx.msk $0xffff, v28;
	v27 =	vor.u32 s23, v27  }
0x256: {  	[tilespmem:v35+s16+$0x0] =	vst.idx.msk $0xffff, v1  }
0x257: {  	[tilespmem:v37+s16+$0x0] =	vst.idx.msk $0xffff, v26  }
0x258: {  	[tilespmem:v13+s16+$0x0] =	vst.idx.msk $0xffff, v23  }
0x259: {  	[tilespmem:v16+s16+$0x0] =	vst.idx.msk $0xffff, v15  }
0x25a: {  	v35 =	vld [tilespmem:$0x1FDB0];
	[tilespmem:v27+s16+$0x0] =	vst.idx.msk $0xffff, v36  }
0x25b: {  	v15 =	vld.idx.msk [tilespmem:v20+s15+$0x0], $0xffff  }
0x25c: {  	v16 =	vld.idx.msk [tilespmem:v22+s15+$0x0], $0xffff  }
0x25d: {  	v24 =	vor.u32 v51, v19;
	v20 =	vld [tilespmem:$0x1FE90]  }
0x25e: {  	v22 =	vld [tilespmem:$0x1FEF0]  }
0x25f: {  	v51 =	vmov v25;
	v25 =	vor.u32 v53, v19;
	v23 =	vld [tilespmem:$0x1FF00]  }
0x260: {  	v27 =	vld [tilespmem:$0x1FFA0]  }
0x261: {  	v32 =	vor.u32 v52, v19;
	v13 =	vld.idx.msk [tilespmem:v21+s15+$0x0], $0xffff  }
0x262: {  	v1 =	vor.u32 v11, v19;
	v11 =	vor.u32 v18, v19;
	v18 =	vld.idx.msk [tilespmem:v24+s15+$0x0], $0xffff;
	v20 =	vor.u32 s23, v20  }
0x263: {  	v14 =	vor.u32 v14, v19;
	v9 =	vor.u32 v9, v19;
	v17 =	vld.idx.msk [tilespmem:v17+s15+$0x0], $0xffff;
	v22 =	vor.u32 s23, v22  }
0x264: {  	v6 =	vor.u32 v6, v19;
	v8 =	vor.u32 v8, v19;
	v21 =	vor.u32 v60, v19;
	v19 =	vld.idx.msk [tilespmem:v25+s15+$0x0], $0xffff  }
0x265: {  	v25 =	vld [tilespmem:$0x1FEA0]  }
0x266: {  	v24 =	vld.idx.msk [tilespmem:v32+s15+$0x0], $0xffff;
	v23 =	vor.u32 s23, v23  }
0x267: {  	v26 =	vld.idx.msk [tilespmem:v29+s15+$0x0], $0xffff;
	[tilespmem:v20+s16+$0x0] =	vst.idx.msk $0xffff, v16  }
0x268: {  	[tilespmem:v22+s16+$0x0] =	vst.idx.msk $0xffff, v15;
	v15 =	vld [tilespmem:$0x1FF10];
	_ =	sdelay $0x1  }
0x269: {  	v25 =	vor.u32 s23, v25  }
0x26a: {  	v27 =	vor.u32 s23, v27;
	[tilespmem:v23+s16+$0x0] =	vst.idx.msk $0xffff, v13;
	v13 =	vld [tilespmem:$0x1FF20]  }
0x26b: {  	v16 =	vor.u32 s23, v35  }
0x26c: {  	v15 =	vor.u32 s23, v15;
	_ =	sdelay $0x1  }
0x26d: {  	[tilespmem:v25+s16+$0x0] =	vst.idx.msk $0xffff, v18  }
0x26e: {  	[tilespmem:v27+s16+$0x0] =	vst.idx.msk $0xffff, v17;
	v13 =	vor.u32 s23, v13  }
0x26f: {  	[tilespmem:v16+s16+$0x0] =	vst.idx.msk $0xffff, v19  }
0x270: {  	[tilespmem:v15+s16+$0x0] =	vst.idx.msk $0xffff, v26;
	v15 =	vld [tilespmem:$0x1FF70];
	_ =	sdelay $0x2  }
0x271: {  	[tilespmem:v13+s16+$0x0] =	vst.idx.msk $0xffff, v24  }
0x272: {  	v26 =	vld.idx.msk [tilespmem:v6+s15+$0x0], $0xffff  }
0x273: {  	v23 =	vor.u32 s23, v15;
	v15 =	vld [tilespmem:$0x1FFC0]  }
0x274: {  	v6 =	vld [tilespmem:$0x1FF30];
	_ =	sdelay $0x2  }
0x275: {  	s24 =	smov.u32 s22  }
0x276: {  	v15 =	vor.u32 s24, v15  }
0x277: {  	v60 =	vand.u32 $0x7F, v15;
	v15 =	vor.u32 s23, v6;
	v6 =	vld [tilespmem:$0x1FF40];
	_ =	sdelay $0x4  }
0x278: {  	v28 =	vor.u32 s23, v6;
	v6 =	vld [tilespmem:$0x1FF60];
	_ =	sdelay $0x2  }
0x279: {  	v13 =	vld.idx.msk [tilespmem:v9+s15+$0x0], $0xffff  }
0x27a: {  	v9 =	vld [tilespmem:$0x1FEC0]  }
0x27b: {  	v29 =	vor.u32 s23, v6;
	v6 =	vld [tilespmem:$0x1FF50];
	_ =	sdelay $0x1  }
0x27c: {  	v14 =	vld.idx.msk [tilespmem:v14+s15+$0x0], $0xffff  }
0x27d: {  	v1 =	vld.idx.msk [tilespmem:v1+s15+$0x0], $0xffff  }
0x27e: {  	v11 =	vld.idx.msk [tilespmem:v11+s15+$0x0], $0xffff;
	v9 =	vor.u32 s23, v9  }
0x27f: {  	v53 =	vmov v59;
	v59 =	vor.u32 s23, v6;
	v6 =	vld [tilespmem:$0x1FFE0]  }
0x280: {  	v16 =	vld.idx.msk [tilespmem:v34+s15+$0x0], $0xffff  }
0x281: {  	v27 =	vld.idx.msk [tilespmem:v8+s15+$0x0], $0xffff  }
0x282: {  	v31 =	vld.idx.msk [tilespmem:v21+s15+$0x0], $0xffff  }
0x283: {  	[tilespmem:v9+s16+$0x0] =	vst.idx.msk $0xffff, v1;
	v1 =	vld [tilespmem:$0x1FE70]  }
0x284: {  	v52 =	vmov v62;
	v62 =	vor.u32 s24, v6;
	v6 =	vld [tilespmem:$0x1FE60];
	_ =	sdelay $0x1  }
0x285: {  	v36 =	vld [tilespmem:$0x1FDC0];
	_ =	sdelay $0x2  }
0x286: {  	v1 =	vor.u32 s24, v1;
	v6 =	vor.u32 s24, v6  }
0x287: {  	v9 =	vand.u32 $0x7F, v6;
	v6 =	vand.u32 $0x7F, v1;
	v1 =	vld [tilespmem:$0x1FE80]  }
0x288: {  	v22 =	vor.u32 s23, v36;
	_ =	sdelay $0x3  }
0x289: {  	v8 =	vor.u32 s24, v47;
	v1 =	vor.u32 s24, v1  }
0x28a: {  	[tilespmem:v22+s16+$0x0] =	vst.idx.msk $0xffff, v11;
	v11 =	vand.u32 $0x7F, v8;
	v8 =	vand.u32 $0x7F, v1;
	v1 =	vld [tilespmem:$0x1FF90];
	_ =	sdelay $0x2  }
0x28b: {  	s26 =	smov.u32 s25  }
0x28c: {  	s22 =	smov.u32 s26;
	[tilespmem:v15+s16+$0x0] =	vst.idx.msk $0xffff, v14  }
0x28d: {  	[tilespmem:v28+s16+$0x0] =	vst.idx.msk $0xffff, v13;
	v13 =	vor.u32 s22, v1;
	v1 =	vld [tilespmem:$0x1FE30];
	_ =	sdelay $0x3  }
0x28e: {  	v17 =	vld [tilespmem:$0x1FF80]  }
0x28f: {  	v39 =	vld [tilespmem:$0x1FDF0];
	v1 =	vor.u32 s22, v1  }
0x290: {  	[tilespmem:v59+s16+$0x0] =	vst.idx.msk $0xffff, v16;
	v59 =	vand.u32 $0x7F, v1;
	v1 =	vld [tilespmem:$0x1FE50]  }
0x291: {  	v37 =	vld [tilespmem:$0x1FDD0]  }
0x292: {  	v32 =	vld [tilespmem:$0x1FE10]  }
0x293: {  	v25 =	vor.u32 s23, v17;
	v17 =	vld [tilespmem:$0x1FFD0]  }
0x294: {  	v34 =	vld [tilespmem:$0x1FDA0]  }
0x295: {  	v16 =	vld [tilespmem:$0x1FE40];
	v1 =	vor.u32 s22, v1  }
0x296: {  	s21 =	sadd.s32 $0x200, s21;
	v14 =	vand.u32 $0x7F, v62;
	v62 =	vand.u32 $0x7F, v1;
	v1 =	vld [tilespmem:$0x1FE20]  }
0x297: {  	p1 =	sne.s32 s25, $0x1F0;
	v20 =	vor.u32 s21, v46  }
.Ltmp8:
0x298: {  	v18 =	vor.u32 s21, v49;
	v19 =	vor.u32 s21, v37;
	v24 =	vor.u32 s21, v45;
	[tilespmem:v29+s16+$0x0] =	vst.idx.msk $0xffff, v26;
	(pc) =	sbr.rel @p1 .LBB2_8-.Ltmp8, $4  }
0x299: {  	v21 =	vor.u32 s21, v39;
	v17 =	vor.u32 s21, v17;
	v22 =	vor.u32 s21, v34;
	[tilespmem:v23+s16+$0x0] =	vst.idx.msk $0xffff, v27  }
0x29a: {  	v26 =	vor.u32 v11, v3;
	v28 =	vor.u32 v14, v3;
	[tilespmem:v25+s16+$0x0] =	vst.idx.msk $0xffff, v31;
	v25 =	vor.u32 s22, v32  }
0x29b: {  	v61 =	vmovc v41;
	v33 =	vld [tilespmem:$0x1FE00];
	v16 =	vor.u32 s22, v16;
	v23 =	vor.u32 v6, v3;
	v1 =	vor.u32 s22, v1  }
0x29c: {  	s25 =	sadd.s32 $0x10, s25;
	v41 =	vmovc v48;
	s23 =	smov.u32 s21;
	v29 =	vld.idx.msk [tilespmem:v12+s15+$0x0], $0xffff;
	v27 =	vor.u32 v9, v3;
	v15 =	vor.u32 v8, v3;
	v1 =	vand.u32 $0x7F, v1  }
0x29d: {  	_ =	sdelay $0x3  }
0x29e: {  	v10 =	vld.idx.msk [tilespmem:v10+s15+$0x0], $0xffff  }
0x29f: {  	v12 =	vld.idx.msk [tilespmem:v30+s15+$0x0], $0xffff  }
0x2a0: {  	v4 =	vld.idx.msk [tilespmem:v4+s15+$0x0], $0xffff  }
0x2a1: {  	v7 =	vld.idx.msk [tilespmem:v7+s15+$0x0], $0xffff  }
0x2a2: {  	v30 =	vld [tilespmem:$0x1FD40]  }
0x2a3: {  	v0 =	vld.idx.msk [tilespmem:v0+s15+$0x0], $0xffff  }
0x2a4: {  	v2 =	vld.idx.msk [tilespmem:v2+s15+$0x0], $0xffff  }
0x2a5: {  	v5 =	vld.idx.msk [tilespmem:v5+s15+$0x0], $0xffff;
	[tilespmem:v17+s16+$0x0] =	vst.idx.msk $0xffff, v12  }
0x2a6: {  	[tilespmem:v18+s16+$0x0] =	vst.idx.msk $0xffff, v4  }
0x2a7: {  	v4 =	vor.u32 s23, v30;
	[tilespmem:v20+s16+$0x0] =	vst.idx.msk $0xffff, v7  }
0x2a8: {  	v7 =	vld [tilespmem:$0x1FFB0];
	[tilespmem:v19+s16+$0x0] =	vst.idx.msk $0xffff, v0  }
0x2a9: {  	[tilespmem:v21+s16+$0x0] =	vst.idx.msk $0xffff, v2  }
0x2aa: {  	[tilespmem:v22+s16+$0x0] =	vst.idx.msk $0xffff, v5  }
0x2ab: {  	v31 =	vld [tilespmem:$0x1FD50];
	[tilespmem:v24+s16+$0x0] =	vst.idx.msk $0xffff, v10  }
0x2ac: {  	v40 =	vmov v47;
	v47 =	vld [tilespmem:$0x1FD90];
	[tilespmem:v4+s16+$0x0] =	vst.idx.msk $0xffff, v29  }
0x2ad: {  	v7 =	vor.u32 s24, v7;
	v4 =	vld.idx.msk [tilespmem:v28+s15+$0x0], $0xffff  }
0x2ae: {  	v0 =	vand.u32 $0x7F, v7;
	v28 =	vld [tilespmem:$0x1FFF0]  }
0x2af: {  	v5 =	vld.idx.msk [tilespmem:v26+s15+$0x0], $0xffff;
	v48 =	vor.u32 v0, v3  }
0x2b0: {  	v7 =	vld.idx.msk [tilespmem:v27+s15+$0x0], $0xffff  }
0x2b1: {  	v12 =	vld.idx.msk [tilespmem:v61+s15+$0x0], $0xffff  }
0x2b2: {  	v18 =	vld.idx.msk [tilespmem:v23+s15+$0x0], $0xffff;
	v3 =	vor.u32 v60, v3  }
0x2b3: {  	v44 =	vmov v49;
	v15 =	vld.idx.msk [tilespmem:v15+s15+$0x0], $0xffff;
	v49 =	vor.u32 s23, v28  }
0x2b4: {  	v43 =	vmov v45;
	v45 =	vor.u32 s23, v38;
	v2 =	vld.idx.msk [tilespmem:v48+s15+$0x0], $0xffff  }
0x2b5: {  	v42 =	vmov v46;
	v46 =	vor.u32 s23, v31;
	v26 =	vld [tilespmem:$0x1FD60]  }
0x2b6: {  	v27 =	vld [tilespmem:$0x1FD70]  }
0x2b7: {  	v3 =	vld.idx.msk [tilespmem:v3+s15+$0x0], $0xffff  }
0x2b8: {  	[tilespmem:v49+s16+$0x0] =	vst.idx.msk $0xffff, v5;
	v5 =	vld [tilespmem:$0x1FD80]  }
0x2b9: {  	v48 =	vld [tilespmem:$0x1FED0];
	[tilespmem:v45+s16+$0x0] =	vst.idx.msk $0xffff, v2  }
0x2ba: {  	[tilespmem:v46+s16+$0x0] =	vst.idx.msk $0xffff, v4;
	v4 =	vld [tilespmem:$0x1FEE0]  }
0x2bb: {  	v20 =	vor.u32 s23, v26  }
0x2bc: {  	v21 =	vor.u32 s23, v27  }
0x2bd: {  	v5 =	vor.u32 s23, v5  }
0x2be: {  	v29 =	vld [tilespmem:$0x1FEA0];
	v2 =	vor.u32 s23, v47  }
0x2bf: {  	v10 =	vor.u32 s23, v48;
	v45 =	vld [tilespmem:$0x1FEF0];
	v4 =	vor.u32 v4, v55  }
0x2c0: {  	v47 =	vld [tilespmem:$0x1FF10];
	[tilespmem:v20+s16+$0x0] =	vst.idx.msk $0xffff, v7;
	v7 =	vor.u32 v63, v4  }
0x2c1: {  	v48 =	vld [tilespmem:$0x1FF20];
	[tilespmem:v21+s16+$0x0] =	vst.idx.msk $0xffff, v12;
	v12 =	vor.u32 v54, v4  }
0x2c2: {  	v49 =	vor.u32 v58, v4;
	v63 =	vld [tilespmem:$0x1FE90];
	[tilespmem:v5+s16+$0x0] =	vst.idx.msk $0xffff, v18  }
0x2c3: {  	v46 =	vld [tilespmem:$0x1FF00];
	v52 =	vor.u32 v52, v4;
	[tilespmem:v2+s16+$0x0] =	vst.idx.msk $0xffff, v15  }
0x2c4: {  	v5 =	vor.u32 v51, v4;
	v51 =	vor.u32 v57, v4;
	v57 =	vld [tilespmem:$0x1FFA0];
	[tilespmem:v10+s16+$0x0] =	vst.idx.msk $0xffff, v3  }
0x2c5: {  	v7 =	vld.idx.msk [tilespmem:v7+s15+$0x0], $0xffff  }
0x2c6: {  	v15 =	vor.u32 v56, v4;
	v12 =	vld.idx.msk [tilespmem:v12+s15+$0x0], $0xffff  }
0x2c7: {  	v3 =	vor.u32 v53, v4;
	v17 =	vld.idx.msk [tilespmem:v49+s15+$0x0], $0xffff;
	v53 =	vor.u32 s23, v63  }
0x2c8: {  	v54 =	vor.u32 s23, v45;
	v10 =	vld.idx.msk [tilespmem:v52+s15+$0x0], $0xffff  }
0x2c9: {  	v20 =	vor.u32 s23, v46;
	v5 =	vld.idx.msk [tilespmem:v5+s15+$0x0], $0xffff  }
0x2ca: {  	v21 =	vor.u32 s23, v29;
	v2 =	vld.idx.msk [tilespmem:v51+s15+$0x0], $0xffff  }
0x2cb: {  	v22 =	vor.u32 s23, v57;
	v15 =	vld.idx.msk [tilespmem:v15+s15+$0x0], $0xffff  }
0x2cc: {  	v55 =	vor.u32 s23, v35;
	v3 =	vld.idx.msk [tilespmem:v3+s15+$0x0], $0xffff;
	[tilespmem:v53+s16+$0x0] =	vst.idx.msk $0xffff, v17  }
0x2cd: {  	[tilespmem:v54+s16+$0x0] =	vst.idx.msk $0xffff, v12;
	v12 =	vor.u32 s23, v47  }
0x2ce: {  	[tilespmem:v20+s16+$0x0] =	vst.idx.msk $0xffff, v7;
	v7 =	vor.u32 s23, v48  }
0x2cf: {  	v56 =	vor.u32 v11, v4;
	[tilespmem:v21+s16+$0x0] =	vst.idx.msk $0xffff, v5  }
0x2d0: {  	[tilespmem:v22+s16+$0x0] =	vst.idx.msk $0xffff, v2  }
0x2d1: {  	v49 =	vld [tilespmem:$0x1FF30];
	[tilespmem:v55+s16+$0x0] =	vst.idx.msk $0xffff, v3  }
0x2d2: {  	v52 =	vld [tilespmem:$0x1FF60];
	[tilespmem:v12+s16+$0x0] =	vst.idx.msk $0xffff, v15  }
0x2d3: {  	v51 =	vld [tilespmem:$0x1FF50];
	[tilespmem:v7+s16+$0x0] =	vst.idx.msk $0xffff, v10  }
0x2d4: {  	v9 =	vor.u32 v9, v4;
	v2 =	vld.idx.msk [tilespmem:v56+s15+$0x0], $0xffff  }
0x2d5: {  	v5 =	vor.u32 v14, v4;
	v56 =	vld [tilespmem:$0x1FEC0]  }
0x2d6: {  	v0 =	vor.u32 v0, v4;
	v53 =	vld [tilespmem:$0x1FF70]  }
0x2d7: {  	v6 =	vor.u32 v6, v4;
	v54 =	vld [tilespmem:$0x1FF80]  }
0x2d8: {  	v8 =	vor.u32 v8, v4;
	v3 =	vor.u32 v50, v4;
	v50 =	vld [tilespmem:$0x1FF40]  }
0x2d9: {  	v7 =	vld.idx.msk [tilespmem:v9+s15+$0x0], $0xffff  }
0x2da: {  	v4 =	vor.u32 v60, v4;
	v5 =	vld.idx.msk [tilespmem:v5+s15+$0x0], $0xffff;
	v9 =	vor.u32 s23, v56  }
0x2db: {  	v58 =	vor.u32 s23, v36;
	v0 =	vld.idx.msk [tilespmem:v0+s15+$0x0], $0xffff  }
0x2dc: {  	v60 =	vor.u32 s23, v49;
	v6 =	vld.idx.msk [tilespmem:v6+s15+$0x0], $0xffff  }
0x2dd: {  	v8 =	vld.idx.msk [tilespmem:v8+s15+$0x0], $0xffff;
	v12 =	vor.u32 s23, v50  }
0x2de: {  	v15 =	vor.u32 s23, v51;
	v3 =	vld.idx.msk [tilespmem:v3+s15+$0x0], $0xffff  }
0x2df: {  	v61 =	vor.u32 s23, v52;
	v14 =	vmov s22;
	v4 =	vld.idx.msk [tilespmem:v4+s15+$0x0], $0xffff;
	[tilespmem:v9+s16+$0x0] =	vst.idx.msk $0xffff, v2  }
0x2e0: {  	v14 =	vshll.u32 v14, $0x3;
	v19 =	vor.u32 s23, v53;
	[tilespmem:v58+s16+$0x0] =	vst.idx.msk $0xffff, v0  }
0x2e1: {  	v2 =	vand.u32 $0xC00, v14;
	v58 =	vor.u32 s23, v54;
	[tilespmem:v60+s16+$0x0] =	vst.idx.msk $0xffff, v5  }
0x2e2: {  	v0 =	vor.u32 v41, v2;
	[tilespmem:v12+s16+$0x0] =	vst.idx.msk $0xffff, v7  }
0x2e3: {  	v11 =	vand.u32 $0x7F, v16;
	v5 =	vlaneseq.u32;
	v14 =	vor.u32 v62, v0;
	[tilespmem:v15+s16+$0x0] =	vst.idx.msk $0xffff, v3  }
0x2e4: {  	v13 =	vand.u32 $0x7F, v13;
	v5 =	vor.u32 s22, v5;
	v12 =	vor.u32 v11, v0;
	[tilespmem:v61+s16+$0x0] =	vst.idx.msk $0xffff, v6  }
0x2e5: {  	v60 =	vor.u32 v13, v0;
	v7 =	vor.u32 s22, v33;
	v5 =	vand.u32 $0x7F, v5;
	[tilespmem:v19+s16+$0x0] =	vst.idx.msk $0xffff, v8  }
0x2e6: {  	v3 =	vand.u32 $0x7F, v7;
	v7 =	vor.u32 v5, v0;
	[tilespmem:v58+s16+$0x0] =	vst.idx.msk $0xffff, v4;
	v58 =	vld [tilespmem:$0x1FFD0]  }
0x2e7: {  	v15 =	vor.u32 v59, v0  }
0x2e8: {  	v6 =	vor.u32 v3, v0;
	v8 =	vand.u32 $0x7F, v25;
	v10 =	vld.idx.msk [tilespmem:v14+s15+$0x0], $0xffff  }
0x2e9: {  	v4 =	vor.u32 v8, v0;
	v12 =	vld.idx.msk [tilespmem:v12+s15+$0x0], $0xffff  }
0x2ea: {  	s21 =	sadd.s32 $0x200, s21;
	v14 =	vor.u32 v1, v0;
	v9 =	vld.idx.msk [tilespmem:v60+s15+$0x0], $0xffff  }
0x2eb: {  	v7 =	vld.idx.msk [tilespmem:v7+s15+$0x0], $0xffff;
	v61 =	vor.u32 s21, v58  }
0x2ec: {  	v15 =	vld.idx.msk [tilespmem:v15+s15+$0x0], $0xffff  }
0x2ed: {  	v6 =	vld.idx.msk [tilespmem:v6+s15+$0x0], $0xffff  }
0x2ee: {  	v4 =	vld.idx.msk [tilespmem:v4+s15+$0x0], $0xffff  }
0x2ef: {  	v14 =	vld.idx.msk [tilespmem:v14+s15+$0x0], $0xffff  }
0x2f0: {  	[tilespmem:v61+s16+$0x0] =	vst.idx.msk $0xffff, v7;
	v61 =	vld [tilespmem:$0x1FFE0]  }
0x2f1: {  	v17 =	vor.u32 s21, v44;
	_ =	sdelay $0x3  }
0x2f2: {  	v7 =	vor.u32 s22, v61  }
0x2f3: {  	v55 =	vor.u32 s21, v42;
	[tilespmem:v17+s16+$0x0] =	vst.idx.msk $0xffff, v6;
	v6 =	vand.u32 $0x7F, v7;
	v7 =	vor.u32 s21, v30;
	v30 =	vld [tilespmem:$0x1FFB0]  }
0x2f4: {  	v19 =	vor.u32 s21, v37;
	_ =	sdelay $0x3  }
0x2f5: {  	[tilespmem:v55+s16+$0x0] =	vst.idx.msk $0xffff, v9;
	v55 =	vor.u32 s22, v30  }
0x2f6: {  	[tilespmem:v19+s16+$0x0] =	vst.idx.msk $0xffff, v4;
	v4 =	vand.u32 $0x7F, v55;
	v55 =	vld [tilespmem:$0x1FE60];
	_ =	sdelay $0x4  }
0x2f7: {  	v20 =	vor.u32 s21, v39;
	v9 =	vor.u32 s22, v55;
	v55 =	vld [tilespmem:$0x1FEB0]  }
0x2f8: {  	v21 =	vor.u32 s21, v34;
	_ =	sdelay $0x2  }
0x2f9: {  	v60 =	vor.u32 s22, v40  }
0x2fa: {  	v17 =	vand.u32 $0x7F, v60;
	[tilespmem:v20+s16+$0x0] =	vst.idx.msk $0xffff, v14;
	v60 =	vor.u32 s22, v55  }
0x2fb: {  	[tilespmem:v21+s16+$0x0] =	vst.idx.msk $0xffff, v15;
	v15 =	vand.u32 $0x7F, v60;
	v60 =	vld [tilespmem:$0x1FE70];
	_ =	sdelay $0x4  }
0x2fc: {  	v16 =	vor.u32 s21, v43;
	v19 =	vor.u32 s22, v60;
	v60 =	vld [tilespmem:$0x1FE80];
	_ =	sdelay $0x4  }
0x2fd: {  	[tilespmem:v16+s16+$0x0] =	vst.idx.msk $0xffff, v12;
	v18 =	vor.u32 v6, v0;
	v16 =	vand.u32 $0x7F, v19;
	v19 =	vor.u32 s22, v60;
	v60 =	vld [tilespmem:$0x1FFC0]  }
0x2fe: {  	v20 =	vor.u32 v17, v0  }
0x2ff: {  	v14 =	vor.u32 v4, v0;
	v9 =	vand.u32 $0x7F, v9  }
0x300: {  	v21 =	vor.u32 v9, v0  }
0x301: {  	[tilespmem:v7+s16+$0x0] =	vst.idx.msk $0xffff, v10;
	v12 =	vor.u32 v15, v0  }
0x302: {  	v18 =	vld.idx.msk [tilespmem:v18+s15+$0x0], $0xffff;
	v10 =	vand.u32 $0x7F, v19;
	v19 =	vor.u32 v16, v0;
	v7 =	vor.u32 s22, v60  }
0x303: {  	v20 =	vld.idx.msk [tilespmem:v20+s15+$0x0], $0xffff;
	v22 =	vor.u32 v10, v0;
	v7 =	vand.u32 $0x7F, v7  }
0x304: {  	v14 =	vld.idx.msk [tilespmem:v14+s15+$0x0], $0xffff;
	v0 =	vor.u32 v7, v0  }
0x305: {  	v23 =	vor.u32 s21, v28;
	v21 =	vld.idx.msk [tilespmem:v21+s15+$0x0], $0xffff  }
0x306: {  	v12 =	vld.idx.msk [tilespmem:v12+s15+$0x0], $0xffff  }
0x307: {  	v24 =	vor.u32 s21, v38;
	v19 =	vld.idx.msk [tilespmem:v19+s15+$0x0], $0xffff  }
0x308: {  	v22 =	vld.idx.msk [tilespmem:v22+s15+$0x0], $0xffff  }
0x309: {  	v0 =	vld.idx.msk [tilespmem:v0+s15+$0x0], $0xffff  }
0x30a: {  	[tilespmem:v23+s16+$0x0] =	vst.idx.msk $0xffff, v20;
	v20 =	vld [tilespmem:$0x1FD80]  }
0x30b: {  	v23 =	vld [tilespmem:$0x1FEE0]  }
0x30c: {  	[tilespmem:v24+s16+$0x0] =	vst.idx.msk $0xffff, v14;
	v14 =	vld [tilespmem:$0x1FD90]  }
0x30d: {  	v25 =	vor.u32 s21, v31;
	v24 =	vld [tilespmem:$0x1FED0]  }
0x30e: {  	v26 =	vor.u32 s21, v26  }
0x30f: {  	v27 =	vor.u32 s21, v27  }
0x310: {  	v20 =	vor.u32 s21, v20  }
0x311: {  	v14 =	vor.u32 s21, v14  }
0x312: {  	[tilespmem:v25+s16+$0x0] =	vst.idx.msk $0xffff, v18;
	v2 =	vor.u32 v23, v2;
	v18 =	vor.u32 s21, v24  }
0x313: {  	[tilespmem:v26+s16+$0x0] =	vst.idx.msk $0xffff, v21;
	v13 =	vor.u32 v13, v2  }
0x314: {  	[tilespmem:v27+s16+$0x0] =	vst.idx.msk $0xffff, v12;
	v3 =	vor.u32 v3, v2  }
0x315: {  	v5 =	vor.u32 v5, v2;
	[tilespmem:v20+s16+$0x0] =	vst.idx.msk $0xffff, v19  }
0x316: {  	v8 =	vor.u32 v8, v2;
	[tilespmem:v14+s16+$0x0] =	vst.idx.msk $0xffff, v22  }
0x317: {  	v38 =	vor.u32 v1, v2;
	[tilespmem:v18+s16+$0x0] =	vst.idx.msk $0xffff, v0  }
0x318: {  	v59 =	vor.u32 v59, v2;
	v12 =	vld.idx.msk [tilespmem:v13+s15+$0x0], $0xffff  }
0x319: {  	v11 =	vor.u32 v11, v2;
	v3 =	vld.idx.msk [tilespmem:v3+s15+$0x0], $0xffff  }
0x31a: {  	v14 =	vor.u32 s21, v63;
	v13 =	vor.u32 v62, v2;
	v5 =	vld.idx.msk [tilespmem:v5+s15+$0x0], $0xffff  }
0x31b: {  	v63 =	vor.u32 s21, v45;
	v8 =	vld.idx.msk [tilespmem:v8+s15+$0x0], $0xffff  }
0x31c: {  	v1 =	vld.idx.msk [tilespmem:v38+s15+$0x0], $0xffff;
	v38 =	vor.u32 s21, v46  }
0x31d: {  	v20 =	vor.u32 s21, v29;
	v0 =	vld.idx.msk [tilespmem:v59+s15+$0x0], $0xffff  }
0x31e: {  	v21 =	vor.u32 s21, v57;
	v11 =	vld.idx.msk [tilespmem:v11+s15+$0x0], $0xffff  }
0x31f: {  	v13 =	vld.idx.msk [tilespmem:v13+s15+$0x0], $0xffff;
	[tilespmem:v14+s16+$0x0] =	vst.idx.msk $0xffff, v5;
	v5 =	vor.u32 s21, v35  }
0x320: {  	[tilespmem:v63+s16+$0x0] =	vst.idx.msk $0xffff, v3;
	v3 =	vor.u32 s21, v47  }
0x321: {  	[tilespmem:v38+s16+$0x0] =	vst.idx.msk $0xffff, v12;
	v12 =	vor.u32 s21, v48  }
0x322: {  	v45 =	vor.u32 v9, v2;
	[tilespmem:v20+s16+$0x0] =	vst.idx.msk $0xffff, v8  }
0x323: {  	v46 =	vor.u32 v6, v2;
	[tilespmem:v21+s16+$0x0] =	vst.idx.msk $0xffff, v1  }
0x324: {  	v47 =	vor.u32 v17, v2;
	[tilespmem:v5+s16+$0x0] =	vst.idx.msk $0xffff, v0  }
0x325: {  	v4 =	vor.u32 v4, v2;
	[tilespmem:v3+s16+$0x0] =	vst.idx.msk $0xffff, v11  }
0x326: {  	v48 =	vor.u32 v10, v2;
	[tilespmem:v12+s16+$0x0] =	vst.idx.msk $0xffff, v13  }
0x327: {  	v5 =	vor.u32 v16, v2;
	v6 =	vld.idx.msk [tilespmem:v45+s15+$0x0], $0xffff  }
0x328: {  	v3 =	vor.u32 v15, v2;
	v1 =	vld.idx.msk [tilespmem:v46+s15+$0x0], $0xffff  }
0x329: {  	v2 =	vor.u32 v7, v2;
	v7 =	vor.u32 s21, v56;
	v0 =	vld.idx.msk [tilespmem:v47+s15+$0x0], $0xffff  }
0x32a: {  	v56 =	vor.u32 s21, v36;
	v4 =	vld.idx.msk [tilespmem:v4+s15+$0x0], $0xffff  }
0x32b: {  	v57 =	vor.u32 s21, v49;
	v8 =	vld.idx.msk [tilespmem:v48+s15+$0x0], $0xffff  }
0x32c: {  	v59 =	vor.u32 s21, v50;
	v5 =	vld.idx.msk [tilespmem:v5+s15+$0x0], $0xffff  }
0x32d: {  	v12 =	vor.u32 s21, v51;
	v3 =	vld.idx.msk [tilespmem:v3+s15+$0x0], $0xffff  }
0x32e: {  	v62 =	vor.u32 s21, v52;
	v2 =	vld.idx.msk [tilespmem:v2+s15+$0x0], $0xffff;
	[tilespmem:v7+s16+$0x0] =	vst.idx.msk $0xffff, v0  }
0x32f: {  	[tilespmem:v56+s16+$0x0] =	vst.idx.msk $0xffff, v4;
	v4 =	vor.u32 s21, v53  }
0x330: {  	v63 =	vor.u32 s21, v54;
	[tilespmem:v57+s16+$0x0] =	vst.idx.msk $0xffff, v1  }
0x331: {  	[tilespmem:v59+s16+$0x0] =	vst.idx.msk $0xffff, v6  }
.Ltmp9:
0x332: {  	v31 =	vld [tilespmem:$0x1FF90];
	[tilespmem:v12+s16+$0x0] =	vst.idx.msk $0xffff, v3;
	(pc) =	sbr.rel .LBB2_10-.Ltmp9, $4  }
0x333: {  	v25 =	vld [tilespmem:$0x1FE30];
	[tilespmem:v62+s16+$0x0] =	vst.idx.msk $0xffff, v5  }
0x334: {  	s20 =	sshll.u32 s20, $0xB;
	v26 =	vld [tilespmem:$0x1FE40];
	[tilespmem:v4+s16+$0x0] =	vst.idx.msk $0xffff, v8  }
0x335: {  	s20 =	sadd.s32 s6, s20;
	v27 =	vld [tilespmem:$0x1FE50];
	[tilespmem:v63+s16+$0x0] =	vst.idx.msk $0xffff, v2  }
0x336: {  	v28 =	vmovc v61;
	v23 =	vld [tilespmem:$0x1FE20];
	v22 =	vmov v58;
	v14 =	vmov v55;
	v5 =	vlaneseq.u32;
	[hbm4b:s20+s4] =	stream.linear.scatter [tilespmem:s16], [sflag:$0x2], $0x4000, $0x38  }
.LBB2_12:
0x337: {  	_ =	sfence.sel $0x180000  }
0x338: {  	[bflag:$0x0] =	sbarrier.arrive $0xFFFF  }
0x339: {  	p0 =	sne.s32 s3, $0x0;
	_ =	strace $0x90000047  }
0x33a: {  	s0 =	sadd.s32 @!p0 $0x100000, s2;
	[bflag:$0x2] =	sbarrier.arrive $0xFFFF  }
0x33b: {  	[sflag:s0] =	ssyncadd.tile.s32 @!p0 $0x1;
	_ =	shalt  }
.Lfunc_end2:
_tile_overlayer_lowered:
.L_overlay_start_2:
0x33c: {  	(tag) =	ssettag $0x2  }
0x33d: {  	s0 =	rddreg [dreg:$0x0];
	s2 =	stileid.u32  }
0x33e: {  	s1 =	rddreg [dreg:$0x1];
	p0 =	sne.s32 s2, $0x0  }
0x33f: {  	s3 =	rddreg [dreg:$0x2];
	[bflag:$0x3] =	sbarrier.arrive $0xFFFF;
	s2 =	simm.s32 @!p0 $0x1C03  }
0x340: {  	[timem:s3], [sflag:s2] =	dma.local @!p0 [hbm:s0], s1  }
0x341: {  	s0 =	simm.s32 @!p0 $0x3  }
0x342: {  	_ =	swait.ge @!p0 [sflag:s0], s1  }
0x343: {  	s1 =	ssub.s32 @!p0 $0x0, s1;
	[sflag:s0] =	ssyncset.done @!p0 $0x0  }
0x344: {  	[sflag:s0] =	ssyncadd.s32 @!p0 s1  }
0x345: {  	[bflag:$0x3] =	sbarrier.arrive $0xFFFF  }
0x346: {  	_ =	shalt  }

// kernel: kernel.7.cloned.1.call-start
scs
__scs_entry_jumppad:
0x0: {  	(pc) =	sbr.rel $0x88, $3  }
0x1: {  	(tag) =	ssettag $0x0;
	lr =	simm.s32 $0x1  }
0x2: {  	[smem:$0x3F9F] =	sst lr;
	_ =	strace $0xD0000000  }
0x3: {  	_ = 	snop  }
0x4: {  	_ = 	snop  }
0x5: {  	_ = 	snop  }
0x6: {  	_ = 	snop  }
0x7: {  	_ = 	snop  }
__scs_overlays_trampoline_lowered:
0x8: {  	[smem:$0x3FAE] =	sst s0  }
0x9: {  	[smem:$0x3FAF] =	sst s1  }
0xa: {  	[smem:$0x3FB0] =	sst s2  }
0xb: {  	[smem:$0x3FB1] =	sst s3  }
0xc: {  	[smem:$0x3FB2] =	sst s4  }
0xd: {  	[smem:$0x3FB3] =	sst s5  }
0xe: {  	[smem:$0x3FB4] =	sst s6  }
0xf: {  	[smem:$0x3FB5] =	sst s7  }
0x10: {  	[smem:$0x3FB6] =	sst s8  }
0x11: {  	[smem:$0x3FB7] =	sst s9;
	s0 =	simm.s32 @!p0 $0x0  }
0x12: {  	s1 =	sld [smem:$0x3F9D];
	s0 =	simm.s32 @p0 $0x1  }
0x13: {  	[smem:$0x3FB8] =	sst s0;
	s0 =	simm.s32 @!p1 $0x0  }
0x14: {  	s2 =	sld [smem:$0x3F9C];
	s0 =	simm.s32 @p1 $0x1  }
0x15: {  	[smem:$0x3FB9] =	sst s0;
	s0 =	simm.s32 @!p2 $0x0  }
0x16: {  	s3 =	sld [smem:$0x3FDB];
	s0 =	simm.s32 @p2 $0x1  }
0x17: {  	s4 =	simm.s32 $0x1BF5;
	[smem:$0x3FBB] =	sst s0  }
0x18: {  	s0 =	sld [smem:$0x3F9E];
	_ =	swait.ge [sflag:s4], $0x0  }
0x19: {  	s7 =	sld [smem:$0x3F9F]  }
0x1a: {  	s8 =	sadd.s32 $0xFFFFE003, lr  }
0x1b: {  	s9 =	sadd.s32 $0xFFFFFEF7, lr;
	s5 =	simm.s32 $0xFFFFFFFF;
	p2 =	slt.u32 s8, $0xFFFFF086  }
0x1c: {  	p1 =	slt.u32 s9, $0xF7A;
	s5 =	simm.s32 @!p2 $0x0  }
0x1d: {  	s5 =	simm.s32 @p1 $0x1;
	p0 =	seq.s32 s7, s2  }
0x1e: {  	s7 =	smul.u32 @!p0 $0xF7A, s2;
	p2 =	seq.s32 @!p0 s5, $0x0  }
0x1f: {  	s9 =	smul.u32 $0xF7A, s1;
	s8 =	simm.s32 @!p0 $0x1BF5;
	p2 =	por !p2, p0  }
0x20: {  	[sflag:s8] =	ssyncset.s32 @!p0 $0xFFFFF086;
	s6 =	sadd.s32 @!p0 s3, s7;
	s7 =	simm.s32 @!p0 $0x108  }
0x21: {  	s3 =	sadd.s32 s3, s9;
	s6 =	sadd.s32 @!p0 $0x88, s6;
	s7 =	simm.s32 @p2 $0x1082  }
0x22: {  	[simem:s7], [sflag:s8] =	dma.local @!p0 [hbm:s6], $0xF7A  }
0x23: {  	s9 =	sor.u32 $0xD0000000, s2;
	s6 =	simm.s32 $0x108;
	_ =	swait.ge @!p0 [sflag:s8], $0x0  }
0x24: {  	s3 =	sadd.s32 $0x88, s3;
	s6 =	simm.s32 @!p1 $0x1082;
	[sflag:s4] =	ssyncset.s32 $0xFFFFF086  }
0x25: {  	[simem:s6], [sflag:s4] =	dma.local [hbm:s3], $0xF7A  }
0x26: {  	[smem:$0x3F9F] =	sst s1;
	(tag) =	ssettag s2;
	_ =	strace s9  }
0x27: {  	s1 =	sld [smem:$0x3FAF]  }
0x28: {  	s2 =	sld [smem:$0x3FB0]  }
0x29: {  	s4 =	sld [smem:$0x3FB2]  }
0x2a: {  	p0 =	seq.s32 s5, $0x0;
	s5 =	sld [smem:$0x3FB3]  }
0x2b: {  	s6 =	sld [smem:$0x3FB4]  }
0x2c: {  	s7 =	sld [smem:$0x3FB5]  }
0x2d: {  	s3 =	simm.s32 $0x108;
	s8 =	sld [smem:$0x3FB6]  }
0x2e: {  	s3 =	simm.s32 @!p0 $0x1082;
	s9 =	sld [smem:$0x3FB7]  }
0x2f: {  	lr =	sadd.s32 s0, s3;
	s0 =	sld [smem:$0x3FAE]  }
0x30: {  	s3 =	sld [smem:$0x3FB1]  }
0x31: {  	[smem:$0x3FBA] =	sst s10  }
0x32: {  	s10 =	sld [smem:$0x3FB8];
	_ =	sdelay $0x3  }
0x33: {  	p0 =	seq.s32 s10, $0x1;
	s10 =	sld [smem:$0x3FBA];
	_ =	sdelay $0x3  }
0x34: {  	[smem:$0x3FBA] =	sst s10  }
0x35: {  	s10 =	sld [smem:$0x3FB9];
	_ =	sdelay $0x3  }
0x36: {  	p1 =	seq.s32 s10, $0x1;
	s10 =	sld [smem:$0x3FBA];
	_ =	sdelay $0x3  }
0x37: {  	[smem:$0x3FBA] =	sst s10  }
0x38: {  	s10 =	sld [smem:$0x3FBB]  }
0x39: {  	_ = 	snop;
	(pc) =	sbr.ind lr, $3  }
0x3a: {  	_ = 	snop  }
0x3b: {  	_ = 	snop  }
0x3c: {  	p2 =	seq.s32 s10, $0x1;
	s10 =	sld [smem:$0x3FBA]  }
0x3d: {  	_ =	shalt  }
0x3e: {  	_ =	shalt  }
0x3f: {  	_ =	shalt  }
0x40: {  	_ =	shalt  }
0x41: {  	_ =	shalt  }
0x42: {  	_ =	shalt  }
0x43: {  	_ =	shalt  }
0x44: {  	_ =	shalt  }
0x45: {  	_ =	shalt  }
0x46: {  	_ =	shalt  }
0x47: {  	_ =	shalt  }
0x48: {  	_ =	shalt  }
0x49: {  	_ =	shalt  }
0x4a: {  	_ =	shalt  }
0x4b: {  	_ =	shalt  }
0x4c: {  	_ =	shalt  }
0x4d: {  	_ =	shalt  }
0x4e: {  	_ =	shalt  }
0x4f: {  	_ =	shalt  }
0x50: {  	_ =	shalt  }
0x51: {  	_ =	shalt  }
0x52: {  	_ =	shalt  }
0x53: {  	_ =	shalt  }
0x54: {  	_ =	shalt  }
0x55: {  	_ =	shalt  }
0x56: {  	_ =	shalt  }
0x57: {  	_ =	shalt  }
0x58: {  	_ =	shalt  }
0x59: {  	_ =	shalt  }
0x5a: {  	_ =	shalt  }
0x5b: {  	_ =	shalt  }
0x5c: {  	_ =	shalt  }
0x5d: {  	_ =	shalt  }
0x5e: {  	_ =	shalt  }
0x5f: {  	_ =	shalt  }
0x60: {  	_ =	shalt  }
0x61: {  	_ =	shalt  }
0x62: {  	_ =	shalt  }
0x63: {  	_ =	shalt  }
0x64: {  	_ =	shalt  }
0x65: {  	_ =	shalt  }
0x66: {  	_ =	shalt  }
0x67: {  	_ =	shalt  }
0x68: {  	_ =	shalt  }
0x69: {  	_ =	shalt  }
0x6a: {  	_ =	shalt  }
0x6b: {  	_ =	shalt  }
0x6c: {  	_ =	shalt  }
0x6d: {  	_ =	shalt  }
0x6e: {  	_ =	shalt  }
0x6f: {  	_ =	shalt  }
0x70: {  	_ =	shalt  }
0x71: {  	_ =	shalt  }
0x72: {  	_ =	shalt  }
0x73: {  	_ =	shalt  }
0x74: {  	_ =	shalt  }
0x75: {  	_ =	shalt  }
0x76: {  	_ =	shalt  }
0x77: {  	_ =	shalt  }
0x78: {  	_ =	shalt  }
0x79: {  	_ =	shalt  }
0x7a: {  	_ =	shalt  }
0x7b: {  	_ =	shalt  }
0x7c: {  	_ =	shalt  }
0x7d: {  	_ =	shalt  }
0x7e: {  	_ =	shalt  }
0x7f: {  	_ =	shalt  }
0x80: {  	_ =	shalt  }
0x81: {  	_ =	shalt  }
0x82: {  	_ =	shalt  }
0x83: {  	_ =	shalt  }
0x84: {  	_ =	shalt  }
0x85: {  	_ =	shalt  }
0x86: {  	_ =	shalt  }
0x87: {  	_ =	shalt  }
.Lfunc_end0:
.L_simem_size_0:
called_computation.1_lowered:
.L_overlay_start_0:
0x88: {  	s2 =	sld [smem:$0x3FD9]  }
0x89: {  	s3 =	sld [smem:$0x3FFE];
	_ =	sdelay $0x1  }
0x8a: {  	s1 =	srdreg.scid  }
0x8b: {  	s0 =	sand.u32 $0x1, s1  }
0x8c: {  	s17 =	sshll.u32 s0, $0xA;
	s2 =	sadd.s32 s3, s2  }
0x8d: {  	s2 =	sadd.s32 s2, s17  }
0x8e: {  	[smem:$0x3FC6] =	sst s2  }
0x8f: {  	_ = 	snop  }
0x90: {  	s2 =	sld [smem:$0x3FC9]  }
0x91: {  	s18 =	sld [smem:$0x3FD0];
	(tm) =	ssettm $0x1  }
0x92: {  	s4 =	sld [smem:$0x3FFB];
	_ =	sdelay $0x3  }
0x93: {  	_ =	strace s4  }
0x94: {  	s4 =	sld [smem:$0x3FFC];
	_ =	sdelay $0x3  }
0x95: {  	_ =	strace s4  }
0x96: {  	s4 =	sld [smem:$0x3FFD];
	_ =	sdelay $0x3  }
0x97: {  	_ =	strace s4  }
0x98: {  	_ =	strace $0x8FFFFFFF  }
0x99: {  	s19 =	sld [smem:$0x3FDB];
	_ =	sdelay $0x1  }
0x9a: {  	s5 =	simm.s32 $_scs_section_size  }
0x9b: {  	s6 =	simm.s32 $_size__tile_overlayer_lowered;
	s7 =	simm.s32 $_tile_overlayer_lowered  }
0x9c: {  	s22 =	simm.s32 $0x1BFF;
	s21 =	sshll.u32 s7, $0x1;
	s4 =	sadd.s32 s5, s19  }
0x9d: {  	s8 =	simm.s32 $0x0;
	s20 =	sshll.u32 s6, $0x1;
	s6 =	sadd.s32 s21, s4  }
0x9e: {  	[timem:s8], [sflag:s22] =	dma.local [hbm:s6], s20  }
0x9f: {  	_ =	swait.ge [sflag:s22], s20  }
0xa0: {  	s5 =	ssub.s32 $0x0, s20;
	[sflag:s22] =	ssyncset.done $0x0  }
0xa1: {  	[sflag:s22] =	ssyncadd.s32 s5;
	_ =	sdelay $0x1  }
0xa2: {  	s23 =	simm.s32 $0x1B8B  }
0xa3: {  	_ =	swait.ge [sflag:s23], $0x1  }
0xa4: {  	[sflag:s23] =	ssyncset.done $0x0  }
0xa5: {  	s25 =	simm.s32 $0x1B8E;
	s24 =	sld [smem:$0x3FFE];
	[sflag:s23] =	ssyncadd.s32 $0xFFFFFFFF  }
0xa6: {  	s26 =	simm.s32 $execute0_lowered;
	[smem:$0x3FD2] =	sst s25  }
0xa7: {  	s6 =	sshll.u32 s26, $0x1;
	_ =	strace $0x80000049;
	[dreg:$0x1] =	wrdreg $0xFFFFFFFF  }
0xa8: {  	s28 =	simm.s32 $_size_execute0_lowered;
	s4 =	sadd.s32 s4, s6;
	[dreg:$0x0] =	wrdreg $0x0  }
0xa9: {  	s6 =	sshll.u32 s28, $0x1;
	[dreg:$0x2] =	wrdreg s4  }
0xaa: {  	[dreg:$0x3] =	wrdreg s6  }
0xab: {  	[dreg:$0x4] =	wrdreg $0xC0  }
0xac: {  	_ =	task [dreg:s8], $0x5FFFF  }
0xad: {  	[dreg:$0x1] =	wrdreg $0xFFFFFFFF  }
0xae: {  	[dreg:$0x0] =	wrdreg $0x60  }
0xaf: {  	[dreg:$0x2] =	wrdreg s2  }
0xb0: {  	[dreg:$0x3] =	wrdreg s24  }
0xb1: {  	[dreg:$0x4] =	wrdreg s18  }
0xb2: {  	[dreg:$0x5] =	wrdreg $0x9  }
0xb3: {  	_ =	task.clear_ibuf [dreg:s8], $0x6FFFF;
	_ =	strace $0x90000049  }
0xb4: {  	s29 =	simm.s32 $0x9;
	_ =	strace $0x8000004B  }
0xb5: {  	_ =	swait.ge [sflag:s29], $0x1  }
0xb6: {  	[sflag:s29] =	ssyncadd.s32 $0xFFFFFFFF  }
0xb7: {  	_ =	strace $0x9000004B  }
0xb8: {  	_ =	sfence  }
0xb9: {  	s30 =	sld [smem:$0x0];
	_ =	sdelay $0x2  }
0xba: {  	s31 =	sshll.u32 s1, $0xD;
	s1 =	sshrl.u32 s1, $0x2  }
0xbb: {  	s3 =	sand.u32 $0x4000, s31;
	s1 =	sadd.s32 s1, s30  }
0xbc: {  	s0 =	sor.u32 s3, s0;
	s1 =	sshll.u32 s1, $0x11  }
0xbd: {  	s0 =	sor.u32 s1, s0  }
0xbe: {  	s0 =	sadd.s32 $0x8F2B, s0  }
0xbf: {  	[sflag:s0] =	ssyncadd.remote.s32 $0x1  }
0xc0: {  	_ =	sfence.sel $0xFFFF  }
0xc1: {  	[dreg:$0x0] =	wrdreg $0xFFFFFFFF;
	(pc) =	sbr.abs _section_cstart, $3  }
0xc2: {  	[dreg:$0x1] =	wrdreg $0xFFFFFFFF  }
0xc3: {  	_ =	task.clear_ibuf [dreg:s8], $0x2FFFF;
	_ =	strace $0x9FFFFFFF  }
0xc4: {  	(tm) =	ssettm $0x7FFFFFFF  }
0xc5: {  	_ =	shalt  }
tec
execute0_lowered:
.L_overlay_start_1:
0x0: {  	(tag) =	ssettag $0x1  }
0x1: {  	s0 =	rddreg [dreg:$0x0]  }
0x2: {  	s1 =	rddreg [dreg:$0x1]  }
0x3: {  	s2 =	rddreg [dreg:$0x2]  }
0x4: {  	s3 =	srdreg.scid;
	s5 =	stileid.u32;
	s14 =	simm.s32 $0x80  }
0x5: {  	s18 =	simm.s32 $0x9400;
	s20 =	simm.s32 $0x1;
	s21 =	simm.s32 $0xA400  }
0x6: {  	s23 =	simm.s32 $0xC600;
	s10 =	simm.s32 $0xD700;
	v0 =	vlaneseq.u32;
	s11 =	simm.s32 $0x0  }
0x7: {  	v1 =	vimm.s32 $0x0;
	vm0 =	vcmask $0x300;
	s4 =	sand.u32 $0x1, s3;
	s3 =	simm.s32 $0x0;
	s5 =	sshll.u32 s5, $0xB;
	v0 =	vmul.u32 $0x88, v0  }
0x8: {  	s9 =	sadd.s32 $0x3000, s2;
	v1 =	vsel vm0, $0x3, v1;
	s6 =	sshll.u32 s4, $0xA;
	[smem:$0x7FF] =	sst s3  }
0x9: {  	s7 =	ssub.s32 $0x2, s4;
	s4 =	sor.u32 s6, s5;
	_ =	strace $0x8000004A;
	v2 =	vadd.s32 $0x880, v0;
	v3 =	vor.u32 $0x1, v0;
	v4 =	vadd.s32 $0x881, v0  }
0xa: {  	s29 =	sshrl.u32 s7, $0x1;
	s5 =	sadd.s32 $0x800, s1;
	v5 =	vor.u32 $0x2, v0;
	v6 =	vadd.s32 $0x882, v0;
	v7 =	vor.u32 $0x3, v0;
	s8 =	sshrl.u32 s4, $0x3  }
0xb: {  	s1 =	simm.s32 $0xB500;
	v8 =	vadd.s32 $0x883, v0;
	v9 =	vor.u32 $0x4, v0;
	v10 =	vadd.s32 $0x884, v0;
	s30 =	ssub.s32 s7, s29;
	s0 =	sadd.s32 s0, s8  }
0xc: {  	v11 =	vor.u32 $0x5, v0;
	v12 =	vadd.s32 $0x885, v0;
	v13 =	vor.u32 $0x6, v0;
	s7 =	sadd.s32 $0x1000, s2;
	s31 =	smax.u32 s30, $0x1;
	[dreg:$0x4] =	wrdreg s0  }
0xd: {  	v14 =	vadd.s32 $0x886, v0;
	v15 =	vor.u32 $0x7, v0;
	v16 =	vadd.s32 $0x887, v0;
	s8 =	sadd.s32 $0x2000, s2;
	[dreg:$0x5] =	wrdreg s31;
	s0 =	simm.s32 $0x2  }
.LBB2_1:
0xe: {  	[dreg:$0x6] =	wrdreg s11  }
0xf: {  	s6 =	rddreg [dreg:$0x4]  }
0x10: {  	s25 =	simm.s32 $0x400;
	s12 =	simm.s32 $0x8000;
	s26 =	simm.s32 $0x3  }
0x11: {  	[tilespmem:s3], [sflag:$0x3] =	stream.strided.gather [hbm4b:s6+s25], $0x6400, s12, s25, $0x38;
	[tilespmem:$0xE800] =	vst v63  }
0x12: {  	_ =	swait.ge [sflag:s26], $0x6400  }
0x13: {  	[sflag:s26] =	ssyncset.done $0x0  }
0x14: {  	s28 =	simm.s32 $0x6400;
	[sflag:s26] =	ssyncadd.s32 $0xFFFF9C00  }
0x15: {  	[tilespmem:s28], [sflag:$0x1] =	stream.indirect.gather [hbm4b:s5+s14], $0x20, s3, s14, $0xb8;
	[tilespmem:$0xE800] =	vst v63  }
0x16: {  	s29 =	simm.s32 $0x7400  }
0x17: {  	[tilespmem:s29], [sflag:$0x1] =	stream.indirect.gather [hbm4b:s5+s14], $0x20, s14, s14, $0xb8;
	[tilespmem:$0xE800] =	vst v63  }
0x18: {  	s30 =	simm.s32 $0x100;
	s31 =	simm.s32 $0x8400;
	s11 =	simm.s32 $0x0  }
0x19: {  	[tilespmem:s31], [sflag:$0x1] =	stream.indirect.gather [hbm4b:s5+s14], $0x20, s30, s14, $0xb8;
	[tilespmem:$0xE800] =	vst v63  }
.LBB2_2:
0x1a: {  	s6 =	sshll.u32 s11, $0xA  }
0x1b: {  	s17 =	sand.u32 $0x3FFFFC00, s6  }
0x1c: {  	s6 =	sor.u32 $0x180, s17  }
0x1d: {  	[tilespmem:s18], [sflag:$0x1] =	stream.indirect.gather [hbm4b:s5+s14], $0x20, s6, s14, $0xb8;
	[tilespmem:$0xE800] =	vst v63  }
0x1e: {  	s24 =	simm.s32 $0x7;
	_ =	swait.ge [sflag:s20], $0x1000  }
0x1f: {  	p0 =	seq.s32 s11, $0x0;
	s12 =	simm.s32 $0x0;
	v17 =	vmov s24;
	[sflag:s20] =	ssyncset.done $0x0  }
0x20: {  	v18 =	vmov s12;
	v17 =	vshrl.u32 v17, $0x3;
	s6 =	simm.s32 @!p0 $0x2;
	[sflag:s20] =	ssyncadd.s32 $0xFFFFF000  }
0x21: {  	s25 =	simm.s32 $0x1;
	v18 =	vshrl.u32 v18, $0x3;
	v17 =	vshll.u32 v17, v1;
	_ =	swait.ge @!p0 [sflag:s6], $0x1000  }
0x22: {  	v19 =	vmov s25;
	v18 =	vshll.u32 v18, v1;
	v17 =	vbroadcast v17, $0x0;
	[sflag:s6] =	ssyncset.done @!p0 $0x0  }
0x23: {  	s26 =	simm.s32 $0x2;
	v19 =	vshrl.u32 v19, $0x3;
	v18 =	vbroadcast v18, $0x0;
	[sflag:s6] =	ssyncadd.s32 @!p0 $0xFFFFF000;
	s6 =	simm.s32 $0x6480  }
0x24: {  	v22 =	vmov s26;
	v19 =	vshll.u32 v19, v1;
	v21 =	vadd.s32 v15, v17;
	v20 =	vld [tilespmem:s6+$0x60]  }
0x25: {  	v22 =	vshrl.u32 v22, $0x3;
	v19 =	vbroadcast v19, $0x0;
	v25 =	vadd.s32 v0, v18;
	v24 =	vld [tilespmem:s6+$0xFFFFFF80]  }
0x26: {  	s28 =	simm.s32 $0x3;
	v22 =	vshll.u32 v22, v1;
	v17 =	vadd.s32 v16, v17;
	v23 =	vld [tilespmem:s6+$0x70]  }
0x27: {  	v27 =	vmov s28;
	v22 =	vbroadcast v22, $0x0;
	v29 =	vadd.s32 v3, v19;
	v28 =	vld [tilespmem:s6+$0xFFFFFFA0]  }
0x28: {  	s29 =	simm.s32 $0x4;
	v27 =	vshrl.u32 v27, $0x3;
	v18 =	vadd.s32 v2, v18;
	v26 =	vld [tilespmem:s6+$0xFFFFFF90]  }
0x29: {  	v31 =	vmov s29;
	v27 =	vshll.u32 v27, v1;
	v33 =	vadd.s32 v5, v22;
	v32 =	vld [tilespmem:s6+$0xFFFFFFC0];
	[tilespmem:v21+s21+$0x0] =	vst.idx.msk $0xffff, v20  }
0x2a: {  	s30 =	simm.s32 $0x5;
	v27 =	vbroadcast v27, $0x0;
	v19 =	vadd.s32 v4, v19;
	v30 =	vld [tilespmem:s6+$0xFFFFFFB0];
	v21 =	vshrl.u32 v31, $0x3;
	[tilespmem:v25+s21+$0x0] =	vst.idx.msk $0xffff, v24  }
0x2b: {  	v20 =	vld [tilespmem:s6+$0xFFFFFFD0];
	v25 =	vadd.s32 v6, v22;
	[tilespmem:v17+s21+$0x0] =	vst.idx.msk $0xffff, v23;
	v22 =	vshll.u32 v21, v1;
	v23 =	vmov s30  }
0x2c: {  	s31 =	simm.s32 $0x6;
	[tilespmem:v29+s21+$0x0] =	vst.idx.msk $0xffff, v28;
	v17 =	vld [tilespmem:s6+$0xFFFFFFE0];
	v21 =	vadd.s32 v7, v27;
	v24 =	vbroadcast v22, $0x0;
	v23 =	vshrl.u32 v23, $0x3  }
0x2d: {  	v28 =	vmov s31;
	[tilespmem:v18+s21+$0x0] =	vst.idx.msk $0xffff, v26;
	v18 =	vld [tilespmem:s6+$0xFFFFFFF0];
	v22 =	vadd.s32 v8, v27;
	v27 =	vshll.u32 v23, v1  }
0x2e: {  	s15 =	simm.s32 $0xF;
	[tilespmem:v33+s21+$0x0] =	vst.idx.msk $0xffff, v32;
	v29 =	vshrl.u32 v28, $0x3;
	v23 =	vld [tilespmem:s6+$0x0];
	v26 =	vadd.s32 v9, v24;
	v27 =	vbroadcast v27, $0x0  }
0x2f: {  	s13 =	simm.s32 $0x8;
	s12 =	sshll.u32 s11, $0x3;
	[tilespmem:v19+s21+$0x0] =	vst.idx.msk $0xffff, v30;
	v28 =	vmov s15;
	s15 =	simm.s32 $0x10;
	v19 =	vld [tilespmem:s6+$0x10];
	v29 =	vshll.u32 v29, v1;
	v24 =	vadd.s32 v10, v24  }
.LBB2_3:
0x30: {  	p1 =	slt.u32 s15, $0x78;
	v28 =	vshrl.u32 v28, $0x3;
	[tilespmem:v25+s21+$0x0] =	vst.idx.msk $0xffff, v20;
	v20 =	vld [tilespmem:s6+$0x20];
	v25 =	vadd.s32 v11, v27;
	v29 =	vbroadcast v29, $0x0  }
0x31: {  	v30 =	vmov s13;
	v28 =	vshll.u32 v28, v1;
	[tilespmem:v21+s21+$0x0] =	vst.idx.msk $0xffff, v17;
	v17 =	vld [tilespmem:s6+$0x30];
	v21 =	vadd.s32 v12, v27  }
0x32: {  	s16 =	sadd.s32 $0x1, s13;
	v27 =	vshrl.u32 v30, $0x3;
	v28 =	vbroadcast v28, $0x0;
	[tilespmem:v22+s21+$0x0] =	vst.idx.msk $0xffff, v18;
	v18 =	vld [tilespmem:s6+$0x40];
	v22 =	vadd.s32 v13, v29  }
0x33: {  	v30 =	vmov s16;
	v27 =	vshll.u32 v27, v1;
	[tilespmem:v26+s21+$0x0] =	vst.idx.msk $0xffff, v23;
	v23 =	vld [tilespmem:s6+$0x50];
	v26 =	vadd.s32 v14, v29;
	s6 =	sadd.s32 $0x100, s6  }
0x34: {  	s16 =	sadd.s32 $0x2, s13;
	v27 =	vbroadcast v27, $0x0;
	v29 =	vshrl.u32 v30, $0x3;
	v30 =	vld [tilespmem:s6+$0x60];
	v31 =	vadd.s32 v15, v28;
	[tilespmem:v24+s21+$0x0] =	vst.idx.msk $0xffff, v19  }
0x35: {  	v19 =	vshll.u32 v29, v1;
	v24 =	vmov s16;
	v28 =	vadd.s32 v16, v28;
	v29 =	vld [tilespmem:s6+$0x70];
	[tilespmem:v25+s21+$0x0] =	vst.idx.msk $0xffff, v20  }
0x36: {  	s16 =	sadd.s32 $0x3, s13;
	v25 =	vadd.s32 v0, v27;
	v19 =	vbroadcast v19, $0x0;
	v24 =	vshrl.u32 v24, $0x3;
	v20 =	vld [tilespmem:s6+$0xFFFFFF80];
	[tilespmem:v21+s21+$0x0] =	vst.idx.msk $0xffff, v17  }
0x37: {  	v21 =	vadd.s32 v2, v27;
	v24 =	vshll.u32 v24, v1;
	v27 =	vmov s16;
	v17 =	vld [tilespmem:s6+$0xFFFFFF90];
	[tilespmem:v22+s21+$0x0] =	vst.idx.msk $0xffff, v18  }
0x38: {  	s16 =	sadd.s32 $0x4, s13;
	v22 =	vadd.s32 v3, v19;
	v24 =	vbroadcast v24, $0x0;
	v27 =	vshrl.u32 v27, $0x3;
	v18 =	vld [tilespmem:s6+$0xFFFFFFA0];
	[tilespmem:v26+s21+$0x0] =	vst.idx.msk $0xffff, v23  }
0x39: {  	v19 =	vadd.s32 v4, v19;
	v26 =	vshll.u32 v27, v1;
	v27 =	vmov s16;
	v23 =	vld [tilespmem:s6+$0xFFFFFFB0];
	[tilespmem:v31+s21+$0x0] =	vst.idx.msk $0xffff, v30  }
0x3a: {  	s16 =	sadd.s32 $0x5, s13;
	v31 =	vadd.s32 v5, v24;
	v26 =	vbroadcast v26, $0x0;
	v27 =	vshrl.u32 v27, $0x3;
	v30 =	vld [tilespmem:s6+$0xFFFFFFC0];
	[tilespmem:v28+s21+$0x0] =	vst.idx.msk $0xffff, v29  }
.Ltmp0:
0x3b: {  	[tilespmem:v25+s21+$0x0] =	vst.idx.msk $0xffff, v20;
	v20 =	vld [tilespmem:s6+$0xFFFFFFD0];
	v25 =	vadd.s32 v6, v24;
	v24 =	vshll.u32 v27, v1;
	v27 =	vmov s16;
	(pc) =	sbr.rel @p1 .LBB2_3-.Ltmp0, $4  }
0x3c: {  	s16 =	sadd.s32 $0x6, s13;
	s13 =	smov.u32 s15;
	[tilespmem:v21+s21+$0x0] =	vst.idx.msk $0xffff, v17;
	v17 =	vld [tilespmem:s6+$0xFFFFFFE0];
	v21 =	vadd.s32 v7, v26;
	v24 =	vbroadcast v24, $0x0;
	v27 =	vshrl.u32 v27, $0x3  }
0x3d: {  	v28 =	vmov s16;
	[tilespmem:v22+s21+$0x0] =	vst.idx.msk $0xffff, v18;
	v18 =	vld [tilespmem:s6+$0xFFFFFFF0];
	v22 =	vadd.s32 v8, v26;
	v27 =	vshll.u32 v27, v1  }
0x3e: {  	s16 =	sadd.s32 $0x7, s15;
	v29 =	vshrl.u32 v28, $0x3;
	[tilespmem:v19+s21+$0x0] =	vst.idx.msk $0xffff, v23;
	v23 =	vld [tilespmem:s6+$0x0];
	v26 =	vadd.s32 v9, v24;
	v27 =	vbroadcast v27, $0x0  }
0x3f: {  	s15 =	sadd.s32 $0x8, s15;
	v28 =	vmov s16;
	v24 =	vadd.s32 v10, v24;
	v29 =	vshll.u32 v29, v1;
	[tilespmem:v31+s21+$0x0] =	vst.idx.msk $0xffff, v30;
	v19 =	vld [tilespmem:s6+$0x10]  }
0x40: {  	_ =	sdelay $0x3  }
0x41: {  	v28 =	vshrl.u32 v28, $0x3;
	[tilespmem:v25+s21+$0x0] =	vst.idx.msk $0xffff, v20;
	v20 =	vld [tilespmem:s6+$0x20];
	v25 =	vadd.s32 v11, v27;
	v29 =	vbroadcast v29, $0x0  }
0x42: {  	v30 =	vmov s13;
	v28 =	vshll.u32 v28, v1;
	[tilespmem:v21+s21+$0x0] =	vst.idx.msk $0xffff, v17;
	v17 =	vld [tilespmem:s6+$0x30];
	v21 =	vadd.s32 v12, v27  }
0x43: {  	s15 =	sadd.s32 $0x1, s13;
	v27 =	vshrl.u32 v30, $0x3;
	v28 =	vbroadcast v28, $0x0;
	[tilespmem:v22+s21+$0x0] =	vst.idx.msk $0xffff, v18;
	v18 =	vld [tilespmem:s6+$0x40];
	v22 =	vadd.s32 v13, v29  }
0x44: {  	s22 =	sadd.s32 $0x100, s6;
	v30 =	vmov s15;
	v27 =	vshll.u32 v27, v1;
	[tilespmem:v26+s21+$0x0] =	vst.idx.msk $0xffff, v23;
	v23 =	vld [tilespmem:s6+$0x50];
	v26 =	vadd.s32 v14, v29  }
0x45: {  	s24 =	sadd.s32 $0x2, s13;
	v27 =	vbroadcast v27, $0x0;
	v29 =	vshrl.u32 v30, $0x3;
	v30 =	vld [tilespmem:s22+$0x60];
	v31 =	vadd.s32 v15, v28;
	[tilespmem:v24+s21+$0x0] =	vst.idx.msk $0xffff, v19  }
0x46: {  	v19 =	vshll.u32 v29, v1;
	v24 =	vmov s24;
	v29 =	vld [tilespmem:s22+$0x70];
	v28 =	vadd.s32 v16, v28;
	[tilespmem:v25+s21+$0x0] =	vst.idx.msk $0xffff, v20  }
0x47: {  	s25 =	sadd.s32 $0x3, s13;
	v20 =	vld [tilespmem:s22+$0xFFFFFF80];
	v25 =	vadd.s32 v0, v27;
	v19 =	vbroadcast v19, $0x0;
	v24 =	vshrl.u32 v24, $0x3;
	[tilespmem:v21+s21+$0x0] =	vst.idx.msk $0xffff, v17  }
0x48: {  	v17 =	vld [tilespmem:s22+$0xFFFFFF90];
	v21 =	vadd.s32 v2, v27;
	v24 =	vshll.u32 v24, v1;
	v27 =	vmov s25;
	[tilespmem:v22+s21+$0x0] =	vst.idx.msk $0xffff, v18  }
0x49: {  	s26 =	sadd.s32 $0x4, s13;
	v18 =	vld [tilespmem:s22+$0xFFFFFFA0];
	v22 =	vadd.s32 v3, v19;
	v24 =	vbroadcast v24, $0x0;
	v27 =	vshrl.u32 v27, $0x3;
	[tilespmem:v26+s21+$0x0] =	vst.idx.msk $0xffff, v23  }
0x4a: {  	v19 =	vadd.s32 v4, v19;
	v23 =	vld [tilespmem:s22+$0xFFFFFFB0];
	v26 =	vshll.u32 v27, v1;
	v27 =	vmov s26;
	[tilespmem:v31+s21+$0x0] =	vst.idx.msk $0xffff, v30  }
0x4b: {  	s28 =	sadd.s32 $0x5, s13;
	v30 =	vld [tilespmem:s22+$0xFFFFFFC0];
	v31 =	vadd.s32 v5, v24;
	v26 =	vbroadcast v26, $0x0;
	v27 =	vshrl.u32 v27, $0x3;
	[tilespmem:v28+s21+$0x0] =	vst.idx.msk $0xffff, v29  }
0x4c: {  	v24 =	vadd.s32 v6, v24;
	[tilespmem:v25+s21+$0x0] =	vst.idx.msk $0xffff, v20;
	v20 =	vld [tilespmem:s22+$0xFFFFFFD0];
	v25 =	vshll.u32 v27, v1;
	v27 =	vmov s28  }
0x4d: {  	s29 =	sadd.s32 $0x6, s13;
	[tilespmem:v21+s21+$0x0] =	vst.idx.msk $0xffff, v17;
	v17 =	vld [tilespmem:s22+$0xFFFFFFE0];
	v21 =	vadd.s32 v7, v26;
	v25 =	vbroadcast v25, $0x0;
	v27 =	vshrl.u32 v27, $0x3  }
0x4e: {  	[tilespmem:v22+s21+$0x0] =	vst.idx.msk $0xffff, v18;
	v18 =	vld [tilespmem:s22+$0xFFFFFFF0];
	v22 =	vadd.s32 v8, v26;
	v26 =	vshll.u32 v27, v1;
	v27 =	vmov s29  }
0x4f: {  	[tilespmem:v19+s21+$0x0] =	vst.idx.msk $0xffff, v23;
	v19 =	vld [tilespmem:s22+$0x0];
	v23 =	vadd.s32 v9, v25;
	v26 =	vbroadcast v26, $0x0;
	v27 =	vshrl.u32 v27, $0x3  }
0x50: {  	v28 =	vld [tilespmem:s22+$0x10];
	v25 =	vadd.s32 v10, v25;
	[tilespmem:v31+s21+$0x0] =	vst.idx.msk $0xffff, v30;
	v27 =	vshll.u32 v27, v1  }
0x51: {  	[tilespmem:v24+s21+$0x0] =	vst.idx.msk $0xffff, v20;
	v20 =	vld [tilespmem:s22+$0x20];
	v24 =	vadd.s32 v11, v26;
	v27 =	vbroadcast v27, $0x0  }
0x52: {  	[tilespmem:v21+s21+$0x0] =	vst.idx.msk $0xffff, v17;
	v17 =	vld [tilespmem:s22+$0x30];
	v21 =	vadd.s32 v12, v26  }
0x53: {  	[tilespmem:v22+s21+$0x0] =	vst.idx.msk $0xffff, v18;
	v18 =	vld [tilespmem:s22+$0x40];
	v22 =	vadd.s32 v13, v27  }
0x54: {  	[tilespmem:v23+s21+$0x0] =	vst.idx.msk $0xffff, v19;
	v19 =	vld [tilespmem:s22+$0x50];
	v23 =	vadd.s32 v14, v27  }
0x55: {  	[tilespmem:v25+s21+$0x0] =	vst.idx.msk $0xffff, v28  }
0x56: {  	s30 =	sshll.u32 s11, $0x14;
	[tilespmem:v24+s21+$0x0] =	vst.idx.msk $0xffff, v20  }
0x57: {  	s6 =	sor.u32 s4, s30;
	[tilespmem:v21+s21+$0x0] =	vst.idx.msk $0xffff, v17  }
0x58: {  	s6 =	sshrl.u32 s6, $0x3;
	[tilespmem:v22+s21+$0x0] =	vst.idx.msk $0xffff, v18  }
0x59: {  	s13 =	sadd.s32 s2, s6;
	[tilespmem:v23+s21+$0x0] =	vst.idx.msk $0xffff, v19  }
0x5a: {  	[hbm4b:s13+s3] =	stream.linear.scatter [tilespmem:s21], [sflag:$0x2], $0x80, $0x38;
	[tilespmem:$0xE800] =	vst v63  }
0x5b: {  	s16 =	simm.s32 $0xA488;
	s31 =	sadd.s32 $0x10, s13  }
0x5c: {  	[hbm4b:s31+s3] =	stream.linear.scatter [tilespmem:s16], [sflag:$0x2], $0x80, $0x38;
	[tilespmem:$0xE800] =	vst v63  }
0x5d: {  	s18 =	simm.s32 $0xA510;
	s16 =	sadd.s32 $0x20, s13  }
0x5e: {  	[hbm4b:s16+s3] =	stream.linear.scatter [tilespmem:s18], [sflag:$0x2], $0x80, $0x38;
	[tilespmem:$0xE800] =	vst v63  }
0x5f: {  	s19 =	sadd.s32 $0x30, s13;
	s22 =	simm.s32 $0xA598  }
0x60: {  	[hbm4b:s19+s3] =	stream.linear.scatter [tilespmem:s22], [sflag:$0x2], $0x80, $0x38;
	[tilespmem:$0xE800] =	vst v63  }
0x61: {  	s24 =	sadd.s32 $0x40, s13;
	s25 =	simm.s32 $0xA620  }
0x62: {  	[hbm4b:s24+s3] =	stream.linear.scatter [tilespmem:s25], [sflag:$0x2], $0x80, $0x38;
	[tilespmem:$0xE800] =	vst v63  }
0x63: {  	s26 =	sadd.s32 $0x50, s13;
	s28 =	simm.s32 $0xA6A8  }
0x64: {  	[hbm4b:s26+s3] =	stream.linear.scatter [tilespmem:s28], [sflag:$0x2], $0x80, $0x38;
	[tilespmem:$0xE800] =	vst v63  }
0x65: {  	s30 =	simm.s32 $0xA730;
	s29 =	sadd.s32 $0x60, s13  }
0x66: {  	[hbm4b:s29+s3] =	stream.linear.scatter [tilespmem:s30], [sflag:$0x2], $0x80, $0x38;
	[tilespmem:$0xE800] =	vst v63  }
0x67: {  	s13 =	sadd.s32 $0x70, s13;
	s31 =	simm.s32 $0xA7B8  }
0x68: {  	[hbm4b:s13+s3] =	stream.linear.scatter [tilespmem:s31], [sflag:$0x2], $0x80, $0x38;
	[tilespmem:$0xE800] =	vst v63  }
0x69: {  	s16 =	simm.s32 $0xA840;
	s13 =	sadd.s32 s6, s7  }
0x6a: {  	[hbm4b:s13+s3] =	stream.linear.scatter [tilespmem:s16], [sflag:$0x2], $0x80, $0x38;
	[tilespmem:$0xE800] =	vst v63  }
0x6b: {  	s19 =	simm.s32 $0xA8C8;
	s18 =	sadd.s32 $0x10, s13  }
0x6c: {  	[hbm4b:s18+s3] =	stream.linear.scatter [tilespmem:s19], [sflag:$0x2], $0x80, $0x38;
	[tilespmem:$0xE800] =	vst v63  }
0x6d: {  	s24 =	simm.s32 $0xA950;
	s22 =	sadd.s32 $0x20, s13  }
0x6e: {  	[hbm4b:s22+s3] =	stream.linear.scatter [tilespmem:s24], [sflag:$0x2], $0x80, $0x38;
	[tilespmem:$0xE800] =	vst v63  }
0x6f: {  	s26 =	simm.s32 $0xA9D8;
	s25 =	sadd.s32 $0x30, s13  }
0x70: {  	[hbm4b:s25+s3] =	stream.linear.scatter [tilespmem:s26], [sflag:$0x2], $0x80, $0x38;
	[tilespmem:$0xE800] =	vst v63  }
0x71: {  	s29 =	simm.s32 $0xAA60;
	s28 =	sadd.s32 $0x40, s13  }
0x72: {  	[hbm4b:s28+s3] =	stream.linear.scatter [tilespmem:s29], [sflag:$0x2], $0x80, $0x38;
	[tilespmem:$0xE800] =	vst v63  }
0x73: {  	s31 =	simm.s32 $0xAAE8;
	s30 =	sadd.s32 $0x50, s13  }
0x74: {  	[hbm4b:s30+s3] =	stream.linear.scatter [tilespmem:s31], [sflag:$0x2], $0x80, $0x38;
	[tilespmem:$0xE800] =	vst v63  }
0x75: {  	s18 =	sadd.s32 $0x60, s13;
	s19 =	simm.s32 $0xAB70  }
0x76: {  	[hbm4b:s18+s3] =	stream.linear.scatter [tilespmem:s19], [sflag:$0x2], $0x80, $0x38;
	[tilespmem:$0xE800] =	vst v63  }
0x77: {  	s13 =	sadd.s32 $0x70, s13;
	s22 =	simm.s32 $0xABF8  }
0x78: {  	[hbm4b:s13+s3] =	stream.linear.scatter [tilespmem:s22], [sflag:$0x2], $0x80, $0x38;
	[tilespmem:$0xE800] =	vst v63  }
0x79: {  	s24 =	simm.s32 $0xAC80;
	s13 =	sadd.s32 s6, s8  }
0x7a: {  	[hbm4b:s13+s3] =	stream.linear.scatter [tilespmem:s24], [sflag:$0x2], $0x80, $0x38;
	[tilespmem:$0xE800] =	vst v63  }
0x7b: {  	s26 =	simm.s32 $0xAD08;
	s25 =	sadd.s32 $0x10, s13  }
0x7c: {  	[hbm4b:s25+s3] =	stream.linear.scatter [tilespmem:s26], [sflag:$0x2], $0x80, $0x38;
	[tilespmem:$0xE800] =	vst v63  }
0x7d: {  	s29 =	simm.s32 $0xAD90;
	s28 =	sadd.s32 $0x20, s13  }
0x7e: {  	[hbm4b:s28+s3] =	stream.linear.scatter [tilespmem:s29], [sflag:$0x2], $0x80, $0x38;
	[tilespmem:$0xE800] =	vst v63  }
0x7f: {  	s31 =	simm.s32 $0xAE18;
	s30 =	sadd.s32 $0x30, s13  }
0x80: {  	[hbm4b:s30+s3] =	stream.linear.scatter [tilespmem:s31], [sflag:$0x2], $0x80, $0x38;
	[tilespmem:$0xE800] =	vst v63  }
0x81: {  	s19 =	simm.s32 $0xAEA0;
	s18 =	sadd.s32 $0x40, s13  }
0x82: {  	[hbm4b:s18+s3] =	stream.linear.scatter [tilespmem:s19], [sflag:$0x2], $0x80, $0x38;
	[tilespmem:$0xE800] =	vst v63  }
0x83: {  	s22 =	sadd.s32 $0x50, s13;
	s24 =	simm.s32 $0xAF28  }
0x84: {  	[hbm4b:s22+s3] =	stream.linear.scatter [tilespmem:s24], [sflag:$0x2], $0x80, $0x38;
	[tilespmem:$0xE800] =	vst v63  }
0x85: {  	s25 =	sadd.s32 $0x60, s13;
	s26 =	simm.s32 $0xAFB0  }
0x86: {  	[hbm4b:s25+s3] =	stream.linear.scatter [tilespmem:s26], [sflag:$0x2], $0x80, $0x38;
	[tilespmem:$0xE800] =	vst v63  }
0x87: {  	s13 =	sadd.s32 $0x70, s13;
	s28 =	simm.s32 $0xB038  }
0x88: {  	[hbm4b:s13+s3] =	stream.linear.scatter [tilespmem:s28], [sflag:$0x2], $0x80, $0x38;
	[tilespmem:$0xE800] =	vst v63  }
0x89: {  	s29 =	simm.s32 $0xB0C0;
	s13 =	sadd.s32 s6, s9  }
0x8a: {  	[hbm4b:s13+s3] =	stream.linear.scatter [tilespmem:s29], [sflag:$0x2], $0x80, $0x38;
	[tilespmem:$0xE800] =	vst v63  }
0x8b: {  	s31 =	simm.s32 $0xB148;
	s30 =	sadd.s32 $0x10, s13  }
0x8c: {  	[hbm4b:s30+s3] =	stream.linear.scatter [tilespmem:s31], [sflag:$0x2], $0x80, $0x38;
	[tilespmem:$0xE800] =	vst v63  }
0x8d: {  	s18 =	simm.s32 $0xB1D0;
	s16 =	sadd.s32 $0x20, s13  }
0x8e: {  	[hbm4b:s16+s3] =	stream.linear.scatter [tilespmem:s18], [sflag:$0x2], $0x80, $0x38;
	[tilespmem:$0xE800] =	vst v63  }
0x8f: {  	s22 =	simm.s32 $0xB258;
	s19 =	sadd.s32 $0x30, s13  }
0x90: {  	[hbm4b:s19+s3] =	stream.linear.scatter [tilespmem:s22], [sflag:$0x2], $0x80, $0x38;
	[tilespmem:$0xE800] =	vst v63  }
0x91: {  	s25 =	simm.s32 $0xB2E0;
	s24 =	sadd.s32 $0x40, s13  }
0x92: {  	[hbm4b:s24+s3] =	stream.linear.scatter [tilespmem:s25], [sflag:$0x2], $0x80, $0x38;
	[tilespmem:$0xE800] =	vst v63  }
0x93: {  	s28 =	simm.s32 $0xB368;
	s26 =	sadd.s32 $0x50, s13  }
0x94: {  	[hbm4b:s26+s3] =	stream.linear.scatter [tilespmem:s28], [sflag:$0x2], $0x80, $0x38;
	[tilespmem:$0xE800] =	vst v63  }
0x95: {  	s29 =	sadd.s32 $0x60, s13;
	s30 =	simm.s32 $0xB3F0  }
0x96: {  	[hbm4b:s29+s3] =	stream.linear.scatter [tilespmem:s30], [sflag:$0x2], $0x80, $0x38;
	[tilespmem:$0xE800] =	vst v63  }
0x97: {  	s13 =	sadd.s32 $0x70, s13;
	s31 =	simm.s32 $0xB478  }
0x98: {  	[hbm4b:s13+s3] =	stream.linear.scatter [tilespmem:s31], [sflag:$0x2], $0x80, $0x38;
	[tilespmem:$0xE800] =	vst v63  }
0x99: {  	s16 =	sadd.s32 $0x200, s17;
	s18 =	simm.s32 $0x6400  }
0x9a: {  	[tilespmem:s18], [sflag:$0x1] =	stream.indirect.gather [hbm4b:s5+s14], $0x20, s16, s14, $0xb8;
	[tilespmem:$0xE800] =	vst v63  }
0x9b: {  	s19 =	simm.s32 $0x7;
	_ =	swait.ge [sflag:s20], $0x1000  }
0x9c: {  	s22 =	simm.s32 $0x0;
	v17 =	vmov s19;
	[sflag:s20] =	ssyncset.done $0x0  }
0x9d: {  	v18 =	vmov s22;
	v17 =	vshrl.u32 v17, $0x3;
	s13 =	simm.s32 @!p0 $0x2;
	[sflag:s20] =	ssyncadd.s32 $0xFFFFF000  }
0x9e: {  	v18 =	vshrl.u32 v18, $0x3;
	v17 =	vshll.u32 v17, v1;
	_ =	swait.ge @!p0 [sflag:s13], $0x1000  }
0x9f: {  	s24 =	simm.s32 $0x1;
	v18 =	vshll.u32 v18, v1;
	v17 =	vbroadcast v17, $0x0;
	[sflag:s13] =	ssyncset.done @!p0 $0x0  }
0xa0: {  	s25 =	simm.s32 $0x2;
	v19 =	vmov s24;
	v18 =	vbroadcast v18, $0x0;
	[sflag:s13] =	ssyncadd.s32 @!p0 $0xFFFFF000;
	s13 =	simm.s32 $0x74F0  }
0xa1: {  	v22 =	vmov s25;
	v19 =	vshrl.u32 v19, $0x3;
	v21 =	vadd.s32 v15, v17;
	v20 =	vld [tilespmem:s13+$0xFFFFFFF0]  }
0xa2: {  	v22 =	vshrl.u32 v22, $0x3;
	v19 =	vshll.u32 v19, v1;
	v25 =	vadd.s32 v0, v18;
	v24 =	vld [tilespmem:s13+$0xFFFFFF10]  }
0xa3: {  	s26 =	simm.s32 $0x3;
	v22 =	vshll.u32 v22, v1;
	v17 =	vadd.s32 v16, v17;
	v19 =	vbroadcast v19, $0x0;
	v23 =	vld [tilespmem:s13+$0x0]  }
0xa4: {  	v27 =	vmov s26;
	v18 =	vadd.s32 v2, v18;
	v22 =	vbroadcast v22, $0x0;
	v26 =	vld [tilespmem:s13+$0xFFFFFF20]  }
0xa5: {  	s28 =	simm.s32 $0x4;
	v27 =	vshrl.u32 v27, $0x3;
	v29 =	vadd.s32 v3, v19;
	v31 =	vadd.s32 v4, v19;
	v28 =	vld [tilespmem:s13+$0xFFFFFF30]  }
0xa6: {  	v19 =	vshll.u32 v27, v1;
	v27 =	vmov s28;
	v33 =	vadd.s32 v5, v22;
	v32 =	vld [tilespmem:s13+$0xFFFFFF50];
	[tilespmem:v21+s1+$0x0] =	vst.idx.msk $0xffff, v20  }
0xa7: {  	s29 =	simm.s32 $0x5;
	v34 =	vbroadcast v19, $0x0;
	v19 =	vshrl.u32 v27, $0x3;
	v30 =	vld [tilespmem:s13+$0xFFFFFF40];
	[tilespmem:v25+s1+$0x0] =	vst.idx.msk $0xffff, v24  }
0xa8: {  	v19 =	vshll.u32 v19, v1;
	v20 =	vld [tilespmem:s13+$0xFFFFFF60];
	v25 =	vadd.s32 v6, v22;
	v22 =	vmov s29;
	[tilespmem:v17+s1+$0x0] =	vst.idx.msk $0xffff, v23  }
0xa9: {  	s30 =	simm.s32 $0x6;
	v35 =	vbroadcast v19, $0x0;
	v21 =	vadd.s32 v7, v34;
	[tilespmem:v18+s1+$0x0] =	vst.idx.msk $0xffff, v26;
	v17 =	vld [tilespmem:s13+$0xFFFFFF70];
	v18 =	vshrl.u32 v22, $0x3  }
0xaa: {  	v19 =	vld [tilespmem:s13+$0xFFFFFF80];
	[tilespmem:v29+s1+$0x0] =	vst.idx.msk $0xffff, v28;
	v23 =	vadd.s32 v8, v34;
	v22 =	vmov s30;
	v18 =	vshll.u32 v18, v1  }
0xab: {  	s31 =	simm.s32 $0xF;
	v24 =	vld [tilespmem:s13+$0xFFFFFF90];
	[tilespmem:v33+s1+$0x0] =	vst.idx.msk $0xffff, v32;
	v26 =	vadd.s32 v9, v35;
	v29 =	vshrl.u32 v22, $0x3;
	v27 =	vbroadcast v18, $0x0  }
0xac: {  	s15 =	simm.s32 $0x8;
	s16 =	simm.s32 $0x10;
	v28 =	vmov s31;
	[tilespmem:v31+s1+$0x0] =	vst.idx.msk $0xffff, v30;
	v22 =	vadd.s32 v10, v35;
	v18 =	vld [tilespmem:s13+$0xFFFFFFA0];
	v29 =	vshll.u32 v29, v1  }
.LBB2_5:
0xad: {  	p1 =	slt.u32 s16, $0x78;
	v28 =	vshrl.u32 v28, $0x3;
	[tilespmem:v25+s1+$0x0] =	vst.idx.msk $0xffff, v20;
	v20 =	vld [tilespmem:s13+$0xFFFFFFB0];
	v25 =	vadd.s32 v11, v27;
	v29 =	vbroadcast v29, $0x0  }
0xae: {  	v30 =	vmov s15;
	v28 =	vshll.u32 v28, v1;
	[tilespmem:v21+s1+$0x0] =	vst.idx.msk $0xffff, v17;
	v17 =	vld [tilespmem:s13+$0xFFFFFFC0];
	v21 =	vadd.s32 v12, v27  }
0xaf: {  	s18 =	sadd.s32 $0x1, s15;
	v27 =	vshrl.u32 v30, $0x3;
	v28 =	vbroadcast v28, $0x0;
	[tilespmem:v23+s1+$0x0] =	vst.idx.msk $0xffff, v19;
	v19 =	vld [tilespmem:s13+$0xFFFFFFD0];
	v23 =	vadd.s32 v13, v29  }
0xb0: {  	v30 =	vmov s18;
	v27 =	vshll.u32 v27, v1;
	[tilespmem:v26+s1+$0x0] =	vst.idx.msk $0xffff, v24;
	v24 =	vld [tilespmem:s13+$0xFFFFFFE0];
	v26 =	vadd.s32 v14, v29;
	s13 =	sadd.s32 $0x100, s13  }
0xb1: {  	s18 =	sadd.s32 $0x2, s15;
	v27 =	vbroadcast v27, $0x0;
	v29 =	vshrl.u32 v30, $0x3;
	v30 =	vld [tilespmem:s13+$0xFFFFFFF0];
	v31 =	vadd.s32 v15, v28;
	[tilespmem:v22+s1+$0x0] =	vst.idx.msk $0xffff, v18  }
0xb2: {  	v18 =	vshll.u32 v29, v1;
	v22 =	vmov s18;
	v28 =	vadd.s32 v16, v28;
	v29 =	vld [tilespmem:s13+$0x0];
	[tilespmem:v25+s1+$0x0] =	vst.idx.msk $0xffff, v20  }
0xb3: {  	s18 =	sadd.s32 $0x3, s15;
	v25 =	vadd.s32 v0, v27;
	v18 =	vbroadcast v18, $0x0;
	v22 =	vshrl.u32 v22, $0x3;
	v20 =	vld [tilespmem:s13+$0xFFFFFF10];
	[tilespmem:v21+s1+$0x0] =	vst.idx.msk $0xffff, v17  }
0xb4: {  	v21 =	vadd.s32 v2, v27;
	v22 =	vshll.u32 v22, v1;
	v27 =	vmov s18;
	v17 =	vld [tilespmem:s13+$0xFFFFFF20];
	[tilespmem:v23+s1+$0x0] =	vst.idx.msk $0xffff, v19  }
0xb5: {  	s18 =	sadd.s32 $0x4, s15;
	v23 =	vadd.s32 v3, v18;
	v22 =	vbroadcast v22, $0x0;
	v27 =	vshrl.u32 v27, $0x3;
	v19 =	vld [tilespmem:s13+$0xFFFFFF30];
	[tilespmem:v26+s1+$0x0] =	vst.idx.msk $0xffff, v24  }
0xb6: {  	v18 =	vadd.s32 v4, v18;
	v26 =	vshll.u32 v27, v1;
	v27 =	vmov s18;
	v24 =	vld [tilespmem:s13+$0xFFFFFF40];
	[tilespmem:v31+s1+$0x0] =	vst.idx.msk $0xffff, v30  }
0xb7: {  	s18 =	sadd.s32 $0x5, s15;
	v31 =	vadd.s32 v5, v22;
	v26 =	vbroadcast v26, $0x0;
	v27 =	vshrl.u32 v27, $0x3;
	v30 =	vld [tilespmem:s13+$0xFFFFFF50];
	[tilespmem:v28+s1+$0x0] =	vst.idx.msk $0xffff, v29  }
.Ltmp1:
0xb8: {  	[tilespmem:v25+s1+$0x0] =	vst.idx.msk $0xffff, v20;
	v20 =	vld [tilespmem:s13+$0xFFFFFF60];
	v25 =	vadd.s32 v6, v22;
	v22 =	vshll.u32 v27, v1;
	v27 =	vmov s18;
	(pc) =	sbr.rel @p1 .LBB2_5-.Ltmp1, $4  }
0xb9: {  	s18 =	sadd.s32 $0x6, s15;
	s15 =	smov.u32 s16;
	[tilespmem:v21+s1+$0x0] =	vst.idx.msk $0xffff, v17;
	v17 =	vld [tilespmem:s13+$0xFFFFFF70];
	v21 =	vadd.s32 v7, v26;
	v22 =	vbroadcast v22, $0x0;
	v27 =	vshrl.u32 v27, $0x3  }
0xba: {  	v28 =	vmov s18;
	[tilespmem:v23+s1+$0x0] =	vst.idx.msk $0xffff, v19;
	v19 =	vld [tilespmem:s13+$0xFFFFFF80];
	v23 =	vadd.s32 v8, v26;
	v27 =	vshll.u32 v27, v1  }
0xbb: {  	s18 =	sadd.s32 $0x7, s16;
	v29 =	vshrl.u32 v28, $0x3;
	[tilespmem:v18+s1+$0x0] =	vst.idx.msk $0xffff, v24;
	v24 =	vld [tilespmem:s13+$0xFFFFFF90];
	v26 =	vadd.s32 v9, v22;
	v27 =	vbroadcast v27, $0x0  }
0xbc: {  	s16 =	sadd.s32 $0x8, s16;
	v28 =	vmov s18;
	v22 =	vadd.s32 v10, v22;
	v29 =	vshll.u32 v29, v1;
	[tilespmem:v31+s1+$0x0] =	vst.idx.msk $0xffff, v30;
	v18 =	vld [tilespmem:s13+$0xFFFFFFA0]  }
0xbd: {  	_ =	sdelay $0x3  }
0xbe: {  	v28 =	vshrl.u32 v28, $0x3;
	[tilespmem:v25+s1+$0x0] =	vst.idx.msk $0xffff, v20;
	v20 =	vld [tilespmem:s13+$0xFFFFFFB0];
	v25 =	vadd.s32 v11, v27;
	v29 =	vbroadcast v29, $0x0  }
0xbf: {  	v30 =	vmov s15;
	v28 =	vshll.u32 v28, v1;
	[tilespmem:v21+s1+$0x0] =	vst.idx.msk $0xffff, v17;
	v17 =	vld [tilespmem:s13+$0xFFFFFFC0];
	v21 =	vadd.s32 v12, v27  }
0xc0: {  	s16 =	sadd.s32 $0x1, s15;
	v27 =	vshrl.u32 v30, $0x3;
	v28 =	vbroadcast v28, $0x0;
	[tilespmem:v23+s1+$0x0] =	vst.idx.msk $0xffff, v19;
	v19 =	vld [tilespmem:s13+$0xFFFFFFD0];
	v23 =	vadd.s32 v13, v29  }
0xc1: {  	s19 =	sadd.s32 $0x100, s13;
	v30 =	vmov s16;
	v27 =	vshll.u32 v27, v1;
	[tilespmem:v26+s1+$0x0] =	vst.idx.msk $0xffff, v24;
	v24 =	vld [tilespmem:s13+$0xFFFFFFE0];
	v26 =	vadd.s32 v14, v29  }
0xc2: {  	s22 =	sadd.s32 $0x2, s15;
	v27 =	vbroadcast v27, $0x0;
	v29 =	vshrl.u32 v30, $0x3;
	v30 =	vld [tilespmem:s19+$0xFFFFFFF0];
	v31 =	vadd.s32 v15, v28;
	[tilespmem:v22+s1+$0x0] =	vst.idx.msk $0xffff, v18  }
0xc3: {  	v18 =	vshll.u32 v29, v1;
	v22 =	vmov s22;
	v29 =	vld [tilespmem:s19+$0x0];
	v28 =	vadd.s32 v16, v28;
	[tilespmem:v25+s1+$0x0] =	vst.idx.msk $0xffff, v20  }
0xc4: {  	s24 =	sadd.s32 $0x3, s15;
	v20 =	vld [tilespmem:s19+$0xFFFFFF10];
	v25 =	vadd.s32 v0, v27;
	v18 =	vbroadcast v18, $0x0;
	v22 =	vshrl.u32 v22, $0x3;
	[tilespmem:v21+s1+$0x0] =	vst.idx.msk $0xffff, v17  }
0xc5: {  	v17 =	vld [tilespmem:s19+$0xFFFFFF20];
	v21 =	vadd.s32 v2, v27;
	v22 =	vshll.u32 v22, v1;
	v27 =	vmov s24;
	[tilespmem:v23+s1+$0x0] =	vst.idx.msk $0xffff, v19  }
0xc6: {  	s25 =	sadd.s32 $0x4, s15;
	v19 =	vld [tilespmem:s19+$0xFFFFFF30];
	v23 =	vadd.s32 v3, v18;
	v22 =	vbroadcast v22, $0x0;
	v27 =	vshrl.u32 v27, $0x3;
	[tilespmem:v26+s1+$0x0] =	vst.idx.msk $0xffff, v24  }
0xc7: {  	v18 =	vadd.s32 v4, v18;
	v24 =	vld [tilespmem:s19+$0xFFFFFF40];
	v26 =	vshll.u32 v27, v1;
	v27 =	vmov s25;
	[tilespmem:v31+s1+$0x0] =	vst.idx.msk $0xffff, v30  }
0xc8: {  	s26 =	sadd.s32 $0x5, s15;
	v30 =	vld [tilespmem:s19+$0xFFFFFF50];
	v31 =	vadd.s32 v5, v22;
	v26 =	vbroadcast v26, $0x0;
	v27 =	vshrl.u32 v27, $0x3;
	[tilespmem:v28+s1+$0x0] =	vst.idx.msk $0xffff, v29  }
0xc9: {  	v22 =	vadd.s32 v6, v22;
	[tilespmem:v25+s1+$0x0] =	vst.idx.msk $0xffff, v20;
	v20 =	vld [tilespmem:s19+$0xFFFFFF60];
	v25 =	vshll.u32 v27, v1;
	v27 =	vmov s26  }
0xca: {  	s28 =	sadd.s32 $0x6, s15;
	[tilespmem:v21+s1+$0x0] =	vst.idx.msk $0xffff, v17;
	v17 =	vld [tilespmem:s19+$0xFFFFFF70];
	v21 =	vadd.s32 v7, v26;
	v25 =	vbroadcast v25, $0x0;
	v27 =	vshrl.u32 v27, $0x3  }
0xcb: {  	[tilespmem:v23+s1+$0x0] =	vst.idx.msk $0xffff, v19;
	v19 =	vld [tilespmem:s19+$0xFFFFFF80];
	v23 =	vadd.s32 v8, v26;
	v26 =	vshll.u32 v27, v1;
	v27 =	vmov s28  }
0xcc: {  	[tilespmem:v18+s1+$0x0] =	vst.idx.msk $0xffff, v24;
	v18 =	vld [tilespmem:s19+$0xFFFFFF90];
	v24 =	vadd.s32 v9, v25;
	v26 =	vbroadcast v26, $0x0;
	v27 =	vshrl.u32 v27, $0x3  }
0xcd: {  	v28 =	vld [tilespmem:s19+$0xFFFFFFA0];
	v25 =	vadd.s32 v10, v25;
	[tilespmem:v31+s1+$0x0] =	vst.idx.msk $0xffff, v30;
	v27 =	vshll.u32 v27, v1  }
0xce: {  	[tilespmem:v22+s1+$0x0] =	vst.idx.msk $0xffff, v20;
	v20 =	vld [tilespmem:s19+$0xFFFFFFB0];
	v22 =	vadd.s32 v11, v26;
	v27 =	vbroadcast v27, $0x0  }
0xcf: {  	[tilespmem:v21+s1+$0x0] =	vst.idx.msk $0xffff, v17;
	v17 =	vld [tilespmem:s19+$0xFFFFFFC0];
	v21 =	vadd.s32 v12, v26  }
0xd0: {  	[tilespmem:v23+s1+$0x0] =	vst.idx.msk $0xffff, v19;
	v19 =	vld [tilespmem:s19+$0xFFFFFFD0];
	v23 =	vadd.s32 v13, v27  }
0xd1: {  	[tilespmem:v24+s1+$0x0] =	vst.idx.msk $0xffff, v18;
	v18 =	vld [tilespmem:s19+$0xFFFFFFE0];
	v24 =	vadd.s32 v14, v27  }
0xd2: {  	[tilespmem:v25+s1+$0x0] =	vst.idx.msk $0xffff, v28  }
0xd3: {  	[tilespmem:v22+s1+$0x0] =	vst.idx.msk $0xffff, v20  }
0xd4: {  	[tilespmem:v21+s1+$0x0] =	vst.idx.msk $0xffff, v17  }
0xd5: {  	s13 =	sor.u32 $0x4000, s6;
	[tilespmem:v23+s1+$0x0] =	vst.idx.msk $0xffff, v19  }
0xd6: {  	s15 =	sadd.s32 s2, s13;
	[tilespmem:v24+s1+$0x0] =	vst.idx.msk $0xffff, v18  }
0xd7: {  	[hbm4b:s15+s3] =	stream.linear.scatter [tilespmem:s1], [sflag:$0x2], $0x80, $0x38;
	[tilespmem:$0xE800] =	vst v63  }
0xd8: {  	s18 =	simm.s32 $0xB588;
	s29 =	sadd.s32 $0x10, s15  }
0xd9: {  	[hbm4b:s29+s3] =	stream.linear.scatter [tilespmem:s18], [sflag:$0x2], $0x80, $0x38;
	[tilespmem:$0xE800] =	vst v63  }
0xda: {  	s31 =	simm.s32 $0xB610;
	s30 =	sadd.s32 $0x20, s15  }
0xdb: {  	[hbm4b:s30+s3] =	stream.linear.scatter [tilespmem:s31], [sflag:$0x2], $0x80, $0x38;
	[tilespmem:$0xE800] =	vst v63  }
0xdc: {  	s19 =	simm.s32 $0xB698;
	s18 =	sadd.s32 $0x30, s15  }
0xdd: {  	[hbm4b:s18+s3] =	stream.linear.scatter [tilespmem:s19], [sflag:$0x2], $0x80, $0x38;
	[tilespmem:$0xE800] =	vst v63  }
0xde: {  	s22 =	sadd.s32 $0x40, s15;
	s24 =	simm.s32 $0xB720  }
0xdf: {  	[hbm4b:s22+s3] =	stream.linear.scatter [tilespmem:s24], [sflag:$0x2], $0x80, $0x38;
	[tilespmem:$0xE800] =	vst v63  }
0xe0: {  	s25 =	sadd.s32 $0x50, s15;
	s26 =	simm.s32 $0xB7A8  }
0xe1: {  	[hbm4b:s25+s3] =	stream.linear.scatter [tilespmem:s26], [sflag:$0x2], $0x80, $0x38;
	[tilespmem:$0xE800] =	vst v63  }
0xe2: {  	s28 =	sadd.s32 $0x60, s15;
	s29 =	simm.s32 $0xB830  }
0xe3: {  	[hbm4b:s28+s3] =	stream.linear.scatter [tilespmem:s29], [sflag:$0x2], $0x80, $0x38;
	[tilespmem:$0xE800] =	vst v63  }
0xe4: {  	s15 =	sadd.s32 $0x70, s15;
	s30 =	simm.s32 $0xB8B8  }
0xe5: {  	[hbm4b:s15+s3] =	stream.linear.scatter [tilespmem:s30], [sflag:$0x2], $0x80, $0x38;
	[tilespmem:$0xE800] =	vst v63  }
0xe6: {  	s31 =	simm.s32 $0xB940;
	s15 =	sadd.s32 s13, s7  }
0xe7: {  	[hbm4b:s15+s3] =	stream.linear.scatter [tilespmem:s31], [sflag:$0x2], $0x80, $0x38;
	[tilespmem:$0xE800] =	vst v63  }
0xe8: {  	s19 =	simm.s32 $0xB9C8;
	s18 =	sadd.s32 $0x10, s15  }
0xe9: {  	[hbm4b:s18+s3] =	stream.linear.scatter [tilespmem:s19], [sflag:$0x2], $0x80, $0x38;
	[tilespmem:$0xE800] =	vst v63  }
0xea: {  	s24 =	simm.s32 $0xBA50;
	s22 =	sadd.s32 $0x20, s15  }
0xeb: {  	[hbm4b:s22+s3] =	stream.linear.scatter [tilespmem:s24], [sflag:$0x2], $0x80, $0x38;
	[tilespmem:$0xE800] =	vst v63  }
0xec: {  	s26 =	simm.s32 $0xBAD8;
	s25 =	sadd.s32 $0x30, s15  }
0xed: {  	[hbm4b:s25+s3] =	stream.linear.scatter [tilespmem:s26], [sflag:$0x2], $0x80, $0x38;
	[tilespmem:$0xE800] =	vst v63  }
0xee: {  	s29 =	simm.s32 $0xBB60;
	s28 =	sadd.s32 $0x40, s15  }
0xef: {  	[hbm4b:s28+s3] =	stream.linear.scatter [tilespmem:s29], [sflag:$0x2], $0x80, $0x38;
	[tilespmem:$0xE800] =	vst v63  }
0xf0: {  	s30 =	sadd.s32 $0x50, s15;
	s31 =	simm.s32 $0xBBE8  }
0xf1: {  	[hbm4b:s30+s3] =	stream.linear.scatter [tilespmem:s31], [sflag:$0x2], $0x80, $0x38;
	[tilespmem:$0xE800] =	vst v63  }
0xf2: {  	s18 =	sadd.s32 $0x60, s15;
	s19 =	simm.s32 $0xBC70  }
0xf3: {  	[hbm4b:s18+s3] =	stream.linear.scatter [tilespmem:s19], [sflag:$0x2], $0x80, $0x38;
	[tilespmem:$0xE800] =	vst v63  }
0xf4: {  	s15 =	sadd.s32 $0x70, s15;
	s22 =	simm.s32 $0xBCF8  }
0xf5: {  	[hbm4b:s15+s3] =	stream.linear.scatter [tilespmem:s22], [sflag:$0x2], $0x80, $0x38;
	[tilespmem:$0xE800] =	vst v63  }
0xf6: {  	s24 =	simm.s32 $0xBD80;
	s15 =	sadd.s32 s13, s8  }
0xf7: {  	[hbm4b:s15+s3] =	stream.linear.scatter [tilespmem:s24], [sflag:$0x2], $0x80, $0x38;
	[tilespmem:$0xE800] =	vst v63  }
0xf8: {  	s26 =	simm.s32 $0xBE08;
	s25 =	sadd.s32 $0x10, s15  }
0xf9: {  	[hbm4b:s25+s3] =	stream.linear.scatter [tilespmem:s26], [sflag:$0x2], $0x80, $0x38;
	[tilespmem:$0xE800] =	vst v63  }
0xfa: {  	s29 =	simm.s32 $0xBE90;
	s28 =	sadd.s32 $0x20, s15  }
0xfb: {  	[hbm4b:s28+s3] =	stream.linear.scatter [tilespmem:s29], [sflag:$0x2], $0x80, $0x38;
	[tilespmem:$0xE800] =	vst v63  }
0xfc: {  	s31 =	simm.s32 $0xBF18;
	s30 =	sadd.s32 $0x30, s15  }
0xfd: {  	[hbm4b:s30+s3] =	stream.linear.scatter [tilespmem:s31], [sflag:$0x2], $0x80, $0x38;
	[tilespmem:$0xE800] =	vst v63  }
0xfe: {  	s19 =	simm.s32 $0xBFA0;
	s18 =	sadd.s32 $0x40, s15  }
0xff: {  	[hbm4b:s18+s3] =	stream.linear.scatter [tilespmem:s19], [sflag:$0x2], $0x80, $0x38;
	[tilespmem:$0xE800] =	vst v63  }
0x100: {  	s22 =	sadd.s32 $0x50, s15;
	s24 =	simm.s32 $0xC028  }
0x101: {  	[hbm4b:s22+s3] =	stream.linear.scatter [tilespmem:s24], [sflag:$0x2], $0x80, $0x38;
	[tilespmem:$0xE800] =	vst v63  }
0x102: {  	s25 =	sadd.s32 $0x60, s15;
	s26 =	simm.s32 $0xC0B0  }
0x103: {  	[hbm4b:s25+s3] =	stream.linear.scatter [tilespmem:s26], [sflag:$0x2], $0x80, $0x38;
	[tilespmem:$0xE800] =	vst v63  }
0x104: {  	s15 =	sadd.s32 $0x70, s15;
	s28 =	simm.s32 $0xC138  }
0x105: {  	[hbm4b:s15+s3] =	stream.linear.scatter [tilespmem:s28], [sflag:$0x2], $0x80, $0x38;
	[tilespmem:$0xE800] =	vst v63  }
0x106: {  	s13 =	sadd.s32 s13, s9;
	s29 =	simm.s32 $0xC1C0  }
0x107: {  	[hbm4b:s13+s3] =	stream.linear.scatter [tilespmem:s29], [sflag:$0x2], $0x80, $0x38;
	[tilespmem:$0xE800] =	vst v63  }
0x108: {  	s30 =	sadd.s32 $0x10, s13;
	s31 =	simm.s32 $0xC248  }
0x109: {  	[hbm4b:s30+s3] =	stream.linear.scatter [tilespmem:s31], [sflag:$0x2], $0x80, $0x38;
	[tilespmem:$0xE800] =	vst v63  }
0x10a: {  	s16 =	sadd.s32 $0x20, s13;
	s18 =	simm.s32 $0xC2D0  }
0x10b: {  	[hbm4b:s16+s3] =	stream.linear.scatter [tilespmem:s18], [sflag:$0x2], $0x80, $0x38;
	[tilespmem:$0xE800] =	vst v63  }
0x10c: {  	s19 =	sadd.s32 $0x30, s13;
	s22 =	simm.s32 $0xC358  }
0x10d: {  	[hbm4b:s19+s3] =	stream.linear.scatter [tilespmem:s22], [sflag:$0x2], $0x80, $0x38;
	[tilespmem:$0xE800] =	vst v63  }
0x10e: {  	s24 =	sadd.s32 $0x40, s13;
	s25 =	simm.s32 $0xC3E0  }
0x10f: {  	[hbm4b:s24+s3] =	stream.linear.scatter [tilespmem:s25], [sflag:$0x2], $0x80, $0x38;
	[tilespmem:$0xE800] =	vst v63  }
0x110: {  	s26 =	sadd.s32 $0x50, s13;
	s28 =	simm.s32 $0xC468  }
0x111: {  	[hbm4b:s26+s3] =	stream.linear.scatter [tilespmem:s28], [sflag:$0x2], $0x80, $0x38;
	[tilespmem:$0xE800] =	vst v63  }
0x112: {  	s29 =	sadd.s32 $0x60, s13;
	s30 =	simm.s32 $0xC4F0  }
0x113: {  	[hbm4b:s29+s3] =	stream.linear.scatter [tilespmem:s30], [sflag:$0x2], $0x80, $0x38;
	[tilespmem:$0xE800] =	vst v63  }
0x114: {  	s13 =	sadd.s32 $0x70, s13;
	s31 =	simm.s32 $0xC578  }
0x115: {  	[hbm4b:s13+s3] =	stream.linear.scatter [tilespmem:s31], [sflag:$0x2], $0x80, $0x38;
	[tilespmem:$0xE800] =	vst v63  }
0x116: {  	s16 =	sadd.s32 $0x280, s17;
	s18 =	simm.s32 $0x7400  }
0x117: {  	[tilespmem:s18], [sflag:$0x1] =	stream.indirect.gather [hbm4b:s5+s14], $0x20, s16, s14, $0xb8;
	[tilespmem:$0xE800] =	vst v63  }
0x118: {  	s19 =	simm.s32 $0x7;
	_ =	swait.ge [sflag:s20], $0x1000  }
0x119: {  	s22 =	simm.s32 $0x0;
	v17 =	vmov s19;
	[sflag:s20] =	ssyncset.done $0x0  }
0x11a: {  	v18 =	vmov s22;
	v17 =	vshrl.u32 v17, $0x3;
	s13 =	simm.s32 @!p0 $0x2;
	[sflag:s20] =	ssyncadd.s32 $0xFFFFF000  }
0x11b: {  	v18 =	vshrl.u32 v18, $0x3;
	v17 =	vshll.u32 v17, v1;
	_ =	swait.ge @!p0 [sflag:s13], $0x1000  }
0x11c: {  	s24 =	simm.s32 $0x1;
	v18 =	vshll.u32 v18, v1;
	v17 =	vbroadcast v17, $0x0;
	[sflag:s13] =	ssyncset.done @!p0 $0x0  }
0x11d: {  	s25 =	simm.s32 $0x2;
	v19 =	vmov s24;
	v18 =	vbroadcast v18, $0x0;
	[sflag:s13] =	ssyncadd.s32 @!p0 $0xFFFFF000;
	s13 =	simm.s32 $0x84F0  }
0x11e: {  	v22 =	vmov s25;
	v19 =	vshrl.u32 v19, $0x3;
	v21 =	vadd.s32 v15, v17;
	v20 =	vld [tilespmem:s13+$0xFFFFFFF0]  }
0x11f: {  	v22 =	vshrl.u32 v22, $0x3;
	v19 =	vshll.u32 v19, v1;
	v25 =	vadd.s32 v0, v18;
	v24 =	vld [tilespmem:s13+$0xFFFFFF10]  }
0x120: {  	s26 =	simm.s32 $0x3;
	v22 =	vshll.u32 v22, v1;
	v17 =	vadd.s32 v16, v17;
	v19 =	vbroadcast v19, $0x0;
	v23 =	vld [tilespmem:s13+$0x0]  }
0x121: {  	v27 =	vmov s26;
	v18 =	vadd.s32 v2, v18;
	v22 =	vbroadcast v22, $0x0;
	v26 =	vld [tilespmem:s13+$0xFFFFFF20]  }
0x122: {  	s28 =	simm.s32 $0x4;
	v27 =	vshrl.u32 v27, $0x3;
	v29 =	vadd.s32 v3, v19;
	v31 =	vadd.s32 v4, v19;
	v28 =	vld [tilespmem:s13+$0xFFFFFF30]  }
0x123: {  	v19 =	vshll.u32 v27, v1;
	v27 =	vmov s28;
	v33 =	vadd.s32 v5, v22;
	v32 =	vld [tilespmem:s13+$0xFFFFFF50];
	[tilespmem:v21+s23+$0x0] =	vst.idx.msk $0xffff, v20  }
0x124: {  	s29 =	simm.s32 $0x5;
	v34 =	vbroadcast v19, $0x0;
	v19 =	vshrl.u32 v27, $0x3;
	v30 =	vld [tilespmem:s13+$0xFFFFFF40];
	[tilespmem:v25+s23+$0x0] =	vst.idx.msk $0xffff, v24  }
0x125: {  	v19 =	vshll.u32 v19, v1;
	v20 =	vld [tilespmem:s13+$0xFFFFFF60];
	v25 =	vadd.s32 v6, v22;
	v22 =	vmov s29;
	[tilespmem:v17+s23+$0x0] =	vst.idx.msk $0xffff, v23  }
0x126: {  	s30 =	simm.s32 $0x6;
	v35 =	vbroadcast v19, $0x0;
	v21 =	vadd.s32 v7, v34;
	[tilespmem:v18+s23+$0x0] =	vst.idx.msk $0xffff, v26;
	v17 =	vld [tilespmem:s13+$0xFFFFFF70];
	v18 =	vshrl.u32 v22, $0x3  }
0x127: {  	v19 =	vld [tilespmem:s13+$0xFFFFFF80];
	[tilespmem:v29+s23+$0x0] =	vst.idx.msk $0xffff, v28;
	v23 =	vadd.s32 v8, v34;
	v22 =	vmov s30;
	v18 =	vshll.u32 v18, v1  }
0x128: {  	s31 =	simm.s32 $0xF;
	v24 =	vld [tilespmem:s13+$0xFFFFFF90];
	[tilespmem:v33+s23+$0x0] =	vst.idx.msk $0xffff, v32;
	v26 =	vadd.s32 v9, v35;
	v29 =	vshrl.u32 v22, $0x3;
	v27 =	vbroadcast v18, $0x0  }
0x129: {  	s15 =	simm.s32 $0x8;
	s16 =	simm.s32 $0x10;
	v28 =	vmov s31;
	[tilespmem:v31+s23+$0x0] =	vst.idx.msk $0xffff, v30;
	v22 =	vadd.s32 v10, v35;
	v18 =	vld [tilespmem:s13+$0xFFFFFFA0];
	v29 =	vshll.u32 v29, v1  }
.LBB2_7:
0x12a: {  	p1 =	slt.u32 s16, $0x78;
	v28 =	vshrl.u32 v28, $0x3;
	[tilespmem:v25+s23+$0x0] =	vst.idx.msk $0xffff, v20;
	v20 =	vld [tilespmem:s13+$0xFFFFFFB0];
	v25 =	vadd.s32 v11, v27;
	v29 =	vbroadcast v29, $0x0  }
0x12b: {  	v30 =	vmov s15;
	v28 =	vshll.u32 v28, v1;
	[tilespmem:v21+s23+$0x0] =	vst.idx.msk $0xffff, v17;
	v17 =	vld [tilespmem:s13+$0xFFFFFFC0];
	v21 =	vadd.s32 v12, v27  }
0x12c: {  	s18 =	sadd.s32 $0x1, s15;
	v27 =	vshrl.u32 v30, $0x3;
	v28 =	vbroadcast v28, $0x0;
	[tilespmem:v23+s23+$0x0] =	vst.idx.msk $0xffff, v19;
	v19 =	vld [tilespmem:s13+$0xFFFFFFD0];
	v23 =	vadd.s32 v13, v29  }
0x12d: {  	v30 =	vmov s18;
	v27 =	vshll.u32 v27, v1;
	[tilespmem:v26+s23+$0x0] =	vst.idx.msk $0xffff, v24;
	v24 =	vld [tilespmem:s13+$0xFFFFFFE0];
	v26 =	vadd.s32 v14, v29;
	s13 =	sadd.s32 $0x100, s13  }
0x12e: {  	s18 =	sadd.s32 $0x2, s15;
	v27 =	vbroadcast v27, $0x0;
	v29 =	vshrl.u32 v30, $0x3;
	v30 =	vld [tilespmem:s13+$0xFFFFFFF0];
	v31 =	vadd.s32 v15, v28;
	[tilespmem:v22+s23+$0x0] =	vst.idx.msk $0xffff, v18  }
0x12f: {  	v18 =	vshll.u32 v29, v1;
	v22 =	vmov s18;
	v28 =	vadd.s32 v16, v28;
	v29 =	vld [tilespmem:s13+$0x0];
	[tilespmem:v25+s23+$0x0] =	vst.idx.msk $0xffff, v20  }
0x130: {  	s18 =	sadd.s32 $0x3, s15;
	v25 =	vadd.s32 v0, v27;
	v18 =	vbroadcast v18, $0x0;
	v22 =	vshrl.u32 v22, $0x3;
	v20 =	vld [tilespmem:s13+$0xFFFFFF10];
	[tilespmem:v21+s23+$0x0] =	vst.idx.msk $0xffff, v17  }
0x131: {  	v21 =	vadd.s32 v2, v27;
	v22 =	vshll.u32 v22, v1;
	v27 =	vmov s18;
	v17 =	vld [tilespmem:s13+$0xFFFFFF20];
	[tilespmem:v23+s23+$0x0] =	vst.idx.msk $0xffff, v19  }
0x132: {  	s18 =	sadd.s32 $0x4, s15;
	v23 =	vadd.s32 v3, v18;
	v22 =	vbroadcast v22, $0x0;
	v27 =	vshrl.u32 v27, $0x3;
	v19 =	vld [tilespmem:s13+$0xFFFFFF30];
	[tilespmem:v26+s23+$0x0] =	vst.idx.msk $0xffff, v24  }
0x133: {  	v18 =	vadd.s32 v4, v18;
	v26 =	vshll.u32 v27, v1;
	v27 =	vmov s18;
	v24 =	vld [tilespmem:s13+$0xFFFFFF40];
	[tilespmem:v31+s23+$0x0] =	vst.idx.msk $0xffff, v30  }
0x134: {  	s18 =	sadd.s32 $0x5, s15;
	v31 =	vadd.s32 v5, v22;
	v26 =	vbroadcast v26, $0x0;
	v27 =	vshrl.u32 v27, $0x3;
	v30 =	vld [tilespmem:s13+$0xFFFFFF50];
	[tilespmem:v28+s23+$0x0] =	vst.idx.msk $0xffff, v29  }
.Ltmp2:
0x135: {  	[tilespmem:v25+s23+$0x0] =	vst.idx.msk $0xffff, v20;
	v20 =	vld [tilespmem:s13+$0xFFFFFF60];
	v25 =	vadd.s32 v6, v22;
	v22 =	vshll.u32 v27, v1;
	v27 =	vmov s18;
	(pc) =	sbr.rel @p1 .LBB2_7-.Ltmp2, $4  }
0x136: {  	s18 =	sadd.s32 $0x6, s15;
	s15 =	smov.u32 s16;
	[tilespmem:v21+s23+$0x0] =	vst.idx.msk $0xffff, v17;
	v17 =	vld [tilespmem:s13+$0xFFFFFF70];
	v21 =	vadd.s32 v7, v26;
	v22 =	vbroadcast v22, $0x0;
	v27 =	vshrl.u32 v27, $0x3  }
0x137: {  	v28 =	vmov s18;
	[tilespmem:v23+s23+$0x0] =	vst.idx.msk $0xffff, v19;
	v19 =	vld [tilespmem:s13+$0xFFFFFF80];
	v23 =	vadd.s32 v8, v26;
	v27 =	vshll.u32 v27, v1  }
0x138: {  	s18 =	sadd.s32 $0x7, s16;
	v29 =	vshrl.u32 v28, $0x3;
	[tilespmem:v18+s23+$0x0] =	vst.idx.msk $0xffff, v24;
	v24 =	vld [tilespmem:s13+$0xFFFFFF90];
	v26 =	vadd.s32 v9, v22;
	v27 =	vbroadcast v27, $0x0  }
0x139: {  	s16 =	sadd.s32 $0x8, s16;
	v28 =	vmov s18;
	v22 =	vadd.s32 v10, v22;
	v29 =	vshll.u32 v29, v1;
	[tilespmem:v31+s23+$0x0] =	vst.idx.msk $0xffff, v30;
	v18 =	vld [tilespmem:s13+$0xFFFFFFA0]  }
0x13a: {  	_ =	sdelay $0x3  }
0x13b: {  	v28 =	vshrl.u32 v28, $0x3;
	[tilespmem:v25+s23+$0x0] =	vst.idx.msk $0xffff, v20;
	v20 =	vld [tilespmem:s13+$0xFFFFFFB0];
	v25 =	vadd.s32 v11, v27;
	v29 =	vbroadcast v29, $0x0  }
0x13c: {  	v30 =	vmov s15;
	v28 =	vshll.u32 v28, v1;
	[tilespmem:v21+s23+$0x0] =	vst.idx.msk $0xffff, v17;
	v17 =	vld [tilespmem:s13+$0xFFFFFFC0];
	v21 =	vadd.s32 v12, v27  }
0x13d: {  	s16 =	sadd.s32 $0x1, s15;
	v27 =	vshrl.u32 v30, $0x3;
	v28 =	vbroadcast v28, $0x0;
	[tilespmem:v23+s23+$0x0] =	vst.idx.msk $0xffff, v19;
	v19 =	vld [tilespmem:s13+$0xFFFFFFD0];
	v23 =	vadd.s32 v13, v29  }
0x13e: {  	s19 =	sadd.s32 $0x100, s13;
	v30 =	vmov s16;
	v27 =	vshll.u32 v27, v1;
	[tilespmem:v26+s23+$0x0] =	vst.idx.msk $0xffff, v24;
	v24 =	vld [tilespmem:s13+$0xFFFFFFE0];
	v26 =	vadd.s32 v14, v29  }
0x13f: {  	s22 =	sadd.s32 $0x2, s15;
	v27 =	vbroadcast v27, $0x0;
	v29 =	vshrl.u32 v30, $0x3;
	v30 =	vld [tilespmem:s19+$0xFFFFFFF0];
	v31 =	vadd.s32 v15, v28;
	[tilespmem:v22+s23+$0x0] =	vst.idx.msk $0xffff, v18  }
0x140: {  	v18 =	vshll.u32 v29, v1;
	v22 =	vmov s22;
	v29 =	vld [tilespmem:s19+$0x0];
	v28 =	vadd.s32 v16, v28;
	[tilespmem:v25+s23+$0x0] =	vst.idx.msk $0xffff, v20  }
0x141: {  	s24 =	sadd.s32 $0x3, s15;
	v20 =	vld [tilespmem:s19+$0xFFFFFF10];
	v25 =	vadd.s32 v0, v27;
	v18 =	vbroadcast v18, $0x0;
	v22 =	vshrl.u32 v22, $0x3;
	[tilespmem:v21+s23+$0x0] =	vst.idx.msk $0xffff, v17  }
0x142: {  	v17 =	vld [tilespmem:s19+$0xFFFFFF20];
	v21 =	vadd.s32 v2, v27;
	v22 =	vshll.u32 v22, v1;
	v27 =	vmov s24;
	[tilespmem:v23+s23+$0x0] =	vst.idx.msk $0xffff, v19  }
0x143: {  	s25 =	sadd.s32 $0x4, s15;
	v19 =	vld [tilespmem:s19+$0xFFFFFF30];
	v23 =	vadd.s32 v3, v18;
	v22 =	vbroadcast v22, $0x0;
	v27 =	vshrl.u32 v27, $0x3;
	[tilespmem:v26+s23+$0x0] =	vst.idx.msk $0xffff, v24  }
0x144: {  	v18 =	vadd.s32 v4, v18;
	v24 =	vld [tilespmem:s19+$0xFFFFFF40];
	v26 =	vshll.u32 v27, v1;
	v27 =	vmov s25;
	[tilespmem:v31+s23+$0x0] =	vst.idx.msk $0xffff, v30  }
0x145: {  	s26 =	sadd.s32 $0x5, s15;
	v30 =	vld [tilespmem:s19+$0xFFFFFF50];
	v31 =	vadd.s32 v5, v22;
	v26 =	vbroadcast v26, $0x0;
	v27 =	vshrl.u32 v27, $0x3;
	[tilespmem:v28+s23+$0x0] =	vst.idx.msk $0xffff, v29  }
0x146: {  	v22 =	vadd.s32 v6, v22;
	[tilespmem:v25+s23+$0x0] =	vst.idx.msk $0xffff, v20;
	v20 =	vld [tilespmem:s19+$0xFFFFFF60];
	v25 =	vshll.u32 v27, v1;
	v27 =	vmov s26  }
0x147: {  	s28 =	sadd.s32 $0x6, s15;
	[tilespmem:v21+s23+$0x0] =	vst.idx.msk $0xffff, v17;
	v17 =	vld [tilespmem:s19+$0xFFFFFF70];
	v21 =	vadd.s32 v7, v26;
	v25 =	vbroadcast v25, $0x0;
	v27 =	vshrl.u32 v27, $0x3  }
0x148: {  	[tilespmem:v23+s23+$0x0] =	vst.idx.msk $0xffff, v19;
	v19 =	vld [tilespmem:s19+$0xFFFFFF80];
	v23 =	vadd.s32 v8, v26;
	v26 =	vshll.u32 v27, v1;
	v27 =	vmov s28  }
0x149: {  	[tilespmem:v18+s23+$0x0] =	vst.idx.msk $0xffff, v24;
	v18 =	vld [tilespmem:s19+$0xFFFFFF90];
	v24 =	vadd.s32 v9, v25;
	v26 =	vbroadcast v26, $0x0;
	v27 =	vshrl.u32 v27, $0x3  }
0x14a: {  	v28 =	vld [tilespmem:s19+$0xFFFFFFA0];
	v25 =	vadd.s32 v10, v25;
	[tilespmem:v31+s23+$0x0] =	vst.idx.msk $0xffff, v30;
	v27 =	vshll.u32 v27, v1  }
0x14b: {  	[tilespmem:v22+s23+$0x0] =	vst.idx.msk $0xffff, v20;
	v20 =	vld [tilespmem:s19+$0xFFFFFFB0];
	v22 =	vadd.s32 v11, v26;
	v27 =	vbroadcast v27, $0x0  }
0x14c: {  	[tilespmem:v21+s23+$0x0] =	vst.idx.msk $0xffff, v17;
	v17 =	vld [tilespmem:s19+$0xFFFFFFC0];
	v21 =	vadd.s32 v12, v26  }
0x14d: {  	[tilespmem:v23+s23+$0x0] =	vst.idx.msk $0xffff, v19;
	v19 =	vld [tilespmem:s19+$0xFFFFFFD0];
	v23 =	vadd.s32 v13, v27  }
0x14e: {  	[tilespmem:v24+s23+$0x0] =	vst.idx.msk $0xffff, v18;
	v18 =	vld [tilespmem:s19+$0xFFFFFFE0];
	v24 =	vadd.s32 v14, v27  }
0x14f: {  	[tilespmem:v25+s23+$0x0] =	vst.idx.msk $0xffff, v28  }
0x150: {  	[tilespmem:v22+s23+$0x0] =	vst.idx.msk $0xffff, v20  }
0x151: {  	[tilespmem:v21+s23+$0x0] =	vst.idx.msk $0xffff, v17  }
0x152: {  	s13 =	sor.u32 $0x8000, s6;
	[tilespmem:v23+s23+$0x0] =	vst.idx.msk $0xffff, v19  }
0x153: {  	s15 =	sadd.s32 s2, s13;
	[tilespmem:v24+s23+$0x0] =	vst.idx.msk $0xffff, v18  }
0x154: {  	[hbm4b:s15+s3] =	stream.linear.scatter [tilespmem:s23], [sflag:$0x2], $0x80, $0x38;
	[tilespmem:$0xE800] =	vst v63  }
0x155: {  	s18 =	simm.s32 $0xC688;
	s29 =	sadd.s32 $0x10, s15  }
0x156: {  	[hbm4b:s29+s3] =	stream.linear.scatter [tilespmem:s18], [sflag:$0x2], $0x80, $0x38;
	[tilespmem:$0xE800] =	vst v63  }
0x157: {  	s31 =	simm.s32 $0xC710;
	s30 =	sadd.s32 $0x20, s15  }
0x158: {  	[hbm4b:s30+s3] =	stream.linear.scatter [tilespmem:s31], [sflag:$0x2], $0x80, $0x38;
	[tilespmem:$0xE800] =	vst v63  }
0x159: {  	s19 =	simm.s32 $0xC798;
	s18 =	sadd.s32 $0x30, s15  }
0x15a: {  	[hbm4b:s18+s3] =	stream.linear.scatter [tilespmem:s19], [sflag:$0x2], $0x80, $0x38;
	[tilespmem:$0xE800] =	vst v63  }
0x15b: {  	s22 =	sadd.s32 $0x40, s15;
	s24 =	simm.s32 $0xC820  }
0x15c: {  	[hbm4b:s22+s3] =	stream.linear.scatter [tilespmem:s24], [sflag:$0x2], $0x80, $0x38;
	[tilespmem:$0xE800] =	vst v63  }
0x15d: {  	s25 =	sadd.s32 $0x50, s15;
	s26 =	simm.s32 $0xC8A8  }
0x15e: {  	[hbm4b:s25+s3] =	stream.linear.scatter [tilespmem:s26], [sflag:$0x2], $0x80, $0x38;
	[tilespmem:$0xE800] =	vst v63  }
0x15f: {  	s28 =	sadd.s32 $0x60, s15;
	s29 =	simm.s32 $0xC930  }
0x160: {  	[hbm4b:s28+s3] =	stream.linear.scatter [tilespmem:s29], [sflag:$0x2], $0x80, $0x38;
	[tilespmem:$0xE800] =	vst v63  }
0x161: {  	s15 =	sadd.s32 $0x70, s15;
	s30 =	simm.s32 $0xC9B8  }
0x162: {  	[hbm4b:s15+s3] =	stream.linear.scatter [tilespmem:s30], [sflag:$0x2], $0x80, $0x38;
	[tilespmem:$0xE800] =	vst v63  }
0x163: {  	s31 =	simm.s32 $0xCA40;
	s15 =	sadd.s32 s13, s7  }
0x164: {  	[hbm4b:s15+s3] =	stream.linear.scatter [tilespmem:s31], [sflag:$0x2], $0x80, $0x38;
	[tilespmem:$0xE800] =	vst v63  }
0x165: {  	s19 =	simm.s32 $0xCAC8;
	s18 =	sadd.s32 $0x10, s15  }
0x166: {  	[hbm4b:s18+s3] =	stream.linear.scatter [tilespmem:s19], [sflag:$0x2], $0x80, $0x38;
	[tilespmem:$0xE800] =	vst v63  }
0x167: {  	s24 =	simm.s32 $0xCB50;
	s22 =	sadd.s32 $0x20, s15  }
0x168: {  	[hbm4b:s22+s3] =	stream.linear.scatter [tilespmem:s24], [sflag:$0x2], $0x80, $0x38;
	[tilespmem:$0xE800] =	vst v63  }
0x169: {  	s26 =	simm.s32 $0xCBD8;
	s25 =	sadd.s32 $0x30, s15  }
0x16a: {  	[hbm4b:s25+s3] =	stream.linear.scatter [tilespmem:s26], [sflag:$0x2], $0x80, $0x38;
	[tilespmem:$0xE800] =	vst v63  }
0x16b: {  	s29 =	simm.s32 $0xCC60;
	s28 =	sadd.s32 $0x40, s15  }
0x16c: {  	[hbm4b:s28+s3] =	stream.linear.scatter [tilespmem:s29], [sflag:$0x2], $0x80, $0x38;
	[tilespmem:$0xE800] =	vst v63  }
0x16d: {  	s30 =	sadd.s32 $0x50, s15;
	s31 =	simm.s32 $0xCCE8  }
0x16e: {  	[hbm4b:s30+s3] =	stream.linear.scatter [tilespmem:s31], [sflag:$0x2], $0x80, $0x38;
	[tilespmem:$0xE800] =	vst v63  }
0x16f: {  	s18 =	sadd.s32 $0x60, s15;
	s19 =	simm.s32 $0xCD70  }
0x170: {  	[hbm4b:s18+s3] =	stream.linear.scatter [tilespmem:s19], [sflag:$0x2], $0x80, $0x38;
	[tilespmem:$0xE800] =	vst v63  }
0x171: {  	s15 =	sadd.s32 $0x70, s15;
	s22 =	simm.s32 $0xCDF8  }
0x172: {  	[hbm4b:s15+s3] =	stream.linear.scatter [tilespmem:s22], [sflag:$0x2], $0x80, $0x38;
	[tilespmem:$0xE800] =	vst v63  }
0x173: {  	s24 =	simm.s32 $0xCE80;
	s15 =	sadd.s32 s13, s8  }
0x174: {  	[hbm4b:s15+s3] =	stream.linear.scatter [tilespmem:s24], [sflag:$0x2], $0x80, $0x38;
	[tilespmem:$0xE800] =	vst v63  }
0x175: {  	s26 =	simm.s32 $0xCF08;
	s25 =	sadd.s32 $0x10, s15  }
0x176: {  	[hbm4b:s25+s3] =	stream.linear.scatter [tilespmem:s26], [sflag:$0x2], $0x80, $0x38;
	[tilespmem:$0xE800] =	vst v63  }
0x177: {  	s29 =	simm.s32 $0xCF90;
	s28 =	sadd.s32 $0x20, s15  }
0x178: {  	[hbm4b:s28+s3] =	stream.linear.scatter [tilespmem:s29], [sflag:$0x2], $0x80, $0x38;
	[tilespmem:$0xE800] =	vst v63  }
0x179: {  	s31 =	simm.s32 $0xD018;
	s30 =	sadd.s32 $0x30, s15  }
0x17a: {  	[hbm4b:s30+s3] =	stream.linear.scatter [tilespmem:s31], [sflag:$0x2], $0x80, $0x38;
	[tilespmem:$0xE800] =	vst v63  }
0x17b: {  	s19 =	simm.s32 $0xD0A0;
	s18 =	sadd.s32 $0x40, s15  }
0x17c: {  	[hbm4b:s18+s3] =	stream.linear.scatter [tilespmem:s19], [sflag:$0x2], $0x80, $0x38;
	[tilespmem:$0xE800] =	vst v63  }
0x17d: {  	s22 =	sadd.s32 $0x50, s15;
	s24 =	simm.s32 $0xD128  }
0x17e: {  	[hbm4b:s22+s3] =	stream.linear.scatter [tilespmem:s24], [sflag:$0x2], $0x80, $0x38;
	[tilespmem:$0xE800] =	vst v63  }
0x17f: {  	s25 =	sadd.s32 $0x60, s15;
	s26 =	simm.s32 $0xD1B0  }
0x180: {  	[hbm4b:s25+s3] =	stream.linear.scatter [tilespmem:s26], [sflag:$0x2], $0x80, $0x38;
	[tilespmem:$0xE800] =	vst v63  }
0x181: {  	s15 =	sadd.s32 $0x70, s15;
	s28 =	simm.s32 $0xD238  }
0x182: {  	[hbm4b:s15+s3] =	stream.linear.scatter [tilespmem:s28], [sflag:$0x2], $0x80, $0x38;
	[tilespmem:$0xE800] =	vst v63  }
0x183: {  	s13 =	sadd.s32 s13, s9;
	s29 =	simm.s32 $0xD2C0  }
0x184: {  	[hbm4b:s13+s3] =	stream.linear.scatter [tilespmem:s29], [sflag:$0x2], $0x80, $0x38;
	[tilespmem:$0xE800] =	vst v63  }
0x185: {  	s30 =	sadd.s32 $0x10, s13;
	s31 =	simm.s32 $0xD348  }
0x186: {  	[hbm4b:s30+s3] =	stream.linear.scatter [tilespmem:s31], [sflag:$0x2], $0x80, $0x38;
	[tilespmem:$0xE800] =	vst v63  }
0x187: {  	s16 =	sadd.s32 $0x20, s13;
	s18 =	simm.s32 $0xD3D0  }
0x188: {  	[hbm4b:s16+s3] =	stream.linear.scatter [tilespmem:s18], [sflag:$0x2], $0x80, $0x38;
	[tilespmem:$0xE800] =	vst v63  }
0x189: {  	s19 =	sadd.s32 $0x30, s13;
	s22 =	simm.s32 $0xD458  }
0x18a: {  	[hbm4b:s19+s3] =	stream.linear.scatter [tilespmem:s22], [sflag:$0x2], $0x80, $0x38;
	[tilespmem:$0xE800] =	vst v63  }
0x18b: {  	s24 =	sadd.s32 $0x40, s13;
	s25 =	simm.s32 $0xD4E0  }
0x18c: {  	[hbm4b:s24+s3] =	stream.linear.scatter [tilespmem:s25], [sflag:$0x2], $0x80, $0x38;
	[tilespmem:$0xE800] =	vst v63  }
0x18d: {  	s26 =	sadd.s32 $0x50, s13;
	s28 =	simm.s32 $0xD568  }
0x18e: {  	[hbm4b:s26+s3] =	stream.linear.scatter [tilespmem:s28], [sflag:$0x2], $0x80, $0x38;
	[tilespmem:$0xE800] =	vst v63  }
0x18f: {  	s29 =	sadd.s32 $0x60, s13;
	s30 =	simm.s32 $0xD5F0  }
0x190: {  	[hbm4b:s29+s3] =	stream.linear.scatter [tilespmem:s30], [sflag:$0x2], $0x80, $0x38;
	[tilespmem:$0xE800] =	vst v63  }
0x191: {  	s13 =	sadd.s32 $0x70, s13;
	s31 =	simm.s32 $0xD678  }
0x192: {  	[hbm4b:s13+s3] =	stream.linear.scatter [tilespmem:s31], [sflag:$0x2], $0x80, $0x38;
	[tilespmem:$0xE800] =	vst v63  }
0x193: {  	s16 =	sadd.s32 $0x300, s17;
	s18 =	simm.s32 $0x8400  }
0x194: {  	[tilespmem:s18], [sflag:$0x1] =	stream.indirect.gather [hbm4b:s5+s14], $0x20, s16, s14, $0xb8;
	[tilespmem:$0xE800] =	vst v63  }
0x195: {  	s19 =	simm.s32 $0x7;
	_ =	swait.ge [sflag:s20], $0x1000  }
0x196: {  	s22 =	simm.s32 $0x0;
	v17 =	vmov s19;
	[sflag:s20] =	ssyncset.done $0x0  }
0x197: {  	v18 =	vmov s22;
	v17 =	vshrl.u32 v17, $0x3;
	s13 =	simm.s32 @!p0 $0x2;
	[sflag:s20] =	ssyncadd.s32 $0xFFFFF000  }
0x198: {  	v18 =	vshrl.u32 v18, $0x3;
	v17 =	vshll.u32 v17, v1;
	_ =	swait.ge @!p0 [sflag:s13], $0x1000  }
0x199: {  	s24 =	simm.s32 $0x1;
	v18 =	vshll.u32 v18, v1;
	v17 =	vbroadcast v17, $0x0;
	[sflag:s13] =	ssyncset.done @!p0 $0x0  }
0x19a: {  	s25 =	simm.s32 $0x2;
	v19 =	vmov s24;
	v18 =	vbroadcast v18, $0x0;
	[sflag:s13] =	ssyncadd.s32 @!p0 $0xFFFFF000;
	s13 =	simm.s32 $0x94F0  }
0x19b: {  	v22 =	vmov s25;
	v19 =	vshrl.u32 v19, $0x3;
	v21 =	vadd.s32 v15, v17;
	v20 =	vld [tilespmem:s13+$0xFFFFFFF0]  }
0x19c: {  	v22 =	vshrl.u32 v22, $0x3;
	v19 =	vshll.u32 v19, v1;
	v25 =	vadd.s32 v0, v18;
	v24 =	vld [tilespmem:s13+$0xFFFFFF10]  }
0x19d: {  	s26 =	simm.s32 $0x3;
	v22 =	vshll.u32 v22, v1;
	v17 =	vadd.s32 v16, v17;
	v19 =	vbroadcast v19, $0x0;
	v23 =	vld [tilespmem:s13+$0x0]  }
0x19e: {  	v27 =	vmov s26;
	v18 =	vadd.s32 v2, v18;
	v22 =	vbroadcast v22, $0x0;
	v26 =	vld [tilespmem:s13+$0xFFFFFF20]  }
0x19f: {  	s28 =	simm.s32 $0x4;
	v27 =	vshrl.u32 v27, $0x3;
	v29 =	vadd.s32 v3, v19;
	v31 =	vadd.s32 v4, v19;
	v28 =	vld [tilespmem:s13+$0xFFFFFF30]  }
0x1a0: {  	v19 =	vshll.u32 v27, v1;
	v27 =	vmov s28;
	v33 =	vadd.s32 v5, v22;
	v32 =	vld [tilespmem:s13+$0xFFFFFF50];
	[tilespmem:v21+s10+$0x0] =	vst.idx.msk $0xffff, v20  }
0x1a1: {  	s29 =	simm.s32 $0x5;
	v34 =	vbroadcast v19, $0x0;
	v19 =	vshrl.u32 v27, $0x3;
	v30 =	vld [tilespmem:s13+$0xFFFFFF40];
	[tilespmem:v25+s10+$0x0] =	vst.idx.msk $0xffff, v24  }
0x1a2: {  	v19 =	vshll.u32 v19, v1;
	v20 =	vld [tilespmem:s13+$0xFFFFFF60];
	v25 =	vadd.s32 v6, v22;
	v22 =	vmov s29;
	[tilespmem:v17+s10+$0x0] =	vst.idx.msk $0xffff, v23  }
0x1a3: {  	s30 =	simm.s32 $0x6;
	v35 =	vbroadcast v19, $0x0;
	v21 =	vadd.s32 v7, v34;
	[tilespmem:v18+s10+$0x0] =	vst.idx.msk $0xffff, v26;
	v17 =	vld [tilespmem:s13+$0xFFFFFF70];
	v18 =	vshrl.u32 v22, $0x3  }
0x1a4: {  	v19 =	vld [tilespmem:s13+$0xFFFFFF80];
	[tilespmem:v29+s10+$0x0] =	vst.idx.msk $0xffff, v28;
	v23 =	vadd.s32 v8, v34;
	v22 =	vmov s30;
	v18 =	vshll.u32 v18, v1  }
0x1a5: {  	s31 =	simm.s32 $0xF;
	v24 =	vld [tilespmem:s13+$0xFFFFFF90];
	[tilespmem:v33+s10+$0x0] =	vst.idx.msk $0xffff, v32;
	v26 =	vadd.s32 v9, v35;
	v29 =	vshrl.u32 v22, $0x3;
	v27 =	vbroadcast v18, $0x0  }
0x1a6: {  	s15 =	simm.s32 $0x8;
	s16 =	simm.s32 $0x10;
	v28 =	vmov s31;
	[tilespmem:v31+s10+$0x0] =	vst.idx.msk $0xffff, v30;
	v22 =	vadd.s32 v10, v35;
	v18 =	vld [tilespmem:s13+$0xFFFFFFA0];
	v29 =	vshll.u32 v29, v1  }
.LBB2_9:
0x1a7: {  	p0 =	slt.u32 s16, $0x78;
	v28 =	vshrl.u32 v28, $0x3;
	[tilespmem:v25+s10+$0x0] =	vst.idx.msk $0xffff, v20;
	v20 =	vld [tilespmem:s13+$0xFFFFFFB0];
	v25 =	vadd.s32 v11, v27;
	v29 =	vbroadcast v29, $0x0  }
0x1a8: {  	v30 =	vmov s15;
	v28 =	vshll.u32 v28, v1;
	[tilespmem:v21+s10+$0x0] =	vst.idx.msk $0xffff, v17;
	v17 =	vld [tilespmem:s13+$0xFFFFFFC0];
	v21 =	vadd.s32 v12, v27  }
0x1a9: {  	s18 =	sadd.s32 $0x1, s15;
	v27 =	vshrl.u32 v30, $0x3;
	v28 =	vbroadcast v28, $0x0;
	[tilespmem:v23+s10+$0x0] =	vst.idx.msk $0xffff, v19;
	v19 =	vld [tilespmem:s13+$0xFFFFFFD0];
	v23 =	vadd.s32 v13, v29  }
0x1aa: {  	v30 =	vmov s18;
	v27 =	vshll.u32 v27, v1;
	[tilespmem:v26+s10+$0x0] =	vst.idx.msk $0xffff, v24;
	v24 =	vld [tilespmem:s13+$0xFFFFFFE0];
	v26 =	vadd.s32 v14, v29;
	s13 =	sadd.s32 $0x100, s13  }
0x1ab: {  	s18 =	sadd.s32 $0x2, s15;
	v27 =	vbroadcast v27, $0x0;
	v29 =	vshrl.u32 v30, $0x3;
	v30 =	vld [tilespmem:s13+$0xFFFFFFF0];
	v31 =	vadd.s32 v15, v28;
	[tilespmem:v22+s10+$0x0] =	vst.idx.msk $0xffff, v18  }
0x1ac: {  	v18 =	vshll.u32 v29, v1;
	v22 =	vmov s18;
	v28 =	vadd.s32 v16, v28;
	v29 =	vld [tilespmem:s13+$0x0];
	[tilespmem:v25+s10+$0x0] =	vst.idx.msk $0xffff, v20  }
0x1ad: {  	s18 =	sadd.s32 $0x3, s15;
	v25 =	vadd.s32 v0, v27;
	v18 =	vbroadcast v18, $0x0;
	v22 =	vshrl.u32 v22, $0x3;
	v20 =	vld [tilespmem:s13+$0xFFFFFF10];
	[tilespmem:v21+s10+$0x0] =	vst.idx.msk $0xffff, v17  }
0x1ae: {  	v21 =	vadd.s32 v2, v27;
	v22 =	vshll.u32 v22, v1;
	v27 =	vmov s18;
	v17 =	vld [tilespmem:s13+$0xFFFFFF20];
	[tilespmem:v23+s10+$0x0] =	vst.idx.msk $0xffff, v19  }
0x1af: {  	s18 =	sadd.s32 $0x4, s15;
	v23 =	vadd.s32 v3, v18;
	v22 =	vbroadcast v22, $0x0;
	v27 =	vshrl.u32 v27, $0x3;
	v19 =	vld [tilespmem:s13+$0xFFFFFF30];
	[tilespmem:v26+s10+$0x0] =	vst.idx.msk $0xffff, v24  }
0x1b0: {  	v18 =	vadd.s32 v4, v18;
	v26 =	vshll.u32 v27, v1;
	v27 =	vmov s18;
	v24 =	vld [tilespmem:s13+$0xFFFFFF40];
	[tilespmem:v31+s10+$0x0] =	vst.idx.msk $0xffff, v30  }
0x1b1: {  	s18 =	sadd.s32 $0x5, s15;
	v31 =	vadd.s32 v5, v22;
	v26 =	vbroadcast v26, $0x0;
	v27 =	vshrl.u32 v27, $0x3;
	v30 =	vld [tilespmem:s13+$0xFFFFFF50];
	[tilespmem:v28+s10+$0x0] =	vst.idx.msk $0xffff, v29  }
.Ltmp3:
0x1b2: {  	[tilespmem:v25+s10+$0x0] =	vst.idx.msk $0xffff, v20;
	v20 =	vld [tilespmem:s13+$0xFFFFFF60];
	v25 =	vadd.s32 v6, v22;
	v22 =	vshll.u32 v27, v1;
	v27 =	vmov s18;
	(pc) =	sbr.rel @p0 .LBB2_9-.Ltmp3, $4  }
0x1b3: {  	s18 =	sadd.s32 $0x6, s15;
	s15 =	smov.u32 s16;
	[tilespmem:v21+s10+$0x0] =	vst.idx.msk $0xffff, v17;
	v17 =	vld [tilespmem:s13+$0xFFFFFF70];
	v21 =	vadd.s32 v7, v26;
	v22 =	vbroadcast v22, $0x0;
	v27 =	vshrl.u32 v27, $0x3  }
0x1b4: {  	v28 =	vmov s18;
	[tilespmem:v23+s10+$0x0] =	vst.idx.msk $0xffff, v19;
	v19 =	vld [tilespmem:s13+$0xFFFFFF80];
	v23 =	vadd.s32 v8, v26;
	v27 =	vshll.u32 v27, v1  }
0x1b5: {  	s18 =	sadd.s32 $0x7, s16;
	v29 =	vshrl.u32 v28, $0x3;
	[tilespmem:v18+s10+$0x0] =	vst.idx.msk $0xffff, v24;
	v24 =	vld [tilespmem:s13+$0xFFFFFF90];
	v26 =	vadd.s32 v9, v22;
	v27 =	vbroadcast v27, $0x0  }
0x1b6: {  	s16 =	sadd.s32 $0x8, s16;
	v28 =	vmov s18;
	v22 =	vadd.s32 v10, v22;
	v29 =	vshll.u32 v29, v1;
	[tilespmem:v31+s10+$0x0] =	vst.idx.msk $0xffff, v30;
	v18 =	vld [tilespmem:s13+$0xFFFFFFA0]  }
0x1b7: {  	_ =	sdelay $0x3  }
0x1b8: {  	v28 =	vshrl.u32 v28, $0x3;
	[tilespmem:v25+s10+$0x0] =	vst.idx.msk $0xffff, v20;
	v20 =	vld [tilespmem:s13+$0xFFFFFFB0];
	v25 =	vadd.s32 v11, v27;
	v29 =	vbroadcast v29, $0x0  }
0x1b9: {  	v30 =	vmov s15;
	v28 =	vshll.u32 v28, v1;
	[tilespmem:v21+s10+$0x0] =	vst.idx.msk $0xffff, v17;
	v17 =	vld [tilespmem:s13+$0xFFFFFFC0];
	v21 =	vadd.s32 v12, v27  }
0x1ba: {  	s16 =	sadd.s32 $0x1, s15;
	v27 =	vshrl.u32 v30, $0x3;
	v28 =	vbroadcast v28, $0x0;
	[tilespmem:v23+s10+$0x0] =	vst.idx.msk $0xffff, v19;
	v19 =	vld [tilespmem:s13+$0xFFFFFFD0];
	v23 =	vadd.s32 v13, v29  }
0x1bb: {  	s22 =	sadd.s32 $0x100, s13;
	v30 =	vmov s16;
	v27 =	vshll.u32 v27, v1;
	[tilespmem:v26+s10+$0x0] =	vst.idx.msk $0xffff, v24;
	v24 =	vld [tilespmem:s13+$0xFFFFFFE0];
	v26 =	vadd.s32 v14, v29  }
0x1bc: {  	s24 =	sadd.s32 $0x2, s15;
	v27 =	vbroadcast v27, $0x0;
	v29 =	vshrl.u32 v30, $0x3;
	v30 =	vld [tilespmem:s22+$0xFFFFFFF0];
	v31 =	vadd.s32 v15, v28;
	[tilespmem:v22+s10+$0x0] =	vst.idx.msk $0xffff, v18  }
0x1bd: {  	v18 =	vshll.u32 v29, v1;
	v22 =	vmov s24;
	v29 =	vld [tilespmem:s22+$0x0];
	v28 =	vadd.s32 v16, v28;
	[tilespmem:v25+s10+$0x0] =	vst.idx.msk $0xffff, v20  }
0x1be: {  	s25 =	sadd.s32 $0x3, s15;
	v20 =	vld [tilespmem:s22+$0xFFFFFF10];
	v25 =	vadd.s32 v0, v27;
	v18 =	vbroadcast v18, $0x0;
	v22 =	vshrl.u32 v22, $0x3;
	[tilespmem:v21+s10+$0x0] =	vst.idx.msk $0xffff, v17  }
0x1bf: {  	v17 =	vld [tilespmem:s22+$0xFFFFFF20];
	v21 =	vadd.s32 v2, v27;
	v22 =	vshll.u32 v22, v1;
	v27 =	vmov s25;
	[tilespmem:v23+s10+$0x0] =	vst.idx.msk $0xffff, v19  }
0x1c0: {  	s26 =	sadd.s32 $0x4, s15;
	v19 =	vld [tilespmem:s22+$0xFFFFFF30];
	v23 =	vadd.s32 v3, v18;
	v22 =	vbroadcast v22, $0x0;
	v27 =	vshrl.u32 v27, $0x3;
	[tilespmem:v26+s10+$0x0] =	vst.idx.msk $0xffff, v24  }
0x1c1: {  	v18 =	vadd.s32 v4, v18;
	v24 =	vld [tilespmem:s22+$0xFFFFFF40];
	v26 =	vshll.u32 v27, v1;
	v27 =	vmov s26;
	[tilespmem:v31+s10+$0x0] =	vst.idx.msk $0xffff, v30  }
0x1c2: {  	s18 =	sadd.s32 $0x5, s15;
	v30 =	vld [tilespmem:s22+$0xFFFFFF50];
	v31 =	vadd.s32 v5, v22;
	v26 =	vbroadcast v26, $0x0;
	v27 =	vshrl.u32 v27, $0x3;
	[tilespmem:v28+s10+$0x0] =	vst.idx.msk $0xffff, v29  }
0x1c3: {  	v22 =	vadd.s32 v6, v22;
	[tilespmem:v25+s10+$0x0] =	vst.idx.msk $0xffff, v20;
	v20 =	vld [tilespmem:s22+$0xFFFFFF60];
	v25 =	vshll.u32 v27, v1;
	v27 =	vmov s18  }
0x1c4: {  	s19 =	sadd.s32 $0x6, s15;
	[tilespmem:v21+s10+$0x0] =	vst.idx.msk $0xffff, v17;
	v17 =	vld [tilespmem:s22+$0xFFFFFF70];
	v21 =	vadd.s32 v7, v26;
	v25 =	vbroadcast v25, $0x0;
	v27 =	vshrl.u32 v27, $0x3  }
0x1c5: {  	[tilespmem:v23+s10+$0x0] =	vst.idx.msk $0xffff, v19;
	v19 =	vld [tilespmem:s22+$0xFFFFFF80];
	v23 =	vadd.s32 v8, v26;
	v26 =	vshll.u32 v27, v1;
	v27 =	vmov s19  }
0x1c6: {  	[tilespmem:v18+s10+$0x0] =	vst.idx.msk $0xffff, v24;
	v18 =	vld [tilespmem:s22+$0xFFFFFF90];
	v24 =	vadd.s32 v9, v25;
	v26 =	vbroadcast v26, $0x0;
	v27 =	vshrl.u32 v27, $0x3  }
0x1c7: {  	v28 =	vld [tilespmem:s22+$0xFFFFFFA0];
	v25 =	vadd.s32 v10, v25;
	[tilespmem:v31+s10+$0x0] =	vst.idx.msk $0xffff, v30;
	v27 =	vshll.u32 v27, v1  }
0x1c8: {  	[tilespmem:v22+s10+$0x0] =	vst.idx.msk $0xffff, v20;
	v20 =	vld [tilespmem:s22+$0xFFFFFFB0];
	v22 =	vadd.s32 v11, v26;
	v27 =	vbroadcast v27, $0x0  }
0x1c9: {  	[tilespmem:v21+s10+$0x0] =	vst.idx.msk $0xffff, v17;
	v17 =	vld [tilespmem:s22+$0xFFFFFFC0];
	v21 =	vadd.s32 v12, v26  }
0x1ca: {  	[tilespmem:v23+s10+$0x0] =	vst.idx.msk $0xffff, v19;
	v19 =	vld [tilespmem:s22+$0xFFFFFFD0];
	v23 =	vadd.s32 v13, v27  }
0x1cb: {  	[tilespmem:v24+s10+$0x0] =	vst.idx.msk $0xffff, v18;
	v18 =	vld [tilespmem:s22+$0xFFFFFFE0];
	v24 =	vadd.s32 v14, v27  }
0x1cc: {  	[tilespmem:v25+s10+$0x0] =	vst.idx.msk $0xffff, v28  }
0x1cd: {  	[tilespmem:v22+s10+$0x0] =	vst.idx.msk $0xffff, v20  }
0x1ce: {  	[tilespmem:v21+s10+$0x0] =	vst.idx.msk $0xffff, v17  }
0x1cf: {  	s15 =	sor.u32 $0xC000, s6;
	[tilespmem:v23+s10+$0x0] =	vst.idx.msk $0xffff, v19  }
0x1d0: {  	s16 =	sadd.s32 s2, s15;
	s13 =	simm.s32 $0x0;
	[tilespmem:v24+s10+$0x0] =	vst.idx.msk $0xffff, v18  }
0x1d1: {  	[hbm4b:s16+s13] =	stream.linear.scatter [tilespmem:s10], [sflag:$0x2], $0x80, $0x38;
	[tilespmem:$0xE800] =	vst v63  }
0x1d2: {  	s18 =	sadd.s32 $0x10, s16;
	s19 =	simm.s32 $0xD788  }
0x1d3: {  	[hbm4b:s18+s13] =	stream.linear.scatter [tilespmem:s19], [sflag:$0x2], $0x80, $0x38;
	[tilespmem:$0xE800] =	vst v63  }
0x1d4: {  	s22 =	sadd.s32 $0x20, s16;
	s19 =	simm.s32 $0xD810  }
0x1d5: {  	[hbm4b:s22+s13] =	stream.linear.scatter [tilespmem:s19], [sflag:$0x2], $0x80, $0x38;
	[tilespmem:$0xE800] =	vst v63  }
0x1d6: {  	s24 =	sadd.s32 $0x30, s16;
	s22 =	simm.s32 $0xD898  }
0x1d7: {  	[hbm4b:s24+s13] =	stream.linear.scatter [tilespmem:s22], [sflag:$0x2], $0x80, $0x38;
	[tilespmem:$0xE800] =	vst v63  }
0x1d8: {  	s25 =	sadd.s32 $0x40, s16;
	s22 =	simm.s32 $0xD920  }
0x1d9: {  	[hbm4b:s25+s13] =	stream.linear.scatter [tilespmem:s22], [sflag:$0x2], $0x80, $0x38;
	[tilespmem:$0xE800] =	vst v63  }
0x1da: {  	s26 =	sadd.s32 $0x50, s16;
	s24 =	simm.s32 $0xD9A8  }
0x1db: {  	[hbm4b:s26+s13] =	stream.linear.scatter [tilespmem:s24], [sflag:$0x2], $0x80, $0x38;
	[tilespmem:$0xE800] =	vst v63  }
0x1dc: {  	s25 =	sadd.s32 $0x60, s16;
	s24 =	simm.s32 $0xDA30  }
0x1dd: {  	[hbm4b:s25+s13] =	stream.linear.scatter [tilespmem:s24], [sflag:$0x2], $0x80, $0x38;
	[tilespmem:$0xE800] =	vst v63  }
0x1de: {  	s16 =	sadd.s32 $0x70, s16;
	s26 =	simm.s32 $0xDAB8  }
0x1df: {  	[hbm4b:s16+s13] =	stream.linear.scatter [tilespmem:s26], [sflag:$0x2], $0x80, $0x38;
	[tilespmem:$0xE800] =	vst v63  }
0x1e0: {  	s25 =	simm.s32 $0xDB40;
	s16 =	sadd.s32 s15, s7  }
0x1e1: {  	[hbm4b:s16+s13] =	stream.linear.scatter [tilespmem:s25], [sflag:$0x2], $0x80, $0x38;
	[tilespmem:$0xE800] =	vst v63  }
0x1e2: {  	s26 =	sadd.s32 $0x10, s16;
	s25 =	simm.s32 $0xDBC8  }
0x1e3: {  	[hbm4b:s26+s13] =	stream.linear.scatter [tilespmem:s25], [sflag:$0x2], $0x80, $0x38;
	[tilespmem:$0xE800] =	vst v63  }
0x1e4: {  	s26 =	sadd.s32 $0x20, s16;
	s25 =	simm.s32 $0xDC50  }
0x1e5: {  	[hbm4b:s26+s13] =	stream.linear.scatter [tilespmem:s25], [sflag:$0x2], $0x80, $0x38;
	[tilespmem:$0xE800] =	vst v63  }
0x1e6: {  	s18 =	sadd.s32 $0x30, s16;
	s26 =	simm.s32 $0xDCD8  }
0x1e7: {  	[hbm4b:s18+s13] =	stream.linear.scatter [tilespmem:s26], [sflag:$0x2], $0x80, $0x38;
	[tilespmem:$0xE800] =	vst v63  }
0x1e8: {  	s18 =	sadd.s32 $0x40, s16;
	s26 =	simm.s32 $0xDD60  }
0x1e9: {  	[hbm4b:s18+s13] =	stream.linear.scatter [tilespmem:s26], [sflag:$0x2], $0x80, $0x38;
	[tilespmem:$0xE800] =	vst v63  }
0x1ea: {  	s28 =	simm.s32 $0xDDE8;
	s18 =	sadd.s32 $0x50, s16  }
0x1eb: {  	[hbm4b:s18+s13] =	stream.linear.scatter [tilespmem:s28], [sflag:$0x2], $0x80, $0x38;
	[tilespmem:$0xE800] =	vst v63  }
0x1ec: {  	s18 =	sadd.s32 $0x60, s16;
	s28 =	simm.s32 $0xDE70  }
0x1ed: {  	[hbm4b:s18+s13] =	stream.linear.scatter [tilespmem:s28], [sflag:$0x2], $0x80, $0x38;
	[tilespmem:$0xE800] =	vst v63  }
0x1ee: {  	s16 =	sadd.s32 $0x70, s16;
	s18 =	simm.s32 $0xDEF8  }
0x1ef: {  	[hbm4b:s16+s13] =	stream.linear.scatter [tilespmem:s18], [sflag:$0x2], $0x80, $0x38;
	[tilespmem:$0xE800] =	vst v63  }
0x1f0: {  	s16 =	sadd.s32 s15, s8;
	s18 =	simm.s32 $0xDF80  }
0x1f1: {  	[hbm4b:s16+s13] =	stream.linear.scatter [tilespmem:s18], [sflag:$0x2], $0x80, $0x38;
	[tilespmem:$0xE800] =	vst v63  }
0x1f2: {  	s29 =	simm.s32 $0xE008;
	s18 =	sadd.s32 $0x10, s16  }
0x1f3: {  	[hbm4b:s18+s13] =	stream.linear.scatter [tilespmem:s29], [sflag:$0x2], $0x80, $0x38;
	[tilespmem:$0xE800] =	vst v63  }
0x1f4: {  	s18 =	sadd.s32 $0x20, s16;
	s29 =	simm.s32 $0xE090  }
0x1f5: {  	[hbm4b:s18+s13] =	stream.linear.scatter [tilespmem:s29], [sflag:$0x2], $0x80, $0x38;
	[tilespmem:$0xE800] =	vst v63  }
0x1f6: {  	s30 =	simm.s32 $0xE118;
	s18 =	sadd.s32 $0x30, s16  }
0x1f7: {  	[hbm4b:s18+s13] =	stream.linear.scatter [tilespmem:s30], [sflag:$0x2], $0x80, $0x38;
	[tilespmem:$0xE800] =	vst v63  }
0x1f8: {  	s18 =	sadd.s32 $0x40, s16;
	s30 =	simm.s32 $0xE1A0  }
0x1f9: {  	[hbm4b:s18+s13] =	stream.linear.scatter [tilespmem:s30], [sflag:$0x2], $0x80, $0x38;
	[tilespmem:$0xE800] =	vst v63  }
0x1fa: {  	s31 =	simm.s32 $0xE228;
	s18 =	sadd.s32 $0x50, s16  }
0x1fb: {  	[hbm4b:s18+s13] =	stream.linear.scatter [tilespmem:s31], [sflag:$0x2], $0x80, $0x38;
	[tilespmem:$0xE800] =	vst v63  }
0x1fc: {  	s18 =	sadd.s32 $0x60, s16;
	s31 =	simm.s32 $0xE2B0  }
0x1fd: {  	[hbm4b:s18+s13] =	stream.linear.scatter [tilespmem:s31], [sflag:$0x2], $0x80, $0x38;
	[tilespmem:$0xE800] =	vst v63  }
0x1fe: {  	s16 =	sadd.s32 $0x70, s16;
	s18 =	simm.s32 $0xE338  }
0x1ff: {  	[hbm4b:s16+s13] =	stream.linear.scatter [tilespmem:s18], [sflag:$0x2], $0x80, $0x38;
	[tilespmem:$0xE800] =	vst v63  }
0x200: {  	s15 =	sadd.s32 s15, s9;
	s18 =	simm.s32 $0xE3C0  }
0x201: {  	[hbm4b:s15+s13] =	stream.linear.scatter [tilespmem:s18], [sflag:$0x2], $0x80, $0x38;
	[tilespmem:$0xE800] =	vst v63  }
0x202: {  	s16 =	sadd.s32 $0x10, s15;
	s18 =	simm.s32 $0xE448  }
0x203: {  	[hbm4b:s16+s13] =	stream.linear.scatter [tilespmem:s18], [sflag:$0x2], $0x80, $0x38;
	[tilespmem:$0xE800] =	vst v63  }
0x204: {  	s16 =	sadd.s32 $0x20, s15;
	s18 =	simm.s32 $0xE4D0  }
0x205: {  	[hbm4b:s16+s13] =	stream.linear.scatter [tilespmem:s18], [sflag:$0x2], $0x80, $0x38;
	[tilespmem:$0xE800] =	vst v63  }
0x206: {  	s16 =	sadd.s32 $0x30, s15;
	s18 =	simm.s32 $0xE558  }
0x207: {  	[hbm4b:s16+s13] =	stream.linear.scatter [tilespmem:s18], [sflag:$0x2], $0x80, $0x38;
	[tilespmem:$0xE800] =	vst v63  }
0x208: {  	s16 =	sadd.s32 $0x40, s15;
	s18 =	simm.s32 $0xE5E0  }
0x209: {  	[hbm4b:s16+s13] =	stream.linear.scatter [tilespmem:s18], [sflag:$0x2], $0x80, $0x38;
	[tilespmem:$0xE800] =	vst v63  }
0x20a: {  	s16 =	sadd.s32 $0x50, s15;
	s18 =	simm.s32 $0xE668  }
0x20b: {  	[hbm4b:s16+s13] =	stream.linear.scatter [tilespmem:s18], [sflag:$0x2], $0x80, $0x38;
	[tilespmem:$0xE800] =	vst v63  }
0x20c: {  	s16 =	sadd.s32 $0x60, s15;
	s18 =	simm.s32 $0xE6F0  }
0x20d: {  	[hbm4b:s16+s13] =	stream.linear.scatter [tilespmem:s18], [sflag:$0x2], $0x80, $0x38;
	[tilespmem:$0xE800] =	vst v63  }
0x20e: {  	s15 =	sadd.s32 $0x70, s15;
	s18 =	simm.s32 $0xE778  }
0x20f: {  	[hbm4b:s15+s13] =	stream.linear.scatter [tilespmem:s18], [sflag:$0x2], $0x80, $0x38;
	[tilespmem:$0xE800] =	vst v63  }
0x210: {  	s17 =	sadd.s32 $0x380, s17;
	s18 =	simm.s32 $0x9400  }
0x211: {  	[tilespmem:s18], [sflag:$0x1] =	stream.indirect.gather [hbm4b:s5+s14], $0x20, s17, s14, $0xb8;
	[tilespmem:$0xE800] =	vst v63  }
0x212: {  	s16 =	simm.s32 $0x7;
	_ =	swait.ge [sflag:s20], $0x1000  }
0x213: {  	v17 =	vmov s16;
	[sflag:s20] =	ssyncset.done $0x0  }
0x214: {  	v18 =	vmov s13;
	v17 =	vshrl.u32 v17, $0x3;
	[sflag:s20] =	ssyncadd.s32 $0xFFFFF000  }
0x215: {  	v18 =	vshrl.u32 v18, $0x3;
	v17 =	vshll.u32 v17, v1;
	_ =	swait.ge [sflag:s0], $0x1000  }
0x216: {  	v18 =	vshll.u32 v18, v1;
	s16 =	simm.s32 $0x2;
	s17 =	simm.s32 $0x1;
	v17 =	vbroadcast v17, $0x0;
	[sflag:s0] =	ssyncset.done $0x0  }
0x217: {  	v18 =	vbroadcast v18, $0x0;
	s13 =	simm.s32 $0x6480;
	v22 =	vmov s16;
	v19 =	vmov s17;
	[sflag:s0] =	ssyncadd.s32 $0xFFFFF000  }
0x218: {  	v22 =	vshrl.u32 v22, $0x3;
	v19 =	vshrl.u32 v19, $0x3;
	v21 =	vadd.s32 v15, v17;
	v20 =	vld [tilespmem:s13+$0x60]  }
0x219: {  	v25 =	vadd.s32 v0, v18;
	v22 =	vshll.u32 v22, v1;
	v19 =	vshll.u32 v19, v1;
	v24 =	vld [tilespmem:s13+$0xFFFFFF80]  }
0x21a: {  	s17 =	simm.s32 $0x3;
	v22 =	vbroadcast v22, $0x0;
	v17 =	vadd.s32 v16, v17;
	v19 =	vbroadcast v19, $0x0;
	v23 =	vld [tilespmem:s13+$0x70]  }
0x21b: {  	v18 =	vadd.s32 v2, v18;
	v27 =	vmov s17;
	v26 =	vld [tilespmem:s13+$0xFFFFFF90]  }
0x21c: {  	s16 =	simm.s32 $0x4;
	v27 =	vshrl.u32 v27, $0x3;
	v33 =	vadd.s32 v5, v22;
	v29 =	vadd.s32 v3, v19;
	v28 =	vld [tilespmem:s13+$0xFFFFFFA0]  }
0x21d: {  	v31 =	vadd.s32 v4, v19;
	v19 =	vshll.u32 v27, v1;
	v27 =	vmov s16;
	v32 =	vld [tilespmem:s13+$0xFFFFFFC0];
	[tilespmem:v21+s21+$0x0] =	vst.idx.msk $0xffff, v20  }
0x21e: {  	s17 =	simm.s32 $0x5;
	v30 =	vld [tilespmem:s13+$0xFFFFFFB0];
	v34 =	vbroadcast v19, $0x0;
	v19 =	vshrl.u32 v27, $0x3;
	[tilespmem:v25+s21+$0x0] =	vst.idx.msk $0xffff, v24  }
0x21f: {  	v19 =	vshll.u32 v19, v1;
	v20 =	vld [tilespmem:s13+$0xFFFFFFD0];
	v25 =	vadd.s32 v6, v22;
	v22 =	vmov s17;
	[tilespmem:v17+s21+$0x0] =	vst.idx.msk $0xffff, v23  }
0x220: {  	s16 =	simm.s32 $0x6;
	v35 =	vbroadcast v19, $0x0;
	v21 =	vadd.s32 v7, v34;
	[tilespmem:v18+s21+$0x0] =	vst.idx.msk $0xffff, v26;
	v17 =	vld [tilespmem:s13+$0xFFFFFFE0];
	v18 =	vshrl.u32 v22, $0x3  }
0x221: {  	v19 =	vld [tilespmem:s13+$0xFFFFFFF0];
	[tilespmem:v29+s21+$0x0] =	vst.idx.msk $0xffff, v28;
	v23 =	vadd.s32 v8, v34;
	v22 =	vmov s16;
	v18 =	vshll.u32 v18, v1  }
0x222: {  	s17 =	simm.s32 $0xF;
	v24 =	vld [tilespmem:s13+$0x0];
	[tilespmem:v33+s21+$0x0] =	vst.idx.msk $0xffff, v32;
	v26 =	vadd.s32 v9, v35;
	v29 =	vshrl.u32 v22, $0x3;
	v27 =	vbroadcast v18, $0x0  }
0x223: {  	s15 =	simm.s32 $0x8;
	[tilespmem:v31+s21+$0x0] =	vst.idx.msk $0xffff, v30;
	v28 =	vmov s17;
	s16 =	simm.s32 $0x10;
	v22 =	vadd.s32 v10, v35;
	v18 =	vld [tilespmem:s13+$0x10];
	v29 =	vshll.u32 v29, v1  }
.LBB2_11:
0x224: {  	p0 =	slt.u32 s16, $0x78;
	v28 =	vshrl.u32 v28, $0x3;
	[tilespmem:v25+s21+$0x0] =	vst.idx.msk $0xffff, v20;
	v20 =	vld [tilespmem:s13+$0x20];
	v25 =	vadd.s32 v11, v27;
	v29 =	vbroadcast v29, $0x0  }
0x225: {  	v30 =	vmov s15;
	v28 =	vshll.u32 v28, v1;
	[tilespmem:v21+s21+$0x0] =	vst.idx.msk $0xffff, v17;
	v17 =	vld [tilespmem:s13+$0x30];
	v21 =	vadd.s32 v12, v27  }
0x226: {  	s17 =	sadd.s32 $0x1, s15;
	v27 =	vshrl.u32 v30, $0x3;
	v28 =	vbroadcast v28, $0x0;
	[tilespmem:v23+s21+$0x0] =	vst.idx.msk $0xffff, v19;
	v19 =	vld [tilespmem:s13+$0x40];
	v23 =	vadd.s32 v13, v29  }
0x227: {  	v30 =	vmov s17;
	v27 =	vshll.u32 v27, v1;
	[tilespmem:v26+s21+$0x0] =	vst.idx.msk $0xffff, v24;
	v24 =	vld [tilespmem:s13+$0x50];
	v26 =	vadd.s32 v14, v29;
	s13 =	sadd.s32 $0x100, s13  }
0x228: {  	s17 =	sadd.s32 $0x2, s15;
	v27 =	vbroadcast v27, $0x0;
	v29 =	vshrl.u32 v30, $0x3;
	v30 =	vld [tilespmem:s13+$0x60];
	v31 =	vadd.s32 v15, v28;
	[tilespmem:v22+s21+$0x0] =	vst.idx.msk $0xffff, v18  }
0x229: {  	v18 =	vshll.u32 v29, v1;
	v22 =	vmov s17;
	v28 =	vadd.s32 v16, v28;
	v29 =	vld [tilespmem:s13+$0x70];
	[tilespmem:v25+s21+$0x0] =	vst.idx.msk $0xffff, v20  }
0x22a: {  	s17 =	sadd.s32 $0x3, s15;
	v25 =	vadd.s32 v0, v27;
	v18 =	vbroadcast v18, $0x0;
	v22 =	vshrl.u32 v22, $0x3;
	v20 =	vld [tilespmem:s13+$0xFFFFFF80];
	[tilespmem:v21+s21+$0x0] =	vst.idx.msk $0xffff, v17  }
0x22b: {  	v21 =	vadd.s32 v2, v27;
	v22 =	vshll.u32 v22, v1;
	v27 =	vmov s17;
	v17 =	vld [tilespmem:s13+$0xFFFFFF90];
	[tilespmem:v23+s21+$0x0] =	vst.idx.msk $0xffff, v19  }
0x22c: {  	s17 =	sadd.s32 $0x4, s15;
	v23 =	vadd.s32 v3, v18;
	v22 =	vbroadcast v22, $0x0;
	v27 =	vshrl.u32 v27, $0x3;
	v19 =	vld [tilespmem:s13+$0xFFFFFFA0];
	[tilespmem:v26+s21+$0x0] =	vst.idx.msk $0xffff, v24  }
0x22d: {  	v18 =	vadd.s32 v4, v18;
	v26 =	vshll.u32 v27, v1;
	v27 =	vmov s17;
	v24 =	vld [tilespmem:s13+$0xFFFFFFB0];
	[tilespmem:v31+s21+$0x0] =	vst.idx.msk $0xffff, v30  }
0x22e: {  	s17 =	sadd.s32 $0x5, s15;
	v31 =	vadd.s32 v5, v22;
	v26 =	vbroadcast v26, $0x0;
	v27 =	vshrl.u32 v27, $0x3;
	v30 =	vld [tilespmem:s13+$0xFFFFFFC0];
	[tilespmem:v28+s21+$0x0] =	vst.idx.msk $0xffff, v29  }
.Ltmp4:
0x22f: {  	[tilespmem:v25+s21+$0x0] =	vst.idx.msk $0xffff, v20;
	v20 =	vld [tilespmem:s13+$0xFFFFFFD0];
	v25 =	vadd.s32 v6, v22;
	v22 =	vshll.u32 v27, v1;
	v27 =	vmov s17;
	(pc) =	sbr.rel @p0 .LBB2_11-.Ltmp4, $4  }
0x230: {  	s17 =	sadd.s32 $0x6, s15;
	s15 =	smov.u32 s16;
	[tilespmem:v21+s21+$0x0] =	vst.idx.msk $0xffff, v17;
	v17 =	vld [tilespmem:s13+$0xFFFFFFE0];
	v21 =	vadd.s32 v7, v26;
	v22 =	vbroadcast v22, $0x0;
	v27 =	vshrl.u32 v27, $0x3  }
0x231: {  	v28 =	vmov s17;
	[tilespmem:v23+s21+$0x0] =	vst.idx.msk $0xffff, v19;
	v19 =	vld [tilespmem:s13+$0xFFFFFFF0];
	v23 =	vadd.s32 v8, v26;
	v27 =	vshll.u32 v27, v1  }
0x232: {  	s17 =	sadd.s32 $0x7, s16;
	v29 =	vshrl.u32 v28, $0x3;
	[tilespmem:v18+s21+$0x0] =	vst.idx.msk $0xffff, v24;
	v24 =	vld [tilespmem:s13+$0x0];
	v26 =	vadd.s32 v9, v22;
	v27 =	vbroadcast v27, $0x0  }
0x233: {  	s16 =	sadd.s32 $0x8, s16;
	v28 =	vmov s17;
	v22 =	vadd.s32 v10, v22;
	v29 =	vshll.u32 v29, v1;
	[tilespmem:v31+s21+$0x0] =	vst.idx.msk $0xffff, v30;
	v18 =	vld [tilespmem:s13+$0x10]  }
0x234: {  	_ =	sdelay $0x3  }
0x235: {  	v28 =	vshrl.u32 v28, $0x3;
	[tilespmem:v25+s21+$0x0] =	vst.idx.msk $0xffff, v20;
	v20 =	vld [tilespmem:s13+$0x20];
	v25 =	vadd.s32 v11, v27;
	v29 =	vbroadcast v29, $0x0  }
0x236: {  	v30 =	vmov s15;
	v28 =	vshll.u32 v28, v1;
	[tilespmem:v21+s21+$0x0] =	vst.idx.msk $0xffff, v17;
	v17 =	vld [tilespmem:s13+$0x30];
	v21 =	vadd.s32 v12, v27  }
0x237: {  	s16 =	sadd.s32 $0x1, s15;
	v27 =	vshrl.u32 v30, $0x3;
	v28 =	vbroadcast v28, $0x0;
	[tilespmem:v23+s21+$0x0] =	vst.idx.msk $0xffff, v19;
	v19 =	vld [tilespmem:s13+$0x40];
	v23 =	vadd.s32 v13, v29  }
0x238: {  	v30 =	vmov s16;
	v27 =	vshll.u32 v27, v1;
	[tilespmem:v26+s21+$0x0] =	vst.idx.msk $0xffff, v24;
	v24 =	vld [tilespmem:s13+$0x50];
	v26 =	vadd.s32 v14, v29;
	s13 =	sadd.s32 $0x100, s13  }
0x239: {  	s17 =	sadd.s32 $0x2, s15;
	v27 =	vbroadcast v27, $0x0;
	v29 =	vshrl.u32 v30, $0x3;
	v30 =	vld [tilespmem:s13+$0x60];
	v31 =	vadd.s32 v15, v28;
	[tilespmem:v22+s21+$0x0] =	vst.idx.msk $0xffff, v18  }
0x23a: {  	v18 =	vshll.u32 v29, v1;
	v22 =	vmov s17;
	v29 =	vld [tilespmem:s13+$0x70];
	v28 =	vadd.s32 v16, v28;
	[tilespmem:v25+s21+$0x0] =	vst.idx.msk $0xffff, v20  }
0x23b: {  	s17 =	sadd.s32 $0x3, s15;
	v20 =	vld [tilespmem:s13+$0xFFFFFF80];
	v25 =	vadd.s32 v0, v27;
	v18 =	vbroadcast v18, $0x0;
	v22 =	vshrl.u32 v22, $0x3;
	[tilespmem:v21+s21+$0x0] =	vst.idx.msk $0xffff, v17  }
0x23c: {  	v17 =	vld [tilespmem:s13+$0xFFFFFF90];
	v21 =	vadd.s32 v2, v27;
	v22 =	vshll.u32 v22, v1;
	v27 =	vmov s17;
	[tilespmem:v23+s21+$0x0] =	vst.idx.msk $0xffff, v19  }
0x23d: {  	s17 =	sadd.s32 $0x4, s15;
	v19 =	vld [tilespmem:s13+$0xFFFFFFA0];
	v23 =	vadd.s32 v3, v18;
	v22 =	vbroadcast v22, $0x0;
	v27 =	vshrl.u32 v27, $0x3;
	[tilespmem:v26+s21+$0x0] =	vst.idx.msk $0xffff, v24  }
0x23e: {  	v18 =	vadd.s32 v4, v18;
	v24 =	vld [tilespmem:s13+$0xFFFFFFB0];
	v26 =	vshll.u32 v27, v1;
	v27 =	vmov s17;
	[tilespmem:v31+s21+$0x0] =	vst.idx.msk $0xffff, v30  }
0x23f: {  	s17 =	sadd.s32 $0x5, s15;
	v30 =	vld [tilespmem:s13+$0xFFFFFFC0];
	v31 =	vadd.s32 v5, v22;
	v26 =	vbroadcast v26, $0x0;
	v27 =	vshrl.u32 v27, $0x3;
	[tilespmem:v28+s21+$0x0] =	vst.idx.msk $0xffff, v29  }
0x240: {  	v22 =	vadd.s32 v6, v22;
	[tilespmem:v25+s21+$0x0] =	vst.idx.msk $0xffff, v20;
	v20 =	vld [tilespmem:s13+$0xFFFFFFD0];
	v25 =	vshll.u32 v27, v1;
	v27 =	vmov s17  }
0x241: {  	s17 =	sadd.s32 $0x6, s15;
	[tilespmem:v21+s21+$0x0] =	vst.idx.msk $0xffff, v17;
	v17 =	vld [tilespmem:s13+$0xFFFFFFE0];
	v21 =	vadd.s32 v7, v26;
	v25 =	vbroadcast v25, $0x0;
	v27 =	vshrl.u32 v27, $0x3  }
0x242: {  	[tilespmem:v23+s21+$0x0] =	vst.idx.msk $0xffff, v19;
	v19 =	vld [tilespmem:s13+$0xFFFFFFF0];
	v23 =	vadd.s32 v8, v26;
	v26 =	vshll.u32 v27, v1;
	v27 =	vmov s17  }
0x243: {  	[tilespmem:v18+s21+$0x0] =	vst.idx.msk $0xffff, v24;
	v18 =	vld [tilespmem:s13+$0x0];
	v24 =	vadd.s32 v9, v25;
	v26 =	vbroadcast v26, $0x0;
	v27 =	vshrl.u32 v27, $0x3  }
0x244: {  	v28 =	vld [tilespmem:s13+$0x10];
	v25 =	vadd.s32 v10, v25;
	[tilespmem:v31+s21+$0x0] =	vst.idx.msk $0xffff, v30;
	v27 =	vshll.u32 v27, v1  }
0x245: {  	[tilespmem:v22+s21+$0x0] =	vst.idx.msk $0xffff, v20;
	v20 =	vld [tilespmem:s13+$0x20];
	v22 =	vadd.s32 v11, v26;
	v27 =	vbroadcast v27, $0x0  }
0x246: {  	[tilespmem:v21+s21+$0x0] =	vst.idx.msk $0xffff, v17;
	v17 =	vld [tilespmem:s13+$0x30];
	v21 =	vadd.s32 v12, v26  }
0x247: {  	[tilespmem:v23+s21+$0x0] =	vst.idx.msk $0xffff, v19;
	v19 =	vld [tilespmem:s13+$0x40];
	v23 =	vadd.s32 v13, v27  }
0x248: {  	[tilespmem:v24+s21+$0x0] =	vst.idx.msk $0xffff, v18;
	v18 =	vld [tilespmem:s13+$0x50];
	v24 =	vadd.s32 v14, v27  }
0x249: {  	[tilespmem:v25+s21+$0x0] =	vst.idx.msk $0xffff, v28  }
0x24a: {  	[tilespmem:v22+s21+$0x0] =	vst.idx.msk $0xffff, v20  }
0x24b: {  	[tilespmem:v21+s21+$0x0] =	vst.idx.msk $0xffff, v17  }
0x24c: {  	s6 =	sor.u32 $0x10000, s6;
	[tilespmem:v23+s21+$0x0] =	vst.idx.msk $0xffff, v19  }
0x24d: {  	s13 =	sadd.s32 s2, s6;
	[tilespmem:v24+s21+$0x0] =	vst.idx.msk $0xffff, v18  }
0x24e: {  	[hbm4b:s13+s3] =	stream.linear.scatter [tilespmem:s21], [sflag:$0x2], $0x80, $0x38;
	[tilespmem:$0xE800] =	vst v63  }
0x24f: {  	s17 =	simm.s32 $0xA488;
	s16 =	sadd.s32 $0x10, s13  }
0x250: {  	[hbm4b:s16+s3] =	stream.linear.scatter [tilespmem:s17], [sflag:$0x2], $0x80, $0x38;
	[tilespmem:$0xE800] =	vst v63  }
0x251: {  	s16 =	sadd.s32 $0x20, s13;
	s17 =	simm.s32 $0xA510  }
0x252: {  	[hbm4b:s16+s3] =	stream.linear.scatter [tilespmem:s17], [sflag:$0x2], $0x80, $0x38;
	[tilespmem:$0xE800] =	vst v63  }
0x253: {  	s16 =	sadd.s32 $0x30, s13;
	s17 =	simm.s32 $0xA598  }
0x254: {  	[hbm4b:s16+s3] =	stream.linear.scatter [tilespmem:s17], [sflag:$0x2], $0x80, $0x38;
	[tilespmem:$0xE800] =	vst v63  }
0x255: {  	s16 =	sadd.s32 $0x40, s13;
	s17 =	simm.s32 $0xA620  }
0x256: {  	[hbm4b:s16+s3] =	stream.linear.scatter [tilespmem:s17], [sflag:$0x2], $0x80, $0x38;
	[tilespmem:$0xE800] =	vst v63  }
0x257: {  	s16 =	sadd.s32 $0x50, s13;
	s17 =	simm.s32 $0xA6A8  }
0x258: {  	[hbm4b:s16+s3] =	stream.linear.scatter [tilespmem:s17], [sflag:$0x2], $0x80, $0x38;
	[tilespmem:$0xE800] =	vst v63  }
0x259: {  	s16 =	sadd.s32 $0x60, s13;
	s17 =	simm.s32 $0xA730  }
0x25a: {  	[hbm4b:s16+s3] =	stream.linear.scatter [tilespmem:s17], [sflag:$0x2], $0x80, $0x38;
	[tilespmem:$0xE800] =	vst v63  }
0x25b: {  	s13 =	sadd.s32 $0x70, s13;
	s16 =	simm.s32 $0xA7B8  }
0x25c: {  	[hbm4b:s13+s3] =	stream.linear.scatter [tilespmem:s16], [sflag:$0x2], $0x80, $0x38;
	[tilespmem:$0xE800] =	vst v63  }
0x25d: {  	s17 =	simm.s32 $0xA840;
	s13 =	sadd.s32 s6, s7  }
0x25e: {  	[hbm4b:s13+s3] =	stream.linear.scatter [tilespmem:s17], [sflag:$0x2], $0x80, $0x38;
	[tilespmem:$0xE800] =	vst v63  }
0x25f: {  	s16 =	sadd.s32 $0x10, s13;
	s17 =	simm.s32 $0xA8C8  }
0x260: {  	[hbm4b:s16+s3] =	stream.linear.scatter [tilespmem:s17], [sflag:$0x2], $0x80, $0x38;
	[tilespmem:$0xE800] =	vst v63  }
0x261: {  	s16 =	sadd.s32 $0x20, s13;
	s17 =	simm.s32 $0xA950  }
0x262: {  	[hbm4b:s16+s3] =	stream.linear.scatter [tilespmem:s17], [sflag:$0x2], $0x80, $0x38;
	[tilespmem:$0xE800] =	vst v63  }
0x263: {  	s16 =	sadd.s32 $0x30, s13;
	s17 =	simm.s32 $0xA9D8  }
0x264: {  	[hbm4b:s16+s3] =	stream.linear.scatter [tilespmem:s17], [sflag:$0x2], $0x80, $0x38;
	[tilespmem:$0xE800] =	vst v63  }
0x265: {  	s16 =	sadd.s32 $0x40, s13;
	s17 =	simm.s32 $0xAA60  }
0x266: {  	[hbm4b:s16+s3] =	stream.linear.scatter [tilespmem:s17], [sflag:$0x2], $0x80, $0x38;
	[tilespmem:$0xE800] =	vst v63  }
0x267: {  	s16 =	sadd.s32 $0x50, s13;
	s17 =	simm.s32 $0xAAE8  }
0x268: {  	[hbm4b:s16+s3] =	stream.linear.scatter [tilespmem:s17], [sflag:$0x2], $0x80, $0x38;
	[tilespmem:$0xE800] =	vst v63  }
0x269: {  	s16 =	sadd.s32 $0x60, s13;
	s17 =	simm.s32 $0xAB70  }
0x26a: {  	[hbm4b:s16+s3] =	stream.linear.scatter [tilespmem:s17], [sflag:$0x2], $0x80, $0x38;
	[tilespmem:$0xE800] =	vst v63  }
0x26b: {  	s13 =	sadd.s32 $0x70, s13;
	s16 =	simm.s32 $0xABF8  }
0x26c: {  	[hbm4b:s13+s3] =	stream.linear.scatter [tilespmem:s16], [sflag:$0x2], $0x80, $0x38;
	[tilespmem:$0xE800] =	vst v63  }
0x26d: {  	s17 =	simm.s32 $0xAC80;
	s13 =	sadd.s32 s6, s8  }
0x26e: {  	[hbm4b:s13+s3] =	stream.linear.scatter [tilespmem:s17], [sflag:$0x2], $0x80, $0x38;
	[tilespmem:$0xE800] =	vst v63  }
0x26f: {  	s16 =	sadd.s32 $0x10, s13;
	s17 =	simm.s32 $0xAD08  }
0x270: {  	[hbm4b:s16+s3] =	stream.linear.scatter [tilespmem:s17], [sflag:$0x2], $0x80, $0x38;
	[tilespmem:$0xE800] =	vst v63  }
0x271: {  	s16 =	sadd.s32 $0x20, s13;
	s17 =	simm.s32 $0xAD90  }
0x272: {  	[hbm4b:s16+s3] =	stream.linear.scatter [tilespmem:s17], [sflag:$0x2], $0x80, $0x38;
	[tilespmem:$0xE800] =	vst v63  }
0x273: {  	s16 =	sadd.s32 $0x30, s13;
	s17 =	simm.s32 $0xAE18  }
0x274: {  	[hbm4b:s16+s3] =	stream.linear.scatter [tilespmem:s17], [sflag:$0x2], $0x80, $0x38;
	[tilespmem:$0xE800] =	vst v63  }
0x275: {  	s16 =	sadd.s32 $0x40, s13;
	s17 =	simm.s32 $0xAEA0  }
0x276: {  	[hbm4b:s16+s3] =	stream.linear.scatter [tilespmem:s17], [sflag:$0x2], $0x80, $0x38;
	[tilespmem:$0xE800] =	vst v63  }
0x277: {  	s16 =	sadd.s32 $0x50, s13;
	s17 =	simm.s32 $0xAF28  }
0x278: {  	[hbm4b:s16+s3] =	stream.linear.scatter [tilespmem:s17], [sflag:$0x2], $0x80, $0x38;
	[tilespmem:$0xE800] =	vst v63  }
0x279: {  	s16 =	sadd.s32 $0x60, s13;
	s17 =	simm.s32 $0xAFB0  }
0x27a: {  	[hbm4b:s16+s3] =	stream.linear.scatter [tilespmem:s17], [sflag:$0x2], $0x80, $0x38;
	[tilespmem:$0xE800] =	vst v63  }
0x27b: {  	s13 =	sadd.s32 $0x70, s13;
	s17 =	simm.s32 $0xB038  }
0x27c: {  	[hbm4b:s13+s3] =	stream.linear.scatter [tilespmem:s17], [sflag:$0x2], $0x80, $0x38;
	[tilespmem:$0xE800] =	vst v63  }
0x27d: {  	s15 =	simm.s32 $0xB0C0;
	s6 =	sadd.s32 s6, s9  }
0x27e: {  	[hbm4b:s6+s3] =	stream.linear.scatter [tilespmem:s15], [sflag:$0x2], $0x80, $0x38;
	[tilespmem:$0xE800] =	vst v63  }
0x27f: {  	s16 =	sadd.s32 $0x10, s6;
	s17 =	simm.s32 $0xB148  }
0x280: {  	[hbm4b:s16+s3] =	stream.linear.scatter [tilespmem:s17], [sflag:$0x2], $0x80, $0x38;
	[tilespmem:$0xE800] =	vst v63  }
0x281: {  	s16 =	sadd.s32 $0x20, s6;
	s17 =	simm.s32 $0xB1D0  }
0x282: {  	[hbm4b:s16+s3] =	stream.linear.scatter [tilespmem:s17], [sflag:$0x2], $0x80, $0x38;
	[tilespmem:$0xE800] =	vst v63  }
0x283: {  	s16 =	sadd.s32 $0x30, s6;
	s17 =	simm.s32 $0xB258  }
0x284: {  	[hbm4b:s16+s3] =	stream.linear.scatter [tilespmem:s17], [sflag:$0x2], $0x80, $0x38;
	[tilespmem:$0xE800] =	vst v63  }
0x285: {  	s16 =	sadd.s32 $0x40, s6;
	s17 =	simm.s32 $0xB2E0  }
0x286: {  	[hbm4b:s16+s3] =	stream.linear.scatter [tilespmem:s17], [sflag:$0x2], $0x80, $0x38;
	[tilespmem:$0xE800] =	vst v63  }
0x287: {  	s16 =	sadd.s32 $0x50, s6;
	s17 =	simm.s32 $0xB368  }
0x288: {  	[hbm4b:s16+s3] =	stream.linear.scatter [tilespmem:s17], [sflag:$0x2], $0x80, $0x38;
	[tilespmem:$0xE800] =	vst v63  }
0x289: {  	s15 =	sadd.s32 $0x60, s6;
	s16 =	simm.s32 $0xB3F0  }
0x28a: {  	[hbm4b:s15+s3] =	stream.linear.scatter [tilespmem:s16], [sflag:$0x2], $0x80, $0x38;
	[tilespmem:$0xE800] =	vst v63  }
0x28b: {  	s6 =	sadd.s32 $0x70, s6;
	s17 =	simm.s32 $0xB478  }
0x28c: {  	[hbm4b:s6+s3] =	stream.linear.scatter [tilespmem:s17], [sflag:$0x2], $0x80, $0x38;
	[tilespmem:$0xE800] =	vst v63  }
0x28d: {  	s6 =	sor.u32 $0x5, s12  }
0x28e: {  	s11 =	sadd.s32 $0x1, s11;
	p0 =	sgt.u32 s6, $0xC4  }
0x28f: {  	s13 =	sshll.u32 @!p0 s11, $0xA  }
0x290: {  	s15 =	simm.s32 @!p0 $0x80;
	s16 =	simm.s32 @!p0 $0x6400;
	s13 =	sand.u32 @!p0 $0x3FFFFC00, s13  }
0x291: {  	[tilespmem:s16], [sflag:$0x1] =	stream.indirect.gather @!p0 [hbm4b:s5+s15], $0x20, s13, s15, $0xb8;
	[tilespmem:$0xE800] =	vst v63  }
0x292: {  	s15 =	simm.s32 $0x7;
	_ =	swait.ge [sflag:s20], $0x1000  }
0x293: {  	s16 =	simm.s32 $0x0;
	v17 =	vmov s15;
	[sflag:s20] =	ssyncset.done $0x0  }
0x294: {  	v18 =	vmov s16;
	v17 =	vshrl.u32 v17, $0x3;
	[sflag:s20] =	ssyncadd.s32 $0xFFFFF000  }
0x295: {  	v18 =	vshrl.u32 v18, $0x3;
	v17 =	vshll.u32 v17, v1;
	_ =	swait.ge [sflag:s0], $0x1000  }
0x296: {  	s17 =	simm.s32 $0x1;
	v18 =	vshll.u32 v18, v1;
	v17 =	vbroadcast v17, $0x0;
	[sflag:s0] =	ssyncset.done $0x0  }
0x297: {  	v19 =	vmov s17;
	s13 =	simm.s32 $0x74F0;
	s16 =	simm.s32 $0x2;
	v18 =	vbroadcast v18, $0x0;
	[sflag:s0] =	ssyncadd.s32 $0xFFFFF000  }
0x298: {  	v19 =	vshrl.u32 v19, $0x3;
	v22 =	vmov s16;
	v21 =	vadd.s32 v15, v17;
	v20 =	vld [tilespmem:s13+$0xFFFFFFF0]  }
0x299: {  	v19 =	vshll.u32 v19, v1;
	v22 =	vshrl.u32 v22, $0x3;
	v25 =	vadd.s32 v0, v18;
	v24 =	vld [tilespmem:s13+$0xFFFFFF10]  }
0x29a: {  	s17 =	simm.s32 $0x3;
	v19 =	vbroadcast v19, $0x0;
	v22 =	vshll.u32 v22, v1;
	v17 =	vadd.s32 v16, v17;
	v23 =	vld [tilespmem:s13+$0x0]  }
0x29b: {  	v27 =	vmov s17;
	v22 =	vbroadcast v22, $0x0;
	v18 =	vadd.s32 v2, v18;
	v26 =	vld [tilespmem:s13+$0xFFFFFF20]  }
0x29c: {  	v27 =	vshrl.u32 v27, $0x3;
	v29 =	vadd.s32 v3, v19;
	s16 =	simm.s32 $0x4;
	v31 =	vadd.s32 v4, v19;
	v28 =	vld [tilespmem:s13+$0xFFFFFF30]  }
0x29d: {  	v19 =	vshll.u32 v27, v1;
	v27 =	vmov s16;
	v32 =	vld [tilespmem:s13+$0xFFFFFF50];
	v33 =	vadd.s32 v5, v22;
	[tilespmem:v21+s1+$0x0] =	vst.idx.msk $0xffff, v20  }
0x29e: {  	s17 =	simm.s32 $0x5;
	v34 =	vbroadcast v19, $0x0;
	v19 =	vshrl.u32 v27, $0x3;
	v30 =	vld [tilespmem:s13+$0xFFFFFF40];
	[tilespmem:v25+s1+$0x0] =	vst.idx.msk $0xffff, v24  }
0x29f: {  	v19 =	vshll.u32 v19, v1;
	v20 =	vld [tilespmem:s13+$0xFFFFFF60];
	v25 =	vadd.s32 v6, v22;
	v22 =	vmov s17;
	[tilespmem:v17+s1+$0x0] =	vst.idx.msk $0xffff, v23  }
0x2a0: {  	s16 =	simm.s32 $0x6;
	v35 =	vbroadcast v19, $0x0;
	v21 =	vadd.s32 v7, v34;
	[tilespmem:v18+s1+$0x0] =	vst.idx.msk $0xffff, v26;
	v17 =	vld [tilespmem:s13+$0xFFFFFF70];
	v18 =	vshrl.u32 v22, $0x3  }
0x2a1: {  	v19 =	vld [tilespmem:s13+$0xFFFFFF80];
	[tilespmem:v29+s1+$0x0] =	vst.idx.msk $0xffff, v28;
	v23 =	vadd.s32 v8, v34;
	v22 =	vmov s16;
	v18 =	vshll.u32 v18, v1  }
0x2a2: {  	s17 =	simm.s32 $0xF;
	v24 =	vld [tilespmem:s13+$0xFFFFFF90];
	[tilespmem:v33+s1+$0x0] =	vst.idx.msk $0xffff, v32;
	v26 =	vadd.s32 v9, v35;
	v29 =	vshrl.u32 v22, $0x3;
	v27 =	vbroadcast v18, $0x0  }
0x2a3: {  	s15 =	simm.s32 $0x8;
	[tilespmem:v31+s1+$0x0] =	vst.idx.msk $0xffff, v30;
	v28 =	vmov s17;
	s16 =	simm.s32 $0x10;
	v22 =	vadd.s32 v10, v35;
	v18 =	vld [tilespmem:s13+$0xFFFFFFA0];
	v29 =	vshll.u32 v29, v1  }
.LBB2_13:
0x2a4: {  	p0 =	slt.u32 s16, $0x78;
	v28 =	vshrl.u32 v28, $0x3;
	[tilespmem:v25+s1+$0x0] =	vst.idx.msk $0xffff, v20;
	v20 =	vld [tilespmem:s13+$0xFFFFFFB0];
	v25 =	vadd.s32 v11, v27;
	v29 =	vbroadcast v29, $0x0  }
0x2a5: {  	v30 =	vmov s15;
	v28 =	vshll.u32 v28, v1;
	[tilespmem:v21+s1+$0x0] =	vst.idx.msk $0xffff, v17;
	v17 =	vld [tilespmem:s13+$0xFFFFFFC0];
	v21 =	vadd.s32 v12, v27  }
0x2a6: {  	s17 =	sadd.s32 $0x1, s15;
	v27 =	vshrl.u32 v30, $0x3;
	v28 =	vbroadcast v28, $0x0;
	[tilespmem:v23+s1+$0x0] =	vst.idx.msk $0xffff, v19;
	v19 =	vld [tilespmem:s13+$0xFFFFFFD0];
	v23 =	vadd.s32 v13, v29  }
0x2a7: {  	v30 =	vmov s17;
	v27 =	vshll.u32 v27, v1;
	[tilespmem:v26+s1+$0x0] =	vst.idx.msk $0xffff, v24;
	v24 =	vld [tilespmem:s13+$0xFFFFFFE0];
	v26 =	vadd.s32 v14, v29;
	s13 =	sadd.s32 $0x100, s13  }
0x2a8: {  	s17 =	sadd.s32 $0x2, s15;
	v27 =	vbroadcast v27, $0x0;
	v29 =	vshrl.u32 v30, $0x3;
	v30 =	vld [tilespmem:s13+$0xFFFFFFF0];
	v31 =	vadd.s32 v15, v28;
	[tilespmem:v22+s1+$0x0] =	vst.idx.msk $0xffff, v18  }
0x2a9: {  	v18 =	vshll.u32 v29, v1;
	v22 =	vmov s17;
	v28 =	vadd.s32 v16, v28;
	v29 =	vld [tilespmem:s13+$0x0];
	[tilespmem:v25+s1+$0x0] =	vst.idx.msk $0xffff, v20  }
0x2aa: {  	s17 =	sadd.s32 $0x3, s15;
	v25 =	vadd.s32 v0, v27;
	v18 =	vbroadcast v18, $0x0;
	v22 =	vshrl.u32 v22, $0x3;
	v20 =	vld [tilespmem:s13+$0xFFFFFF10];
	[tilespmem:v21+s1+$0x0] =	vst.idx.msk $0xffff, v17  }
0x2ab: {  	v21 =	vadd.s32 v2, v27;
	v22 =	vshll.u32 v22, v1;
	v27 =	vmov s17;
	v17 =	vld [tilespmem:s13+$0xFFFFFF20];
	[tilespmem:v23+s1+$0x0] =	vst.idx.msk $0xffff, v19  }
0x2ac: {  	s17 =	sadd.s32 $0x4, s15;
	v23 =	vadd.s32 v3, v18;
	v22 =	vbroadcast v22, $0x0;
	v27 =	vshrl.u32 v27, $0x3;
	v19 =	vld [tilespmem:s13+$0xFFFFFF30];
	[tilespmem:v26+s1+$0x0] =	vst.idx.msk $0xffff, v24  }
0x2ad: {  	v18 =	vadd.s32 v4, v18;
	v26 =	vshll.u32 v27, v1;
	v27 =	vmov s17;
	v24 =	vld [tilespmem:s13+$0xFFFFFF40];
	[tilespmem:v31+s1+$0x0] =	vst.idx.msk $0xffff, v30  }
0x2ae: {  	s17 =	sadd.s32 $0x5, s15;
	v31 =	vadd.s32 v5, v22;
	v26 =	vbroadcast v26, $0x0;
	v27 =	vshrl.u32 v27, $0x3;
	v30 =	vld [tilespmem:s13+$0xFFFFFF50];
	[tilespmem:v28+s1+$0x0] =	vst.idx.msk $0xffff, v29  }
.Ltmp5:
0x2af: {  	[tilespmem:v25+s1+$0x0] =	vst.idx.msk $0xffff, v20;
	v20 =	vld [tilespmem:s13+$0xFFFFFF60];
	v25 =	vadd.s32 v6, v22;
	v22 =	vshll.u32 v27, v1;
	v27 =	vmov s17;
	(pc) =	sbr.rel @p0 .LBB2_13-.Ltmp5, $4  }
0x2b0: {  	s17 =	sadd.s32 $0x6, s15;
	s15 =	smov.u32 s16;
	[tilespmem:v21+s1+$0x0] =	vst.idx.msk $0xffff, v17;
	v17 =	vld [tilespmem:s13+$0xFFFFFF70];
	v21 =	vadd.s32 v7, v26;
	v22 =	vbroadcast v22, $0x0;
	v27 =	vshrl.u32 v27, $0x3  }
0x2b1: {  	v28 =	vmov s17;
	[tilespmem:v23+s1+$0x0] =	vst.idx.msk $0xffff, v19;
	v19 =	vld [tilespmem:s13+$0xFFFFFF80];
	v23 =	vadd.s32 v8, v26;
	v27 =	vshll.u32 v27, v1  }
0x2b2: {  	s17 =	sadd.s32 $0x7, s16;
	v29 =	vshrl.u32 v28, $0x3;
	[tilespmem:v18+s1+$0x0] =	vst.idx.msk $0xffff, v24;
	v24 =	vld [tilespmem:s13+$0xFFFFFF90];
	v26 =	vadd.s32 v9, v22;
	v27 =	vbroadcast v27, $0x0  }
0x2b3: {  	s16 =	sadd.s32 $0x8, s16;
	v28 =	vmov s17;
	v22 =	vadd.s32 v10, v22;
	v29 =	vshll.u32 v29, v1;
	[tilespmem:v31+s1+$0x0] =	vst.idx.msk $0xffff, v30;
	v18 =	vld [tilespmem:s13+$0xFFFFFFA0]  }
0x2b4: {  	_ =	sdelay $0x3  }
0x2b5: {  	v28 =	vshrl.u32 v28, $0x3;
	[tilespmem:v25+s1+$0x0] =	vst.idx.msk $0xffff, v20;
	v20 =	vld [tilespmem:s13+$0xFFFFFFB0];
	v25 =	vadd.s32 v11, v27;
	v29 =	vbroadcast v29, $0x0  }
0x2b6: {  	v30 =	vmov s15;
	v28 =	vshll.u32 v28, v1;
	[tilespmem:v21+s1+$0x0] =	vst.idx.msk $0xffff, v17;
	v17 =	vld [tilespmem:s13+$0xFFFFFFC0];
	v21 =	vadd.s32 v12, v27  }
0x2b7: {  	s16 =	sadd.s32 $0x1, s15;
	v27 =	vshrl.u32 v30, $0x3;
	v28 =	vbroadcast v28, $0x0;
	[tilespmem:v23+s1+$0x0] =	vst.idx.msk $0xffff, v19;
	v19 =	vld [tilespmem:s13+$0xFFFFFFD0];
	v23 =	vadd.s32 v13, v29  }
0x2b8: {  	v30 =	vmov s16;
	v27 =	vshll.u32 v27, v1;
	[tilespmem:v26+s1+$0x0] =	vst.idx.msk $0xffff, v24;
	v24 =	vld [tilespmem:s13+$0xFFFFFFE0];
	v26 =	vadd.s32 v14, v29;
	s13 =	sadd.s32 $0x100, s13  }
0x2b9: {  	s17 =	sadd.s32 $0x2, s15;
	v27 =	vbroadcast v27, $0x0;
	v29 =	vshrl.u32 v30, $0x3;
	v30 =	vld [tilespmem:s13+$0xFFFFFFF0];
	v31 =	vadd.s32 v15, v28;
	[tilespmem:v22+s1+$0x0] =	vst.idx.msk $0xffff, v18  }
0x2ba: {  	v18 =	vshll.u32 v29, v1;
	v22 =	vmov s17;
	v29 =	vld [tilespmem:s13+$0x0];
	v28 =	vadd.s32 v16, v28;
	[tilespmem:v25+s1+$0x0] =	vst.idx.msk $0xffff, v20  }
0x2bb: {  	s17 =	sadd.s32 $0x3, s15;
	v20 =	vld [tilespmem:s13+$0xFFFFFF10];
	v25 =	vadd.s32 v0, v27;
	v18 =	vbroadcast v18, $0x0;
	v22 =	vshrl.u32 v22, $0x3;
	[tilespmem:v21+s1+$0x0] =	vst.idx.msk $0xffff, v17  }
0x2bc: {  	v17 =	vld [tilespmem:s13+$0xFFFFFF20];
	v21 =	vadd.s32 v2, v27;
	v22 =	vshll.u32 v22, v1;
	v27 =	vmov s17;
	[tilespmem:v23+s1+$0x0] =	vst.idx.msk $0xffff, v19  }
0x2bd: {  	s17 =	sadd.s32 $0x4, s15;
	v19 =	vld [tilespmem:s13+$0xFFFFFF30];
	v23 =	vadd.s32 v3, v18;
	v22 =	vbroadcast v22, $0x0;
	v27 =	vshrl.u32 v27, $0x3;
	[tilespmem:v26+s1+$0x0] =	vst.idx.msk $0xffff, v24  }
0x2be: {  	v18 =	vadd.s32 v4, v18;
	v24 =	vld [tilespmem:s13+$0xFFFFFF40];
	v26 =	vshll.u32 v27, v1;
	v27 =	vmov s17;
	[tilespmem:v31+s1+$0x0] =	vst.idx.msk $0xffff, v30  }
0x2bf: {  	s17 =	sadd.s32 $0x5, s15;
	v30 =	vld [tilespmem:s13+$0xFFFFFF50];
	v31 =	vadd.s32 v5, v22;
	v26 =	vbroadcast v26, $0x0;
	v27 =	vshrl.u32 v27, $0x3;
	[tilespmem:v28+s1+$0x0] =	vst.idx.msk $0xffff, v29  }
0x2c0: {  	v22 =	vadd.s32 v6, v22;
	[tilespmem:v25+s1+$0x0] =	vst.idx.msk $0xffff, v20;
	v20 =	vld [tilespmem:s13+$0xFFFFFF60];
	v25 =	vshll.u32 v27, v1;
	v27 =	vmov s17  }
0x2c1: {  	s17 =	sadd.s32 $0x6, s15;
	[tilespmem:v21+s1+$0x0] =	vst.idx.msk $0xffff, v17;
	v17 =	vld [tilespmem:s13+$0xFFFFFF70];
	v21 =	vadd.s32 v7, v26;
	v25 =	vbroadcast v25, $0x0;
	v27 =	vshrl.u32 v27, $0x3  }
0x2c2: {  	[tilespmem:v23+s1+$0x0] =	vst.idx.msk $0xffff, v19;
	v19 =	vld [tilespmem:s13+$0xFFFFFF80];
	v23 =	vadd.s32 v8, v26;
	v26 =	vshll.u32 v27, v1;
	v27 =	vmov s17  }
0x2c3: {  	[tilespmem:v18+s1+$0x0] =	vst.idx.msk $0xffff, v24;
	v18 =	vld [tilespmem:s13+$0xFFFFFF90];
	v24 =	vadd.s32 v9, v25;
	v26 =	vbroadcast v26, $0x0;
	v27 =	vshrl.u32 v27, $0x3  }
0x2c4: {  	v28 =	vld [tilespmem:s13+$0xFFFFFFA0];
	v25 =	vadd.s32 v10, v25;
	[tilespmem:v31+s1+$0x0] =	vst.idx.msk $0xffff, v30;
	v27 =	vshll.u32 v27, v1  }
0x2c5: {  	[tilespmem:v22+s1+$0x0] =	vst.idx.msk $0xffff, v20;
	v20 =	vld [tilespmem:s13+$0xFFFFFFB0];
	v22 =	vadd.s32 v11, v26;
	v27 =	vbroadcast v27, $0x0  }
0x2c6: {  	[tilespmem:v21+s1+$0x0] =	vst.idx.msk $0xffff, v17;
	v17 =	vld [tilespmem:s13+$0xFFFFFFC0];
	v21 =	vadd.s32 v12, v26  }
0x2c7: {  	[tilespmem:v23+s1+$0x0] =	vst.idx.msk $0xffff, v19;
	v19 =	vld [tilespmem:s13+$0xFFFFFFD0];
	v23 =	vadd.s32 v13, v27  }
0x2c8: {  	[tilespmem:v24+s1+$0x0] =	vst.idx.msk $0xffff, v18;
	v18 =	vld [tilespmem:s13+$0xFFFFFFE0];
	v24 =	vadd.s32 v14, v27  }
0x2c9: {  	[tilespmem:v25+s1+$0x0] =	vst.idx.msk $0xffff, v28  }
0x2ca: {  	s6 =	sshll.u32 s6, $0x11;
	[tilespmem:v22+s1+$0x0] =	vst.idx.msk $0xffff, v20  }
0x2cb: {  	s6 =	sor.u32 s4, s6;
	[tilespmem:v21+s1+$0x0] =	vst.idx.msk $0xffff, v17  }
0x2cc: {  	s6 =	sshrl.u32 s6, $0x3;
	[tilespmem:v23+s1+$0x0] =	vst.idx.msk $0xffff, v19  }
0x2cd: {  	s13 =	sadd.s32 s2, s6;
	[tilespmem:v24+s1+$0x0] =	vst.idx.msk $0xffff, v18  }
0x2ce: {  	[hbm4b:s13+s3] =	stream.linear.scatter [tilespmem:s1], [sflag:$0x2], $0x80, $0x38;
	[tilespmem:$0xE800] =	vst v63  }
0x2cf: {  	s17 =	simm.s32 $0xB588;
	s16 =	sadd.s32 $0x10, s13  }
0x2d0: {  	[hbm4b:s16+s3] =	stream.linear.scatter [tilespmem:s17], [sflag:$0x2], $0x80, $0x38;
	[tilespmem:$0xE800] =	vst v63  }
0x2d1: {  	s16 =	sadd.s32 $0x20, s13;
	s17 =	simm.s32 $0xB610  }
0x2d2: {  	[hbm4b:s16+s3] =	stream.linear.scatter [tilespmem:s17], [sflag:$0x2], $0x80, $0x38;
	[tilespmem:$0xE800] =	vst v63  }
0x2d3: {  	s16 =	sadd.s32 $0x30, s13;
	s17 =	simm.s32 $0xB698  }
0x2d4: {  	[hbm4b:s16+s3] =	stream.linear.scatter [tilespmem:s17], [sflag:$0x2], $0x80, $0x38;
	[tilespmem:$0xE800] =	vst v63  }
0x2d5: {  	s16 =	sadd.s32 $0x40, s13;
	s17 =	simm.s32 $0xB720  }
0x2d6: {  	[hbm4b:s16+s3] =	stream.linear.scatter [tilespmem:s17], [sflag:$0x2], $0x80, $0x38;
	[tilespmem:$0xE800] =	vst v63  }
0x2d7: {  	s16 =	sadd.s32 $0x50, s13;
	s17 =	simm.s32 $0xB7A8  }
0x2d8: {  	[hbm4b:s16+s3] =	stream.linear.scatter [tilespmem:s17], [sflag:$0x2], $0x80, $0x38;
	[tilespmem:$0xE800] =	vst v63  }
0x2d9: {  	s16 =	sadd.s32 $0x60, s13;
	s17 =	simm.s32 $0xB830  }
0x2da: {  	[hbm4b:s16+s3] =	stream.linear.scatter [tilespmem:s17], [sflag:$0x2], $0x80, $0x38;
	[tilespmem:$0xE800] =	vst v63  }
0x2db: {  	s13 =	sadd.s32 $0x70, s13;
	s16 =	simm.s32 $0xB8B8  }
0x2dc: {  	[hbm4b:s13+s3] =	stream.linear.scatter [tilespmem:s16], [sflag:$0x2], $0x80, $0x38;
	[tilespmem:$0xE800] =	vst v63  }
0x2dd: {  	s17 =	simm.s32 $0xB940;
	s13 =	sadd.s32 s6, s7  }
0x2de: {  	[hbm4b:s13+s3] =	stream.linear.scatter [tilespmem:s17], [sflag:$0x2], $0x80, $0x38;
	[tilespmem:$0xE800] =	vst v63  }
0x2df: {  	s16 =	sadd.s32 $0x10, s13;
	s17 =	simm.s32 $0xB9C8  }
0x2e0: {  	[hbm4b:s16+s3] =	stream.linear.scatter [tilespmem:s17], [sflag:$0x2], $0x80, $0x38;
	[tilespmem:$0xE800] =	vst v63  }
0x2e1: {  	s16 =	sadd.s32 $0x20, s13;
	s17 =	simm.s32 $0xBA50  }
0x2e2: {  	[hbm4b:s16+s3] =	stream.linear.scatter [tilespmem:s17], [sflag:$0x2], $0x80, $0x38;
	[tilespmem:$0xE800] =	vst v63  }
0x2e3: {  	s16 =	sadd.s32 $0x30, s13;
	s17 =	simm.s32 $0xBAD8  }
0x2e4: {  	[hbm4b:s16+s3] =	stream.linear.scatter [tilespmem:s17], [sflag:$0x2], $0x80, $0x38;
	[tilespmem:$0xE800] =	vst v63  }
0x2e5: {  	s16 =	sadd.s32 $0x40, s13;
	s17 =	simm.s32 $0xBB60  }
0x2e6: {  	[hbm4b:s16+s3] =	stream.linear.scatter [tilespmem:s17], [sflag:$0x2], $0x80, $0x38;
	[tilespmem:$0xE800] =	vst v63  }
0x2e7: {  	s16 =	sadd.s32 $0x50, s13;
	s17 =	simm.s32 $0xBBE8  }
0x2e8: {  	[hbm4b:s16+s3] =	stream.linear.scatter [tilespmem:s17], [sflag:$0x2], $0x80, $0x38;
	[tilespmem:$0xE800] =	vst v63  }
0x2e9: {  	s16 =	sadd.s32 $0x60, s13;
	s17 =	simm.s32 $0xBC70  }
0x2ea: {  	[hbm4b:s16+s3] =	stream.linear.scatter [tilespmem:s17], [sflag:$0x2], $0x80, $0x38;
	[tilespmem:$0xE800] =	vst v63  }
0x2eb: {  	s13 =	sadd.s32 $0x70, s13;
	s16 =	simm.s32 $0xBCF8  }
0x2ec: {  	[hbm4b:s13+s3] =	stream.linear.scatter [tilespmem:s16], [sflag:$0x2], $0x80, $0x38;
	[tilespmem:$0xE800] =	vst v63  }
0x2ed: {  	s17 =	simm.s32 $0xBD80;
	s13 =	sadd.s32 s6, s8  }
0x2ee: {  	[hbm4b:s13+s3] =	stream.linear.scatter [tilespmem:s17], [sflag:$0x2], $0x80, $0x38;
	[tilespmem:$0xE800] =	vst v63  }
0x2ef: {  	s16 =	sadd.s32 $0x10, s13;
	s17 =	simm.s32 $0xBE08  }
0x2f0: {  	[hbm4b:s16+s3] =	stream.linear.scatter [tilespmem:s17], [sflag:$0x2], $0x80, $0x38;
	[tilespmem:$0xE800] =	vst v63  }
0x2f1: {  	s16 =	sadd.s32 $0x20, s13;
	s17 =	simm.s32 $0xBE90  }
0x2f2: {  	[hbm4b:s16+s3] =	stream.linear.scatter [tilespmem:s17], [sflag:$0x2], $0x80, $0x38;
	[tilespmem:$0xE800] =	vst v63  }
0x2f3: {  	s16 =	sadd.s32 $0x30, s13;
	s17 =	simm.s32 $0xBF18  }
0x2f4: {  	[hbm4b:s16+s3] =	stream.linear.scatter [tilespmem:s17], [sflag:$0x2], $0x80, $0x38;
	[tilespmem:$0xE800] =	vst v63  }
0x2f5: {  	s16 =	sadd.s32 $0x40, s13;
	s17 =	simm.s32 $0xBFA0  }
0x2f6: {  	[hbm4b:s16+s3] =	stream.linear.scatter [tilespmem:s17], [sflag:$0x2], $0x80, $0x38;
	[tilespmem:$0xE800] =	vst v63  }
0x2f7: {  	s16 =	sadd.s32 $0x50, s13;
	s17 =	simm.s32 $0xC028  }
0x2f8: {  	[hbm4b:s16+s3] =	stream.linear.scatter [tilespmem:s17], [sflag:$0x2], $0x80, $0x38;
	[tilespmem:$0xE800] =	vst v63  }
0x2f9: {  	s16 =	sadd.s32 $0x60, s13;
	s17 =	simm.s32 $0xC0B0  }
0x2fa: {  	[hbm4b:s16+s3] =	stream.linear.scatter [tilespmem:s17], [sflag:$0x2], $0x80, $0x38;
	[tilespmem:$0xE800] =	vst v63  }
0x2fb: {  	s13 =	sadd.s32 $0x70, s13;
	s17 =	simm.s32 $0xC138  }
0x2fc: {  	[hbm4b:s13+s3] =	stream.linear.scatter [tilespmem:s17], [sflag:$0x2], $0x80, $0x38;
	[tilespmem:$0xE800] =	vst v63  }
0x2fd: {  	s15 =	simm.s32 $0xC1C0;
	s6 =	sadd.s32 s6, s9  }
0x2fe: {  	[hbm4b:s6+s3] =	stream.linear.scatter [tilespmem:s15], [sflag:$0x2], $0x80, $0x38;
	[tilespmem:$0xE800] =	vst v63  }
0x2ff: {  	s16 =	sadd.s32 $0x10, s6;
	s17 =	simm.s32 $0xC248  }
0x300: {  	[hbm4b:s16+s3] =	stream.linear.scatter [tilespmem:s17], [sflag:$0x2], $0x80, $0x38;
	[tilespmem:$0xE800] =	vst v63  }
0x301: {  	s16 =	sadd.s32 $0x20, s6;
	s17 =	simm.s32 $0xC2D0  }
0x302: {  	[hbm4b:s16+s3] =	stream.linear.scatter [tilespmem:s17], [sflag:$0x2], $0x80, $0x38;
	[tilespmem:$0xE800] =	vst v63  }
0x303: {  	s16 =	sadd.s32 $0x30, s6;
	s17 =	simm.s32 $0xC358  }
0x304: {  	[hbm4b:s16+s3] =	stream.linear.scatter [tilespmem:s17], [sflag:$0x2], $0x80, $0x38;
	[tilespmem:$0xE800] =	vst v63  }
0x305: {  	s16 =	sadd.s32 $0x40, s6;
	s17 =	simm.s32 $0xC3E0  }
0x306: {  	[hbm4b:s16+s3] =	stream.linear.scatter [tilespmem:s17], [sflag:$0x2], $0x80, $0x38;
	[tilespmem:$0xE800] =	vst v63  }
0x307: {  	s16 =	sadd.s32 $0x50, s6;
	s17 =	simm.s32 $0xC468  }
0x308: {  	[hbm4b:s16+s3] =	stream.linear.scatter [tilespmem:s17], [sflag:$0x2], $0x80, $0x38;
	[tilespmem:$0xE800] =	vst v63  }
0x309: {  	s15 =	sadd.s32 $0x60, s6;
	s16 =	simm.s32 $0xC4F0  }
0x30a: {  	[hbm4b:s15+s3] =	stream.linear.scatter [tilespmem:s16], [sflag:$0x2], $0x80, $0x38;
	[tilespmem:$0xE800] =	vst v63  }
0x30b: {  	s6 =	sadd.s32 $0x70, s6;
	s17 =	simm.s32 $0xC578  }
0x30c: {  	[hbm4b:s6+s3] =	stream.linear.scatter [tilespmem:s17], [sflag:$0x2], $0x80, $0x38;
	[tilespmem:$0xE800] =	vst v63  }
0x30d: {  	s6 =	sor.u32 $0x6, s12  }
0x30e: {  	p0 =	sgt.u32 s6, $0xC4  }
0x30f: {  	s13 =	sshll.u32 @!p0 s11, $0xA  }
0x310: {  	s13 =	sand.u32 @!p0 $0x3FFFFC00, s13  }
0x311: {  	s15 =	simm.s32 @!p0 $0x80;
	s16 =	simm.s32 @!p0 $0x7400;
	s13 =	sor.u32 @!p0 $0x80, s13  }
0x312: {  	[tilespmem:s16], [sflag:$0x1] =	stream.indirect.gather @!p0 [hbm4b:s5+s15], $0x20, s13, s15, $0xb8;
	[tilespmem:$0xE800] =	vst v63  }
0x313: {  	s15 =	simm.s32 $0x7;
	_ =	swait.ge [sflag:s20], $0x1000  }
0x314: {  	s16 =	simm.s32 $0x0;
	v17 =	vmov s15;
	[sflag:s20] =	ssyncset.done $0x0  }
0x315: {  	v18 =	vmov s16;
	v17 =	vshrl.u32 v17, $0x3;
	[sflag:s20] =	ssyncadd.s32 $0xFFFFF000  }
0x316: {  	v18 =	vshrl.u32 v18, $0x3;
	v17 =	vshll.u32 v17, v1;
	_ =	swait.ge [sflag:s0], $0x1000  }
0x317: {  	s17 =	simm.s32 $0x1;
	v18 =	vshll.u32 v18, v1;
	v17 =	vbroadcast v17, $0x0;
	[sflag:s0] =	ssyncset.done $0x0  }
0x318: {  	v19 =	vmov s17;
	s13 =	simm.s32 $0x84F0;
	s16 =	simm.s32 $0x2;
	v18 =	vbroadcast v18, $0x0;
	[sflag:s0] =	ssyncadd.s32 $0xFFFFF000  }
0x319: {  	v19 =	vshrl.u32 v19, $0x3;
	v22 =	vmov s16;
	v21 =	vadd.s32 v15, v17;
	v20 =	vld [tilespmem:s13+$0xFFFFFFF0]  }
0x31a: {  	v19 =	vshll.u32 v19, v1;
	v22 =	vshrl.u32 v22, $0x3;
	v25 =	vadd.s32 v0, v18;
	v24 =	vld [tilespmem:s13+$0xFFFFFF10]  }
0x31b: {  	s17 =	simm.s32 $0x3;
	v19 =	vbroadcast v19, $0x0;
	v22 =	vshll.u32 v22, v1;
	v17 =	vadd.s32 v16, v17;
	v23 =	vld [tilespmem:s13+$0x0]  }
0x31c: {  	v27 =	vmov s17;
	v22 =	vbroadcast v22, $0x0;
	v18 =	vadd.s32 v2, v18;
	v26 =	vld [tilespmem:s13+$0xFFFFFF20]  }
0x31d: {  	v27 =	vshrl.u32 v27, $0x3;
	v29 =	vadd.s32 v3, v19;
	v31 =	vadd.s32 v4, v19;
	s16 =	simm.s32 $0x4;
	v28 =	vld [tilespmem:s13+$0xFFFFFF30]  }
0x31e: {  	v19 =	vshll.u32 v27, v1;
	v27 =	vmov s16;
	v32 =	vld [tilespmem:s13+$0xFFFFFF50];
	v33 =	vadd.s32 v5, v22;
	[tilespmem:v21+s23+$0x0] =	vst.idx.msk $0xffff, v20  }
0x31f: {  	s17 =	simm.s32 $0x5;
	v34 =	vbroadcast v19, $0x0;
	v19 =	vshrl.u32 v27, $0x3;
	v30 =	vld [tilespmem:s13+$0xFFFFFF40];
	[tilespmem:v25+s23+$0x0] =	vst.idx.msk $0xffff, v24  }
0x320: {  	v19 =	vshll.u32 v19, v1;
	v20 =	vld [tilespmem:s13+$0xFFFFFF60];
	v25 =	vadd.s32 v6, v22;
	v22 =	vmov s17;
	[tilespmem:v17+s23+$0x0] =	vst.idx.msk $0xffff, v23  }
0x321: {  	s16 =	simm.s32 $0x6;
	v35 =	vbroadcast v19, $0x0;
	v21 =	vadd.s32 v7, v34;
	[tilespmem:v18+s23+$0x0] =	vst.idx.msk $0xffff, v26;
	v17 =	vld [tilespmem:s13+$0xFFFFFF70];
	v18 =	vshrl.u32 v22, $0x3  }
0x322: {  	v19 =	vld [tilespmem:s13+$0xFFFFFF80];
	[tilespmem:v29+s23+$0x0] =	vst.idx.msk $0xffff, v28;
	v23 =	vadd.s32 v8, v34;
	v22 =	vmov s16;
	v18 =	vshll.u32 v18, v1  }
0x323: {  	s17 =	simm.s32 $0xF;
	v24 =	vld [tilespmem:s13+$0xFFFFFF90];
	[tilespmem:v33+s23+$0x0] =	vst.idx.msk $0xffff, v32;
	v26 =	vadd.s32 v9, v35;
	v29 =	vshrl.u32 v22, $0x3;
	v27 =	vbroadcast v18, $0x0  }
0x324: {  	s15 =	simm.s32 $0x8;
	[tilespmem:v31+s23+$0x0] =	vst.idx.msk $0xffff, v30;
	v28 =	vmov s17;
	s16 =	simm.s32 $0x10;
	v22 =	vadd.s32 v10, v35;
	v18 =	vld [tilespmem:s13+$0xFFFFFFA0];
	v29 =	vshll.u32 v29, v1  }
.LBB2_15:
0x325: {  	p0 =	slt.u32 s16, $0x78;
	v28 =	vshrl.u32 v28, $0x3;
	[tilespmem:v25+s23+$0x0] =	vst.idx.msk $0xffff, v20;
	v20 =	vld [tilespmem:s13+$0xFFFFFFB0];
	v25 =	vadd.s32 v11, v27;
	v29 =	vbroadcast v29, $0x0  }
0x326: {  	v30 =	vmov s15;
	v28 =	vshll.u32 v28, v1;
	[tilespmem:v21+s23+$0x0] =	vst.idx.msk $0xffff, v17;
	v17 =	vld [tilespmem:s13+$0xFFFFFFC0];
	v21 =	vadd.s32 v12, v27  }
0x327: {  	s17 =	sadd.s32 $0x1, s15;
	v27 =	vshrl.u32 v30, $0x3;
	v28 =	vbroadcast v28, $0x0;
	[tilespmem:v23+s23+$0x0] =	vst.idx.msk $0xffff, v19;
	v19 =	vld [tilespmem:s13+$0xFFFFFFD0];
	v23 =	vadd.s32 v13, v29  }
0x328: {  	v30 =	vmov s17;
	v27 =	vshll.u32 v27, v1;
	[tilespmem:v26+s23+$0x0] =	vst.idx.msk $0xffff, v24;
	v24 =	vld [tilespmem:s13+$0xFFFFFFE0];
	v26 =	vadd.s32 v14, v29;
	s13 =	sadd.s32 $0x100, s13  }
0x329: {  	s17 =	sadd.s32 $0x2, s15;
	v27 =	vbroadcast v27, $0x0;
	v29 =	vshrl.u32 v30, $0x3;
	v30 =	vld [tilespmem:s13+$0xFFFFFFF0];
	v31 =	vadd.s32 v15, v28;
	[tilespmem:v22+s23+$0x0] =	vst.idx.msk $0xffff, v18  }
0x32a: {  	v18 =	vshll.u32 v29, v1;
	v22 =	vmov s17;
	v28 =	vadd.s32 v16, v28;
	v29 =	vld [tilespmem:s13+$0x0];
	[tilespmem:v25+s23+$0x0] =	vst.idx.msk $0xffff, v20  }
0x32b: {  	s17 =	sadd.s32 $0x3, s15;
	v25 =	vadd.s32 v0, v27;
	v18 =	vbroadcast v18, $0x0;
	v22 =	vshrl.u32 v22, $0x3;
	v20 =	vld [tilespmem:s13+$0xFFFFFF10];
	[tilespmem:v21+s23+$0x0] =	vst.idx.msk $0xffff, v17  }
0x32c: {  	v21 =	vadd.s32 v2, v27;
	v22 =	vshll.u32 v22, v1;
	v27 =	vmov s17;
	v17 =	vld [tilespmem:s13+$0xFFFFFF20];
	[tilespmem:v23+s23+$0x0] =	vst.idx.msk $0xffff, v19  }
0x32d: {  	s17 =	sadd.s32 $0x4, s15;
	v23 =	vadd.s32 v3, v18;
	v22 =	vbroadcast v22, $0x0;
	v27 =	vshrl.u32 v27, $0x3;
	v19 =	vld [tilespmem:s13+$0xFFFFFF30];
	[tilespmem:v26+s23+$0x0] =	vst.idx.msk $0xffff, v24  }
0x32e: {  	v18 =	vadd.s32 v4, v18;
	v26 =	vshll.u32 v27, v1;
	v27 =	vmov s17;
	v24 =	vld [tilespmem:s13+$0xFFFFFF40];
	[tilespmem:v31+s23+$0x0] =	vst.idx.msk $0xffff, v30  }
0x32f: {  	s17 =	sadd.s32 $0x5, s15;
	v31 =	vadd.s32 v5, v22;
	v26 =	vbroadcast v26, $0x0;
	v27 =	vshrl.u32 v27, $0x3;
	v30 =	vld [tilespmem:s13+$0xFFFFFF50];
	[tilespmem:v28+s23+$0x0] =	vst.idx.msk $0xffff, v29  }
.Ltmp6:
0x330: {  	[tilespmem:v25+s23+$0x0] =	vst.idx.msk $0xffff, v20;
	v20 =	vld [tilespmem:s13+$0xFFFFFF60];
	v25 =	vadd.s32 v6, v22;
	v22 =	vshll.u32 v27, v1;
	v27 =	vmov s17;
	(pc) =	sbr.rel @p0 .LBB2_15-.Ltmp6, $4  }
0x331: {  	s17 =	sadd.s32 $0x6, s15;
	s15 =	smov.u32 s16;
	[tilespmem:v21+s23+$0x0] =	vst.idx.msk $0xffff, v17;
	v17 =	vld [tilespmem:s13+$0xFFFFFF70];
	v21 =	vadd.s32 v7, v26;
	v22 =	vbroadcast v22, $0x0;
	v27 =	vshrl.u32 v27, $0x3  }
0x332: {  	v28 =	vmov s17;
	[tilespmem:v23+s23+$0x0] =	vst.idx.msk $0xffff, v19;
	v19 =	vld [tilespmem:s13+$0xFFFFFF80];
	v23 =	vadd.s32 v8, v26;
	v27 =	vshll.u32 v27, v1  }
0x333: {  	s17 =	sadd.s32 $0x7, s16;
	v29 =	vshrl.u32 v28, $0x3;
	[tilespmem:v18+s23+$0x0] =	vst.idx.msk $0xffff, v24;
	v24 =	vld [tilespmem:s13+$0xFFFFFF90];
	v26 =	vadd.s32 v9, v22;
	v27 =	vbroadcast v27, $0x0  }
0x334: {  	s16 =	sadd.s32 $0x8, s16;
	v28 =	vmov s17;
	v22 =	vadd.s32 v10, v22;
	v29 =	vshll.u32 v29, v1;
	[tilespmem:v31+s23+$0x0] =	vst.idx.msk $0xffff, v30;
	v18 =	vld [tilespmem:s13+$0xFFFFFFA0]  }
0x335: {  	_ =	sdelay $0x3  }
0x336: {  	v28 =	vshrl.u32 v28, $0x3;
	[tilespmem:v25+s23+$0x0] =	vst.idx.msk $0xffff, v20;
	v20 =	vld [tilespmem:s13+$0xFFFFFFB0];
	v25 =	vadd.s32 v11, v27;
	v29 =	vbroadcast v29, $0x0  }
0x337: {  	v30 =	vmov s15;
	v28 =	vshll.u32 v28, v1;
	[tilespmem:v21+s23+$0x0] =	vst.idx.msk $0xffff, v17;
	v17 =	vld [tilespmem:s13+$0xFFFFFFC0];
	v21 =	vadd.s32 v12, v27  }
0x338: {  	s16 =	sadd.s32 $0x1, s15;
	v27 =	vshrl.u32 v30, $0x3;
	v28 =	vbroadcast v28, $0x0;
	[tilespmem:v23+s23+$0x0] =	vst.idx.msk $0xffff, v19;
	v19 =	vld [tilespmem:s13+$0xFFFFFFD0];
	v23 =	vadd.s32 v13, v29  }
0x339: {  	v30 =	vmov s16;
	v27 =	vshll.u32 v27, v1;
	[tilespmem:v26+s23+$0x0] =	vst.idx.msk $0xffff, v24;
	v24 =	vld [tilespmem:s13+$0xFFFFFFE0];
	v26 =	vadd.s32 v14, v29;
	s13 =	sadd.s32 $0x100, s13  }
0x33a: {  	s17 =	sadd.s32 $0x2, s15;
	v27 =	vbroadcast v27, $0x0;
	v29 =	vshrl.u32 v30, $0x3;
	v30 =	vld [tilespmem:s13+$0xFFFFFFF0];
	v31 =	vadd.s32 v15, v28;
	[tilespmem:v22+s23+$0x0] =	vst.idx.msk $0xffff, v18  }
0x33b: {  	v18 =	vshll.u32 v29, v1;
	v22 =	vmov s17;
	v29 =	vld [tilespmem:s13+$0x0];
	v28 =	vadd.s32 v16, v28;
	[tilespmem:v25+s23+$0x0] =	vst.idx.msk $0xffff, v20  }
0x33c: {  	s17 =	sadd.s32 $0x3, s15;
	v20 =	vld [tilespmem:s13+$0xFFFFFF10];
	v25 =	vadd.s32 v0, v27;
	v18 =	vbroadcast v18, $0x0;
	v22 =	vshrl.u32 v22, $0x3;
	[tilespmem:v21+s23+$0x0] =	vst.idx.msk $0xffff, v17  }
0x33d: {  	v17 =	vld [tilespmem:s13+$0xFFFFFF20];
	v21 =	vadd.s32 v2, v27;
	v22 =	vshll.u32 v22, v1;
	v27 =	vmov s17;
	[tilespmem:v23+s23+$0x0] =	vst.idx.msk $0xffff, v19  }
0x33e: {  	s17 =	sadd.s32 $0x4, s15;
	v19 =	vld [tilespmem:s13+$0xFFFFFF30];
	v23 =	vadd.s32 v3, v18;
	v22 =	vbroadcast v22, $0x0;
	v27 =	vshrl.u32 v27, $0x3;
	[tilespmem:v26+s23+$0x0] =	vst.idx.msk $0xffff, v24  }
0x33f: {  	v18 =	vadd.s32 v4, v18;
	v24 =	vld [tilespmem:s13+$0xFFFFFF40];
	v26 =	vshll.u32 v27, v1;
	v27 =	vmov s17;
	[tilespmem:v31+s23+$0x0] =	vst.idx.msk $0xffff, v30  }
0x340: {  	s17 =	sadd.s32 $0x5, s15;
	v30 =	vld [tilespmem:s13+$0xFFFFFF50];
	v31 =	vadd.s32 v5, v22;
	v26 =	vbroadcast v26, $0x0;
	v27 =	vshrl.u32 v27, $0x3;
	[tilespmem:v28+s23+$0x0] =	vst.idx.msk $0xffff, v29  }
0x341: {  	v22 =	vadd.s32 v6, v22;
	v28 =	vmov s17;
	[tilespmem:v25+s23+$0x0] =	vst.idx.msk $0xffff, v20;
	v20 =	vld [tilespmem:s13+$0xFFFFFF60];
	v25 =	vshll.u32 v27, v1  }
0x342: {  	s17 =	sadd.s32 $0x6, s15;
	[tilespmem:v21+s23+$0x0] =	vst.idx.msk $0xffff, v17;
	v17 =	vld [tilespmem:s13+$0xFFFFFF70];
	v21 =	vadd.s32 v7, v26;
	v25 =	vbroadcast v25, $0x0;
	v27 =	vshrl.u32 v28, $0x3  }
0x343: {  	[tilespmem:v23+s23+$0x0] =	vst.idx.msk $0xffff, v19;
	v19 =	vld [tilespmem:s13+$0xFFFFFF80];
	v23 =	vadd.s32 v8, v26;
	v26 =	vshll.u32 v27, v1;
	v27 =	vmov s17  }
0x344: {  	[tilespmem:v18+s23+$0x0] =	vst.idx.msk $0xffff, v24;
	v18 =	vld [tilespmem:s13+$0xFFFFFF90];
	v24 =	vadd.s32 v9, v25;
	v26 =	vbroadcast v26, $0x0;
	v27 =	vshrl.u32 v27, $0x3  }
0x345: {  	v28 =	vld [tilespmem:s13+$0xFFFFFFA0];
	v25 =	vadd.s32 v10, v25;
	[tilespmem:v31+s23+$0x0] =	vst.idx.msk $0xffff, v30;
	v27 =	vshll.u32 v27, v1  }
0x346: {  	[tilespmem:v22+s23+$0x0] =	vst.idx.msk $0xffff, v20;
	v20 =	vld [tilespmem:s13+$0xFFFFFFB0];
	v22 =	vadd.s32 v11, v26;
	v27 =	vbroadcast v27, $0x0  }
0x347: {  	[tilespmem:v21+s23+$0x0] =	vst.idx.msk $0xffff, v17;
	v17 =	vld [tilespmem:s13+$0xFFFFFFC0];
	v21 =	vadd.s32 v12, v26  }
0x348: {  	[tilespmem:v23+s23+$0x0] =	vst.idx.msk $0xffff, v19;
	v19 =	vld [tilespmem:s13+$0xFFFFFFD0];
	v23 =	vadd.s32 v13, v27  }
0x349: {  	[tilespmem:v24+s23+$0x0] =	vst.idx.msk $0xffff, v18;
	v18 =	vld [tilespmem:s13+$0xFFFFFFE0];
	v24 =	vadd.s32 v14, v27  }
0x34a: {  	[tilespmem:v25+s23+$0x0] =	vst.idx.msk $0xffff, v28  }
0x34b: {  	s6 =	sshll.u32 s6, $0x11;
	[tilespmem:v22+s23+$0x0] =	vst.idx.msk $0xffff, v20  }
0x34c: {  	s6 =	sor.u32 s4, s6;
	[tilespmem:v21+s23+$0x0] =	vst.idx.msk $0xffff, v17  }
0x34d: {  	s6 =	sshrl.u32 s6, $0x3;
	[tilespmem:v23+s23+$0x0] =	vst.idx.msk $0xffff, v19  }
0x34e: {  	s13 =	sadd.s32 s2, s6;
	[tilespmem:v24+s23+$0x0] =	vst.idx.msk $0xffff, v18  }
0x34f: {  	[hbm4b:s13+s3] =	stream.linear.scatter [tilespmem:s23], [sflag:$0x2], $0x80, $0x38;
	[tilespmem:$0xE800] =	vst v63  }
0x350: {  	s17 =	simm.s32 $0xC688;
	s16 =	sadd.s32 $0x10, s13  }
0x351: {  	[hbm4b:s16+s3] =	stream.linear.scatter [tilespmem:s17], [sflag:$0x2], $0x80, $0x38;
	[tilespmem:$0xE800] =	vst v63  }
0x352: {  	s16 =	sadd.s32 $0x20, s13;
	s17 =	simm.s32 $0xC710  }
0x353: {  	[hbm4b:s16+s3] =	stream.linear.scatter [tilespmem:s17], [sflag:$0x2], $0x80, $0x38;
	[tilespmem:$0xE800] =	vst v63  }
0x354: {  	s16 =	sadd.s32 $0x30, s13;
	s17 =	simm.s32 $0xC798  }
0x355: {  	[hbm4b:s16+s3] =	stream.linear.scatter [tilespmem:s17], [sflag:$0x2], $0x80, $0x38;
	[tilespmem:$0xE800] =	vst v63  }
0x356: {  	s16 =	sadd.s32 $0x40, s13;
	s17 =	simm.s32 $0xC820  }
0x357: {  	[hbm4b:s16+s3] =	stream.linear.scatter [tilespmem:s17], [sflag:$0x2], $0x80, $0x38;
	[tilespmem:$0xE800] =	vst v63  }
0x358: {  	s16 =	sadd.s32 $0x50, s13;
	s17 =	simm.s32 $0xC8A8  }
0x359: {  	[hbm4b:s16+s3] =	stream.linear.scatter [tilespmem:s17], [sflag:$0x2], $0x80, $0x38;
	[tilespmem:$0xE800] =	vst v63  }
0x35a: {  	s16 =	sadd.s32 $0x60, s13;
	s17 =	simm.s32 $0xC930  }
0x35b: {  	[hbm4b:s16+s3] =	stream.linear.scatter [tilespmem:s17], [sflag:$0x2], $0x80, $0x38;
	[tilespmem:$0xE800] =	vst v63  }
0x35c: {  	s13 =	sadd.s32 $0x70, s13;
	s16 =	simm.s32 $0xC9B8  }
0x35d: {  	[hbm4b:s13+s3] =	stream.linear.scatter [tilespmem:s16], [sflag:$0x2], $0x80, $0x38;
	[tilespmem:$0xE800] =	vst v63  }
0x35e: {  	s17 =	simm.s32 $0xCA40;
	s13 =	sadd.s32 s6, s7  }
0x35f: {  	[hbm4b:s13+s3] =	stream.linear.scatter [tilespmem:s17], [sflag:$0x2], $0x80, $0x38;
	[tilespmem:$0xE800] =	vst v63  }
0x360: {  	s16 =	sadd.s32 $0x10, s13;
	s17 =	simm.s32 $0xCAC8  }
0x361: {  	[hbm4b:s16+s3] =	stream.linear.scatter [tilespmem:s17], [sflag:$0x2], $0x80, $0x38;
	[tilespmem:$0xE800] =	vst v63  }
0x362: {  	s16 =	sadd.s32 $0x20, s13;
	s17 =	simm.s32 $0xCB50  }
0x363: {  	[hbm4b:s16+s3] =	stream.linear.scatter [tilespmem:s17], [sflag:$0x2], $0x80, $0x38;
	[tilespmem:$0xE800] =	vst v63  }
0x364: {  	s16 =	sadd.s32 $0x30, s13;
	s17 =	simm.s32 $0xCBD8  }
0x365: {  	[hbm4b:s16+s3] =	stream.linear.scatter [tilespmem:s17], [sflag:$0x2], $0x80, $0x38;
	[tilespmem:$0xE800] =	vst v63  }
0x366: {  	s16 =	sadd.s32 $0x40, s13;
	s17 =	simm.s32 $0xCC60  }
0x367: {  	[hbm4b:s16+s3] =	stream.linear.scatter [tilespmem:s17], [sflag:$0x2], $0x80, $0x38;
	[tilespmem:$0xE800] =	vst v63  }
0x368: {  	s16 =	sadd.s32 $0x50, s13;
	s17 =	simm.s32 $0xCCE8  }
0x369: {  	[hbm4b:s16+s3] =	stream.linear.scatter [tilespmem:s17], [sflag:$0x2], $0x80, $0x38;
	[tilespmem:$0xE800] =	vst v63  }
0x36a: {  	s16 =	sadd.s32 $0x60, s13;
	s17 =	simm.s32 $0xCD70  }
0x36b: {  	[hbm4b:s16+s3] =	stream.linear.scatter [tilespmem:s17], [sflag:$0x2], $0x80, $0x38;
	[tilespmem:$0xE800] =	vst v63  }
0x36c: {  	s13 =	sadd.s32 $0x70, s13;
	s16 =	simm.s32 $0xCDF8  }
0x36d: {  	[hbm4b:s13+s3] =	stream.linear.scatter [tilespmem:s16], [sflag:$0x2], $0x80, $0x38;
	[tilespmem:$0xE800] =	vst v63  }
0x36e: {  	s17 =	simm.s32 $0xCE80;
	s13 =	sadd.s32 s6, s8  }
0x36f: {  	[hbm4b:s13+s3] =	stream.linear.scatter [tilespmem:s17], [sflag:$0x2], $0x80, $0x38;
	[tilespmem:$0xE800] =	vst v63  }
0x370: {  	s16 =	sadd.s32 $0x10, s13;
	s17 =	simm.s32 $0xCF08  }
0x371: {  	[hbm4b:s16+s3] =	stream.linear.scatter [tilespmem:s17], [sflag:$0x2], $0x80, $0x38;
	[tilespmem:$0xE800] =	vst v63  }
0x372: {  	s16 =	sadd.s32 $0x20, s13;
	s17 =	simm.s32 $0xCF90  }
0x373: {  	[hbm4b:s16+s3] =	stream.linear.scatter [tilespmem:s17], [sflag:$0x2], $0x80, $0x38;
	[tilespmem:$0xE800] =	vst v63  }
0x374: {  	s16 =	sadd.s32 $0x30, s13;
	s17 =	simm.s32 $0xD018  }
0x375: {  	[hbm4b:s16+s3] =	stream.linear.scatter [tilespmem:s17], [sflag:$0x2], $0x80, $0x38;
	[tilespmem:$0xE800] =	vst v63  }
0x376: {  	s16 =	sadd.s32 $0x40, s13;
	s17 =	simm.s32 $0xD0A0  }
0x377: {  	[hbm4b:s16+s3] =	stream.linear.scatter [tilespmem:s17], [sflag:$0x2], $0x80, $0x38;
	[tilespmem:$0xE800] =	vst v63  }
0x378: {  	s16 =	sadd.s32 $0x50, s13;
	s17 =	simm.s32 $0xD128  }
0x379: {  	[hbm4b:s16+s3] =	stream.linear.scatter [tilespmem:s17], [sflag:$0x2], $0x80, $0x38;
	[tilespmem:$0xE800] =	vst v63  }
0x37a: {  	s16 =	sadd.s32 $0x60, s13;
	s17 =	simm.s32 $0xD1B0  }
0x37b: {  	[hbm4b:s16+s3] =	stream.linear.scatter [tilespmem:s17], [sflag:$0x2], $0x80, $0x38;
	[tilespmem:$0xE800] =	vst v63  }
0x37c: {  	s13 =	sadd.s32 $0x70, s13;
	s17 =	simm.s32 $0xD238  }
0x37d: {  	[hbm4b:s13+s3] =	stream.linear.scatter [tilespmem:s17], [sflag:$0x2], $0x80, $0x38;
	[tilespmem:$0xE800] =	vst v63  }
0x37e: {  	s15 =	simm.s32 $0xD2C0;
	s6 =	sadd.s32 s6, s9  }
0x37f: {  	[hbm4b:s6+s3] =	stream.linear.scatter [tilespmem:s15], [sflag:$0x2], $0x80, $0x38;
	[tilespmem:$0xE800] =	vst v63  }
0x380: {  	s16 =	sadd.s32 $0x10, s6;
	s17 =	simm.s32 $0xD348  }
0x381: {  	[hbm4b:s16+s3] =	stream.linear.scatter [tilespmem:s17], [sflag:$0x2], $0x80, $0x38;
	[tilespmem:$0xE800] =	vst v63  }
0x382: {  	s16 =	sadd.s32 $0x20, s6;
	s17 =	simm.s32 $0xD3D0  }
0x383: {  	[hbm4b:s16+s3] =	stream.linear.scatter [tilespmem:s17], [sflag:$0x2], $0x80, $0x38;
	[tilespmem:$0xE800] =	vst v63  }
0x384: {  	s16 =	sadd.s32 $0x30, s6;
	s17 =	simm.s32 $0xD458  }
0x385: {  	[hbm4b:s16+s3] =	stream.linear.scatter [tilespmem:s17], [sflag:$0x2], $0x80, $0x38;
	[tilespmem:$0xE800] =	vst v63  }
0x386: {  	s16 =	sadd.s32 $0x40, s6;
	s17 =	simm.s32 $0xD4E0  }
0x387: {  	[hbm4b:s16+s3] =	stream.linear.scatter [tilespmem:s17], [sflag:$0x2], $0x80, $0x38;
	[tilespmem:$0xE800] =	vst v63  }
0x388: {  	s16 =	sadd.s32 $0x50, s6;
	s17 =	simm.s32 $0xD568  }
0x389: {  	[hbm4b:s16+s3] =	stream.linear.scatter [tilespmem:s17], [sflag:$0x2], $0x80, $0x38;
	[tilespmem:$0xE800] =	vst v63  }
0x38a: {  	s15 =	sadd.s32 $0x60, s6;
	s16 =	simm.s32 $0xD5F0  }
0x38b: {  	[hbm4b:s15+s3] =	stream.linear.scatter [tilespmem:s16], [sflag:$0x2], $0x80, $0x38;
	[tilespmem:$0xE800] =	vst v63  }
0x38c: {  	s6 =	sadd.s32 $0x70, s6;
	s17 =	simm.s32 $0xD678  }
0x38d: {  	[hbm4b:s6+s3] =	stream.linear.scatter [tilespmem:s17], [sflag:$0x2], $0x80, $0x38;
	[tilespmem:$0xE800] =	vst v63  }
0x38e: {  	s6 =	sor.u32 $0x7, s12  }
0x38f: {  	p0 =	sgt.u32 s6, $0xC4  }
0x390: {  	s12 =	sshll.u32 @!p0 s11, $0xA  }
0x391: {  	s12 =	sand.u32 @!p0 $0x3FFFFC00, s12  }
0x392: {  	s13 =	simm.s32 @!p0 $0x80;
	s15 =	simm.s32 @!p0 $0x8400;
	s12 =	sor.u32 @!p0 $0x100, s12  }
0x393: {  	[tilespmem:s15], [sflag:$0x1] =	stream.indirect.gather @!p0 [hbm4b:s5+s13], $0x20, s12, s13, $0xb8;
	[tilespmem:$0xE800] =	vst v63  }
0x394: {  	s15 =	simm.s32 $0x7;
	_ =	swait.ge [sflag:s20], $0x1000  }
0x395: {  	s16 =	simm.s32 $0x0;
	v17 =	vmov s15;
	[sflag:s20] =	ssyncset.done $0x0  }
0x396: {  	v18 =	vmov s16;
	v17 =	vshrl.u32 v17, $0x3;
	[sflag:s20] =	ssyncadd.s32 $0xFFFFF000  }
0x397: {  	v18 =	vshrl.u32 v18, $0x3;
	v17 =	vshll.u32 v17, v1;
	_ =	swait.ge [sflag:s0], $0x1000  }
0x398: {  	s17 =	simm.s32 $0x1;
	v18 =	vshll.u32 v18, v1;
	v17 =	vbroadcast v17, $0x0;
	[sflag:s0] =	ssyncset.done $0x0  }
0x399: {  	v19 =	vmov s17;
	v18 =	vbroadcast v18, $0x0;
	s12 =	simm.s32 $0x94F0;
	s15 =	simm.s32 $0x2;
	[sflag:s0] =	ssyncadd.s32 $0xFFFFF000  }
0x39a: {  	v19 =	vshrl.u32 v19, $0x3;
	v22 =	vmov s15;
	v21 =	vadd.s32 v15, v17;
	v20 =	vld [tilespmem:s12+$0xFFFFFFF0]  }
0x39b: {  	v19 =	vshll.u32 v19, v1;
	v25 =	vadd.s32 v0, v18;
	v22 =	vshrl.u32 v22, $0x3;
	v24 =	vld [tilespmem:s12+$0xFFFFFF10]  }
0x39c: {  	s16 =	simm.s32 $0x3;
	v19 =	vbroadcast v19, $0x0;
	v22 =	vshll.u32 v22, v1;
	v17 =	vadd.s32 v16, v17;
	v23 =	vld [tilespmem:s12+$0x0]  }
0x39d: {  	v27 =	vmov s16;
	v18 =	vadd.s32 v2, v18;
	v22 =	vbroadcast v22, $0x0;
	v26 =	vld [tilespmem:s12+$0xFFFFFF20]  }
0x39e: {  	v27 =	vshrl.u32 v27, $0x3;
	s17 =	simm.s32 $0x4;
	v29 =	vadd.s32 v3, v19;
	v31 =	vadd.s32 v4, v19;
	v28 =	vld [tilespmem:s12+$0xFFFFFF30]  }
0x39f: {  	v19 =	vshll.u32 v27, v1;
	v27 =	vmov s17;
	v32 =	vld [tilespmem:s12+$0xFFFFFF50];
	v33 =	vadd.s32 v5, v22;
	[tilespmem:v21+s10+$0x0] =	vst.idx.msk $0xffff, v20  }
0x3a0: {  	v34 =	vbroadcast v19, $0x0;
	v19 =	vshrl.u32 v27, $0x3;
	s15 =	simm.s32 $0x5;
	v30 =	vld [tilespmem:s12+$0xFFFFFF40];
	[tilespmem:v25+s10+$0x0] =	vst.idx.msk $0xffff, v24  }
0x3a1: {  	v19 =	vshll.u32 v19, v1;
	v20 =	vld [tilespmem:s12+$0xFFFFFF60];
	v25 =	vadd.s32 v6, v22;
	v22 =	vmov s15;
	[tilespmem:v17+s10+$0x0] =	vst.idx.msk $0xffff, v23  }
0x3a2: {  	s16 =	simm.s32 $0x6;
	v35 =	vbroadcast v19, $0x0;
	v21 =	vadd.s32 v7, v34;
	[tilespmem:v18+s10+$0x0] =	vst.idx.msk $0xffff, v26;
	v17 =	vld [tilespmem:s12+$0xFFFFFF70];
	v18 =	vshrl.u32 v22, $0x3  }
0x3a3: {  	v19 =	vld [tilespmem:s12+$0xFFFFFF80];
	[tilespmem:v29+s10+$0x0] =	vst.idx.msk $0xffff, v28;
	v23 =	vadd.s32 v8, v34;
	v22 =	vmov s16;
	v18 =	vshll.u32 v18, v1  }
0x3a4: {  	s17 =	simm.s32 $0xF;
	v24 =	vld [tilespmem:s12+$0xFFFFFF90];
	[tilespmem:v33+s10+$0x0] =	vst.idx.msk $0xffff, v32;
	v26 =	vadd.s32 v9, v35;
	v29 =	vshrl.u32 v22, $0x3;
	v27 =	vbroadcast v18, $0x0  }
0x3a5: {  	s13 =	simm.s32 $0x8;
	v28 =	vmov s17;
	s15 =	simm.s32 $0x10;
	[tilespmem:v31+s10+$0x0] =	vst.idx.msk $0xffff, v30;
	v22 =	vadd.s32 v10, v35;
	v18 =	vld [tilespmem:s12+$0xFFFFFFA0];
	v29 =	vshll.u32 v29, v1  }
.LBB2_17:
0x3a6: {  	p0 =	slt.u32 s15, $0x78;
	v28 =	vshrl.u32 v28, $0x3;
	[tilespmem:v25+s10+$0x0] =	vst.idx.msk $0xffff, v20;
	v20 =	vld [tilespmem:s12+$0xFFFFFFB0];
	v25 =	vadd.s32 v11, v27;
	v29 =	vbroadcast v29, $0x0  }
0x3a7: {  	v30 =	vmov s13;
	v28 =	vshll.u32 v28, v1;
	[tilespmem:v21+s10+$0x0] =	vst.idx.msk $0xffff, v17;
	v17 =	vld [tilespmem:s12+$0xFFFFFFC0];
	v21 =	vadd.s32 v12, v27  }
0x3a8: {  	s16 =	sadd.s32 $0x1, s13;
	v27 =	vshrl.u32 v30, $0x3;
	v28 =	vbroadcast v28, $0x0;
	[tilespmem:v23+s10+$0x0] =	vst.idx.msk $0xffff, v19;
	v19 =	vld [tilespmem:s12+$0xFFFFFFD0];
	v23 =	vadd.s32 v13, v29  }
0x3a9: {  	v30 =	vmov s16;
	v27 =	vshll.u32 v27, v1;
	[tilespmem:v26+s10+$0x0] =	vst.idx.msk $0xffff, v24;
	v24 =	vld [tilespmem:s12+$0xFFFFFFE0];
	v26 =	vadd.s32 v14, v29;
	s12 =	sadd.s32 $0x100, s12  }
0x3aa: {  	s16 =	sadd.s32 $0x2, s13;
	v27 =	vbroadcast v27, $0x0;
	v29 =	vshrl.u32 v30, $0x3;
	v30 =	vld [tilespmem:s12+$0xFFFFFFF0];
	v31 =	vadd.s32 v15, v28;
	[tilespmem:v22+s10+$0x0] =	vst.idx.msk $0xffff, v18  }
0x3ab: {  	v18 =	vshll.u32 v29, v1;
	v22 =	vmov s16;
	v28 =	vadd.s32 v16, v28;
	v29 =	vld [tilespmem:s12+$0x0];
	[tilespmem:v25+s10+$0x0] =	vst.idx.msk $0xffff, v20  }
0x3ac: {  	s16 =	sadd.s32 $0x3, s13;
	v25 =	vadd.s32 v0, v27;
	v18 =	vbroadcast v18, $0x0;
	v22 =	vshrl.u32 v22, $0x3;
	v20 =	vld [tilespmem:s12+$0xFFFFFF10];
	[tilespmem:v21+s10+$0x0] =	vst.idx.msk $0xffff, v17  }
0x3ad: {  	v21 =	vadd.s32 v2, v27;
	v22 =	vshll.u32 v22, v1;
	v27 =	vmov s16;
	v17 =	vld [tilespmem:s12+$0xFFFFFF20];
	[tilespmem:v23+s10+$0x0] =	vst.idx.msk $0xffff, v19  }
0x3ae: {  	s16 =	sadd.s32 $0x4, s13;
	v23 =	vadd.s32 v3, v18;
	v22 =	vbroadcast v22, $0x0;
	v27 =	vshrl.u32 v27, $0x3;
	v19 =	vld [tilespmem:s12+$0xFFFFFF30];
	[tilespmem:v26+s10+$0x0] =	vst.idx.msk $0xffff, v24  }
0x3af: {  	v18 =	vadd.s32 v4, v18;
	v26 =	vshll.u32 v27, v1;
	v27 =	vmov s16;
	v24 =	vld [tilespmem:s12+$0xFFFFFF40];
	[tilespmem:v31+s10+$0x0] =	vst.idx.msk $0xffff, v30  }
0x3b0: {  	s16 =	sadd.s32 $0x5, s13;
	v31 =	vadd.s32 v5, v22;
	v26 =	vbroadcast v26, $0x0;
	v27 =	vshrl.u32 v27, $0x3;
	v30 =	vld [tilespmem:s12+$0xFFFFFF50];
	[tilespmem:v28+s10+$0x0] =	vst.idx.msk $0xffff, v29  }
.Ltmp7:
0x3b1: {  	[tilespmem:v25+s10+$0x0] =	vst.idx.msk $0xffff, v20;
	v20 =	vld [tilespmem:s12+$0xFFFFFF60];
	v25 =	vadd.s32 v6, v22;
	v22 =	vshll.u32 v27, v1;
	v27 =	vmov s16;
	(pc) =	sbr.rel @p0 .LBB2_17-.Ltmp7, $4  }
0x3b2: {  	s16 =	sadd.s32 $0x6, s13;
	s13 =	smov.u32 s15;
	[tilespmem:v21+s10+$0x0] =	vst.idx.msk $0xffff, v17;
	v17 =	vld [tilespmem:s12+$0xFFFFFF70];
	v21 =	vadd.s32 v7, v26;
	v22 =	vbroadcast v22, $0x0;
	v27 =	vshrl.u32 v27, $0x3  }
0x3b3: {  	v28 =	vmov s16;
	[tilespmem:v23+s10+$0x0] =	vst.idx.msk $0xffff, v19;
	v19 =	vld [tilespmem:s12+$0xFFFFFF80];
	v23 =	vadd.s32 v8, v26;
	v27 =	vshll.u32 v27, v1  }
0x3b4: {  	s16 =	sadd.s32 $0x7, s15;
	v29 =	vshrl.u32 v28, $0x3;
	[tilespmem:v18+s10+$0x0] =	vst.idx.msk $0xffff, v24;
	v24 =	vld [tilespmem:s12+$0xFFFFFF90];
	v26 =	vadd.s32 v9, v22;
	v27 =	vbroadcast v27, $0x0  }
0x3b5: {  	s15 =	sadd.s32 $0x8, s15;
	v28 =	vmov s16;
	v22 =	vadd.s32 v10, v22;
	v29 =	vshll.u32 v29, v1;
	[tilespmem:v31+s10+$0x0] =	vst.idx.msk $0xffff, v30;
	v18 =	vld [tilespmem:s12+$0xFFFFFFA0]  }
0x3b6: {  	_ =	sdelay $0x2  }
0x3b7: {  	v28 =	vshrl.u32 v28, $0x3  }
0x3b8: {  	[tilespmem:v25+s10+$0x0] =	vst.idx.msk $0xffff, v20;
	v58 =	vld [tilespmem:s12+$0xFFFFFFB0];
	v59 =	vadd.s32 v11, v27;
	v29 =	vbroadcast v29, $0x0;
	v30 =	vmov s13  }
0x3b9: {  	v60 =	vadd.s32 v12, v27;
	s15 =	sadd.s32 $0x1, s13;
	v28 =	vshll.u32 v28, v1;
	[tilespmem:v21+s10+$0x0] =	vst.idx.msk $0xffff, v17;
	v17 =	vld [tilespmem:s12+$0xFFFFFFC0];
	v61 =	vshrl.u32 v30, $0x3  }
0x3ba: {  	s17 =	sadd.s32 $0x2, s13;
	v63 =	vmov s15;
	v28 =	vbroadcast v28, $0x0;
	[tilespmem:v23+s10+$0x0] =	vst.idx.msk $0xffff, v19;
	v19 =	vld [tilespmem:s12+$0xFFFFFFD0];
	v62 =	vadd.s32 v13, v29  }
0x3bb: {  	v33 =	vld [tilespmem:s12+$0xFFFFFFE0];
	v37 =	vmov s17;
	v27 =	vshll.u32 v61, v1;
	v34 =	vadd.s32 v14, v29;
	s12 =	sadd.s32 $0x100, s12;
	[tilespmem:v26+s10+$0x0] =	vst.idx.msk $0xffff, v24  }
0x3bc: {  	s16 =	sadd.s32 $0x3, s13;
	v35 =	vshrl.u32 v63, $0x3;
	v27 =	vbroadcast v27, $0x0;
	v36 =	vld [tilespmem:s12+$0xFFFFFFF0];
	v31 =	vadd.s32 v15, v28;
	[tilespmem:v22+s10+$0x0] =	vst.idx.msk $0xffff, v18  }
0x3bd: {  	v42 =	vmov s16;
	v38 =	vld [tilespmem:s12+$0x0];
	v18 =	vshll.u32 v35, v1;
	v28 =	vadd.s32 v16, v28;
	[tilespmem:v59+s10+$0x0] =	vst.idx.msk $0xffff, v58  }
0x3be: {  	s17 =	sadd.s32 $0x4, s13;
	v39 =	vld [tilespmem:s12+$0xFFFFFF10];
	v22 =	vshrl.u32 v37, $0x3;
	v40 =	vadd.s32 v0, v27;
	v18 =	vbroadcast v18, $0x0;
	[tilespmem:v60+s10+$0x0] =	vst.idx.msk $0xffff, v17  }
0x3bf: {  	v46 =	vmov s17;
	v41 =	vadd.s32 v2, v27;
	v22 =	vshll.u32 v22, v1;
	v17 =	vld [tilespmem:s12+$0xFFFFFF20];
	[tilespmem:v62+s10+$0x0] =	vst.idx.msk $0xffff, v19  }
0x3c0: {  	s16 =	sadd.s32 $0x5, s13;
	v27 =	vshrl.u32 v42, $0x3;
	v22 =	vbroadcast v22, $0x0;
	v19 =	vld [tilespmem:s12+$0xFFFFFF30];
	v43 =	vadd.s32 v3, v18;
	[tilespmem:v34+s10+$0x0] =	vst.idx.msk $0xffff, v33  }
0x3c1: {  	v49 =	vmov s16;
	v44 =	vld [tilespmem:s12+$0xFFFFFF40];
	v45 =	vshll.u32 v27, v1;
	v18 =	vadd.s32 v4, v18;
	[tilespmem:v31+s10+$0x0] =	vst.idx.msk $0xffff, v36  }
0x3c2: {  	v47 =	vld [tilespmem:s12+$0xFFFFFF50];
	v27 =	vshrl.u32 v46, $0x3;
	v26 =	vbroadcast v45, $0x0;
	v48 =	vadd.s32 v5, v22;
	[tilespmem:v28+s10+$0x0] =	vst.idx.msk $0xffff, v38  }
0x3c3: {  	v50 =	vld [tilespmem:s12+$0xFFFFFF60];
	v53 =	vshrl.u32 v49, $0x3;
	v51 =	vshll.u32 v27, v1;
	v22 =	vadd.s32 v6, v22;
	[tilespmem:v40+s10+$0x0] =	vst.idx.msk $0xffff, v39  }
0x3c4: {  	s17 =	sadd.s32 $0x6, s13;
	v55 =	vshll.u32 v53, v1;
	v25 =	vbroadcast v51, $0x0;
	v52 =	vadd.s32 v7, v26;
	[tilespmem:v41+s10+$0x0] =	vst.idx.msk $0xffff, v17;
	v17 =	vld [tilespmem:s12+$0xFFFFFF70]  }
0x3c5: {  	v56 =	vmov s17;
	v54 =	vadd.s32 v8, v26;
	v26 =	vbroadcast v55, $0x0;
	[tilespmem:v43+s10+$0x0] =	vst.idx.msk $0xffff, v19;
	v19 =	vld [tilespmem:s12+$0xFFFFFF80]  }
0x3c6: {  	v27 =	vshrl.u32 v56, $0x3;
	v57 =	vadd.s32 v9, v25;
	[tilespmem:v18+s10+$0x0] =	vst.idx.msk $0xffff, v44;
	v18 =	vld [tilespmem:s12+$0xFFFFFF90]  }
0x3c7: {  	v59 =	vld [tilespmem:s12+$0xFFFFFFB0];
	v27 =	vshll.u32 v27, v1;
	v60 =	vadd.s32 v11, v26;
	[tilespmem:v48+s10+$0x0] =	vst.idx.msk $0xffff, v47  }
0x3c8: {  	v58 =	vld [tilespmem:s12+$0xFFFFFFA0];
	v27 =	vbroadcast v27, $0x0;
	v25 =	vadd.s32 v10, v25;
	[tilespmem:v22+s10+$0x0] =	vst.idx.msk $0xffff, v50  }
0x3c9: {  	v61 =	vadd.s32 v12, v26;
	[tilespmem:v52+s10+$0x0] =	vst.idx.msk $0xffff, v17;
	v17 =	vld [tilespmem:s12+$0xFFFFFFC0]  }
0x3ca: {  	v62 =	vadd.s32 v13, v27;
	[tilespmem:v54+s10+$0x0] =	vst.idx.msk $0xffff, v19;
	v19 =	vld [tilespmem:s12+$0xFFFFFFD0]  }
0x3cb: {  	v63 =	vadd.s32 v14, v27;
	[tilespmem:v57+s10+$0x0] =	vst.idx.msk $0xffff, v18;
	v18 =	vld [tilespmem:s12+$0xFFFFFFE0]  }
0x3cc: {  	[tilespmem:v60+s10+$0x0] =	vst.idx.msk $0xffff, v59  }
0x3cd: {  	s6 =	sshll.u32 s6, $0x11;
	[tilespmem:v25+s10+$0x0] =	vst.idx.msk $0xffff, v58  }
0x3ce: {  	s6 =	sor.u32 s4, s6;
	[tilespmem:v61+s10+$0x0] =	vst.idx.msk $0xffff, v17  }
0x3cf: {  	s6 =	sshrl.u32 s6, $0x3;
	[tilespmem:v62+s10+$0x0] =	vst.idx.msk $0xffff, v19  }
0x3d0: {  	s12 =	sadd.s32 s2, s6;
	[tilespmem:v63+s10+$0x0] =	vst.idx.msk $0xffff, v18  }
0x3d1: {  	[hbm4b:s12+s3] =	stream.linear.scatter [tilespmem:s10], [sflag:$0x2], $0x80, $0x38;
	[tilespmem:$0xE800] =	vst v63  }
0x3d2: {  	s16 =	simm.s32 $0xD788;
	s15 =	sadd.s32 $0x10, s12  }
0x3d3: {  	[hbm4b:s15+s3] =	stream.linear.scatter [tilespmem:s16], [sflag:$0x2], $0x80, $0x38;
	[tilespmem:$0xE800] =	vst v63  }
0x3d4: {  	s17 =	sadd.s32 $0x20, s12  }
0x3d5: {  	[hbm4b:s17+s3] =	stream.linear.scatter [tilespmem:s19], [sflag:$0x2], $0x80, $0x38;
	[tilespmem:$0xE800] =	vst v63  }
0x3d6: {  	s15 =	sadd.s32 $0x30, s12;
	s16 =	simm.s32 $0xD898  }
0x3d7: {  	[hbm4b:s15+s3] =	stream.linear.scatter [tilespmem:s16], [sflag:$0x2], $0x80, $0x38;
	[tilespmem:$0xE800] =	vst v63  }
0x3d8: {  	s17 =	sadd.s32 $0x40, s12  }
0x3d9: {  	[hbm4b:s17+s3] =	stream.linear.scatter [tilespmem:s22], [sflag:$0x2], $0x80, $0x38;
	[tilespmem:$0xE800] =	vst v63  }
0x3da: {  	s19 =	sadd.s32 $0x50, s12;
	s22 =	simm.s32 $0xD9A8  }
0x3db: {  	[hbm4b:s19+s3] =	stream.linear.scatter [tilespmem:s22], [sflag:$0x2], $0x80, $0x38;
	[tilespmem:$0xE800] =	vst v63  }
0x3dc: {  	s16 =	sadd.s32 $0x60, s12  }
0x3dd: {  	[hbm4b:s16+s3] =	stream.linear.scatter [tilespmem:s24], [sflag:$0x2], $0x80, $0x38;
	[tilespmem:$0xE800] =	vst v63  }
0x3de: {  	s12 =	sadd.s32 $0x70, s12;
	s17 =	simm.s32 $0xDAB8  }
0x3df: {  	[hbm4b:s12+s3] =	stream.linear.scatter [tilespmem:s17], [sflag:$0x2], $0x80, $0x38;
	[tilespmem:$0xE800] =	vst v63  }
0x3e0: {  	s19 =	simm.s32 $0xDB40;
	s12 =	sadd.s32 s6, s7  }
0x3e1: {  	[hbm4b:s12+s3] =	stream.linear.scatter [tilespmem:s19], [sflag:$0x2], $0x80, $0x38;
	[tilespmem:$0xE800] =	vst v63  }
0x3e2: {  	s24 =	simm.s32 $0xDBC8;
	s22 =	sadd.s32 $0x10, s12  }
0x3e3: {  	[hbm4b:s22+s3] =	stream.linear.scatter [tilespmem:s24], [sflag:$0x2], $0x80, $0x38;
	[tilespmem:$0xE800] =	vst v63  }
0x3e4: {  	s16 =	sadd.s32 $0x20, s12  }
0x3e5: {  	[hbm4b:s16+s3] =	stream.linear.scatter [tilespmem:s25], [sflag:$0x2], $0x80, $0x38;
	[tilespmem:$0xE800] =	vst v63  }
0x3e6: {  	s17 =	sadd.s32 $0x30, s12;
	s19 =	simm.s32 $0xDCD8  }
0x3e7: {  	[hbm4b:s17+s3] =	stream.linear.scatter [tilespmem:s19], [sflag:$0x2], $0x80, $0x38;
	[tilespmem:$0xE800] =	vst v63  }
0x3e8: {  	s22 =	sadd.s32 $0x40, s12  }
0x3e9: {  	[hbm4b:s22+s3] =	stream.linear.scatter [tilespmem:s26], [sflag:$0x2], $0x80, $0x38;
	[tilespmem:$0xE800] =	vst v63  }
0x3ea: {  	s24 =	sadd.s32 $0x50, s12;
	s25 =	simm.s32 $0xDDE8  }
0x3eb: {  	[hbm4b:s24+s3] =	stream.linear.scatter [tilespmem:s25], [sflag:$0x2], $0x80, $0x38;
	[tilespmem:$0xE800] =	vst v63  }
0x3ec: {  	s26 =	sadd.s32 $0x60, s12  }
0x3ed: {  	[hbm4b:s26+s3] =	stream.linear.scatter [tilespmem:s28], [sflag:$0x2], $0x80, $0x38;
	[tilespmem:$0xE800] =	vst v63  }
0x3ee: {  	s12 =	sadd.s32 $0x70, s12;
	s28 =	simm.s32 $0xDEF8  }
0x3ef: {  	[hbm4b:s12+s3] =	stream.linear.scatter [tilespmem:s28], [sflag:$0x2], $0x80, $0x38;
	[tilespmem:$0xE800] =	vst v63  }
0x3f0: {  	s15 =	simm.s32 $0xDF80;
	s12 =	sadd.s32 s6, s8  }
0x3f1: {  	[hbm4b:s12+s3] =	stream.linear.scatter [tilespmem:s15], [sflag:$0x2], $0x80, $0x38;
	[tilespmem:$0xE800] =	vst v63  }
0x3f2: {  	s17 =	simm.s32 $0xE008;
	s16 =	sadd.s32 $0x10, s12  }
0x3f3: {  	[hbm4b:s16+s3] =	stream.linear.scatter [tilespmem:s17], [sflag:$0x2], $0x80, $0x38;
	[tilespmem:$0xE800] =	vst v63  }
0x3f4: {  	s19 =	sadd.s32 $0x20, s12  }
0x3f5: {  	[hbm4b:s19+s3] =	stream.linear.scatter [tilespmem:s29], [sflag:$0x2], $0x80, $0x38;
	[tilespmem:$0xE800] =	vst v63  }
0x3f6: {  	s24 =	simm.s32 $0xE118;
	s22 =	sadd.s32 $0x30, s12  }
0x3f7: {  	[hbm4b:s22+s3] =	stream.linear.scatter [tilespmem:s24], [sflag:$0x2], $0x80, $0x38;
	[tilespmem:$0xE800] =	vst v63  }
0x3f8: {  	s25 =	sadd.s32 $0x40, s12  }
0x3f9: {  	[hbm4b:s25+s3] =	stream.linear.scatter [tilespmem:s30], [sflag:$0x2], $0x80, $0x38;
	[tilespmem:$0xE800] =	vst v63  }
0x3fa: {  	s28 =	simm.s32 $0xE228;
	s26 =	sadd.s32 $0x50, s12  }
0x3fb: {  	[hbm4b:s26+s3] =	stream.linear.scatter [tilespmem:s28], [sflag:$0x2], $0x80, $0x38;
	[tilespmem:$0xE800] =	vst v63  }
0x3fc: {  	s29 =	sadd.s32 $0x60, s12  }
0x3fd: {  	[hbm4b:s29+s3] =	stream.linear.scatter [tilespmem:s31], [sflag:$0x2], $0x80, $0x38;
	[tilespmem:$0xE800] =	vst v63  }
0x3fe: {  	s12 =	sadd.s32 $0x70, s12;
	s30 =	simm.s32 $0xE338  }
0x3ff: {  	[hbm4b:s12+s3] =	stream.linear.scatter [tilespmem:s30], [sflag:$0x2], $0x80, $0x38;
	[tilespmem:$0xE800] =	vst v63  }
0x400: {  	s6 =	sadd.s32 s6, s9;
	s31 =	simm.s32 $0xE3C0  }
0x401: {  	[hbm4b:s6+s3] =	stream.linear.scatter [tilespmem:s31], [sflag:$0x2], $0x80, $0x38;
	[tilespmem:$0xE800] =	vst v63  }
0x402: {  	s13 =	sadd.s32 $0x10, s6;
	s15 =	simm.s32 $0xE448  }
0x403: {  	[hbm4b:s13+s3] =	stream.linear.scatter [tilespmem:s15], [sflag:$0x2], $0x80, $0x38;
	[tilespmem:$0xE800] =	vst v63  }
0x404: {  	s16 =	sadd.s32 $0x20, s6;
	s17 =	simm.s32 $0xE4D0  }
0x405: {  	[hbm4b:s16+s3] =	stream.linear.scatter [tilespmem:s17], [sflag:$0x2], $0x80, $0x38;
	[tilespmem:$0xE800] =	vst v63  }
0x406: {  	s19 =	sadd.s32 $0x30, s6;
	s22 =	simm.s32 $0xE558  }
0x407: {  	[hbm4b:s19+s3] =	stream.linear.scatter [tilespmem:s22], [sflag:$0x2], $0x80, $0x38;
	[tilespmem:$0xE800] =	vst v63  }
0x408: {  	s24 =	sadd.s32 $0x40, s6;
	s25 =	simm.s32 $0xE5E0  }
0x409: {  	[hbm4b:s24+s3] =	stream.linear.scatter [tilespmem:s25], [sflag:$0x2], $0x80, $0x38;
	[tilespmem:$0xE800] =	vst v63  }
0x40a: {  	p0 =	sne.s32 s11, $0x19;
	s26 =	sadd.s32 $0x50, s6;
	s28 =	simm.s32 $0xE668  }
0x40b: {  	[hbm4b:s26+s3] =	stream.linear.scatter [tilespmem:s28], [sflag:$0x2], $0x80, $0x38;
	[tilespmem:$0xE800] =	vst v63  }
.Ltmp8:
0x40c: {  	_ = 	snop;
	(pc) =	sbr.rel @p0 .LBB2_2-.Ltmp8, $4  }
0x40d: {  	s29 =	sadd.s32 $0x60, s6;
	s30 =	simm.s32 $0xE6F0  }
0x40e: {  	[hbm4b:s29+s3] =	stream.linear.scatter [tilespmem:s30], [sflag:$0x2], $0x80, $0x38;
	[tilespmem:$0xE800] =	vst v63  }
0x40f: {  	s6 =	sadd.s32 $0x70, s6;
	s31 =	simm.s32 $0xE778  }
0x410: {  	[hbm4b:s6+s3] =	stream.linear.scatter [tilespmem:s31], [sflag:$0x2], $0x80, $0x38;
	[tilespmem:$0xE800] =	vst v63  }
0x411: {  	_ =	swait.ge [sflag:s0], $0x1000  }
0x412: {  	[sflag:s0] =	ssyncset.done $0x0  }
0x413: {  	[sflag:s0] =	ssyncadd.s32 $0xFFFFF000  }
0x414: {  	_ =	swait.ge [sflag:s0], $0x1000  }
0x415: {  	[sflag:s0] =	ssyncset.done $0x0  }
0x416: {  	[sflag:s0] =	ssyncadd.s32 $0xFFFFF000  }
0x417: {  	_ =	swait.ge [sflag:s0], $0x1000  }
0x418: {  	[sflag:s0] =	ssyncset.done $0x0  }
0x419: {  	[sflag:s0] =	ssyncadd.s32 $0xFFFFF000  }
0x41a: {  	_ =	swait.ge [sflag:s0], $0x1000  }
0x41b: {  	s11 =	rddreg [dreg:$0x6]  }
0x41c: {  	s6 =	rddreg [dreg:$0x5];
	s11 =	sadd.s32 $0x1, s11  }
0x41d: {  	p0 =	sne.s32 s11, s6  }
.Ltmp9:
0x41e: {  	_ = 	snop;
	(pc) =	sbr.rel @p0 .LBB2_1-.Ltmp9, $3  }
0x41f: {  	_ =	sdelay $0x1  }
0x420: {  	[sflag:s0] =	ssyncset.done $0x0  }
0x421: {  	[sflag:s0] =	ssyncadd.s32 $0xFFFFF000  }
0x422: {  	_ =	sfence.sel $0x180000  }
0x423: {  	[bflag:$0x0] =	sbarrier.arrive $0xFFFF  }
0x424: {  	_ =	strace $0x9000004A  }
0x425: {  	s0 =	stileid.u32;
	[bflag:$0x2] =	sbarrier.arrive $0xFFFF  }
0x426: {  	p0 =	sne.s32 s0, $0x0;
	s0 =	rddreg [dreg:$0x3]  }
0x427: {  	s0 =	sadd.s32 @!p0 $0x100000, s0  }
0x428: {  	[sflag:s0] =	ssyncadd.tile.s32 @!p0 $0x1;
	_ =	shalt  }
.Lfunc_end2:
_tile_overlayer_lowered:
.L_overlay_start_2:
0x429: {  	(tag) =	ssettag $0x2  }
0x42a: {  	s0 =	rddreg [dreg:$0x0];
	s2 =	stileid.u32  }
0x42b: {  	s1 =	rddreg [dreg:$0x1];
	p0 =	sne.s32 s2, $0x0  }
0x42c: {  	s3 =	rddreg [dreg:$0x2];
	[bflag:$0x3] =	sbarrier.arrive $0xFFFF;
	s2 =	simm.s32 @!p0 $0x1C03  }
0x42d: {  	[timem:s3], [sflag:s2] =	dma.local @!p0 [hbm:s0], s1  }
0x42e: {  	s0 =	simm.s32 @!p0 $0x3  }
0x42f: {  	_ =	swait.ge @!p0 [sflag:s0], s1  }
0x430: {  	s1 =	ssub.s32 @!p0 $0x0, s1;
	[sflag:s0] =	ssyncset.done @!p0 $0x0  }
0x431: {  	[sflag:s0] =	ssyncadd.s32 @!p0 s1  }
0x432: {  	[bflag:$0x3] =	sbarrier.arrive $0xFFFF  }
0x433: {  	_ =	shalt  }

</sc_bundles>
